<compile_context>
chip_gen: v7x
topology: tpu7x:2x2x1
jax: 0.10.2.dev20260603
libtpu: 0.0.44.dev20260713+nightly
codegen_flags: <defaults>
</compile_context>

<pallas_src>
import functools
import math

import jax
import jax.numpy as jnp
from jax import lax
from jax.experimental import pallas as pl
from jax.experimental.pallas import tpu as pltpu
from jax.experimental.pallas import tpu_sc as plsc

SMOOTH = 0.1
CONF = 1.0 - SMOOTH

_NC = 2
_NS = 16
_NW = _NC * _NS
_LANES = 16


def _sc_body(n_rows, v, x_hbm, tgt_hbm, m_hbm, out_hbm,
             tgt_v, m_v, gbuf, acc_out, sem):
    per_w = n_rows // _NW
    wid = lax.axis_index("s") * _NC + lax.axis_index("c")
    rbase = wid * per_w

    pltpu.sync_copy(tgt_hbm.at[pl.ds(rbase, per_w)], tgt_v)
    pltpu.sync_copy(m_hbm.at[pl.ds(rbase, per_w)], m_v)

    nvec = per_w // _LANES
    tregs = [tgt_v[pl.ds(c * _LANES, _LANES)] for c in range(nvec)]

    handles = []
    for r in range(per_w):
        t_r = tregs[r // _LANES][r % _LANES]
        off = pl.multiple_of(t_r & ~(_LANES - 1), _LANES)
        handles.append(pltpu.async_copy(
            x_hbm.at[rbase + r, pl.ds(off, _LANES)],
            gbuf.at[pl.ds(r * _LANES, _LANES)], sem))
    for h in handles:
        h.wait()

    lane = lax.broadcasted_iota(jnp.int32, (_LANES,), 0)
    g16 = jnp.zeros((_LANES,), jnp.float32)
    ms16 = jnp.zeros((_LANES,), jnp.float32)
    for c in range(nvec):
        ms16 = ms16 + m_v[pl.ds(c * _LANES, _LANES)]
    mregs = [m_v[pl.ds(c * _LANES, _LANES)] for c in range(nvec)]
    for r in range(per_w):
        t_r = tregs[r // _LANES][r % _LANES]
        m_r = mregs[r // _LANES][r % _LANES]
        gv16 = gbuf[pl.ds(r * _LANES, _LANES)]
        eq = lane == (t_r & (_LANES - 1))
        g16 = g16 + jnp.where(eq, gv16 * m_r, 0.0)

    acc_out[pl.ds(0, _LANES)] = g16
    acc_out[pl.ds(_LANES, _LANES)] = ms16
    pltpu.sync_copy(acc_out, out_hbm.at[wid])


def _make_sc(n_rows, v):
    per_w = n_rows // _NW
    mesh = plsc.VectorSubcoreMesh(core_axis_name="c", subcore_axis_name="s")
    return pl.kernel(
        functools.partial(_sc_body, n_rows, v),
        out_type=jax.ShapeDtypeStruct((_NW, 2 * _LANES), jnp.float32),
        mesh=mesh,
        scratch_types=[
            pltpu.VMEM((per_w,), jnp.int32),
            pltpu.VMEM((per_w,), jnp.float32),
            pltpu.VMEM((per_w * _LANES,), jnp.float32),
            pltpu.VMEM((2 * _LANES,), jnp.float32),
            pltpu.SemaphoreType.DMA,
        ],
        compiler_params=pltpu.CompilerParams(use_tc_tiling_on_sc=True),
    )


def _tc_body(c_const, eps, x_ref, m_ref, sc_ref, out_ref, acc_s):
    i = pl.program_id(0)

    @pl.when(i == 0)
    def _init():
        acc_s[0, 0] = 0.0

    x = x_ref[...]
    m = m_ref[...]
    rowsum = jnp.sum(x, axis=1, keepdims=True)
    acc_s[0, 0] += jnp.sum(rowsum * m)

    @pl.when(i == pl.num_programs(0) - 1)
    def _fin():
        sc = sc_ref[...]
        g_tot = jnp.sum(sc[:, :_LANES])
        mt = jnp.sum(sc[:, _LANES:])
        out_ref[0, 0] = (c_const * mt - eps * acc_s[0, 0]
                         + (eps - CONF) * g_tot) / mt


def _make_tc(n_rows, v, block_r):
    ni = n_rows // block_r
    eps = SMOOTH / (v - 1)
    c_const = (v - 1) * eps * math.log(eps) + CONF * math.log(CONF)
    return pl.pallas_call(
        functools.partial(_tc_body, c_const, eps),
        grid=(ni,),
        in_specs=[
            pl.BlockSpec((block_r, v), lambda i: (i, 0)),
            pl.BlockSpec((block_r, 1), lambda i: (i, 0)),
            pl.BlockSpec((_NW, 2 * _LANES), lambda i: (0, 0)),
        ],
        out_specs=pl.BlockSpec((1, 1), lambda i: (0, 0),
                               memory_space=pltpu.SMEM),
        out_shape=jax.ShapeDtypeStruct((1, 1), jnp.float32),
        scratch_shapes=[
            pltpu.SMEM((1, 1), jnp.float32),
        ],
    )


def kernel(input, target, mask):
    b, t, v = input.shape
    n = b * t
    x = input.reshape(n, v)
    tgt = target.reshape(n).astype(jnp.int32)
    m = mask.reshape(n)

    sc_part = _make_sc(n, v)(x, tgt, m)
    return _make_tc(n, v, 128)(x, m.reshape(n, 1), sc_part)[0, 0]

# --- scband reference (transcript-rebuilt; emitter-appended) ---
"""Pipeline reference for scband-label-smoothing-2027224563754 (READ-ONLY COPY).

The authoritative reference and input builder live on the scoring server;
editing this copy changes nothing except your own understanding.
"""

import jax, jax.numpy as jnp
import numpy as np

SMOOTHING = 0.1
CONFIDENCE = 1.0 - SMOOTHING

def setup_inputs(seed: int = 0) -> dict:
    key = jax.random.key(seed)
    k1, k2 = jax.random.split(key)
    B, T, V = 4, 512, 32000
    inp = jax.random.normal(k1, (B, T, V), dtype=jnp.float32)
    target = jax.random.randint(k2, (B, T), 0, V, dtype=jnp.int64)
    mask = jnp.ones((B, T), dtype=jnp.float32)
    return {"input": inp, "target": target, "mask": mask}

def reference(input, target, mask):
    T = input.shape[1]
    V = input.shape[-1]
    target = target[:, :T]
    mask = mask[:, :T]
    inp = input.reshape(-1, V)
    tgt = target.reshape(-1)
    m = mask.reshape(-1)
    size = V
    # true_dist is built from detached data in torch (no grad path)
    true_dist = jnp.full((inp.shape[0], size), SMOOTHING / (size - 1), dtype=inp.dtype)
    rows = jnp.arange(inp.shape[0])
    true_dist = true_dist.at[rows, tgt].set(CONFIDENCE)
    # KLDivLoss(reduce=False): target * (log(target) - input)
    kl = true_dist * (jnp.log(true_dist) - inp)
    return (kl.sum(1) * m).sum() / m.sum()

if __name__ == "__main__":
    import jax
    _d = setup_inputs()
    print(jax.jit(kernel)(*tuple(_d.values())))

</pallas_src>

<mosaic_0001>
#map = affine_map<(d0, d1) -> (0, 0)>
#map1 = affine_map<(d0, d1) -> (0)>
module attributes {stable_mosaic.version = 14 : i64} {
  func.func @_sc_body(%arg0: i32, %arg1: i32, %arg2: memref<2048x32000xf32, #tpu.memory_space<hbm>>, %arg3: memref<2048xi32, #tpu.memory_space<hbm>>, %arg4: memref<2048xf32, #tpu.memory_space<hbm>>, %arg5: memref<32x32xf32, #tpu.memory_space<hbm>>, %arg6: memref<64xi32, #tpu.memory_space<vmem>>, %arg7: memref<64xf32, #tpu.memory_space<vmem>>, %arg8: memref<1024xf32, #tpu.memory_space<vmem>>, %arg9: memref<32xf32, #tpu.memory_space<vmem>>, %arg10: memref<!tpu.dma_semaphore, #tpu.memory_space<semaphore_mem>>) attributes {dimension_semantics = [#tpu.dimension_semantics<core_parallel>, #tpu.dimension_semantics<subcore_parallel>], iteration_bounds = array<i64: 2, 16>, scalar_prefetch = 0 : i64, scratch_operands = 5 : i64, tpu.core_type = #tpu.core_type<sc_vector_subcore>, window_params = [{transform_indices = #map}, {transform_indices = #map1}, {transform_indices = #map1}, {transform_indices = #map}]} {
    %mul3A = arith.constant 2 : i32
    %mul3A_0 = arith.muli %arg1, %mul3A : i32
    %add3A = arith.addi %mul3A_0, %arg0 : i32
    %mul3A_1 = arith.constant 64 : i32
    %mul3A_2 = arith.muli %add3A, %mul3A_1 : i32
    "tpu.region"() ({
      %run_scoped3A = tpu.sem_alloc : memref<!tpu.dma_semaphore, #tpu.memory_space<semaphore_mem>>
      %dma_start3A_2603 = tpu.memref_slice %arg3[%mul3A_2] : memref<2048xi32, #tpu.memory_space<hbm>> -> memref<64xi32, #tpu.memory_space<hbm>>
      %dma_start3A_2604 = tpu.memref_slice %arg3[%mul3A_2] : memref<2048xi32, #tpu.memory_space<hbm>> -> memref<64xi32, #tpu.memory_space<hbm>>
      tpu.enqueue_dma source(%dma_start3A_2604 : memref<64xi32, #tpu.memory_space<hbm>>) target(%arg6 : memref<64xi32, #tpu.memory_space<vmem>>) target_semaphore(%run_scoped3A : memref<!tpu.dma_semaphore, #tpu.memory_space<semaphore_mem>>)
      %dma_wait3A_2605 = tpu.memref_slice %arg3[%mul3A_2] : memref<2048xi32, #tpu.memory_space<hbm>> -> memref<64xi32, #tpu.memory_space<hbm>>
      %dma_wait3A_2606 = tpu.memref_slice %arg3[%mul3A_2] : memref<2048xi32, #tpu.memory_space<hbm>> -> memref<64xi32, #tpu.memory_space<hbm>>
      tpu.wait_dma2 semaphore(%run_scoped3A : memref<!tpu.dma_semaphore, #tpu.memory_space<semaphore_mem>>) src(%dma_wait3A_2606 : memref<64xi32, #tpu.memory_space<hbm>>) dst(%arg6 : memref<64xi32, #tpu.memory_space<vmem>>)
      tpu.yield
    }) : () -> ()
    "tpu.region"() ({
      %run_scoped3A = tpu.sem_alloc : memref<!tpu.dma_semaphore, #tpu.memory_space<semaphore_mem>>
      %dma_start3A_2603 = tpu.memref_slice %arg4[%mul3A_2] : memref<2048xf32, #tpu.memory_space<hbm>> -> memref<64xf32, #tpu.memory_space<hbm>>
      %dma_start3A_2604 = tpu.memref_slice %arg4[%mul3A_2] : memref<2048xf32, #tpu.memory_space<hbm>> -> memref<64xf32, #tpu.memory_space<hbm>>
      tpu.enqueue_dma source(%dma_start3A_2604 : memref<64xf32, #tpu.memory_space<hbm>>) target(%arg7 : memref<64xf32, #tpu.memory_space<vmem>>) target_semaphore(%run_scoped3A : memref<!tpu.dma_semaphore, #tpu.memory_space<semaphore_mem>>)
      %dma_wait3A_2605 = tpu.memref_slice %arg4[%mul3A_2] : memref<2048xf32, #tpu.memory_space<hbm>> -> memref<64xf32, #tpu.memory_space<hbm>>
      %dma_wait3A_2606 = tpu.memref_slice %arg4[%mul3A_2] : memref<2048xf32, #tpu.memory_space<hbm>> -> memref<64xf32, #tpu.memory_space<hbm>>
      tpu.wait_dma2 semaphore(%run_scoped3A : memref<!tpu.dma_semaphore, #tpu.memory_space<semaphore_mem>>) src(%dma_wait3A_2606 : memref<64xf32, #tpu.memory_space<hbm>>) dst(%arg7 : memref<64xf32, #tpu.memory_space<vmem>>)
      tpu.yield
    }) : () -> ()
    %get3A = arith.constant 0 : index
    %get3A_3 = tpu.vector_load %arg6[%get3A] {strides = array<i32>} : memref<64xi32, #tpu.memory_space<vmem>>, vector<16xi32>,
    %get3A_4 = vector.shape_cast %get3A_3 : vector<16xi32> to vector<16xi32>
    %get3A_5 = arith.constant 16 : index
    %get3A_6 = tpu.vector_load %arg6[%get3A_5] {strides = array<i32>} : memref<64xi32, #tpu.memory_space<vmem>>, vector<16xi32>,
    %get3A_7 = vector.shape_cast %get3A_6 : vector<16xi32> to vector<16xi32>
    %get3A_8 = arith.constant 32 : index
    %get3A_9 = tpu.vector_load %arg6[%get3A_8] {strides = array<i32>} : memref<64xi32, #tpu.memory_space<vmem>>, vector<16xi32>,
    %get3A_10 = vector.shape_cast %get3A_9 : vector<16xi32> to vector<16xi32>
    %get3A_11 = arith.constant 48 : index
    %get3A_12 = tpu.vector_load %arg6[%get3A_11] {strides = array<i32>} : memref<64xi32, #tpu.memory_space<vmem>>, vector<16xi32>,
    %get3A_13 = vector.shape_cast %get3A_12 : vector<16xi32> to vector<16xi32>
    %slice3A = vector.extract_strided_slice %get3A_4 {offsets = [0], sizes = [1], strides = [1]} : vector<16xi32> to vector<1xi32>
    %squeeze3A = vector.extract %slice3A[0] : i32 from vector<1xi32>
    %and3A = arith.constant -16 : i32
    %and3A_14 = arith.andi %squeeze3A, %and3A : i32
    %multiple_of3A = tpu.assume_multiple %and3A_14, 16 : i32
    %add3A_15 = arith.constant 0 : i32
    %add3A_16 = arith.addi %mul3A_2, %add3A_15 : i32
    %dma_start3A = arith.constant 0 : i32
    %dma_start3A_17 = tpu.memref_slice %arg8[%dma_start3A] : memref<1024xf32, #tpu.memory_space<vmem>> -> memref<16xf32, #tpu.memory_space<vmem>>
    %dma_start3A_18 = tpu.memref_slice %arg2[%add3A_16, %multiple_of3A] : memref<2048x32000xf32, #tpu.memory_space<hbm>> -> memref<1x16xf32, #tpu.memory_space<hbm>>
    %dma_start3A_19 = tpu.memref_squeeze %dma_start3A_18 : memref<1x16xf32, #tpu.memory_space<hbm>> -> memref<16xf32, #tpu.memory_space<hbm>>
    %dma_start3A_20 = arith.constant 0 : i32
    %dma_start3A_21 = tpu.memref_slice %arg8[%dma_start3A_20] : memref<1024xf32, #tpu.memory_space<vmem>> -> memref<16xf32, #tpu.memory_space<vmem>>
    %dma_start3A_22 = tpu.memref_slice %arg2[%add3A_16, %multiple_of3A] : memref<2048x32000xf32, #tpu.memory_space<hbm>> -> memref<1x16xf32, #tpu.memory_space<hbm>>
    %dma_start3A_23 = tpu.memref_squeeze %dma_start3A_22 : memref<1x16xf32, #tpu.memory_space<hbm>> -> memref<16xf32, #tpu.memory_space<hbm>>
    tpu.enqueue_dma source(%dma_start3A_23 : memref<16xf32, #tpu.memory_space<hbm>>) target(%dma_start3A_21 : memref<16xf32, #tpu.memory_space<vmem>>) target_semaphore(%arg10 : memref<!tpu.dma_semaphore, #tpu.memory_space<semaphore_mem>>)
    %slice3A_24 = vector.extract_strided_slice %get3A_4 {offsets = [1], sizes = [1], strides = [1]} : vector<16xi32> to vector<1xi32>
    %squeeze3A_25 = vector.extract %slice3A_24[0] : i32 from vector<1xi32>
    %and3A_26 = arith.constant -16 : i32
    %and3A_27 = arith.andi %squeeze3A_25, %and3A_26 : i32
    %multiple_of3A_28 = tpu.assume_multiple %and3A_27, 16 : i32
    %add3A_29 = arith.constant 1 : i32
    %add3A_30 = arith.addi %mul3A_2, %add3A_29 : i32
    %dma_start3A_31 = arith.constant 16 : i32
    %dma_start3A_32 = tpu.memref_slice %arg8[%dma_start3A_31] : memref<1024xf32, #tpu.memory_space<vmem>> -> memref<16xf32, #tpu.memory_space<vmem>>
    %dma_start3A_33 = tpu.memref_slice %arg2[%add3A_30, %multiple_of3A_28] : memref<2048x32000xf32, #tpu.memory_space<hbm>> -> memref<1x16xf32, #tpu.memory_space<hbm>>
    %dma_start3A_34 = tpu.memref_squeeze %dma_start3A_33 : memref<1x16xf32, #tpu.memory_space<hbm>> -> memref<16xf32, #tpu.memory_space<hbm>>
    %dma_start3A_35 = arith.constant 16 : i32
    %dma_start3A_36 = tpu.memref_slice %arg8[%dma_start3A_35] : memref<1024xf32, #tpu.memory_space<vmem>> -> memref<16xf32, #tpu.memory_space<vmem>>
    %dma_start3A_37 = tpu.memref_slice %arg2[%add3A_30, %multiple_of3A_28] : memref<2048x32000xf32, #tpu.memory_space<hbm>> -> memref<1x16xf32, #tpu.memory_space<hbm>>
    %dma_start3A_38 = tpu.memref_squeeze %dma_start3A_37 : memref<1x16xf32, #tpu.memory_space<hbm>> -> memref<16xf32, #tpu.memory_space<hbm>>
    tpu.enqueue_dma source(%dma_start3A_38 : memref<16xf32, #tpu.memory_space<hbm>>) target(%dma_start3A_36 : memref<16xf32, #tpu.memory_space<vmem>>) target_semaphore(%arg10 : memref<!tpu.dma_semaphore, #tpu.memory_space<semaphore_mem>>)
    %slice3A_39 = vector.extract_strided_slice %get3A_4 {offsets = [2], sizes = [1], strides = [1]} : vector<16xi32> to vector<1xi32>
    %squeeze3A_40 = vector.extract %slice3A_39[0] : i32 from vector<1xi32>
    %and3A_41 = arith.constant -16 : i32
    %and3A_42 = arith.andi %squeeze3A_40, %and3A_41 : i32
    %multiple_of3A_43 = tpu.assume_multiple %and3A_42, 16 : i32
    %add3A_44 = arith.constant 2 : i32
    %add3A_45 = arith.addi %mul3A_2, %add3A_44 : i32
    %dma_start3A_46 = arith.constant 32 : i32
    %dma_start3A_47 = tpu.memref_slice %arg8[%dma_start3A_46] : memref<1024xf32, #tpu.memory_space<vmem>> -> memref<16xf32, #tpu.memory_space<vmem>>
    %dma_start3A_48 = tpu.memref_slice %arg2[%add3A_45, %multiple_of3A_43] : memref<2048x32000xf32, #tpu.memory_space<hbm>> -> memref<1x16xf32, #tpu.memory_space<hbm>>
    %dma_start3A_49 = tpu.memref_squeeze %dma_start3A_48 : memref<1x16xf32, #tpu.memory_space<hbm>> -> memref<16xf32, #tpu.memory_space<hbm>>
    %dma_start3A_50 = arith.constant 32 : i32
    %dma_start3A_51 = tpu.memref_slice %arg8[%dma_start3A_50] : memref<1024xf32, #tpu.memory_space<vmem>> -> memref<16xf32, #tpu.memory_space<vmem>>
    %dma_start3A_52 = tpu.memref_slice %arg2[%add3A_45, %multiple_of3A_43] : memref<2048x32000xf32, #tpu.memory_space<hbm>> -> memref<1x16xf32, #tpu.memory_space<hbm>>
    %dma_start3A_53 = tpu.memref_squeeze %dma_start3A_52 : memref<1x16xf32, #tpu.memory_space<hbm>> -> memref<16xf32, #tpu.memory_space<hbm>>
    tpu.enqueue_dma source(%dma_start3A_53 : memref<16xf32, #tpu.memory_space<hbm>>) target(%dma_start3A_51 : memref<16xf32, #tpu.memory_space<vmem>>) target_semaphore(%arg10 : memref<!tpu.dma_semaphore, #tpu.memory_space<semaphore_mem>>)
    %slice3A_54 = vector.extract_strided_slice %get3A_4 {offsets = [3], sizes = [1], strides = [1]} : vector<16xi32> to vector<1xi32>
    %squeeze3A_55 = vector.extract %slice3A_54[0] : i32 from vector<1xi32>
    %and3A_56 = arith.constant -16 : i32
    %and3A_57 = arith.andi %squeeze3A_55, %and3A_56 : i32
    %multiple_of3A_58 = tpu.assume_multiple %and3A_57, 16 : i32
    %add3A_59 = arith.constant 3 : i32
    %add3A_60 = arith.addi %mul3A_2, %add3A_59 : i32
    %dma_start3A_61 = arith.constant 48 : i32
    %dma_start3A_62 = tpu.memref_slice %arg8[%dma_start3A_61] : memref<1024xf32, #tpu.memory_space<vmem>> -> memref<16xf32, #tpu.memory_space<vmem>>
    %dma_start3A_63 = tpu.memref_slice %arg2[%add3A_60, %multiple_of3A_58] : memref<2048x32000xf32, #tpu.memory_space<hbm>> -> memref<1x16xf32, #tpu.memory_space<hbm>>
    %dma_start3A_64 = tpu.memref_squeeze %dma_start3A_63 : memref<1x16xf32, #tpu.memory_space<hbm>> -> memref<16xf32, #tpu.memory_space<hbm>>
    %dma_start3A_65 = arith.constant 48 : i32
    %dma_start3A_66 = tpu.memref_slice %arg8[%dma_start3A_65] : memref<1024xf32, #tpu.memory_space<vmem>> -> memref<16xf32, #tpu.memory_space<vmem>>
    %dma_start3A_67 = tpu.memref_slice %arg2[%add3A_60, %multiple_of3A_58] : memref<2048x32000xf32, #tpu.memory_space<hbm>> -> memref<1x16xf32, #tpu.memory_space<hbm>>
    %dma_start3A_68 = tpu.memref_squeeze %dma_start3A_67 : memref<1x16xf32, #tpu.memory_space<hbm>> -> memref<16xf32, #tpu.memory_space<hbm>>
    tpu.enqueue_dma source(%dma_start3A_68 : memref<16xf32, #tpu.memory_space<hbm>>) target(%dma_start3A_66 : memref<16xf32, #tpu.memory_space<vmem>>) target_semaphore(%arg10 : memref<!tpu.dma_semaphore, #tpu.memory_space<semaphore_mem>>)
    %slice3A_69 = vector.extract_strided_slice %get3A_4 {offsets = [4], sizes = [1], strides = [1]} : vector<16xi32> to vector<1xi32>
    %squeeze3A_70 = vector.extract %slice3A_69[0] : i32 from vector<1xi32>
    %and3A_71 = arith.constant -16 : i32
    %and3A_72 = arith.andi %squeeze3A_70, %and3A_71 : i32
    %multiple_of3A_73 = tpu.assume_multiple %and3A_72, 16 : i32
    %add3A_74 = arith.constant 4 : i32
    %add3A_75 = arith.addi %mul3A_2, %add3A_74 : i32
    %dma_start3A_76 = arith.constant 64 : i32
    %dma_start3A_77 = tpu.memref_slice %arg8[%dma_start3A_76] : memref<1024xf32, #tpu.memory_space<vmem>> -> memref<16xf32, #tpu.memory_space<vmem>>
    %dma_start3A_78 = tpu.memref_slice %arg2[%add3A_75, %multiple_of3A_73] : memref<2048x32000xf32, #tpu.memory_space<hbm>> -> memref<1x16xf32, #tpu.memory_space<hbm>>
    %dma_start3A_79 = tpu.memref_squeeze %dma_start3A_78 : memref<1x16xf32, #tpu.memory_space<hbm>> -> memref<16xf32, #tpu.memory_space<hbm>>
    %dma_start3A_80 = arith.constant 64 : i32
    %dma_start3A_81 = tpu.memref_slice %arg8[%dma_start3A_80] : memref<1024xf32, #tpu.memory_space<vmem>> -> memref<16xf32, #tpu.memory_space<vmem>>
    %dma_start3A_82 = tpu.memref_slice %arg2[%add3A_75, %multiple_of3A_73] : memref<2048x32000xf32, #tpu.memory_space<hbm>> -> memref<1x16xf32, #tpu.memory_space<hbm>>
    %dma_start3A_83 = tpu.memref_squeeze %dma_start3A_82 : memref<1x16xf32, #tpu.memory_space<hbm>> -> memref<16xf32, #tpu.memory_space<hbm>>
    tpu.enqueue_dma source(%dma_start3A_83 : memref<16xf32, #tpu.memory_space<hbm>>) target(%dma_start3A_81 : memref<16xf32, #tpu.memory_space<vmem>>) target_semaphore(%arg10 : memref<!tpu.dma_semaphore, #tpu.memory_space<semaphore_mem>>)
    %slice3A_84 = vector.extract_strided_slice %get3A_4 {offsets = [5], sizes = [1], strides = [1]} : vector<16xi32> to vector<1xi32>
    %squeeze3A_85 = vector.extract %slice3A_84[0] : i32 from vector<1xi32>
    %and3A_86 = arith.constant -16 : i32
    %and3A_87 = arith.andi %squeeze3A_85, %and3A_86 : i32
    %multiple_of3A_88 = tpu.assume_multiple %and3A_87, 16 : i32
    %add3A_89 = arith.constant 5 : i32
    %add3A_90 = arith.addi %mul3A_2, %add3A_89 : i32
    %dma_start3A_91 = arith.constant 80 : i32
    %dma_start3A_92 = tpu.memref_slice %arg8[%dma_start3A_91] : memref<1024xf32, #tpu.memory_space<vmem>> -> memref<16xf32, #tpu.memory_space<vmem>>
    %dma_start3A_93 = tpu.memref_slice %arg2[%add3A_90, %multiple_of3A_88] : memref<2048x32000xf32, #tpu.memory_space<hbm>> -> memref<1x16xf32, #tpu.memory_space<hbm>>
    %dma_start3A_94 = tpu.memref_squeeze %dma_start3A_93 : memref<1x16xf32, #tpu.memory_space<hbm>> -> memref<16xf32, #tpu.memory_space<hbm>>
    %dma_start3A_95 = arith.constant 80 : i32
    %dma_start3A_96 = tpu.memref_slice %arg8[%dma_start3A_95] : memref<1024xf32, #tpu.memory_space<vmem>> -> memref<16xf32, #tpu.memory_space<vmem>>
    %dma_start3A_97 = tpu.memref_slice %arg2[%add3A_90, %multiple_of3A_88] : memref<2048x32000xf32, #tpu.memory_space<hbm>> -> memref<1x16xf32, #tpu.memory_space<hbm>>
    %dma_start3A_98 = tpu.memref_squeeze %dma_start3A_97 : memref<1x16xf32, #tpu.memory_space<hbm>> -> memref<16xf32, #tpu.memory_space<hbm>>
    tpu.enqueue_dma source(%dma_start3A_98 : memref<16xf32, #tpu.memory_space<hbm>>) target(%dma_start3A_96 : memref<16xf32, #tpu.memory_space<vmem>>) target_semaphore(%arg10 : memref<!tpu.dma_semaphore, #tpu.memory_space<semaphore_mem>>)
    %slice3A_99 = vector.extract_strided_slice %get3A_4 {offsets = [6], sizes = [1], strides = [1]} : vector<16xi32> to vector<1xi32>
    %squeeze3A_100 = vector.extract %slice3A_99[0] : i32 from vector<1xi32>
    %and3A_101 = arith.constant -16 : i32
    %and3A_102 = arith.andi %squeeze3A_100, %and3A_101 : i32
    %multiple_of3A_103 = tpu.assume_multiple %and3A_102, 16 : i32
    %add3A_104 = arith.constant 6 : i32
    %add3A_105 = arith.addi %mul3A_2, %add3A_104 : i32
    %dma_start3A_106 = arith.constant 96 : i32
    %dma_start3A_107 = tpu.memref_slice %arg8[%dma_start3A_106] : memref<1024xf32, #tpu.memory_space<vmem>> -> memref<16xf32, #tpu.memory_space<vmem>>
    %dma_start3A_108 = tpu.memref_slice %arg2[%add3A_105, %multiple_of3A_103] : memref<2048x32000xf32, #tpu.memory_space<hbm>> -> memref<1x16xf32, #tpu.memory_space<hbm>>
    %dma_start3A_109 = tpu.memref_squeeze %dma_start3A_108 : memref<1x16xf32, #tpu.memory_space<hbm>> -> memref<16xf32, #tpu.memory_space<hbm>>
    %dma_start3A_110 = arith.constant 96 : i32
    %dma_start3A_111 = tpu.memref_slice %arg8[%dma_start3A_110] : memref<1024xf32, #tpu.memory_space<vmem>> -> memref<16xf32, #tpu.memory_space<vmem>>
    %dma_start3A_112 = tpu.memref_slice %arg2[%add3A_105, %multiple_of3A_103] : memref<2048x32000xf32, #tpu.memory_space<hbm>> -> memref<1x16xf32, #tpu.memory_space<hbm>>
    %dma_start3A_113 = tpu.memref_squeeze %dma_start3A_112 : memref<1x16xf32, #tpu.memory_space<hbm>> -> memref<16xf32, #tpu.memory_space<hbm>>
    tpu.enqueue_dma source(%dma_start3A_113 : memref<16xf32, #tpu.memory_space<hbm>>) target(%dma_start3A_111 : memref<16xf32, #tpu.memory_space<vmem>>) target_semaphore(%arg10 : memref<!tpu.dma_semaphore, #tpu.memory_space<semaphore_mem>>)
    %slice3A_114 = vector.extract_strided_slice %get3A_4 {offsets = [7], sizes = [1], strides = [1]} : vector<16xi32> to vector<1xi32>
    %squeeze3A_115 = vector.extract %slice3A_114[0] : i32 from vector<1xi32>
    %and3A_116 = arith.constant -16 : i32
    %and3A_117 = arith.andi %squeeze3A_115, %and3A_116 : i32
    %multiple_of3A_118 = tpu.assume_multiple %and3A_117, 16 : i32
    %add3A_119 = arith.constant 7 : i32
    %add3A_120 = arith.addi %mul3A_2, %add3A_119 : i32
    %dma_start3A_121 = arith.constant 112 : i32
    %dma_start3A_122 = tpu.memref_slice %arg8[%dma_start3A_121] : memref<1024xf32, #tpu.memory_space<vmem>> -> memref<16xf32, #tpu.memory_space<vmem>>
    %dma_start3A_123 = tpu.memref_slice %arg2[%add3A_120, %multiple_of3A_118] : memref<2048x32000xf32, #tpu.memory_space<hbm>> -> memref<1x16xf32, #tpu.memory_space<hbm>>
    %dma_start3A_124 = tpu.memref_squeeze %dma_start3A_123 : memref<1x16xf32, #tpu.memory_space<hbm>> -> memref<16xf32, #tpu.memory_space<hbm>>
    %dma_start3A_125 = arith.constant 112 : i32
    %dma_start3A_126 = tpu.memref_slice %arg8[%dma_start3A_125] : memref<1024xf32, #tpu.memory_space<vmem>> -> memref<16xf32, #tpu.memory_space<vmem>>
    %dma_start3A_127 = tpu.memref_slice %arg2[%add3A_120, %multiple_of3A_118] : memref<2048x32000xf32, #tpu.memory_space<hbm>> -> memref<1x16xf32, #tpu.memory_space<hbm>>
    %dma_start3A_128 = tpu.memref_squeeze %dma_start3A_127 : memref<1x16xf32, #tpu.memory_space<hbm>> -> memref<16xf32, #tpu.memory_space<hbm>>
    tpu.enqueue_dma source(%dma_start3A_128 : memref<16xf32, #tpu.memory_space<hbm>>) target(%dma_start3A_126 : memref<16xf32, #tpu.memory_space<vmem>>) target_semaphore(%arg10 : memref<!tpu.dma_semaphore, #tpu.memory_space<semaphore_mem>>)
    %slice3A_129 = vector.extract_strided_slice %get3A_4 {offsets = [8], sizes = [1], strides = [1]} : vector<16xi32> to vector<1xi32>
    %squeeze3A_130 = vector.extract %slice3A_129[0] : i32 from vector<1xi32>
    %and3A_131 = arith.constant -16 : i32
    %and3A_132 = arith.andi %squeeze3A_130, %and3A_131 : i32
    %multiple_of3A_133 = tpu.assume_multiple %and3A_132, 16 : i32
    %add3A_134 = arith.constant 8 : i32
    %add3A_135 = arith.addi %mul3A_2, %add3A_134 : i32
    %dma_start3A_136 = arith.constant 128 : i32
    %dma_start3A_137 = tpu.memref_slice %arg8[%dma_start3A_136] : memref<1024xf32, #tpu.memory_space<vmem>> -> memref<16xf32, #tpu.memory_space<vmem>>
    %dma_start3A_138 = tpu.memref_slice %arg2[%add3A_135, %multiple_of3A_133] : memref<2048x32000xf32, #tpu.memory_space<hbm>> -> memref<1x16xf32, #tpu.memory_space<hbm>>
    %dma_start3A_139 = tpu.memref_squeeze %dma_start3A_138 : memref<1x16xf32, #tpu.memory_space<hbm>> -> memref<16xf32, #tpu.memory_space<hbm>>
    %dma_start3A_140 = arith.constant 128 : i32
    %dma_start3A_141 = tpu.memref_slice %arg8[%dma_start3A_140] : memref<1024xf32, #tpu.memory_space<vmem>> -> memref<16xf32, #tpu.memory_space<vmem>>
    %dma_start3A_142 = tpu.memref_slice %arg2[%add3A_135, %multiple_of3A_133] : memref<2048x32000xf32, #tpu.memory_space<hbm>> -> memref<1x16xf32, #tpu.memory_space<hbm>>
    %dma_start3A_143 = tpu.memref_squeeze %dma_start3A_142 : memref<1x16xf32, #tpu.memory_space<hbm>> -> memref<16xf32, #tpu.memory_space<hbm>>
    tpu.enqueue_dma source(%dma_start3A_143 : memref<16xf32, #tpu.memory_space<hbm>>) target(%dma_start3A_141 : memref<16xf32, #tpu.memory_space<vmem>>) target_semaphore(%arg10 : memref<!tpu.dma_semaphore, #tpu.memory_space<semaphore_mem>>)
    %slice3A_144 = vector.extract_strided_slice %get3A_4 {offsets = [9], sizes = [1], strides = [1]} : vector<16xi32> to vector<1xi32>
    %squeeze3A_145 = vector.extract %slice3A_144[0] : i32 from vector<1xi32>
    %and3A_146 = arith.constant -16 : i32
    %and3A_147 = arith.andi %squeeze3A_145, %and3A_146 : i32
    %multiple_of3A_148 = tpu.assume_multiple %and3A_147, 16 : i32
    %add3A_149 = arith.constant 9 : i32
    %add3A_150 = arith.addi %mul3A_2, %add3A_149 : i32
    %dma_start3A_151 = arith.constant 144 : i32
    %dma_start3A_152 = tpu.memref_slice %arg8[%dma_start3A_151] : memref<1024xf32, #tpu.memory_space<vmem>> -> memref<16xf32, #tpu.memory_space<vmem>>
    %dma_start3A_153 = tpu.memref_slice %arg2[%add3A_150, %multiple_of3A_148] : memref<2048x32000xf32, #tpu.memory_space<hbm>> -> memref<1x16xf32, #tpu.memory_space<hbm>>
    %dma_start3A_154 = tpu.memref_squeeze %dma_start3A_153 : memref<1x16xf32, #tpu.memory_space<hbm>> -> memref<16xf32, #tpu.memory_space<hbm>>
    %dma_start3A_155 = arith.constant 144 : i32
    %dma_start3A_156 = tpu.memref_slice %arg8[%dma_start3A_155] : memref<1024xf32, #tpu.memory_space<vmem>> -> memref<16xf32, #tpu.memory_space<vmem>>
    %dma_start3A_157 = tpu.memref_slice %arg2[%add3A_150, %multiple_of3A_148] : memref<2048x32000xf32, #tpu.memory_space<hbm>> -> memref<1x16xf32, #tpu.memory_space<hbm>>
    %dma_start3A_158 = tpu.memref_squeeze %dma_start3A_157 : memref<1x16xf32, #tpu.memory_space<hbm>> -> memref<16xf32, #tpu.memory_space<hbm>>
    tpu.enqueue_dma source(%dma_start3A_158 : memref<16xf32, #tpu.memory_space<hbm>>) target(%dma_start3A_156 : memref<16xf32, #tpu.memory_space<vmem>>) target_semaphore(%arg10 : memref<!tpu.dma_semaphore, #tpu.memory_space<semaphore_mem>>)
    %slice3A_159 = vector.extract_strided_slice %get3A_4 {offsets = [10], sizes = [1], strides = [1]} : vector<16xi32> to vector<1xi32>
    %squeeze3A_160 = vector.extract %slice3A_159[0] : i32 from vector<1xi32>
    %and3A_161 = arith.constant -16 : i32
    %and3A_162 = arith.andi %squeeze3A_160, %and3A_161 : i32
    %multiple_of3A_163 = tpu.assume_multiple %and3A_162, 16 : i32
    %add3A_164 = arith.constant 10 : i32
    %add3A_165 = arith.addi %mul3A_2, %add3A_164 : i32
    %dma_start3A_166 = arith.constant 160 : i32
    %dma_start3A_167 = tpu.memref_slice %arg8[%dma_start3A_166] : memref<1024xf32, #tpu.memory_space<vmem>> -> memref<16xf32, #tpu.memory_space<vmem>>
    %dma_start3A_168 = tpu.memref_slice %arg2[%add3A_165, %multiple_of3A_163] : memref<2048x32000xf32, #tpu.memory_space<hbm>> -> memref<1x16xf32, #tpu.memory_space<hbm>>
    %dma_start3A_169 = tpu.memref_squeeze %dma_start3A_168 : memref<1x16xf32, #tpu.memory_space<hbm>> -> memref<16xf32, #tpu.memory_space<hbm>>
    %dma_start3A_170 = arith.constant 160 : i32
    %dma_start3A_171 = tpu.memref_slice %arg8[%dma_start3A_170] : memref<1024xf32, #tpu.memory_space<vmem>> -> memref<16xf32, #tpu.memory_space<vmem>>
    %dma_start3A_172 = tpu.memref_slice %arg2[%add3A_165, %multiple_of3A_163] : memref<2048x32000xf32, #tpu.memory_space<hbm>> -> memref<1x16xf32, #tpu.memory_space<hbm>>
    %dma_start3A_173 = tpu.memref_squeeze %dma_start3A_172 : memref<1x16xf32, #tpu.memory_space<hbm>> -> memref<16xf32, #tpu.memory_space<hbm>>
    tpu.enqueue_dma source(%dma_start3A_173 : memref<16xf32, #tpu.memory_space<hbm>>) target(%dma_start3A_171 : memref<16xf32, #tpu.memory_space<vmem>>) target_semaphore(%arg10 : memref<!tpu.dma_semaphore, #tpu.memory_space<semaphore_mem>>)
    %slice3A_174 = vector.extract_strided_slice %get3A_4 {offsets = [11], sizes = [1], strides = [1]} : vector<16xi32> to vector<1xi32>
    %squeeze3A_175 = vector.extract %slice3A_174[0] : i32 from vector<1xi32>
    %and3A_176 = arith.constant -16 : i32
    %and3A_177 = arith.andi %squeeze3A_175, %and3A_176 : i32
    %multiple_of3A_178 = tpu.assume_multiple %and3A_177, 16 : i32
    %add3A_179 = arith.constant 11 : i32
    %add3A_180 = arith.addi %mul3A_2, %add3A_179 : i32
    %dma_start3A_181 = arith.constant 176 : i32
    %dma_start3A_182 = tpu.memref_slice %arg8[%dma_start3A_181] : memref<1024xf32, #tpu.memory_space<vmem>> -> memref<16xf32, #tpu.memory_space<vmem>>
    %dma_start3A_183 = tpu.memref_slice %arg2[%add3A_180, %multiple_of3A_178] : memref<2048x32000xf32, #tpu.memory_space<hbm>> -> memref<1x16xf32, #tpu.memory_space<hbm>>
    %dma_start3A_184 = tpu.memref_squeeze %dma_start3A_183 : memref<1x16xf32, #tpu.memory_space<hbm>> -> memref<16xf32, #tpu.memory_space<hbm>>
    %dma_start3A_185 = arith.constant 176 : i32
    %dma_start3A_186 = tpu.memref_slice %arg8[%dma_start3A_185] : memref<1024xf32, #tpu.memory_space<vmem>> -> memref<16xf32, #tpu.memory_space<vmem>>
    %dma_start3A_187 = tpu.memref_slice %arg2[%add3A_180, %multiple_of3A_178] : memref<2048x32000xf32, #tpu.memory_space<hbm>> -> memref<1x16xf32, #tpu.memory_space<hbm>>
    %dma_start3A_188 = tpu.memref_squeeze %dma_start3A_187 : memref<1x16xf32, #tpu.memory_space<hbm>> -> memref<16xf32, #tpu.memory_space<hbm>>
    tpu.enqueue_dma source(%dma_start3A_188 : memref<16xf32, #tpu.memory_space<hbm>>) target(%dma_start3A_186 : memref<16xf32, #tpu.memory_space<vmem>>) target_semaphore(%arg10 : memref<!tpu.dma_semaphore, #tpu.memory_space<semaphore_mem>>)
    %slice3A_189 = vector.extract_strided_slice %get3A_4 {offsets = [12], sizes = [1], strides = [1]} : vector<16xi32> to vector<1xi32>
    %squeeze3A_190 = vector.extract %slice3A_189[0] : i32 from vector<1xi32>
    %and3A_191 = arith.constant -16 : i32
    %and3A_192 = arith.andi %squeeze3A_190, %and3A_191 : i32
    %multiple_of3A_193 = tpu.assume_multiple %and3A_192, 16 : i32
    %add3A_194 = arith.constant 12 : i32
    %add3A_195 = arith.addi %mul3A_2, %add3A_194 : i32
    %dma_start3A_196 = arith.constant 192 : i32
    %dma_start3A_197 = tpu.memref_slice %arg8[%dma_start3A_196] : memref<1024xf32, #tpu.memory_space<vmem>> -> memref<16xf32, #tpu.memory_space<vmem>>
    %dma_start3A_198 = tpu.memref_slice %arg2[%add3A_195, %multiple_of3A_193] : memref<2048x32000xf32, #tpu.memory_space<hbm>> -> memref<1x16xf32, #tpu.memory_space<hbm>>
    %dma_start3A_199 = tpu.memref_squeeze %dma_start3A_198 : memref<1x16xf32, #tpu.memory_space<hbm>> -> memref<16xf32, #tpu.memory_space<hbm>>
    %dma_start3A_200 = arith.constant 192 : i32
    %dma_start3A_201 = tpu.memref_slice %arg8[%dma_start3A_200] : memref<1024xf32, #tpu.memory_space<vmem>> -> memref<16xf32, #tpu.memory_space<vmem>>
    %dma_start3A_202 = tpu.memref_slice %arg2[%add3A_195, %multiple_of3A_193] : memref<2048x32000xf32, #tpu.memory_space<hbm>> -> memref<1x16xf32, #tpu.memory_space<hbm>>
    %dma_start3A_203 = tpu.memref_squeeze %dma_start3A_202 : memref<1x16xf32, #tpu.memory_space<hbm>> -> memref<16xf32, #tpu.memory_space<hbm>>
    tpu.enqueue_dma source(%dma_start3A_203 : memref<16xf32, #tpu.memory_space<hbm>>) target(%dma_start3A_201 : memref<16xf32, #tpu.memory_space<vmem>>) target_semaphore(%arg10 : memref<!tpu.dma_semaphore, #tpu.memory_space<semaphore_mem>>)
    %slice3A_204 = vector.extract_strided_slice %get3A_4 {offsets = [13], sizes = [1], strides = [1]} : vector<16xi32> to vector<1xi32>
    %squeeze3A_205 = vector.extract %slice3A_204[0] : i32 from vector<1xi32>
    %and3A_206 = arith.constant -16 : i32
    %and3A_207 = arith.andi %squeeze3A_205, %and3A_206 : i32
    %multiple_of3A_208 = tpu.assume_multiple %and3A_207, 16 : i32
    %add3A_209 = arith.constant 13 : i32
    %add3A_210 = arith.addi %mul3A_2, %add3A_209 : i32
    %dma_start3A_211 = arith.constant 208 : i32
    %dma_start3A_212 = tpu.memref_slice %arg8[%dma_start3A_211] : memref<1024xf32, #tpu.memory_space<vmem>> -> memref<16xf32, #tpu.memory_space<vmem>>
    %dma_start3A_213 = tpu.memref_slice %arg2[%add3A_210, %multiple_of3A_208] : memref<2048x32000xf32, #tpu.memory_space<hbm>> -> memref<1x16xf32, #tpu.memory_space<hbm>>
    %dma_start3A_214 = tpu.memref_squeeze %dma_start3A_213 : memref<1x16xf32, #tpu.memory_space<hbm>> -> memref<16xf32, #tpu.memory_space<hbm>>
    %dma_start3A_215 = arith.constant 208 : i32
    %dma_start3A_216 = tpu.memref_slice %arg8[%dma_start3A_215] : memref<1024xf32, #tpu.memory_space<vmem>> -> memref<16xf32, #tpu.memory_space<vmem>>
    %dma_start3A_217 = tpu.memref_slice %arg2[%add3A_210, %multiple_of3A_208] : memref<2048x32000xf32, #tpu.memory_space<hbm>> -> memref<1x16xf32, #tpu.memory_space<hbm>>
    %dma_start3A_218 = tpu.memref_squeeze %dma_start3A_217 : memref<1x16xf32, #tpu.memory_space<hbm>> -> memref<16xf32, #tpu.memory_space<hbm>>
    tpu.enqueue_dma source(%dma_start3A_218 : memref<16xf32, #tpu.memory_space<hbm>>) target(%dma_start3A_216 : memref<16xf32, #tpu.memory_space<vmem>>) target_semaphore(%arg10 : memref<!tpu.dma_semaphore, #tpu.memory_space<semaphore_mem>>)
    %slice3A_219 = vector.extract_strided_slice %get3A_4 {offsets = [14], sizes = [1], strides = [1]} : vector<16xi32> to vector<1xi32>
    %squeeze3A_220 = vector.extract %slice3A_219[0] : i32 from vector<1xi32>
    %and3A_221 = arith.constant -16 : i32
    %and3A_222 = arith.andi %squeeze3A_220, %and3A_221 : i32
    %multiple_of3A_223 = tpu.assume_multiple %and3A_222, 16 : i32
    %add3A_224 = arith.constant 14 : i32
    %add3A_225 = arith.addi %mul3A_2, %add3A_224 : i32
    %dma_start3A_226 = arith.constant 224 : i32
    %dma_start3A_227 = tpu.memref_slice %arg8[%dma_start3A_226] : memref<1024xf32, #tpu.memory_space<vmem>> -> memref<16xf32, #tpu.memory_space<vmem>>
    %dma_start3A_228 = tpu.memref_slice %arg2[%add3A_225, %multiple_of3A_223] : memref<2048x32000xf32, #tpu.memory_space<hbm>> -> memref<1x16xf32, #tpu.memory_space<hbm>>
    %dma_start3A_229 = tpu.memref_squeeze %dma_start3A_228 : memref<1x16xf32, #tpu.memory_space<hbm>> -> memref<16xf32, #tpu.memory_space<hbm>>
    %dma_start3A_230 = arith.constant 224 : i32
    %dma_start3A_231 = tpu.memref_slice %arg8[%dma_start3A_230] : memref<1024xf32, #tpu.memory_space<vmem>> -> memref<16xf32, #tpu.memory_space<vmem>>
    %dma_start3A_232 = tpu.memref_slice %arg2[%add3A_225, %multiple_of3A_223] : memref<2048x32000xf32, #tpu.memory_space<hbm>> -> memref<1x16xf32, #tpu.memory_space<hbm>>
    %dma_start3A_233 = tpu.memref_squeeze %dma_start3A_232 : memref<1x16xf32, #tpu.memory_space<hbm>> -> memref<16xf32, #tpu.memory_space<hbm>>
    tpu.enqueue_dma source(%dma_start3A_233 : memref<16xf32, #tpu.memory_space<hbm>>) target(%dma_start3A_231 : memref<16xf32, #tpu.memory_space<vmem>>) target_semaphore(%arg10 : memref<!tpu.dma_semaphore, #tpu.memory_space<semaphore_mem>>)
    %slice3A_234 = vector.extract_strided_slice %get3A_4 {offsets = [15], sizes = [1], strides = [1]} : vector<16xi32> to vector<1xi32>
    %squeeze3A_235 = vector.extract %slice3A_234[0] : i32 from vector<1xi32>
    %and3A_236 = arith.constant -16 : i32
    %and3A_237 = arith.andi %squeeze3A_235, %and3A_236 : i32
    %multiple_of3A_238 = tpu.assume_multiple %and3A_237, 16 : i32
    %add3A_239 = arith.constant 15 : i32
    %add3A_240 = arith.addi %mul3A_2, %add3A_239 : i32
    %dma_start3A_241 = arith.constant 240 : i32
    %dma_start3A_242 = tpu.memref_slice %arg8[%dma_start3A_241] : memref<1024xf32, #tpu.memory_space<vmem>> -> memref<16xf32, #tpu.memory_space<vmem>>
    %dma_start3A_243 = tpu.memref_slice %arg2[%add3A_240, %multiple_of3A_238] : memref<2048x32000xf32, #tpu.memory_space<hbm>> -> memref<1x16xf32, #tpu.memory_space<hbm>>
    %dma_start3A_244 = tpu.memref_squeeze %dma_start3A_243 : memref<1x16xf32, #tpu.memory_space<hbm>> -> memref<16xf32, #tpu.memory_space<hbm>>
    %dma_start3A_245 = arith.constant 240 : i32
    %dma_start3A_246 = tpu.memref_slice %arg8[%dma_start3A_245] : memref<1024xf32, #tpu.memory_space<vmem>> -> memref<16xf32, #tpu.memory_space<vmem>>
    %dma_start3A_247 = tpu.memref_slice %arg2[%add3A_240, %multiple_of3A_238] : memref<2048x32000xf32, #tpu.memory_space<hbm>> -> memref<1x16xf32, #tpu.memory_space<hbm>>
    %dma_start3A_248 = tpu.memref_squeeze %dma_start3A_247 : memref<1x16xf32, #tpu.memory_space<hbm>> -> memref<16xf32, #tpu.memory_space<hbm>>
    tpu.enqueue_dma source(%dma_start3A_248 : memref<16xf32, #tpu.memory_space<hbm>>) target(%dma_start3A_246 : memref<16xf32, #tpu.memory_space<vmem>>) target_semaphore(%arg10 : memref<!tpu.dma_semaphore, #tpu.memory_space<semaphore_mem>>)
    %slice3A_249 = vector.extract_strided_slice %get3A_7 {offsets = [0], sizes = [1], strides = [1]} : vector<16xi32> to vector<1xi32>
    %squeeze3A_250 = vector.extract %slice3A_249[0] : i32 from vector<1xi32>
    %and3A_251 = arith.constant -16 : i32
    %and3A_252 = arith.andi %squeeze3A_250, %and3A_251 : i32
    %multiple_of3A_253 = tpu.assume_multiple %and3A_252, 16 : i32
    %add3A_254 = arith.constant 16 : i32
    %add3A_255 = arith.addi %mul3A_2, %add3A_254 : i32
    %dma_start3A_256 = arith.constant 256 : i32
    %dma_start3A_257 = tpu.memref_slice %arg8[%dma_start3A_256] : memref<1024xf32, #tpu.memory_space<vmem>> -> memref<16xf32, #tpu.memory_space<vmem>>
    %dma_start3A_258 = tpu.memref_slice %arg2[%add3A_255, %multiple_of3A_253] : memref<2048x32000xf32, #tpu.memory_space<hbm>> -> memref<1x16xf32, #tpu.memory_space<hbm>>
    %dma_start3A_259 = tpu.memref_squeeze %dma_start3A_258 : memref<1x16xf32, #tpu.memory_space<hbm>> -> memref<16xf32, #tpu.memory_space<hbm>>
    %dma_start3A_260 = arith.constant 256 : i32
    %dma_start3A_261 = tpu.memref_slice %arg8[%dma_start3A_260] : memref<1024xf32, #tpu.memory_space<vmem>> -> memref<16xf32, #tpu.memory_space<vmem>>
    %dma_start3A_262 = tpu.memref_slice %arg2[%add3A_255, %multiple_of3A_253] : memref<2048x32000xf32, #tpu.memory_space<hbm>> -> memref<1x16xf32, #tpu.memory_space<hbm>>
    %dma_start3A_263 = tpu.memref_squeeze %dma_start3A_262 : memref<1x16xf32, #tpu.memory_space<hbm>> -> memref<16xf32, #tpu.memory_space<hbm>>
    tpu.enqueue_dma source(%dma_start3A_263 : memref<16xf32, #tpu.memory_space<hbm>>) target(%dma_start3A_261 : memref<16xf32, #tpu.memory_space<vmem>>) target_semaphore(%arg10 : memref<!tpu.dma_semaphore, #tpu.memory_space<semaphore_mem>>)
    %slice3A_264 = vector.extract_strided_slice %get3A_7 {offsets = [1], sizes = [1], strides = [1]} : vector<16xi32> to vector<1xi32>
    %squeeze3A_265 = vector.extract %slice3A_264[0] : i32 from vector<1xi32>
    %and3A_266 = arith.constant -16 : i32
    %and3A_267 = arith.andi %squeeze3A_265, %and3A_266 : i32
    %multiple_of3A_268 = tpu.assume_multiple %and3A_267, 16 : i32
    %add3A_269 = arith.constant 17 : i32
    %add3A_270 = arith.addi %mul3A_2, %add3A_269 : i32
    %dma_start3A_271 = arith.constant 272 : i32
    %dma_start3A_272 = tpu.memref_slice %arg8[%dma_start3A_271] : memref<1024xf32, #tpu.memory_space<vmem>> -> memref<16xf32, #tpu.memory_space<vmem>>
    %dma_start3A_273 = tpu.memref_slice %arg2[%add3A_270, %multiple_of3A_268] : memref<2048x32000xf32, #tpu.memory_space<hbm>> -> memref<1x16xf32, #tpu.memory_space<hbm>>
    %dma_start3A_274 = tpu.memref_squeeze %dma_start3A_273 : memref<1x16xf32, #tpu.memory_space<hbm>> -> memref<16xf32, #tpu.memory_space<hbm>>
    %dma_start3A_275 = arith.constant 272 : i32
    %dma_start3A_276 = tpu.memref_slice %arg8[%dma_start3A_275] : memref<1024xf32, #tpu.memory_space<vmem>> -> memref<16xf32, #tpu.memory_space<vmem>>
    %dma_start3A_277 = tpu.memref_slice %arg2[%add3A_270, %multiple_of3A_268] : memref<2048x32000xf32, #tpu.memory_space<hbm>> -> memref<1x16xf32, #tpu.memory_space<hbm>>
    %dma_start3A_278 = tpu.memref_squeeze %dma_start3A_277 : memref<1x16xf32, #tpu.memory_space<hbm>> -> memref<16xf32, #tpu.memory_space<hbm>>
    tpu.enqueue_dma source(%dma_start3A_278 : memref<16xf32, #tpu.memory_space<hbm>>) target(%dma_start3A_276 : memref<16xf32, #tpu.memory_space<vmem>>) target_semaphore(%arg10 : memref<!tpu.dma_semaphore, #tpu.memory_space<semaphore_mem>>)
    %slice3A_279 = vector.extract_strided_slice %get3A_7 {offsets = [2], sizes = [1], strides = [1]} : vector<16xi32> to vector<1xi32>
    %squeeze3A_280 = vector.extract %slice3A_279[0] : i32 from vector<1xi32>
    %and3A_281 = arith.constant -16 : i32
    %and3A_282 = arith.andi %squeeze3A_280, %and3A_281 : i32
    %multiple_of3A_283 = tpu.assume_multiple %and3A_282, 16 : i32
    %add3A_284 = arith.constant 18 : i32
    %add3A_285 = arith.addi %mul3A_2, %add3A_284 : i32
    %dma_start3A_286 = arith.constant 288 : i32
    %dma_start3A_287 = tpu.memref_slice %arg8[%dma_start3A_286] : memref<1024xf32, #tpu.memory_space<vmem>> -> memref<16xf32, #tpu.memory_space<vmem>>
    %dma_start3A_288 = tpu.memref_slice %arg2[%add3A_285, %multiple_of3A_283] : memref<2048x32000xf32, #tpu.memory_space<hbm>> -> memref<1x16xf32, #tpu.memory_space<hbm>>
    %dma_start3A_289 = tpu.memref_squeeze %dma_start3A_288 : memref<1x16xf32, #tpu.memory_space<hbm>> -> memref<16xf32, #tpu.memory_space<hbm>>
    %dma_start3A_290 = arith.constant 288 : i32
    %dma_start3A_291 = tpu.memref_slice %arg8[%dma_start3A_290] : memref<1024xf32, #tpu.memory_space<vmem>> -> memref<16xf32, #tpu.memory_space<vmem>>
    %dma_start3A_292 = tpu.memref_slice %arg2[%add3A_285, %multiple_of3A_283] : memref<2048x32000xf32, #tpu.memory_space<hbm>> -> memref<1x16xf32, #tpu.memory_space<hbm>>
    %dma_start3A_293 = tpu.memref_squeeze %dma_start3A_292 : memref<1x16xf32, #tpu.memory_space<hbm>> -> memref<16xf32, #tpu.memory_space<hbm>>
    tpu.enqueue_dma source(%dma_start3A_293 : memref<16xf32, #tpu.memory_space<hbm>>) target(%dma_start3A_291 : memref<16xf32, #tpu.memory_space<vmem>>) target_semaphore(%arg10 : memref<!tpu.dma_semaphore, #tpu.memory_space<semaphore_mem>>)
    %slice3A_294 = vector.extract_strided_slice %get3A_7 {offsets = [3], sizes = [1], strides = [1]} : vector<16xi32> to vector<1xi32>
    %squeeze3A_295 = vector.extract %slice3A_294[0] : i32 from vector<1xi32>
    %and3A_296 = arith.constant -16 : i32
    %and3A_297 = arith.andi %squeeze3A_295, %and3A_296 : i32
    %multiple_of3A_298 = tpu.assume_multiple %and3A_297, 16 : i32
    %add3A_299 = arith.constant 19 : i32
    %add3A_300 = arith.addi %mul3A_2, %add3A_299 : i32
    %dma_start3A_301 = arith.constant 304 : i32
    %dma_start3A_302 = tpu.memref_slice %arg8[%dma_start3A_301] : memref<1024xf32, #tpu.memory_space<vmem>> -> memref<16xf32, #tpu.memory_space<vmem>>
    %dma_start3A_303 = tpu.memref_slice %arg2[%add3A_300, %multiple_of3A_298] : memref<2048x32000xf32, #tpu.memory_space<hbm>> -> memref<1x16xf32, #tpu.memory_space<hbm>>
    %dma_start3A_304 = tpu.memref_squeeze %dma_start3A_303 : memref<1x16xf32, #tpu.memory_space<hbm>> -> memref<16xf32, #tpu.memory_space<hbm>>
    %dma_start3A_305 = arith.constant 304 : i32
    %dma_start3A_306 = tpu.memref_slice %arg8[%dma_start3A_305] : memref<1024xf32, #tpu.memory_space<vmem>> -> memref<16xf32, #tpu.memory_space<vmem>>
    %dma_start3A_307 = tpu.memref_slice %arg2[%add3A_300, %multiple_of3A_298] : memref<2048x32000xf32, #tpu.memory_space<hbm>> -> memref<1x16xf32, #tpu.memory_space<hbm>>
    %dma_start3A_308 = tpu.memref_squeeze %dma_start3A_307 : memref<1x16xf32, #tpu.memory_space<hbm>> -> memref<16xf32, #tpu.memory_space<hbm>>
    tpu.enqueue_dma source(%dma_start3A_308 : memref<16xf32, #tpu.memory_space<hbm>>) target(%dma_start3A_306 : memref<16xf32, #tpu.memory_space<vmem>>) target_semaphore(%arg10 : memref<!tpu.dma_semaphore, #tpu.memory_space<semaphore_mem>>)
    %slice3A_309 = vector.extract_strided_slice %get3A_7 {offsets = [4], sizes = [1], strides = [1]} : vector<16xi32> to vector<1xi32>
    %squeeze3A_310 = vector.extract %slice3A_309[0] : i32 from vector<1xi32>
    %and3A_311 = arith.constant -16 : i32
    %and3A_312 = arith.andi %squeeze3A_310, %and3A_311 : i32
    %multiple_of3A_313 = tpu.assume_multiple %and3A_312, 16 : i32
    %add3A_314 = arith.constant 20 : i32
    %add3A_315 = arith.addi %mul3A_2, %add3A_314 : i32
    %dma_start3A_316 = arith.constant 320 : i32
    %dma_start3A_317 = tpu.memref_slice %arg8[%dma_start3A_316] : memref<1024xf32, #tpu.memory_space<vmem>> -> memref<16xf32, #tpu.memory_space<vmem>>
    %dma_start3A_318 = tpu.memref_slice %arg2[%add3A_315, %multiple_of3A_313] : memref<2048x32000xf32, #tpu.memory_space<hbm>> -> memref<1x16xf32, #tpu.memory_space<hbm>>
    %dma_start3A_319 = tpu.memref_squeeze %dma_start3A_318 : memref<1x16xf32, #tpu.memory_space<hbm>> -> memref<16xf32, #tpu.memory_space<hbm>>
    %dma_start3A_320 = arith.constant 320 : i32
    %dma_start3A_321 = tpu.memref_slice %arg8[%dma_start3A_320] : memref<1024xf32, #tpu.memory_space<vmem>> -> memref<16xf32, #tpu.memory_space<vmem>>
    %dma_start3A_322 = tpu.memref_slice %arg2[%add3A_315, %multiple_of3A_313] : memref<2048x32000xf32, #tpu.memory_space<hbm>> -> memref<1x16xf32, #tpu.memory_space<hbm>>
    %dma_start3A_323 = tpu.memref_squeeze %dma_start3A_322 : memref<1x16xf32, #tpu.memory_space<hbm>> -> memref<16xf32, #tpu.memory_space<hbm>>
    tpu.enqueue_dma source(%dma_start3A_323 : memref<16xf32, #tpu.memory_space<hbm>>) target(%dma_start3A_321 : memref<16xf32, #tpu.memory_space<vmem>>) target_semaphore(%arg10 : memref<!tpu.dma_semaphore, #tpu.memory_space<semaphore_mem>>)
    %slice3A_324 = vector.extract_strided_slice %get3A_7 {offsets = [5], sizes = [1], strides = [1]} : vector<16xi32> to vector<1xi32>
    %squeeze3A_325 = vector.extract %slice3A_324[0] : i32 from vector<1xi32>
    %and3A_326 = arith.constant -16 : i32
    %and3A_327 = arith.andi %squeeze3A_325, %and3A_326 : i32
    %multiple_of3A_328 = tpu.assume_multiple %and3A_327, 16 : i32
    %add3A_329 = arith.constant 21 : i32
    %add3A_330 = arith.addi %mul3A_2, %add3A_329 : i32
    %dma_start3A_331 = arith.constant 336 : i32
    %dma_start3A_332 = tpu.memref_slice %arg8[%dma_start3A_331] : memref<1024xf32, #tpu.memory_space<vmem>> -> memref<16xf32, #tpu.memory_space<vmem>>
    %dma_start3A_333 = tpu.memref_slice %arg2[%add3A_330, %multiple_of3A_328] : memref<2048x32000xf32, #tpu.memory_space<hbm>> -> memref<1x16xf32, #tpu.memory_space<hbm>>
    %dma_start3A_334 = tpu.memref_squeeze %dma_start3A_333 : memref<1x16xf32, #tpu.memory_space<hbm>> -> memref<16xf32, #tpu.memory_space<hbm>>
    %dma_start3A_335 = arith.constant 336 : i32
    %dma_start3A_336 = tpu.memref_slice %arg8[%dma_start3A_335] : memref<1024xf32, #tpu.memory_space<vmem>> -> memref<16xf32, #tpu.memory_space<vmem>>
    %dma_start3A_337 = tpu.memref_slice %arg2[%add3A_330, %multiple_of3A_328] : memref<2048x32000xf32, #tpu.memory_space<hbm>> -> memref<1x16xf32, #tpu.memory_space<hbm>>
    %dma_start3A_338 = tpu.memref_squeeze %dma_start3A_337 : memref<1x16xf32, #tpu.memory_space<hbm>> -> memref<16xf32, #tpu.memory_space<hbm>>
    tpu.enqueue_dma source(%dma_start3A_338 : memref<16xf32, #tpu.memory_space<hbm>>) target(%dma_start3A_336 : memref<16xf32, #tpu.memory_space<vmem>>) target_semaphore(%arg10 : memref<!tpu.dma_semaphore, #tpu.memory_space<semaphore_mem>>)
    %slice3A_339 = vector.extract_strided_slice %get3A_7 {offsets = [6], sizes = [1], strides = [1]} : vector<16xi32> to vector<1xi32>
    %squeeze3A_340 = vector.extract %slice3A_339[0] : i32 from vector<1xi32>
    %and3A_341 = arith.constant -16 : i32
    %and3A_342 = arith.andi %squeeze3A_340, %and3A_341 : i32
    %multiple_of3A_343 = tpu.assume_multiple %and3A_342, 16 : i32
    %add3A_344 = arith.constant 22 : i32
    %add3A_345 = arith.addi %mul3A_2, %add3A_344 : i32
    %dma_start3A_346 = arith.constant 352 : i32
    %dma_start3A_347 = tpu.memref_slice %arg8[%dma_start3A_346] : memref<1024xf32, #tpu.memory_space<vmem>> -> memref<16xf32, #tpu.memory_space<vmem>>
    %dma_start3A_348 = tpu.memref_slice %arg2[%add3A_345, %multiple_of3A_343] : memref<2048x32000xf32, #tpu.memory_space<hbm>> -> memref<1x16xf32, #tpu.memory_space<hbm>>
    %dma_start3A_349 = tpu.memref_squeeze %dma_start3A_348 : memref<1x16xf32, #tpu.memory_space<hbm>> -> memref<16xf32, #tpu.memory_space<hbm>>
    %dma_start3A_350 = arith.constant 352 : i32
    %dma_start3A_351 = tpu.memref_slice %arg8[%dma_start3A_350] : memref<1024xf32, #tpu.memory_space<vmem>> -> memref<16xf32, #tpu.memory_space<vmem>>
    %dma_start3A_352 = tpu.memref_slice %arg2[%add3A_345, %multiple_of3A_343] : memref<2048x32000xf32, #tpu.memory_space<hbm>> -> memref<1x16xf32, #tpu.memory_space<hbm>>
    %dma_start3A_353 = tpu.memref_squeeze %dma_start3A_352 : memref<1x16xf32, #tpu.memory_space<hbm>> -> memref<16xf32, #tpu.memory_space<hbm>>
    tpu.enqueue_dma source(%dma_start3A_353 : memref<16xf32, #tpu.memory_space<hbm>>) target(%dma_start3A_351 : memref<16xf32, #tpu.memory_space<vmem>>) target_semaphore(%arg10 : memref<!tpu.dma_semaphore, #tpu.memory_space<semaphore_mem>>)
    %slice3A_354 = vector.extract_strided_slice %get3A_7 {offsets = [7], sizes = [1], strides = [1]} : vector<16xi32> to vector<1xi32>
    %squeeze3A_355 = vector.extract %slice3A_354[0] : i32 from vector<1xi32>
    %and3A_356 = arith.constant -16 : i32
    %and3A_357 = arith.andi %squeeze3A_355, %and3A_356 : i32
    %multiple_of3A_358 = tpu.assume_multiple %and3A_357, 16 : i32
    %add3A_359 = arith.constant 23 : i32
    %add3A_360 = arith.addi %mul3A_2, %add3A_359 : i32
    %dma_start3A_361 = arith.constant 368 : i32
    %dma_start3A_362 = tpu.memref_slice %arg8[%dma_start3A_361] : memref<1024xf32, #tpu.memory_space<vmem>> -> memref<16xf32, #tpu.memory_space<vmem>>
    %dma_start3A_363 = tpu.memref_slice %arg2[%add3A_360, %multiple_of3A_358] : memref<2048x32000xf32, #tpu.memory_space<hbm>> -> memref<1x16xf32, #tpu.memory_space<hbm>>
    %dma_start3A_364 = tpu.memref_squeeze %dma_start3A_363 : memref<1x16xf32, #tpu.memory_space<hbm>> -> memref<16xf32, #tpu.memory_space<hbm>>
    %dma_start3A_365 = arith.constant 368 : i32
    %dma_start3A_366 = tpu.memref_slice %arg8[%dma_start3A_365] : memref<1024xf32, #tpu.memory_space<vmem>> -> memref<16xf32, #tpu.memory_space<vmem>>
    %dma_start3A_367 = tpu.memref_slice %arg2[%add3A_360, %multiple_of3A_358] : memref<2048x32000xf32, #tpu.memory_space<hbm>> -> memref<1x16xf32, #tpu.memory_space<hbm>>
    %dma_start3A_368 = tpu.memref_squeeze %dma_start3A_367 : memref<1x16xf32, #tpu.memory_space<hbm>> -> memref<16xf32, #tpu.memory_space<hbm>>
    tpu.enqueue_dma source(%dma_start3A_368 : memref<16xf32, #tpu.memory_space<hbm>>) target(%dma_start3A_366 : memref<16xf32, #tpu.memory_space<vmem>>) target_semaphore(%arg10 : memref<!tpu.dma_semaphore, #tpu.memory_space<semaphore_mem>>)
    %slice3A_369 = vector.extract_strided_slice %get3A_7 {offsets = [8], sizes = [1], strides = [1]} : vector<16xi32> to vector<1xi32>
    %squeeze3A_370 = vector.extract %slice3A_369[0] : i32 from vector<1xi32>
    %and3A_371 = arith.constant -16 : i32
    %and3A_372 = arith.andi %squeeze3A_370, %and3A_371 : i32
    %multiple_of3A_373 = tpu.assume_multiple %and3A_372, 16 : i32
    %add3A_374 = arith.constant 24 : i32
    %add3A_375 = arith.addi %mul3A_2, %add3A_374 : i32
    %dma_start3A_376 = arith.constant 384 : i32
    %dma_start3A_377 = tpu.memref_slice %arg8[%dma_start3A_376] : memref<1024xf32, #tpu.memory_space<vmem>> -> memref<16xf32, #tpu.memory_space<vmem>>
    %dma_start3A_378 = tpu.memref_slice %arg2[%add3A_375, %multiple_of3A_373] : memref<2048x32000xf32, #tpu.memory_space<hbm>> -> memref<1x16xf32, #tpu.memory_space<hbm>>
    %dma_start3A_379 = tpu.memref_squeeze %dma_start3A_378 : memref<1x16xf32, #tpu.memory_space<hbm>> -> memref<16xf32, #tpu.memory_space<hbm>>
    %dma_start3A_380 = arith.constant 384 : i32
    %dma_start3A_381 = tpu.memref_slice %arg8[%dma_start3A_380] : memref<1024xf32, #tpu.memory_space<vmem>> -> memref<16xf32, #tpu.memory_space<vmem>>
    %dma_start3A_382 = tpu.memref_slice %arg2[%add3A_375, %multiple_of3A_373] : memref<2048x32000xf32, #tpu.memory_space<hbm>> -> memref<1x16xf32, #tpu.memory_space<hbm>>
    %dma_start3A_383 = tpu.memref_squeeze %dma_start3A_382 : memref<1x16xf32, #tpu.memory_space<hbm>> -> memref<16xf32, #tpu.memory_space<hbm>>
    tpu.enqueue_dma source(%dma_start3A_383 : memref<16xf32, #tpu.memory_space<hbm>>) target(%dma_start3A_381 : memref<16xf32, #tpu.memory_space<vmem>>) target_semaphore(%arg10 : memref<!tpu.dma_semaphore, #tpu.memory_space<semaphore_mem>>)
    %slice3A_384 = vector.extract_strided_slice %get3A_7 {offsets = [9], sizes = [1], strides = [1]} : vector<16xi32> to vector<1xi32>
    %squeeze3A_385 = vector.extract %slice3A_384[0] : i32 from vector<1xi32>
    %and3A_386 = arith.constant -16 : i32
    %and3A_387 = arith.andi %squeeze3A_385, %and3A_386 : i32
    %multiple_of3A_388 = tpu.assume_multiple %and3A_387, 16 : i32
    %add3A_389 = arith.constant 25 : i32
    %add3A_390 = arith.addi %mul3A_2, %add3A_389 : i32
    %dma_start3A_391 = arith.constant 400 : i32
    %dma_start3A_392 = tpu.memref_slice %arg8[%dma_start3A_391] : memref<1024xf32, #tpu.memory_space<vmem>> -> memref<16xf32, #tpu.memory_space<vmem>>
    %dma_start3A_393 = tpu.memref_slice %arg2[%add3A_390, %multiple_of3A_388] : memref<2048x32000xf32, #tpu.memory_space<hbm>> -> memref<1x16xf32, #tpu.memory_space<hbm>>
    %dma_start3A_394 = tpu.memref_squeeze %dma_start3A_393 : memref<1x16xf32, #tpu.memory_space<hbm>> -> memref<16xf32, #tpu.memory_space<hbm>>
    %dma_start3A_395 = arith.constant 400 : i32
    %dma_start3A_396 = tpu.memref_slice %arg8[%dma_start3A_395] : memref<1024xf32, #tpu.memory_space<vmem>> -> memref<16xf32, #tpu.memory_space<vmem>>
    %dma_start3A_397 = tpu.memref_slice %arg2[%add3A_390, %multiple_of3A_388] : memref<2048x32000xf32, #tpu.memory_space<hbm>> -> memref<1x16xf32, #tpu.memory_space<hbm>>
    %dma_start3A_398 = tpu.memref_squeeze %dma_start3A_397 : memref<1x16xf32, #tpu.memory_space<hbm>> -> memref<16xf32, #tpu.memory_space<hbm>>
    tpu.enqueue_dma source(%dma_start3A_398 : memref<16xf32, #tpu.memory_space<hbm>>) target(%dma_start3A_396 : memref<16xf32, #tpu.memory_space<vmem>>) target_semaphore(%arg10 : memref<!tpu.dma_semaphore, #tpu.memory_space<semaphore_mem>>)
    %slice3A_399 = vector.extract_strided_slice %get3A_7 {offsets = [10], sizes = [1], strides = [1]} : vector<16xi32> to vector<1xi32>
    %squeeze3A_400 = vector.extract %slice3A_399[0] : i32 from vector<1xi32>
    %and3A_401 = arith.constant -16 : i32
    %and3A_402 = arith.andi %squeeze3A_400, %and3A_401 : i32
    %multiple_of3A_403 = tpu.assume_multiple %and3A_402, 16 : i32
    %add3A_404 = arith.constant 26 : i32
    %add3A_405 = arith.addi %mul3A_2, %add3A_404 : i32
    %dma_start3A_406 = arith.constant 416 : i32
    %dma_start3A_407 = tpu.memref_slice %arg8[%dma_start3A_406] : memref<1024xf32, #tpu.memory_space<vmem>> -> memref<16xf32, #tpu.memory_space<vmem>>
    %dma_start3A_408 = tpu.memref_slice %arg2[%add3A_405, %multiple_of3A_403] : memref<2048x32000xf32, #tpu.memory_space<hbm>> -> memref<1x16xf32, #tpu.memory_space<hbm>>
    %dma_start3A_409 = tpu.memref_squeeze %dma_start3A_408 : memref<1x16xf32, #tpu.memory_space<hbm>> -> memref<16xf32, #tpu.memory_space<hbm>>
    %dma_start3A_410 = arith.constant 416 : i32
    %dma_start3A_411 = tpu.memref_slice %arg8[%dma_start3A_410] : memref<1024xf32, #tpu.memory_space<vmem>> -> memref<16xf32, #tpu.memory_space<vmem>>
    %dma_start3A_412 = tpu.memref_slice %arg2[%add3A_405, %multiple_of3A_403] : memref<2048x32000xf32, #tpu.memory_space<hbm>> -> memref<1x16xf32, #tpu.memory_space<hbm>>
    %dma_start3A_413 = tpu.memref_squeeze %dma_start3A_412 : memref<1x16xf32, #tpu.memory_space<hbm>> -> memref<16xf32, #tpu.memory_space<hbm>>
    tpu.enqueue_dma source(%dma_start3A_413 : memref<16xf32, #tpu.memory_space<hbm>>) target(%dma_start3A_411 : memref<16xf32, #tpu.memory_space<vmem>>) target_semaphore(%arg10 : memref<!tpu.dma_semaphore, #tpu.memory_space<semaphore_mem>>)
    %slice3A_414 = vector.extract_strided_slice %get3A_7 {offsets = [11], sizes = [1], strides = [1]} : vector<16xi32> to vector<1xi32>
    %squeeze3A_415 = vector.extract %slice3A_414[0] : i32 from vector<1xi32>
    %and3A_416 = arith.constant -16 : i32
    %and3A_417 = arith.andi %squeeze3A_415, %and3A_416 : i32
    %multiple_of3A_418 = tpu.assume_multiple %and3A_417, 16 : i32
    %add3A_419 = arith.constant 27 : i32
    %add3A_420 = arith.addi %mul3A_2, %add3A_419 : i32
    %dma_start3A_421 = arith.constant 432 : i32
    %dma_start3A_422 = tpu.memref_slice %arg8[%dma_start3A_421] : memref<1024xf32, #tpu.memory_space<vmem>> -> memref<16xf32, #tpu.memory_space<vmem>>
    %dma_start3A_423 = tpu.memref_slice %arg2[%add3A_420, %multiple_of3A_418] : memref<2048x32000xf32, #tpu.memory_space<hbm>> -> memref<1x16xf32, #tpu.memory_space<hbm>>
    %dma_start3A_424 = tpu.memref_squeeze %dma_start3A_423 : memref<1x16xf32, #tpu.memory_space<hbm>> -> memref<16xf32, #tpu.memory_space<hbm>>
    %dma_start3A_425 = arith.constant 432 : i32
    %dma_start3A_426 = tpu.memref_slice %arg8[%dma_start3A_425] : memref<1024xf32, #tpu.memory_space<vmem>> -> memref<16xf32, #tpu.memory_space<vmem>>
    %dma_start3A_427 = tpu.memref_slice %arg2[%add3A_420, %multiple_of3A_418] : memref<2048x32000xf32, #tpu.memory_space<hbm>> -> memref<1x16xf32, #tpu.memory_space<hbm>>
    %dma_start3A_428 = tpu.memref_squeeze %dma_start3A_427 : memref<1x16xf32, #tpu.memory_space<hbm>> -> memref<16xf32, #tpu.memory_space<hbm>>
    tpu.enqueue_dma source(%dma_start3A_428 : memref<16xf32, #tpu.memory_space<hbm>>) target(%dma_start3A_426 : memref<16xf32, #tpu.memory_space<vmem>>) target_semaphore(%arg10 : memref<!tpu.dma_semaphore, #tpu.memory_space<semaphore_mem>>)
    %slice3A_429 = vector.extract_strided_slice %get3A_7 {offsets = [12], sizes = [1], strides = [1]} : vector<16xi32> to vector<1xi32>
    %squeeze3A_430 = vector.extract %slice3A_429[0] : i32 from vector<1xi32>
    %and3A_431 = arith.constant -16 : i32
    %and3A_432 = arith.andi %squeeze3A_430, %and3A_431 : i32
    %multiple_of3A_433 = tpu.assume_multiple %and3A_432, 16 : i32
    %add3A_434 = arith.constant 28 : i32
    %add3A_435 = arith.addi %mul3A_2, %add3A_434 : i32
    %dma_start3A_436 = arith.constant 448 : i32
    %dma_start3A_437 = tpu.memref_slice %arg8[%dma_start3A_436] : memref<1024xf32, #tpu.memory_space<vmem>> -> memref<16xf32, #tpu.memory_space<vmem>>
    %dma_start3A_438 = tpu.memref_slice %arg2[%add3A_435, %multiple_of3A_433] : memref<2048x32000xf32, #tpu.memory_space<hbm>> -> memref<1x16xf32, #tpu.memory_space<hbm>>
    %dma_start3A_439 = tpu.memref_squeeze %dma_start3A_438 : memref<1x16xf32, #tpu.memory_space<hbm>> -> memref<16xf32, #tpu.memory_space<hbm>>
    %dma_start3A_440 = arith.constant 448 : i32
    %dma_start3A_441 = tpu.memref_slice %arg8[%dma_start3A_440] : memref<1024xf32, #tpu.memory_space<vmem>> -> memref<16xf32, #tpu.memory_space<vmem>>
    %dma_start3A_442 = tpu.memref_slice %arg2[%add3A_435, %multiple_of3A_433] : memref<2048x32000xf32, #tpu.memory_space<hbm>> -> memref<1x16xf32, #tpu.memory_space<hbm>>
    %dma_start3A_443 = tpu.memref_squeeze %dma_start3A_442 : memref<1x16xf32, #tpu.memory_space<hbm>> -> memref<16xf32, #tpu.memory_space<hbm>>
    tpu.enqueue_dma source(%dma_start3A_443 : memref<16xf32, #tpu.memory_space<hbm>>) target(%dma_start3A_441 : memref<16xf32, #tpu.memory_space<vmem>>) target_semaphore(%arg10 : memref<!tpu.dma_semaphore, #tpu.memory_space<semaphore_mem>>)
    %slice3A_444 = vector.extract_strided_slice %get3A_7 {offsets = [13], sizes = [1], strides = [1]} : vector<16xi32> to vector<1xi32>
    %squeeze3A_445 = vector.extract %slice3A_444[0] : i32 from vector<1xi32>
    %and3A_446 = arith.constant -16 : i32
    %and3A_447 = arith.andi %squeeze3A_445, %and3A_446 : i32
    %multiple_of3A_448 = tpu.assume_multiple %and3A_447, 16 : i32
    %add3A_449 = arith.constant 29 : i32
    %add3A_450 = arith.addi %mul3A_2, %add3A_449 : i32
    %dma_start3A_451 = arith.constant 464 : i32
    %dma_start3A_452 = tpu.memref_slice %arg8[%dma_start3A_451] : memref<1024xf32, #tpu.memory_space<vmem>> -> memref<16xf32, #tpu.memory_space<vmem>>
    %dma_start3A_453 = tpu.memref_slice %arg2[%add3A_450, %multiple_of3A_448] : memref<2048x32000xf32, #tpu.memory_space<hbm>> -> memref<1x16xf32, #tpu.memory_space<hbm>>
    %dma_start3A_454 = tpu.memref_squeeze %dma_start3A_453 : memref<1x16xf32, #tpu.memory_space<hbm>> -> memref<16xf32, #tpu.memory_space<hbm>>
    %dma_start3A_455 = arith.constant 464 : i32
    %dma_start3A_456 = tpu.memref_slice %arg8[%dma_start3A_455] : memref<1024xf32, #tpu.memory_space<vmem>> -> memref<16xf32, #tpu.memory_space<vmem>>
    %dma_start3A_457 = tpu.memref_slice %arg2[%add3A_450, %multiple_of3A_448] : memref<2048x32000xf32, #tpu.memory_space<hbm>> -> memref<1x16xf32, #tpu.memory_space<hbm>>
    %dma_start3A_458 = tpu.memref_squeeze %dma_start3A_457 : memref<1x16xf32, #tpu.memory_space<hbm>> -> memref<16xf32, #tpu.memory_space<hbm>>
    tpu.enqueue_dma source(%dma_start3A_458 : memref<16xf32, #tpu.memory_space<hbm>>) target(%dma_start3A_456 : memref<16xf32, #tpu.memory_space<vmem>>) target_semaphore(%arg10 : memref<!tpu.dma_semaphore, #tpu.memory_space<semaphore_mem>>)
    %slice3A_459 = vector.extract_strided_slice %get3A_7 {offsets = [14], sizes = [1], strides = [1]} : vector<16xi32> to vector<1xi32>
    %squeeze3A_460 = vector.extract %slice3A_459[0] : i32 from vector<1xi32>
    %and3A_461 = arith.constant -16 : i32
    %and3A_462 = arith.andi %squeeze3A_460, %and3A_461 : i32
    %multiple_of3A_463 = tpu.assume_multiple %and3A_462, 16 : i32
    %add3A_464 = arith.constant 30 : i32
    %add3A_465 = arith.addi %mul3A_2, %add3A_464 : i32
    %dma_start3A_466 = arith.constant 480 : i32
    %dma_start3A_467 = tpu.memref_slice %arg8[%dma_start3A_466] : memref<1024xf32, #tpu.memory_space<vmem>> -> memref<16xf32, #tpu.memory_space<vmem>>
    %dma_start3A_468 = tpu.memref_slice %arg2[%add3A_465, %multiple_of3A_463] : memref<2048x32000xf32, #tpu.memory_space<hbm>> -> memref<1x16xf32, #tpu.memory_space<hbm>>
    %dma_start3A_469 = tpu.memref_squeeze %dma_start3A_468 : memref<1x16xf32, #tpu.memory_space<hbm>> -> memref<16xf32, #tpu.memory_space<hbm>>
    %dma_start3A_470 = arith.constant 480 : i32
    %dma_start3A_471 = tpu.memref_slice %arg8[%dma_start3A_470] : memref<1024xf32, #tpu.memory_space<vmem>> -> memref<16xf32, #tpu.memory_space<vmem>>
    %dma_start3A_472 = tpu.memref_slice %arg2[%add3A_465, %multiple_of3A_463] : memref<2048x32000xf32, #tpu.memory_space<hbm>> -> memref<1x16xf32, #tpu.memory_space<hbm>>
    %dma_start3A_473 = tpu.memref_squeeze %dma_start3A_472 : memref<1x16xf32, #tpu.memory_space<hbm>> -> memref<16xf32, #tpu.memory_space<hbm>>
    tpu.enqueue_dma source(%dma_start3A_473 : memref<16xf32, #tpu.memory_space<hbm>>) target(%dma_start3A_471 : memref<16xf32, #tpu.memory_space<vmem>>) target_semaphore(%arg10 : memref<!tpu.dma_semaphore, #tpu.memory_space<semaphore_mem>>)
    %slice3A_474 = vector.extract_strided_slice %get3A_7 {offsets = [15], sizes = [1], strides = [1]} : vector<16xi32> to vector<1xi32>
    %squeeze3A_475 = vector.extract %slice3A_474[0] : i32 from vector<1xi32>
    %and3A_476 = arith.constant -16 : i32
    %and3A_477 = arith.andi %squeeze3A_475, %and3A_476 : i32
    %multiple_of3A_478 = tpu.assume_multiple %and3A_477, 16 : i32
    %add3A_479 = arith.constant 31 : i32
    %add3A_480 = arith.addi %mul3A_2, %add3A_479 : i32
    %dma_start3A_481 = arith.constant 496 : i32
    %dma_start3A_482 = tpu.memref_slice %arg8[%dma_start3A_481] : memref<1024xf32, #tpu.memory_space<vmem>> -> memref<16xf32, #tpu.memory_space<vmem>>
    %dma_start3A_483 = tpu.memref_slice %arg2[%add3A_480, %multiple_of3A_478] : memref<2048x32000xf32, #tpu.memory_space<hbm>> -> memref<1x16xf32, #tpu.memory_space<hbm>>
    %dma_start3A_484 = tpu.memref_squeeze %dma_start3A_483 : memref<1x16xf32, #tpu.memory_space<hbm>> -> memref<16xf32, #tpu.memory_space<hbm>>
    %dma_start3A_485 = arith.constant 496 : i32
    %dma_start3A_486 = tpu.memref_slice %arg8[%dma_start3A_485] : memref<1024xf32, #tpu.memory_space<vmem>> -> memref<16xf32, #tpu.memory_space<vmem>>
    %dma_start3A_487 = tpu.memref_slice %arg2[%add3A_480, %multiple_of3A_478] : memref<2048x32000xf32, #tpu.memory_space<hbm>> -> memref<1x16xf32, #tpu.memory_space<hbm>>
    %dma_start3A_488 = tpu.memref_squeeze %dma_start3A_487 : memref<1x16xf32, #tpu.memory_space<hbm>> -> memref<16xf32, #tpu.memory_space<hbm>>
    tpu.enqueue_dma source(%dma_start3A_488 : memref<16xf32, #tpu.memory_space<hbm>>) target(%dma_start3A_486 : memref<16xf32, #tpu.memory_space<vmem>>) target_semaphore(%arg10 : memref<!tpu.dma_semaphore, #tpu.memory_space<semaphore_mem>>)
    %slice3A_489 = vector.extract_strided_slice %get3A_10 {offsets = [0], sizes = [1], strides = [1]} : vector<16xi32> to vector<1xi32>
    %squeeze3A_490 = vector.extract %slice3A_489[0] : i32 from vector<1xi32>
    %and3A_491 = arith.constant -16 : i32
    %and3A_492 = arith.andi %squeeze3A_490, %and3A_491 : i32
    %multiple_of3A_493 = tpu.assume_multiple %and3A_492, 16 : i32
    %add3A_494 = arith.constant 32 : i32
    %add3A_495 = arith.addi %mul3A_2, %add3A_494 : i32
    %dma_start3A_496 = arith.constant 512 : i32
    %dma_start3A_497 = tpu.memref_slice %arg8[%dma_start3A_496] : memref<1024xf32, #tpu.memory_space<vmem>> -> memref<16xf32, #tpu.memory_space<vmem>>
    %dma_start3A_498 = tpu.memref_slice %arg2[%add3A_495, %multiple_of3A_493] : memref<2048x32000xf32, #tpu.memory_space<hbm>> -> memref<1x16xf32, #tpu.memory_space<hbm>>
    %dma_start3A_499 = tpu.memref_squeeze %dma_start3A_498 : memref<1x16xf32, #tpu.memory_space<hbm>> -> memref<16xf32, #tpu.memory_space<hbm>>
    %dma_start3A_500 = arith.constant 512 : i32
    %dma_start3A_501 = tpu.memref_slice %arg8[%dma_start3A_500] : memref<1024xf32, #tpu.memory_space<vmem>> -> memref<16xf32, #tpu.memory_space<vmem>>
    %dma_start3A_502 = tpu.memref_slice %arg2[%add3A_495, %multiple_of3A_493] : memref<2048x32000xf32, #tpu.memory_space<hbm>> -> memref<1x16xf32, #tpu.memory_space<hbm>>
    %dma_start3A_503 = tpu.memref_squeeze %dma_start3A_502 : memref<1x16xf32, #tpu.memory_space<hbm>> -> memref<16xf32, #tpu.memory_space<hbm>>
    tpu.enqueue_dma source(%dma_start3A_503 : memref<16xf32, #tpu.memory_space<hbm>>) target(%dma_start3A_501 : memref<16xf32, #tpu.memory_space<vmem>>) target_semaphore(%arg10 : memref<!tpu.dma_semaphore, #tpu.memory_space<semaphore_mem>>)
    %slice3A_504 = vector.extract_strided_slice %get3A_10 {offsets = [1], sizes = [1], strides = [1]} : vector<16xi32> to vector<1xi32>
    %squeeze3A_505 = vector.extract %slice3A_504[0] : i32 from vector<1xi32>
    %and3A_506 = arith.constant -16 : i32
    %and3A_507 = arith.andi %squeeze3A_505, %and3A_506 : i32
    %multiple_of3A_508 = tpu.assume_multiple %and3A_507, 16 : i32
    %add3A_509 = arith.constant 33 : i32
    %add3A_510 = arith.addi %mul3A_2, %add3A_509 : i32
    %dma_start3A_511 = arith.constant 528 : i32
    %dma_start3A_512 = tpu.memref_slice %arg8[%dma_start3A_511] : memref<1024xf32, #tpu.memory_space<vmem>> -> memref<16xf32, #tpu.memory_space<vmem>>
    %dma_start3A_513 = tpu.memref_slice %arg2[%add3A_510, %multiple_of3A_508] : memref<2048x32000xf32, #tpu.memory_space<hbm>> -> memref<1x16xf32, #tpu.memory_space<hbm>>
    %dma_start3A_514 = tpu.memref_squeeze %dma_start3A_513 : memref<1x16xf32, #tpu.memory_space<hbm>> -> memref<16xf32, #tpu.memory_space<hbm>>
    %dma_start3A_515 = arith.constant 528 : i32
    %dma_start3A_516 = tpu.memref_slice %arg8[%dma_start3A_515] : memref<1024xf32, #tpu.memory_space<vmem>> -> memref<16xf32, #tpu.memory_space<vmem>>
    %dma_start3A_517 = tpu.memref_slice %arg2[%add3A_510, %multiple_of3A_508] : memref<2048x32000xf32, #tpu.memory_space<hbm>> -> memref<1x16xf32, #tpu.memory_space<hbm>>
    %dma_start3A_518 = tpu.memref_squeeze %dma_start3A_517 : memref<1x16xf32, #tpu.memory_space<hbm>> -> memref<16xf32, #tpu.memory_space<hbm>>
    tpu.enqueue_dma source(%dma_start3A_518 : memref<16xf32, #tpu.memory_space<hbm>>) target(%dma_start3A_516 : memref<16xf32, #tpu.memory_space<vmem>>) target_semaphore(%arg10 : memref<!tpu.dma_semaphore, #tpu.memory_space<semaphore_mem>>)
    %slice3A_519 = vector.extract_strided_slice %get3A_10 {offsets = [2], sizes = [1], strides = [1]} : vector<16xi32> to vector<1xi32>
    %squeeze3A_520 = vector.extract %slice3A_519[0] : i32 from vector<1xi32>
    %and3A_521 = arith.constant -16 : i32
    %and3A_522 = arith.andi %squeeze3A_520, %and3A_521 : i32
    %multiple_of3A_523 = tpu.assume_multiple %and3A_522, 16 : i32
    %add3A_524 = arith.constant 34 : i32
    %add3A_525 = arith.addi %mul3A_2, %add3A_524 : i32
    %dma_start3A_526 = arith.constant 544 : i32
    %dma_start3A_527 = tpu.memref_slice %arg8[%dma_start3A_526] : memref<1024xf32, #tpu.memory_space<vmem>> -> memref<16xf32, #tpu.memory_space<vmem>>
    %dma_start3A_528 = tpu.memref_slice %arg2[%add3A_525, %multiple_of3A_523] : memref<2048x32000xf32, #tpu.memory_space<hbm>> -> memref<1x16xf32, #tpu.memory_space<hbm>>
    %dma_start3A_529 = tpu.memref_squeeze %dma_start3A_528 : memref<1x16xf32, #tpu.memory_space<hbm>> -> memref<16xf32, #tpu.memory_space<hbm>>
    %dma_start3A_530 = arith.constant 544 : i32
    %dma_start3A_531 = tpu.memref_slice %arg8[%dma_start3A_530] : memref<1024xf32, #tpu.memory_space<vmem>> -> memref<16xf32, #tpu.memory_space<vmem>>
    %dma_start3A_532 = tpu.memref_slice %arg2[%add3A_525, %multiple_of3A_523] : memref<2048x32000xf32, #tpu.memory_space<hbm>> -> memref<1x16xf32, #tpu.memory_space<hbm>>
    %dma_start3A_533 = tpu.memref_squeeze %dma_start3A_532 : memref<1x16xf32, #tpu.memory_space<hbm>> -> memref<16xf32, #tpu.memory_space<hbm>>
    tpu.enqueue_dma source(%dma_start3A_533 : memref<16xf32, #tpu.memory_space<hbm>>) target(%dma_start3A_531 : memref<16xf32, #tpu.memory_space<vmem>>) target_semaphore(%arg10 : memref<!tpu.dma_semaphore, #tpu.memory_space<semaphore_mem>>)
    %slice3A_534 = vector.extract_strided_slice %get3A_10 {offsets = [3], sizes = [1], strides = [1]} : vector<16xi32> to vector<1xi32>
    %squeeze3A_535 = vector.extract %slice3A_534[0] : i32 from vector<1xi32>
    %and3A_536 = arith.constant -16 : i32
    %and3A_537 = arith.andi %squeeze3A_535, %and3A_536 : i32
    %multiple_of3A_538 = tpu.assume_multiple %and3A_537, 16 : i32
    %add3A_539 = arith.constant 35 : i32
    %add3A_540 = arith.addi %mul3A_2, %add3A_539 : i32
    %dma_start3A_541 = arith.constant 560 : i32
    %dma_start3A_542 = tpu.memref_slice %arg8[%dma_start3A_541] : memref<1024xf32, #tpu.memory_space<vmem>> -> memref<16xf32, #tpu.memory_space<vmem>>
    %dma_start3A_543 = tpu.memref_slice %arg2[%add3A_540, %multiple_of3A_538] : memref<2048x32000xf32, #tpu.memory_space<hbm>> -> memref<1x16xf32, #tpu.memory_space<hbm>>
    %dma_start3A_544 = tpu.memref_squeeze %dma_start3A_543 : memref<1x16xf32, #tpu.memory_space<hbm>> -> memref<16xf32, #tpu.memory_space<hbm>>
    %dma_start3A_545 = arith.constant 560 : i32
    %dma_start3A_546 = tpu.memref_slice %arg8[%dma_start3A_545] : memref<1024xf32, #tpu.memory_space<vmem>> -> memref<16xf32, #tpu.memory_space<vmem>>
    %dma_start3A_547 = tpu.memref_slice %arg2[%add3A_540, %multiple_of3A_538] : memref<2048x32000xf32, #tpu.memory_space<hbm>> -> memref<1x16xf32, #tpu.memory_space<hbm>>
    %dma_start3A_548 = tpu.memref_squeeze %dma_start3A_547 : memref<1x16xf32, #tpu.memory_space<hbm>> -> memref<16xf32, #tpu.memory_space<hbm>>
    tpu.enqueue_dma source(%dma_start3A_548 : memref<16xf32, #tpu.memory_space<hbm>>) target(%dma_start3A_546 : memref<16xf32, #tpu.memory_space<vmem>>) target_semaphore(%arg10 : memref<!tpu.dma_semaphore, #tpu.memory_space<semaphore_mem>>)
    %slice3A_549 = vector.extract_strided_slice %get3A_10 {offsets = [4], sizes = [1], strides = [1]} : vector<16xi32> to vector<1xi32>
    %squeeze3A_550 = vector.extract %slice3A_549[0] : i32 from vector<1xi32>
    %and3A_551 = arith.constant -16 : i32
    %and3A_552 = arith.andi %squeeze3A_550, %and3A_551 : i32
    %multiple_of3A_553 = tpu.assume_multiple %and3A_552, 16 : i32
    %add3A_554 = arith.constant 36 : i32
    %add3A_555 = arith.addi %mul3A_2, %add3A_554 : i32
    %dma_start3A_556 = arith.constant 576 : i32
    %dma_start3A_557 = tpu.memref_slice %arg8[%dma_start3A_556] : memref<1024xf32, #tpu.memory_space<vmem>> -> memref<16xf32, #tpu.memory_space<vmem>>
    %dma_start3A_558 = tpu.memref_slice %arg2[%add3A_555, %multiple_of3A_553] : memref<2048x32000xf32, #tpu.memory_space<hbm>> -> memref<1x16xf32, #tpu.memory_space<hbm>>
    %dma_start3A_559 = tpu.memref_squeeze %dma_start3A_558 : memref<1x16xf32, #tpu.memory_space<hbm>> -> memref<16xf32, #tpu.memory_space<hbm>>
    %dma_start3A_560 = arith.constant 576 : i32
    %dma_start3A_561 = tpu.memref_slice %arg8[%dma_start3A_560] : memref<1024xf32, #tpu.memory_space<vmem>> -> memref<16xf32, #tpu.memory_space<vmem>>
    %dma_start3A_562 = tpu.memref_slice %arg2[%add3A_555, %multiple_of3A_553] : memref<2048x32000xf32, #tpu.memory_space<hbm>> -> memref<1x16xf32, #tpu.memory_space<hbm>>
    %dma_start3A_563 = tpu.memref_squeeze %dma_start3A_562 : memref<1x16xf32, #tpu.memory_space<hbm>> -> memref<16xf32, #tpu.memory_space<hbm>>
    tpu.enqueue_dma source(%dma_start3A_563 : memref<16xf32, #tpu.memory_space<hbm>>) target(%dma_start3A_561 : memref<16xf32, #tpu.memory_space<vmem>>) target_semaphore(%arg10 : memref<!tpu.dma_semaphore, #tpu.memory_space<semaphore_mem>>)
    %slice3A_564 = vector.extract_strided_slice %get3A_10 {offsets = [5], sizes = [1], strides = [1]} : vector<16xi32> to vector<1xi32>
    %squeeze3A_565 = vector.extract %slice3A_564[0] : i32 from vector<1xi32>
    %and3A_566 = arith.constant -16 : i32
    %and3A_567 = arith.andi %squeeze3A_565, %and3A_566 : i32
    %multiple_of3A_568 = tpu.assume_multiple %and3A_567, 16 : i32
    %add3A_569 = arith.constant 37 : i32
    %add3A_570 = arith.addi %mul3A_2, %add3A_569 : i32
    %dma_start3A_571 = arith.constant 592 : i32
    %dma_start3A_572 = tpu.memref_slice %arg8[%dma_start3A_571] : memref<1024xf32, #tpu.memory_space<vmem>> -> memref<16xf32, #tpu.memory_space<vmem>>
    %dma_start3A_573 = tpu.memref_slice %arg2[%add3A_570, %multiple_of3A_568] : memref<2048x32000xf32, #tpu.memory_space<hbm>> -> memref<1x16xf32, #tpu.memory_space<hbm>>
    %dma_start3A_574 = tpu.memref_squeeze %dma_start3A_573 : memref<1x16xf32, #tpu.memory_space<hbm>> -> memref<16xf32, #tpu.memory_space<hbm>>
    %dma_start3A_575 = arith.constant 592 : i32
    %dma_start3A_576 = tpu.memref_slice %arg8[%dma_start3A_575] : memref<1024xf32, #tpu.memory_space<vmem>> -> memref<16xf32, #tpu.memory_space<vmem>>
    %dma_start3A_577 = tpu.memref_slice %arg2[%add3A_570, %multiple_of3A_568] : memref<2048x32000xf32, #tpu.memory_space<hbm>> -> memref<1x16xf32, #tpu.memory_space<hbm>>
    %dma_start3A_578 = tpu.memref_squeeze %dma_start3A_577 : memref<1x16xf32, #tpu.memory_space<hbm>> -> memref<16xf32, #tpu.memory_space<hbm>>
    tpu.enqueue_dma source(%dma_start3A_578 : memref<16xf32, #tpu.memory_space<hbm>>) target(%dma_start3A_576 : memref<16xf32, #tpu.memory_space<vmem>>) target_semaphore(%arg10 : memref<!tpu.dma_semaphore, #tpu.memory_space<semaphore_mem>>)
    %slice3A_579 = vector.extract_strided_slice %get3A_10 {offsets = [6], sizes = [1], strides = [1]} : vector<16xi32> to vector<1xi32>
    %squeeze3A_580 = vector.extract %slice3A_579[0] : i32 from vector<1xi32>
    %and3A_581 = arith.constant -16 : i32
    %and3A_582 = arith.andi %squeeze3A_580, %and3A_581 : i32
    %multiple_of3A_583 = tpu.assume_multiple %and3A_582, 16 : i32
    %add3A_584 = arith.constant 38 : i32
    %add3A_585 = arith.addi %mul3A_2, %add3A_584 : i32
    %dma_start3A_586 = arith.constant 608 : i32
    %dma_start3A_587 = tpu.memref_slice %arg8[%dma_start3A_586] : memref<1024xf32, #tpu.memory_space<vmem>> -> memref<16xf32, #tpu.memory_space<vmem>>
    %dma_start3A_588 = tpu.memref_slice %arg2[%add3A_585, %multiple_of3A_583] : memref<2048x32000xf32, #tpu.memory_space<hbm>> -> memref<1x16xf32, #tpu.memory_space<hbm>>
    %dma_start3A_589 = tpu.memref_squeeze %dma_start3A_588 : memref<1x16xf32, #tpu.memory_space<hbm>> -> memref<16xf32, #tpu.memory_space<hbm>>
    %dma_start3A_590 = arith.constant 608 : i32
    %dma_start3A_591 = tpu.memref_slice %arg8[%dma_start3A_590] : memref<1024xf32, #tpu.memory_space<vmem>> -> memref<16xf32, #tpu.memory_space<vmem>>
    %dma_start3A_592 = tpu.memref_slice %arg2[%add3A_585, %multiple_of3A_583] : memref<2048x32000xf32, #tpu.memory_space<hbm>> -> memref<1x16xf32, #tpu.memory_space<hbm>>
    %dma_start3A_593 = tpu.memref_squeeze %dma_start3A_592 : memref<1x16xf32, #tpu.memory_space<hbm>> -> memref<16xf32, #tpu.memory_space<hbm>>
    tpu.enqueue_dma source(%dma_start3A_593 : memref<16xf32, #tpu.memory_space<hbm>>) target(%dma_start3A_591 : memref<16xf32, #tpu.memory_space<vmem>>) target_semaphore(%arg10 : memref<!tpu.dma_semaphore, #tpu.memory_space<semaphore_mem>>)
    %slice3A_594 = vector.extract_strided_slice %get3A_10 {offsets = [7], sizes = [1], strides = [1]} : vector<16xi32> to vector<1xi32>
    %squeeze3A_595 = vector.extract %slice3A_594[0] : i32 from vector<1xi32>
    %and3A_596 = arith.constant -16 : i32
    %and3A_597 = arith.andi %squeeze3A_595, %and3A_596 : i32
    %multiple_of3A_598 = tpu.assume_multiple %and3A_597, 16 : i32
    %add3A_599 = arith.constant 39 : i32
    %add3A_600 = arith.addi %mul3A_2, %add3A_599 : i32
    %dma_start3A_601 = arith.constant 624 : i32
    %dma_start3A_602 = tpu.memref_slice %arg8[%dma_start3A_601] : memref<1024xf32, #tpu.memory_space<vmem>> -> memref<16xf32, #tpu.memory_space<vmem>>
    %dma_start3A_603 = tpu.memref_slice %arg2[%add3A_600, %multiple_of3A_598] : memref<2048x32000xf32, #tpu.memory_space<hbm>> -> memref<1x16xf32, #tpu.memory_space<hbm>>
    %dma_start3A_604 = tpu.memref_squeeze %dma_start3A_603 : memref<1x16xf32, #tpu.memory_space<hbm>> -> memref<16xf32, #tpu.memory_space<hbm>>
    %dma_start3A_605 = arith.constant 624 : i32
    %dma_start3A_606 = tpu.memref_slice %arg8[%dma_start3A_605] : memref<1024xf32, #tpu.memory_space<vmem>> -> memref<16xf32, #tpu.memory_space<vmem>>
    %dma_start3A_607 = tpu.memref_slice %arg2[%add3A_600, %multiple_of3A_598] : memref<2048x32000xf32, #tpu.memory_space<hbm>> -> memref<1x16xf32, #tpu.memory_space<hbm>>
    %dma_start3A_608 = tpu.memref_squeeze %dma_start3A_607 : memref<1x16xf32, #tpu.memory_space<hbm>> -> memref<16xf32, #tpu.memory_space<hbm>>
    tpu.enqueue_dma source(%dma_start3A_608 : memref<16xf32, #tpu.memory_space<hbm>>) target(%dma_start3A_606 : memref<16xf32, #tpu.memory_space<vmem>>) target_semaphore(%arg10 : memref<!tpu.dma_semaphore, #tpu.memory_space<semaphore_mem>>)
    %slice3A_609 = vector.extract_strided_slice %get3A_10 {offsets = [8], sizes = [1], strides = [1]} : vector<16xi32> to vector<1xi32>
    %squeeze3A_610 = vector.extract %slice3A_609[0] : i32 from vector<1xi32>
    %and3A_611 = arith.constant -16 : i32
    %and3A_612 = arith.andi %squeeze3A_610, %and3A_611 : i32
    %multiple_of3A_613 = tpu.assume_multiple %and3A_612, 16 : i32
    %add3A_614 = arith.constant 40 : i32
    %add3A_615 = arith.addi %mul3A_2, %add3A_614 : i32
    %dma_start3A_616 = arith.constant 640 : i32
    %dma_start3A_617 = tpu.memref_slice %arg8[%dma_start3A_616] : memref<1024xf32, #tpu.memory_space<vmem>> -> memref<16xf32, #tpu.memory_space<vmem>>
    %dma_start3A_618 = tpu.memref_slice %arg2[%add3A_615, %multiple_of3A_613] : memref<2048x32000xf32, #tpu.memory_space<hbm>> -> memref<1x16xf32, #tpu.memory_space<hbm>>
    %dma_start3A_619 = tpu.memref_squeeze %dma_start3A_618 : memref<1x16xf32, #tpu.memory_space<hbm>> -> memref<16xf32, #tpu.memory_space<hbm>>
    %dma_start3A_620 = arith.constant 640 : i32
    %dma_start3A_621 = tpu.memref_slice %arg8[%dma_start3A_620] : memref<1024xf32, #tpu.memory_space<vmem>> -> memref<16xf32, #tpu.memory_space<vmem>>
    %dma_start3A_622 = tpu.memref_slice %arg2[%add3A_615, %multiple_of3A_613] : memref<2048x32000xf32, #tpu.memory_space<hbm>> -> memref<1x16xf32, #tpu.memory_space<hbm>>
    %dma_start3A_623 = tpu.memref_squeeze %dma_start3A_622 : memref<1x16xf32, #tpu.memory_space<hbm>> -> memref<16xf32, #tpu.memory_space<hbm>>
    tpu.enqueue_dma source(%dma_start3A_623 : memref<16xf32, #tpu.memory_space<hbm>>) target(%dma_start3A_621 : memref<16xf32, #tpu.memory_space<vmem>>) target_semaphore(%arg10 : memref<!tpu.dma_semaphore, #tpu.memory_space<semaphore_mem>>)
    %slice3A_624 = vector.extract_strided_slice %get3A_10 {offsets = [9], sizes = [1], strides = [1]} : vector<16xi32> to vector<1xi32>
    %squeeze3A_625 = vector.extract %slice3A_624[0] : i32 from vector<1xi32>
    %and3A_626 = arith.constant -16 : i32
    %and3A_627 = arith.andi %squeeze3A_625, %and3A_626 : i32
    %multiple_of3A_628 = tpu.assume_multiple %and3A_627, 16 : i32
    %add3A_629 = arith.constant 41 : i32
    %add3A_630 = arith.addi %mul3A_2, %add3A_629 : i32
    %dma_start3A_631 = arith.constant 656 : i32
    %dma_start3A_632 = tpu.memref_slice %arg8[%dma_start3A_631] : memref<1024xf32, #tpu.memory_space<vmem>> -> memref<16xf32, #tpu.memory_space<vmem>>
    %dma_start3A_633 = tpu.memref_slice %arg2[%add3A_630, %multiple_of3A_628] : memref<2048x32000xf32, #tpu.memory_space<hbm>> -> memref<1x16xf32, #tpu.memory_space<hbm>>
    %dma_start3A_634 = tpu.memref_squeeze %dma_start3A_633 : memref<1x16xf32, #tpu.memory_space<hbm>> -> memref<16xf32, #tpu.memory_space<hbm>>
    %dma_start3A_635 = arith.constant 656 : i32
    %dma_start3A_636 = tpu.memref_slice %arg8[%dma_start3A_635] : memref<1024xf32, #tpu.memory_space<vmem>> -> memref<16xf32, #tpu.memory_space<vmem>>
    %dma_start3A_637 = tpu.memref_slice %arg2[%add3A_630, %multiple_of3A_628] : memref<2048x32000xf32, #tpu.memory_space<hbm>> -> memref<1x16xf32, #tpu.memory_space<hbm>>
    %dma_start3A_638 = tpu.memref_squeeze %dma_start3A_637 : memref<1x16xf32, #tpu.memory_space<hbm>> -> memref<16xf32, #tpu.memory_space<hbm>>
    tpu.enqueue_dma source(%dma_start3A_638 : memref<16xf32, #tpu.memory_space<hbm>>) target(%dma_start3A_636 : memref<16xf32, #tpu.memory_space<vmem>>) target_semaphore(%arg10 : memref<!tpu.dma_semaphore, #tpu.memory_space<semaphore_mem>>)
    %slice3A_639 = vector.extract_strided_slice %get3A_10 {offsets = [10], sizes = [1], strides = [1]} : vector<16xi32> to vector<1xi32>
    %squeeze3A_640 = vector.extract %slice3A_639[0] : i32 from vector<1xi32>
    %and3A_641 = arith.constant -16 : i32
    %and3A_642 = arith.andi %squeeze3A_640, %and3A_641 : i32
    %multiple_of3A_643 = tpu.assume_multiple %and3A_642, 16 : i32
    %add3A_644 = arith.constant 42 : i32
    %add3A_645 = arith.addi %mul3A_2, %add3A_644 : i32
    %dma_start3A_646 = arith.constant 672 : i32
    %dma_start3A_647 = tpu.memref_slice %arg8[%dma_start3A_646] : memref<1024xf32, #tpu.memory_space<vmem>> -> memref<16xf32, #tpu.memory_space<vmem>>
    %dma_start3A_648 = tpu.memref_slice %arg2[%add3A_645, %multiple_of3A_643] : memref<2048x32000xf32, #tpu.memory_space<hbm>> -> memref<1x16xf32, #tpu.memory_space<hbm>>
    %dma_start3A_649 = tpu.memref_squeeze %dma_start3A_648 : memref<1x16xf32, #tpu.memory_space<hbm>> -> memref<16xf32, #tpu.memory_space<hbm>>
    %dma_start3A_650 = arith.constant 672 : i32
    %dma_start3A_651 = tpu.memref_slice %arg8[%dma_start3A_650] : memref<1024xf32, #tpu.memory_space<vmem>> -> memref<16xf32, #tpu.memory_space<vmem>>
    %dma_start3A_652 = tpu.memref_slice %arg2[%add3A_645, %multiple_of3A_643] : memref<2048x32000xf32, #tpu.memory_space<hbm>> -> memref<1x16xf32, #tpu.memory_space<hbm>>
    %dma_start3A_653 = tpu.memref_squeeze %dma_start3A_652 : memref<1x16xf32, #tpu.memory_space<hbm>> -> memref<16xf32, #tpu.memory_space<hbm>>
    tpu.enqueue_dma source(%dma_start3A_653 : memref<16xf32, #tpu.memory_space<hbm>>) target(%dma_start3A_651 : memref<16xf32, #tpu.memory_space<vmem>>) target_semaphore(%arg10 : memref<!tpu.dma_semaphore, #tpu.memory_space<semaphore_mem>>)
    %slice3A_654 = vector.extract_strided_slice %get3A_10 {offsets = [11], sizes = [1], strides = [1]} : vector<16xi32> to vector<1xi32>
    %squeeze3A_655 = vector.extract %slice3A_654[0] : i32 from vector<1xi32>
    %and3A_656 = arith.constant -16 : i32
    %and3A_657 = arith.andi %squeeze3A_655, %and3A_656 : i32
    %multiple_of3A_658 = tpu.assume_multiple %and3A_657, 16 : i32
    %add3A_659 = arith.constant 43 : i32
    %add3A_660 = arith.addi %mul3A_2, %add3A_659 : i32
    %dma_start3A_661 = arith.constant 688 : i32
    %dma_start3A_662 = tpu.memref_slice %arg8[%dma_start3A_661] : memref<1024xf32, #tpu.memory_space<vmem>> -> memref<16xf32, #tpu.memory_space<vmem>>
    %dma_start3A_663 = tpu.memref_slice %arg2[%add3A_660, %multiple_of3A_658] : memref<2048x32000xf32, #tpu.memory_space<hbm>> -> memref<1x16xf32, #tpu.memory_space<hbm>>
    %dma_start3A_664 = tpu.memref_squeeze %dma_start3A_663 : memref<1x16xf32, #tpu.memory_space<hbm>> -> memref<16xf32, #tpu.memory_space<hbm>>
    %dma_start3A_665 = arith.constant 688 : i32
    %dma_start3A_666 = tpu.memref_slice %arg8[%dma_start3A_665] : memref<1024xf32, #tpu.memory_space<vmem>> -> memref<16xf32, #tpu.memory_space<vmem>>
    %dma_start3A_667 = tpu.memref_slice %arg2[%add3A_660, %multiple_of3A_658] : memref<2048x32000xf32, #tpu.memory_space<hbm>> -> memref<1x16xf32, #tpu.memory_space<hbm>>
    %dma_start3A_668 = tpu.memref_squeeze %dma_start3A_667 : memref<1x16xf32, #tpu.memory_space<hbm>> -> memref<16xf32, #tpu.memory_space<hbm>>
    tpu.enqueue_dma source(%dma_start3A_668 : memref<16xf32, #tpu.memory_space<hbm>>) target(%dma_start3A_666 : memref<16xf32, #tpu.memory_space<vmem>>) target_semaphore(%arg10 : memref<!tpu.dma_semaphore, #tpu.memory_space<semaphore_mem>>)
    %slice3A_669 = vector.extract_strided_slice %get3A_10 {offsets = [12], sizes = [1], strides = [1]} : vector<16xi32> to vector<1xi32>
    %squeeze3A_670 = vector.extract %slice3A_669[0] : i32 from vector<1xi32>
    %and3A_671 = arith.constant -16 : i32
    %and3A_672 = arith.andi %squeeze3A_670, %and3A_671 : i32
    %multiple_of3A_673 = tpu.assume_multiple %and3A_672, 16 : i32
    %add3A_674 = arith.constant 44 : i32
    %add3A_675 = arith.addi %mul3A_2, %add3A_674 : i32
    %dma_start3A_676 = arith.constant 704 : i32
    %dma_start3A_677 = tpu.memref_slice %arg8[%dma_start3A_676] : memref<1024xf32, #tpu.memory_space<vmem>> -> memref<16xf32, #tpu.memory_space<vmem>>
    %dma_start3A_678 = tpu.memref_slice %arg2[%add3A_675, %multiple_of3A_673] : memref<2048x32000xf32, #tpu.memory_space<hbm>> -> memref<1x16xf32, #tpu.memory_space<hbm>>
    %dma_start3A_679 = tpu.memref_squeeze %dma_start3A_678 : memref<1x16xf32, #tpu.memory_space<hbm>> -> memref<16xf32, #tpu.memory_space<hbm>>
    %dma_start3A_680 = arith.constant 704 : i32
    %dma_start3A_681 = tpu.memref_slice %arg8[%dma_start3A_680] : memref<1024xf32, #tpu.memory_space<vmem>> -> memref<16xf32, #tpu.memory_space<vmem>>
    %dma_start3A_682 = tpu.memref_slice %arg2[%add3A_675, %multiple_of3A_673] : memref<2048x32000xf32, #tpu.memory_space<hbm>> -> memref<1x16xf32, #tpu.memory_space<hbm>>
    %dma_start3A_683 = tpu.memref_squeeze %dma_start3A_682 : memref<1x16xf32, #tpu.memory_space<hbm>> -> memref<16xf32, #tpu.memory_space<hbm>>
    tpu.enqueue_dma source(%dma_start3A_683 : memref<16xf32, #tpu.memory_space<hbm>>) target(%dma_start3A_681 : memref<16xf32, #tpu.memory_space<vmem>>) target_semaphore(%arg10 : memref<!tpu.dma_semaphore, #tpu.memory_space<semaphore_mem>>)
    %slice3A_684 = vector.extract_strided_slice %get3A_10 {offsets = [13], sizes = [1], strides = [1]} : vector<16xi32> to vector<1xi32>
    %squeeze3A_685 = vector.extract %slice3A_684[0] : i32 from vector<1xi32>
    %and3A_686 = arith.constant -16 : i32
    %and3A_687 = arith.andi %squeeze3A_685, %and3A_686 : i32
    %multiple_of3A_688 = tpu.assume_multiple %and3A_687, 16 : i32
    %add3A_689 = arith.constant 45 : i32
    %add3A_690 = arith.addi %mul3A_2, %add3A_689 : i32
    %dma_start3A_691 = arith.constant 720 : i32
    %dma_start3A_692 = tpu.memref_slice %arg8[%dma_start3A_691] : memref<1024xf32, #tpu.memory_space<vmem>> -> memref<16xf32, #tpu.memory_space<vmem>>
    %dma_start3A_693 = tpu.memref_slice %arg2[%add3A_690, %multiple_of3A_688] : memref<2048x32000xf32, #tpu.memory_space<hbm>> -> memref<1x16xf32, #tpu.memory_space<hbm>>
    %dma_start3A_694 = tpu.memref_squeeze %dma_start3A_693 : memref<1x16xf32, #tpu.memory_space<hbm>> -> memref<16xf32, #tpu.memory_space<hbm>>
    %dma_start3A_695 = arith.constant 720 : i32
    %dma_start3A_696 = tpu.memref_slice %arg8[%dma_start3A_695] : memref<1024xf32, #tpu.memory_space<vmem>> -> memref<16xf32, #tpu.memory_space<vmem>>
    %dma_start3A_697 = tpu.memref_slice %arg2[%add3A_690, %multiple_of3A_688] : memref<2048x32000xf32, #tpu.memory_space<hbm>> -> memref<1x16xf32, #tpu.memory_space<hbm>>
    %dma_start3A_698 = tpu.memref_squeeze %dma_start3A_697 : memref<1x16xf32, #tpu.memory_space<hbm>> -> memref<16xf32, #tpu.memory_space<hbm>>
    tpu.enqueue_dma source(%dma_start3A_698 : memref<16xf32, #tpu.memory_space<hbm>>) target(%dma_start3A_696 : memref<16xf32, #tpu.memory_space<vmem>>) target_semaphore(%arg10 : memref<!tpu.dma_semaphore, #tpu.memory_space<semaphore_mem>>)
    %slice3A_699 = vector.extract_strided_slice %get3A_10 {offsets = [14], sizes = [1], strides = [1]} : vector<16xi32> to vector<1xi32>
    %squeeze3A_700 = vector.extract %slice3A_699[0] : i32 from vector<1xi32>
    %and3A_701 = arith.constant -16 : i32
    %and3A_702 = arith.andi %squeeze3A_700, %and3A_701 : i32
    %multiple_of3A_703 = tpu.assume_multiple %and3A_702, 16 : i32
    %add3A_704 = arith.constant 46 : i32
    %add3A_705 = arith.addi %mul3A_2, %add3A_704 : i32
    %dma_start3A_706 = arith.constant 736 : i32
    %dma_start3A_707 = tpu.memref_slice %arg8[%dma_start3A_706] : memref<1024xf32, #tpu.memory_space<vmem>> -> memref<16xf32, #tpu.memory_space<vmem>>
    %dma_start3A_708 = tpu.memref_slice %arg2[%add3A_705, %multiple_of3A_703] : memref<2048x32000xf32, #tpu.memory_space<hbm>> -> memref<1x16xf32, #tpu.memory_space<hbm>>
    %dma_start3A_709 = tpu.memref_squeeze %dma_start3A_708 : memref<1x16xf32, #tpu.memory_space<hbm>> -> memref<16xf32, #tpu.memory_space<hbm>>
    %dma_start3A_710 = arith.constant 736 : i32
    %dma_start3A_711 = tpu.memref_slice %arg8[%dma_start3A_710] : memref<1024xf32, #tpu.memory_space<vmem>> -> memref<16xf32, #tpu.memory_space<vmem>>
    %dma_start3A_712 = tpu.memref_slice %arg2[%add3A_705, %multiple_of3A_703] : memref<2048x32000xf32, #tpu.memory_space<hbm>> -> memref<1x16xf32, #tpu.memory_space<hbm>>
    %dma_start3A_713 = tpu.memref_squeeze %dma_start3A_712 : memref<1x16xf32, #tpu.memory_space<hbm>> -> memref<16xf32, #tpu.memory_space<hbm>>
    tpu.enqueue_dma source(%dma_start3A_713 : memref<16xf32, #tpu.memory_space<hbm>>) target(%dma_start3A_711 : memref<16xf32, #tpu.memory_space<vmem>>) target_semaphore(%arg10 : memref<!tpu.dma_semaphore, #tpu.memory_space<semaphore_mem>>)
    %slice3A_714 = vector.extract_strided_slice %get3A_10 {offsets = [15], sizes = [1], strides = [1]} : vector<16xi32> to vector<1xi32>
    %squeeze3A_715 = vector.extract %slice3A_714[0] : i32 from vector<1xi32>
    %and3A_716 = arith.constant -16 : i32
    %and3A_717 = arith.andi %squeeze3A_715, %and3A_716 : i32
    %multiple_of3A_718 = tpu.assume_multiple %and3A_717, 16 : i32
    %add3A_719 = arith.constant 47 : i32
    %add3A_720 = arith.addi %mul3A_2, %add3A_719 : i32
    %dma_start3A_721 = arith.constant 752 : i32
    %dma_start3A_722 = tpu.memref_slice %arg8[%dma_start3A_721] : memref<1024xf32, #tpu.memory_space<vmem>> -> memref<16xf32, #tpu.memory_space<vmem>>
    %dma_start3A_723 = tpu.memref_slice %arg2[%add3A_720, %multiple_of3A_718] : memref<2048x32000xf32, #tpu.memory_space<hbm>> -> memref<1x16xf32, #tpu.memory_space<hbm>>
    %dma_start3A_724 = tpu.memref_squeeze %dma_start3A_723 : memref<1x16xf32, #tpu.memory_space<hbm>> -> memref<16xf32, #tpu.memory_space<hbm>>
    %dma_start3A_725 = arith.constant 752 : i32
    %dma_start3A_726 = tpu.memref_slice %arg8[%dma_start3A_725] : memref<1024xf32, #tpu.memory_space<vmem>> -> memref<16xf32, #tpu.memory_space<vmem>>
    %dma_start3A_727 = tpu.memref_slice %arg2[%add3A_720, %multiple_of3A_718] : memref<2048x32000xf32, #tpu.memory_space<hbm>> -> memref<1x16xf32, #tpu.memory_space<hbm>>
    %dma_start3A_728 = tpu.memref_squeeze %dma_start3A_727 : memref<1x16xf32, #tpu.memory_space<hbm>> -> memref<16xf32, #tpu.memory_space<hbm>>
    tpu.enqueue_dma source(%dma_start3A_728 : memref<16xf32, #tpu.memory_space<hbm>>) target(%dma_start3A_726 : memref<16xf32, #tpu.memory_space<vmem>>) target_semaphore(%arg10 : memref<!tpu.dma_semaphore, #tpu.memory_space<semaphore_mem>>)
    %slice3A_729 = vector.extract_strided_slice %get3A_13 {offsets = [0], sizes = [1], strides = [1]} : vector<16xi32> to vector<1xi32>
    %squeeze3A_730 = vector.extract %slice3A_729[0] : i32 from vector<1xi32>
    %and3A_731 = arith.constant -16 : i32
    %and3A_732 = arith.andi %squeeze3A_730, %and3A_731 : i32
    %multiple_of3A_733 = tpu.assume_multiple %and3A_732, 16 : i32
    %add3A_734 = arith.constant 48 : i32
    %add3A_735 = arith.addi %mul3A_2, %add3A_734 : i32
    %dma_start3A_736 = arith.constant 768 : i32
    %dma_start3A_737 = tpu.memref_slice %arg8[%dma_start3A_736] : memref<1024xf32, #tpu.memory_space<vmem>> -> memref<16xf32, #tpu.memory_space<vmem>>
    %dma_start3A_738 = tpu.memref_slice %arg2[%add3A_735, %multiple_of3A_733] : memref<2048x32000xf32, #tpu.memory_space<hbm>> -> memref<1x16xf32, #tpu.memory_space<hbm>>
    %dma_start3A_739 = tpu.memref_squeeze %dma_start3A_738 : memref<1x16xf32, #tpu.memory_space<hbm>> -> memref<16xf32, #tpu.memory_space<hbm>>
    %dma_start3A_740 = arith.constant 768 : i32
    %dma_start3A_741 = tpu.memref_slice %arg8[%dma_start3A_740] : memref<1024xf32, #tpu.memory_space<vmem>> -> memref<16xf32, #tpu.memory_space<vmem>>
    %dma_start3A_742 = tpu.memref_slice %arg2[%add3A_735, %multiple_of3A_733] : memref<2048x32000xf32, #tpu.memory_space<hbm>> -> memref<1x16xf32, #tpu.memory_space<hbm>>
    %dma_start3A_743 = tpu.memref_squeeze %dma_start3A_742 : memref<1x16xf32, #tpu.memory_space<hbm>> -> memref<16xf32, #tpu.memory_space<hbm>>
    tpu.enqueue_dma source(%dma_start3A_743 : memref<16xf32, #tpu.memory_space<hbm>>) target(%dma_start3A_741 : memref<16xf32, #tpu.memory_space<vmem>>) target_semaphore(%arg10 : memref<!tpu.dma_semaphore, #tpu.memory_space<semaphore_mem>>)
    %slice3A_744 = vector.extract_strided_slice %get3A_13 {offsets = [1], sizes = [1], strides = [1]} : vector<16xi32> to vector<1xi32>
    %squeeze3A_745 = vector.extract %slice3A_744[0] : i32 from vector<1xi32>
    %and3A_746 = arith.constant -16 : i32
    %and3A_747 = arith.andi %squeeze3A_745, %and3A_746 : i32
    %multiple_of3A_748 = tpu.assume_multiple %and3A_747, 16 : i32
    %add3A_749 = arith.constant 49 : i32
    %add3A_750 = arith.addi %mul3A_2, %add3A_749 : i32
    %dma_start3A_751 = arith.constant 784 : i32
    %dma_start3A_752 = tpu.memref_slice %arg8[%dma_start3A_751] : memref<1024xf32, #tpu.memory_space<vmem>> -> memref<16xf32, #tpu.memory_space<vmem>>
    %dma_start3A_753 = tpu.memref_slice %arg2[%add3A_750, %multiple_of3A_748] : memref<2048x32000xf32, #tpu.memory_space<hbm>> -> memref<1x16xf32, #tpu.memory_space<hbm>>
    %dma_start3A_754 = tpu.memref_squeeze %dma_start3A_753 : memref<1x16xf32, #tpu.memory_space<hbm>> -> memref<16xf32, #tpu.memory_space<hbm>>
    %dma_start3A_755 = arith.constant 784 : i32
    %dma_start3A_756 = tpu.memref_slice %arg8[%dma_start3A_755] : memref<1024xf32, #tpu.memory_space<vmem>> -> memref<16xf32, #tpu.memory_space<vmem>>
    %dma_start3A_757 = tpu.memref_slice %arg2[%add3A_750, %multiple_of3A_748] : memref<2048x32000xf32, #tpu.memory_space<hbm>> -> memref<1x16xf32, #tpu.memory_space<hbm>>
    %dma_start3A_758 = tpu.memref_squeeze %dma_start3A_757 : memref<1x16xf32, #tpu.memory_space<hbm>> -> memref<16xf32, #tpu.memory_space<hbm>>
    tpu.enqueue_dma source(%dma_start3A_758 : memref<16xf32, #tpu.memory_space<hbm>>) target(%dma_start3A_756 : memref<16xf32, #tpu.memory_space<vmem>>) target_semaphore(%arg10 : memref<!tpu.dma_semaphore, #tpu.memory_space<semaphore_mem>>)
    %slice3A_759 = vector.extract_strided_slice %get3A_13 {offsets = [2], sizes = [1], strides = [1]} : vector<16xi32> to vector<1xi32>
    %squeeze3A_760 = vector.extract %slice3A_759[0] : i32 from vector<1xi32>
    %and3A_761 = arith.constant -16 : i32
    %and3A_762 = arith.andi %squeeze3A_760, %and3A_761 : i32
    %multiple_of3A_763 = tpu.assume_multiple %and3A_762, 16 : i32
    %add3A_764 = arith.constant 50 : i32
    %add3A_765 = arith.addi %mul3A_2, %add3A_764 : i32
    %dma_start3A_766 = arith.constant 800 : i32
    %dma_start3A_767 = tpu.memref_slice %arg8[%dma_start3A_766] : memref<1024xf32, #tpu.memory_space<vmem>> -> memref<16xf32, #tpu.memory_space<vmem>>
    %dma_start3A_768 = tpu.memref_slice %arg2[%add3A_765, %multiple_of3A_763] : memref<2048x32000xf32, #tpu.memory_space<hbm>> -> memref<1x16xf32, #tpu.memory_space<hbm>>
    %dma_start3A_769 = tpu.memref_squeeze %dma_start3A_768 : memref<1x16xf32, #tpu.memory_space<hbm>> -> memref<16xf32, #tpu.memory_space<hbm>>
    %dma_start3A_770 = arith.constant 800 : i32
    %dma_start3A_771 = tpu.memref_slice %arg8[%dma_start3A_770] : memref<1024xf32, #tpu.memory_space<vmem>> -> memref<16xf32, #tpu.memory_space<vmem>>
    %dma_start3A_772 = tpu.memref_slice %arg2[%add3A_765, %multiple_of3A_763] : memref<2048x32000xf32, #tpu.memory_space<hbm>> -> memref<1x16xf32, #tpu.memory_space<hbm>>
    %dma_start3A_773 = tpu.memref_squeeze %dma_start3A_772 : memref<1x16xf32, #tpu.memory_space<hbm>> -> memref<16xf32, #tpu.memory_space<hbm>>
    tpu.enqueue_dma source(%dma_start3A_773 : memref<16xf32, #tpu.memory_space<hbm>>) target(%dma_start3A_771 : memref<16xf32, #tpu.memory_space<vmem>>) target_semaphore(%arg10 : memref<!tpu.dma_semaphore, #tpu.memory_space<semaphore_mem>>)
    %slice3A_774 = vector.extract_strided_slice %get3A_13 {offsets = [3], sizes = [1], strides = [1]} : vector<16xi32> to vector<1xi32>
    %squeeze3A_775 = vector.extract %slice3A_774[0] : i32 from vector<1xi32>
    %and3A_776 = arith.constant -16 : i32
    %and3A_777 = arith.andi %squeeze3A_775, %and3A_776 : i32
    %multiple_of3A_778 = tpu.assume_multiple %and3A_777, 16 : i32
    %add3A_779 = arith.constant 51 : i32
    %add3A_780 = arith.addi %mul3A_2, %add3A_779 : i32
    %dma_start3A_781 = arith.constant 816 : i32
    %dma_start3A_782 = tpu.memref_slice %arg8[%dma_start3A_781] : memref<1024xf32, #tpu.memory_space<vmem>> -> memref<16xf32, #tpu.memory_space<vmem>>
    %dma_start3A_783 = tpu.memref_slice %arg2[%add3A_780, %multiple_of3A_778] : memref<2048x32000xf32, #tpu.memory_space<hbm>> -> memref<1x16xf32, #tpu.memory_space<hbm>>
    %dma_start3A_784 = tpu.memref_squeeze %dma_start3A_783 : memref<1x16xf32, #tpu.memory_space<hbm>> -> memref<16xf32, #tpu.memory_space<hbm>>
    %dma_start3A_785 = arith.constant 816 : i32
    %dma_start3A_786 = tpu.memref_slice %arg8[%dma_start3A_785] : memref<1024xf32, #tpu.memory_space<vmem>> -> memref<16xf32, #tpu.memory_space<vmem>>
    %dma_start3A_787 = tpu.memref_slice %arg2[%add3A_780, %multiple_of3A_778] : memref<2048x32000xf32, #tpu.memory_space<hbm>> -> memref<1x16xf32, #tpu.memory_space<hbm>>
    %dma_start3A_788 = tpu.memref_squeeze %dma_start3A_787 : memref<1x16xf32, #tpu.memory_space<hbm>> -> memref<16xf32, #tpu.memory_space<hbm>>
    tpu.enqueue_dma source(%dma_start3A_788 : memref<16xf32, #tpu.memory_space<hbm>>) target(%dma_start3A_786 : memref<16xf32, #tpu.memory_space<vmem>>) target_semaphore(%arg10 : memref<!tpu.dma_semaphore, #tpu.memory_space<semaphore_mem>>)
    %slice3A_789 = vector.extract_strided_slice %get3A_13 {offsets = [4], sizes = [1], strides = [1]} : vector<16xi32> to vector<1xi32>
    %squeeze3A_790 = vector.extract %slice3A_789[0] : i32 from vector<1xi32>
    %and3A_791 = arith.constant -16 : i32
    %and3A_792 = arith.andi %squeeze3A_790, %and3A_791 : i32
    %multiple_of3A_793 = tpu.assume_multiple %and3A_792, 16 : i32
    %add3A_794 = arith.constant 52 : i32
    %add3A_795 = arith.addi %mul3A_2, %add3A_794 : i32
    %dma_start3A_796 = arith.constant 832 : i32
    %dma_start3A_797 = tpu.memref_slice %arg8[%dma_start3A_796] : memref<1024xf32, #tpu.memory_space<vmem>> -> memref<16xf32, #tpu.memory_space<vmem>>
    %dma_start3A_798 = tpu.memref_slice %arg2[%add3A_795, %multiple_of3A_793] : memref<2048x32000xf32, #tpu.memory_space<hbm>> -> memref<1x16xf32, #tpu.memory_space<hbm>>
    %dma_start3A_799 = tpu.memref_squeeze %dma_start3A_798 : memref<1x16xf32, #tpu.memory_space<hbm>> -> memref<16xf32, #tpu.memory_space<hbm>>
    %dma_start3A_800 = arith.constant 832 : i32
    %dma_start3A_801 = tpu.memref_slice %arg8[%dma_start3A_800] : memref<1024xf32, #tpu.memory_space<vmem>> -> memref<16xf32, #tpu.memory_space<vmem>>
    %dma_start3A_802 = tpu.memref_slice %arg2[%add3A_795, %multiple_of3A_793] : memref<2048x32000xf32, #tpu.memory_space<hbm>> -> memref<1x16xf32, #tpu.memory_space<hbm>>
    %dma_start3A_803 = tpu.memref_squeeze %dma_start3A_802 : memref<1x16xf32, #tpu.memory_space<hbm>> -> memref<16xf32, #tpu.memory_space<hbm>>
    tpu.enqueue_dma source(%dma_start3A_803 : memref<16xf32, #tpu.memory_space<hbm>>) target(%dma_start3A_801 : memref<16xf32, #tpu.memory_space<vmem>>) target_semaphore(%arg10 : memref<!tpu.dma_semaphore, #tpu.memory_space<semaphore_mem>>)
    %slice3A_804 = vector.extract_strided_slice %get3A_13 {offsets = [5], sizes = [1], strides = [1]} : vector<16xi32> to vector<1xi32>
    %squeeze3A_805 = vector.extract %slice3A_804[0] : i32 from vector<1xi32>
    %and3A_806 = arith.constant -16 : i32
    %and3A_807 = arith.andi %squeeze3A_805, %and3A_806 : i32
    %multiple_of3A_808 = tpu.assume_multiple %and3A_807, 16 : i32
    %add3A_809 = arith.constant 53 : i32
    %add3A_810 = arith.addi %mul3A_2, %add3A_809 : i32
    %dma_start3A_811 = arith.constant 848 : i32
    %dma_start3A_812 = tpu.memref_slice %arg8[%dma_start3A_811] : memref<1024xf32, #tpu.memory_space<vmem>> -> memref<16xf32, #tpu.memory_space<vmem>>
    %dma_start3A_813 = tpu.memref_slice %arg2[%add3A_810, %multiple_of3A_808] : memref<2048x32000xf32, #tpu.memory_space<hbm>> -> memref<1x16xf32, #tpu.memory_space<hbm>>
    %dma_start3A_814 = tpu.memref_squeeze %dma_start3A_813 : memref<1x16xf32, #tpu.memory_space<hbm>> -> memref<16xf32, #tpu.memory_space<hbm>>
    %dma_start3A_815 = arith.constant 848 : i32
    %dma_start3A_816 = tpu.memref_slice %arg8[%dma_start3A_815] : memref<1024xf32, #tpu.memory_space<vmem>> -> memref<16xf32, #tpu.memory_space<vmem>>
    %dma_start3A_817 = tpu.memref_slice %arg2[%add3A_810, %multiple_of3A_808] : memref<2048x32000xf32, #tpu.memory_space<hbm>> -> memref<1x16xf32, #tpu.memory_space<hbm>>
    %dma_start3A_818 = tpu.memref_squeeze %dma_start3A_817 : memref<1x16xf32, #tpu.memory_space<hbm>> -> memref<16xf32, #tpu.memory_space<hbm>>
    tpu.enqueue_dma source(%dma_start3A_818 : memref<16xf32, #tpu.memory_space<hbm>>) target(%dma_start3A_816 : memref<16xf32, #tpu.memory_space<vmem>>) target_semaphore(%arg10 : memref<!tpu.dma_semaphore, #tpu.memory_space<semaphore_mem>>)
    %slice3A_819 = vector.extract_strided_slice %get3A_13 {offsets = [6], sizes = [1], strides = [1]} : vector<16xi32> to vector<1xi32>
    %squeeze3A_820 = vector.extract %slice3A_819[0] : i32 from vector<1xi32>
    %and3A_821 = arith.constant -16 : i32
    %and3A_822 = arith.andi %squeeze3A_820, %and3A_821 : i32
    %multiple_of3A_823 = tpu.assume_multiple %and3A_822, 16 : i32
    %add3A_824 = arith.constant 54 : i32
    %add3A_825 = arith.addi %mul3A_2, %add3A_824 : i32
    %dma_start3A_826 = arith.constant 864 : i32
    %dma_start3A_827 = tpu.memref_slice %arg8[%dma_start3A_826] : memref<1024xf32, #tpu.memory_space<vmem>> -> memref<16xf32, #tpu.memory_space<vmem>>
    %dma_start3A_828 = tpu.memref_slice %arg2[%add3A_825, %multiple_of3A_823] : memref<2048x32000xf32, #tpu.memory_space<hbm>> -> memref<1x16xf32, #tpu.memory_space<hbm>>
    %dma_start3A_829 = tpu.memref_squeeze %dma_start3A_828 : memref<1x16xf32, #tpu.memory_space<hbm>> -> memref<16xf32, #tpu.memory_space<hbm>>
    %dma_start3A_830 = arith.constant 864 : i32
    %dma_start3A_831 = tpu.memref_slice %arg8[%dma_start3A_830] : memref<1024xf32, #tpu.memory_space<vmem>> -> memref<16xf32, #tpu.memory_space<vmem>>
    %dma_start3A_832 = tpu.memref_slice %arg2[%add3A_825, %multiple_of3A_823] : memref<2048x32000xf32, #tpu.memory_space<hbm>> -> memref<1x16xf32, #tpu.memory_space<hbm>>
    %dma_start3A_833 = tpu.memref_squeeze %dma_start3A_832 : memref<1x16xf32, #tpu.memory_space<hbm>> -> memref<16xf32, #tpu.memory_space<hbm>>
    tpu.enqueue_dma source(%dma_start3A_833 : memref<16xf32, #tpu.memory_space<hbm>>) target(%dma_start3A_831 : memref<16xf32, #tpu.memory_space<vmem>>) target_semaphore(%arg10 : memref<!tpu.dma_semaphore, #tpu.memory_space<semaphore_mem>>)
    %slice3A_834 = vector.extract_strided_slice %get3A_13 {offsets = [7], sizes = [1], strides = [1]} : vector<16xi32> to vector<1xi32>
    %squeeze3A_835 = vector.extract %slice3A_834[0] : i32 from vector<1xi32>
    %and3A_836 = arith.constant -16 : i32
    %and3A_837 = arith.andi %squeeze3A_835, %and3A_836 : i32
    %multiple_of3A_838 = tpu.assume_multiple %and3A_837, 16 : i32
    %add3A_839 = arith.constant 55 : i32
    %add3A_840 = arith.addi %mul3A_2, %add3A_839 : i32
    %dma_start3A_841 = arith.constant 880 : i32
    %dma_start3A_842 = tpu.memref_slice %arg8[%dma_start3A_841] : memref<1024xf32, #tpu.memory_space<vmem>> -> memref<16xf32, #tpu.memory_space<vmem>>
    %dma_start3A_843 = tpu.memref_slice %arg2[%add3A_840, %multiple_of3A_838] : memref<2048x32000xf32, #tpu.memory_space<hbm>> -> memref<1x16xf32, #tpu.memory_space<hbm>>
    %dma_start3A_844 = tpu.memref_squeeze %dma_start3A_843 : memref<1x16xf32, #tpu.memory_space<hbm>> -> memref<16xf32, #tpu.memory_space<hbm>>
    %dma_start3A_845 = arith.constant 880 : i32
    %dma_start3A_846 = tpu.memref_slice %arg8[%dma_start3A_845] : memref<1024xf32, #tpu.memory_space<vmem>> -> memref<16xf32, #tpu.memory_space<vmem>>
    %dma_start3A_847 = tpu.memref_slice %arg2[%add3A_840, %multiple_of3A_838] : memref<2048x32000xf32, #tpu.memory_space<hbm>> -> memref<1x16xf32, #tpu.memory_space<hbm>>
    %dma_start3A_848 = tpu.memref_squeeze %dma_start3A_847 : memref<1x16xf32, #tpu.memory_space<hbm>> -> memref<16xf32, #tpu.memory_space<hbm>>
    tpu.enqueue_dma source(%dma_start3A_848 : memref<16xf32, #tpu.memory_space<hbm>>) target(%dma_start3A_846 : memref<16xf32, #tpu.memory_space<vmem>>) target_semaphore(%arg10 : memref<!tpu.dma_semaphore, #tpu.memory_space<semaphore_mem>>)
    %slice3A_849 = vector.extract_strided_slice %get3A_13 {offsets = [8], sizes = [1], strides = [1]} : vector<16xi32> to vector<1xi32>
    %squeeze3A_850 = vector.extract %slice3A_849[0] : i32 from vector<1xi32>
    %and3A_851 = arith.constant -16 : i32
    %and3A_852 = arith.andi %squeeze3A_850, %and3A_851 : i32
    %multiple_of3A_853 = tpu.assume_multiple %and3A_852, 16 : i32
    %add3A_854 = arith.constant 56 : i32
    %add3A_855 = arith.addi %mul3A_2, %add3A_854 : i32
    %dma_start3A_856 = arith.constant 896 : i32
    %dma_start3A_857 = tpu.memref_slice %arg8[%dma_start3A_856] : memref<1024xf32, #tpu.memory_space<vmem>> -> memref<16xf32, #tpu.memory_space<vmem>>
    %dma_start3A_858 = tpu.memref_slice %arg2[%add3A_855, %multiple_of3A_853] : memref<2048x32000xf32, #tpu.memory_space<hbm>> -> memref<1x16xf32, #tpu.memory_space<hbm>>
    %dma_start3A_859 = tpu.memref_squeeze %dma_start3A_858 : memref<1x16xf32, #tpu.memory_space<hbm>> -> memref<16xf32, #tpu.memory_space<hbm>>
    %dma_start3A_860 = arith.constant 896 : i32
    %dma_start3A_861 = tpu.memref_slice %arg8[%dma_start3A_860] : memref<1024xf32, #tpu.memory_space<vmem>> -> memref<16xf32, #tpu.memory_space<vmem>>
    %dma_start3A_862 = tpu.memref_slice %arg2[%add3A_855, %multiple_of3A_853] : memref<2048x32000xf32, #tpu.memory_space<hbm>> -> memref<1x16xf32, #tpu.memory_space<hbm>>
    %dma_start3A_863 = tpu.memref_squeeze %dma_start3A_862 : memref<1x16xf32, #tpu.memory_space<hbm>> -> memref<16xf32, #tpu.memory_space<hbm>>
    tpu.enqueue_dma source(%dma_start3A_863 : memref<16xf32, #tpu.memory_space<hbm>>) target(%dma_start3A_861 : memref<16xf32, #tpu.memory_space<vmem>>) target_semaphore(%arg10 : memref<!tpu.dma_semaphore, #tpu.memory_space<semaphore_mem>>)
    %slice3A_864 = vector.extract_strided_slice %get3A_13 {offsets = [9], sizes = [1], strides = [1]} : vector<16xi32> to vector<1xi32>
    %squeeze3A_865 = vector.extract %slice3A_864[0] : i32 from vector<1xi32>
    %and3A_866 = arith.constant -16 : i32
    %and3A_867 = arith.andi %squeeze3A_865, %and3A_866 : i32
    %multiple_of3A_868 = tpu.assume_multiple %and3A_867, 16 : i32
    %add3A_869 = arith.constant 57 : i32
    %add3A_870 = arith.addi %mul3A_2, %add3A_869 : i32
    %dma_start3A_871 = arith.constant 912 : i32
    %dma_start3A_872 = tpu.memref_slice %arg8[%dma_start3A_871] : memref<1024xf32, #tpu.memory_space<vmem>> -> memref<16xf32, #tpu.memory_space<vmem>>
    %dma_start3A_873 = tpu.memref_slice %arg2[%add3A_870, %multiple_of3A_868] : memref<2048x32000xf32, #tpu.memory_space<hbm>> -> memref<1x16xf32, #tpu.memory_space<hbm>>
    %dma_start3A_874 = tpu.memref_squeeze %dma_start3A_873 : memref<1x16xf32, #tpu.memory_space<hbm>> -> memref<16xf32, #tpu.memory_space<hbm>>
    %dma_start3A_875 = arith.constant 912 : i32
    %dma_start3A_876 = tpu.memref_slice %arg8[%dma_start3A_875] : memref<1024xf32, #tpu.memory_space<vmem>> -> memref<16xf32, #tpu.memory_space<vmem>>
    %dma_start3A_877 = tpu.memref_slice %arg2[%add3A_870, %multiple_of3A_868] : memref<2048x32000xf32, #tpu.memory_space<hbm>> -> memref<1x16xf32, #tpu.memory_space<hbm>>
    %dma_start3A_878 = tpu.memref_squeeze %dma_start3A_877 : memref<1x16xf32, #tpu.memory_space<hbm>> -> memref<16xf32, #tpu.memory_space<hbm>>
    tpu.enqueue_dma source(%dma_start3A_878 : memref<16xf32, #tpu.memory_space<hbm>>) target(%dma_start3A_876 : memref<16xf32, #tpu.memory_space<vmem>>) target_semaphore(%arg10 : memref<!tpu.dma_semaphore, #tpu.memory_space<semaphore_mem>>)
    %slice3A_879 = vector.extract_strided_slice %get3A_13 {offsets = [10], sizes = [1], strides = [1]} : vector<16xi32> to vector<1xi32>
    %squeeze3A_880 = vector.extract %slice3A_879[0] : i32 from vector<1xi32>
    %and3A_881 = arith.constant -16 : i32
    %and3A_882 = arith.andi %squeeze3A_880, %and3A_881 : i32
    %multiple_of3A_883 = tpu.assume_multiple %and3A_882, 16 : i32
    %add3A_884 = arith.constant 58 : i32
    %add3A_885 = arith.addi %mul3A_2, %add3A_884 : i32
    %dma_start3A_886 = arith.constant 928 : i32
    %dma_start3A_887 = tpu.memref_slice %arg8[%dma_start3A_886] : memref<1024xf32, #tpu.memory_space<vmem>> -> memref<16xf32, #tpu.memory_space<vmem>>
    %dma_start3A_888 = tpu.memref_slice %arg2[%add3A_885, %multiple_of3A_883] : memref<2048x32000xf32, #tpu.memory_space<hbm>> -> memref<1x16xf32, #tpu.memory_space<hbm>>
    %dma_start3A_889 = tpu.memref_squeeze %dma_start3A_888 : memref<1x16xf32, #tpu.memory_space<hbm>> -> memref<16xf32, #tpu.memory_space<hbm>>
    %dma_start3A_890 = arith.constant 928 : i32
    %dma_start3A_891 = tpu.memref_slice %arg8[%dma_start3A_890] : memref<1024xf32, #tpu.memory_space<vmem>> -> memref<16xf32, #tpu.memory_space<vmem>>
    %dma_start3A_892 = tpu.memref_slice %arg2[%add3A_885, %multiple_of3A_883] : memref<2048x32000xf32, #tpu.memory_space<hbm>> -> memref<1x16xf32, #tpu.memory_space<hbm>>
    %dma_start3A_893 = tpu.memref_squeeze %dma_start3A_892 : memref<1x16xf32, #tpu.memory_space<hbm>> -> memref<16xf32, #tpu.memory_space<hbm>>
    tpu.enqueue_dma source(%dma_start3A_893 : memref<16xf32, #tpu.memory_space<hbm>>) target(%dma_start3A_891 : memref<16xf32, #tpu.memory_space<vmem>>) target_semaphore(%arg10 : memref<!tpu.dma_semaphore, #tpu.memory_space<semaphore_mem>>)
    %slice3A_894 = vector.extract_strided_slice %get3A_13 {offsets = [11], sizes = [1], strides = [1]} : vector<16xi32> to vector<1xi32>
    %squeeze3A_895 = vector.extract %slice3A_894[0] : i32 from vector<1xi32>
    %and3A_896 = arith.constant -16 : i32
    %and3A_897 = arith.andi %squeeze3A_895, %and3A_896 : i32
    %multiple_of3A_898 = tpu.assume_multiple %and3A_897, 16 : i32
    %add3A_899 = arith.constant 59 : i32
    %add3A_900 = arith.addi %mul3A_2, %add3A_899 : i32
    %dma_start3A_901 = arith.constant 944 : i32
    %dma_start3A_902 = tpu.memref_slice %arg8[%dma_start3A_901] : memref<1024xf32, #tpu.memory_space<vmem>> -> memref<16xf32, #tpu.memory_space<vmem>>
    %dma_start3A_903 = tpu.memref_slice %arg2[%add3A_900, %multiple_of3A_898] : memref<2048x32000xf32, #tpu.memory_space<hbm>> -> memref<1x16xf32, #tpu.memory_space<hbm>>
    %dma_start3A_904 = tpu.memref_squeeze %dma_start3A_903 : memref<1x16xf32, #tpu.memory_space<hbm>> -> memref<16xf32, #tpu.memory_space<hbm>>
    %dma_start3A_905 = arith.constant 944 : i32
    %dma_start3A_906 = tpu.memref_slice %arg8[%dma_start3A_905] : memref<1024xf32, #tpu.memory_space<vmem>> -> memref<16xf32, #tpu.memory_space<vmem>>
    %dma_start3A_907 = tpu.memref_slice %arg2[%add3A_900, %multiple_of3A_898] : memref<2048x32000xf32, #tpu.memory_space<hbm>> -> memref<1x16xf32, #tpu.memory_space<hbm>>
    %dma_start3A_908 = tpu.memref_squeeze %dma_start3A_907 : memref<1x16xf32, #tpu.memory_space<hbm>> -> memref<16xf32, #tpu.memory_space<hbm>>
    tpu.enqueue_dma source(%dma_start3A_908 : memref<16xf32, #tpu.memory_space<hbm>>) target(%dma_start3A_906 : memref<16xf32, #tpu.memory_space<vmem>>) target_semaphore(%arg10 : memref<!tpu.dma_semaphore, #tpu.memory_space<semaphore_mem>>)
    %slice3A_909 = vector.extract_strided_slice %get3A_13 {offsets = [12], sizes = [1], strides = [1]} : vector<16xi32> to vector<1xi32>
    %squeeze3A_910 = vector.extract %slice3A_909[0] : i32 from vector<1xi32>
    %and3A_911 = arith.constant -16 : i32
    %and3A_912 = arith.andi %squeeze3A_910, %and3A_911 : i32
    %multiple_of3A_913 = tpu.assume_multiple %and3A_912, 16 : i32
    %add3A_914 = arith.constant 60 : i32
    %add3A_915 = arith.addi %mul3A_2, %add3A_914 : i32
    %dma_start3A_916 = arith.constant 960 : i32
    %dma_start3A_917 = tpu.memref_slice %arg8[%dma_start3A_916] : memref<1024xf32, #tpu.memory_space<vmem>> -> memref<16xf32, #tpu.memory_space<vmem>>
    %dma_start3A_918 = tpu.memref_slice %arg2[%add3A_915, %multiple_of3A_913] : memref<2048x32000xf32, #tpu.memory_space<hbm>> -> memref<1x16xf32, #tpu.memory_space<hbm>>
    %dma_start3A_919 = tpu.memref_squeeze %dma_start3A_918 : memref<1x16xf32, #tpu.memory_space<hbm>> -> memref<16xf32, #tpu.memory_space<hbm>>
    %dma_start3A_920 = arith.constant 960 : i32
    %dma_start3A_921 = tpu.memref_slice %arg8[%dma_start3A_920] : memref<1024xf32, #tpu.memory_space<vmem>> -> memref<16xf32, #tpu.memory_space<vmem>>
    %dma_start3A_922 = tpu.memref_slice %arg2[%add3A_915, %multiple_of3A_913] : memref<2048x32000xf32, #tpu.memory_space<hbm>> -> memref<1x16xf32, #tpu.memory_space<hbm>>
    %dma_start3A_923 = tpu.memref_squeeze %dma_start3A_922 : memref<1x16xf32, #tpu.memory_space<hbm>> -> memref<16xf32, #tpu.memory_space<hbm>>
    tpu.enqueue_dma source(%dma_start3A_923 : memref<16xf32, #tpu.memory_space<hbm>>) target(%dma_start3A_921 : memref<16xf32, #tpu.memory_space<vmem>>) target_semaphore(%arg10 : memref<!tpu.dma_semaphore, #tpu.memory_space<semaphore_mem>>)
    %slice3A_924 = vector.extract_strided_slice %get3A_13 {offsets = [13], sizes = [1], strides = [1]} : vector<16xi32> to vector<1xi32>
    %squeeze3A_925 = vector.extract %slice3A_924[0] : i32 from vector<1xi32>
    %and3A_926 = arith.constant -16 : i32
    %and3A_927 = arith.andi %squeeze3A_925, %and3A_926 : i32
    %multiple_of3A_928 = tpu.assume_multiple %and3A_927, 16 : i32
    %add3A_929 = arith.constant 61 : i32
    %add3A_930 = arith.addi %mul3A_2, %add3A_929 : i32
    %dma_start3A_931 = arith.constant 976 : i32
    %dma_start3A_932 = tpu.memref_slice %arg8[%dma_start3A_931] : memref<1024xf32, #tpu.memory_space<vmem>> -> memref<16xf32, #tpu.memory_space<vmem>>
    %dma_start3A_933 = tpu.memref_slice %arg2[%add3A_930, %multiple_of3A_928] : memref<2048x32000xf32, #tpu.memory_space<hbm>> -> memref<1x16xf32, #tpu.memory_space<hbm>>
    %dma_start3A_934 = tpu.memref_squeeze %dma_start3A_933 : memref<1x16xf32, #tpu.memory_space<hbm>> -> memref<16xf32, #tpu.memory_space<hbm>>
    %dma_start3A_935 = arith.constant 976 : i32
    %dma_start3A_936 = tpu.memref_slice %arg8[%dma_start3A_935] : memref<1024xf32, #tpu.memory_space<vmem>> -> memref<16xf32, #tpu.memory_space<vmem>>
    %dma_start3A_937 = tpu.memref_slice %arg2[%add3A_930, %multiple_of3A_928] : memref<2048x32000xf32, #tpu.memory_space<hbm>> -> memref<1x16xf32, #tpu.memory_space<hbm>>
    %dma_start3A_938 = tpu.memref_squeeze %dma_start3A_937 : memref<1x16xf32, #tpu.memory_space<hbm>> -> memref<16xf32, #tpu.memory_space<hbm>>
    tpu.enqueue_dma source(%dma_start3A_938 : memref<16xf32, #tpu.memory_space<hbm>>) target(%dma_start3A_936 : memref<16xf32, #tpu.memory_space<vmem>>) target_semaphore(%arg10 : memref<!tpu.dma_semaphore, #tpu.memory_space<semaphore_mem>>)
    %slice3A_939 = vector.extract_strided_slice %get3A_13 {offsets = [14], sizes = [1], strides = [1]} : vector<16xi32> to vector<1xi32>
    %squeeze3A_940 = vector.extract %slice3A_939[0] : i32 from vector<1xi32>
    %and3A_941 = arith.constant -16 : i32
    %and3A_942 = arith.andi %squeeze3A_940, %and3A_941 : i32
    %multiple_of3A_943 = tpu.assume_multiple %and3A_942, 16 : i32
    %add3A_944 = arith.constant 62 : i32
    %add3A_945 = arith.addi %mul3A_2, %add3A_944 : i32
    %dma_start3A_946 = arith.constant 992 : i32
    %dma_start3A_947 = tpu.memref_slice %arg8[%dma_start3A_946] : memref<1024xf32, #tpu.memory_space<vmem>> -> memref<16xf32, #tpu.memory_space<vmem>>
    %dma_start3A_948 = tpu.memref_slice %arg2[%add3A_945, %multiple_of3A_943] : memref<2048x32000xf32, #tpu.memory_space<hbm>> -> memref<1x16xf32, #tpu.memory_space<hbm>>
    %dma_start3A_949 = tpu.memref_squeeze %dma_start3A_948 : memref<1x16xf32, #tpu.memory_space<hbm>> -> memref<16xf32, #tpu.memory_space<hbm>>
    %dma_start3A_950 = arith.constant 992 : i32
    %dma_start3A_951 = tpu.memref_slice %arg8[%dma_start3A_950] : memref<1024xf32, #tpu.memory_space<vmem>> -> memref<16xf32, #tpu.memory_space<vmem>>
    %dma_start3A_952 = tpu.memref_slice %arg2[%add3A_945, %multiple_of3A_943] : memref<2048x32000xf32, #tpu.memory_space<hbm>> -> memref<1x16xf32, #tpu.memory_space<hbm>>
    %dma_start3A_953 = tpu.memref_squeeze %dma_start3A_952 : memref<1x16xf32, #tpu.memory_space<hbm>> -> memref<16xf32, #tpu.memory_space<hbm>>
    tpu.enqueue_dma source(%dma_start3A_953 : memref<16xf32, #tpu.memory_space<hbm>>) target(%dma_start3A_951 : memref<16xf32, #tpu.memory_space<vmem>>) target_semaphore(%arg10 : memref<!tpu.dma_semaphore, #tpu.memory_space<semaphore_mem>>)
    %slice3A_954 = vector.extract_strided_slice %get3A_13 {offsets = [15], sizes = [1], strides = [1]} : vector<16xi32> to vector<1xi32>
    %squeeze3A_955 = vector.extract %slice3A_954[0] : i32 from vector<1xi32>
    %and3A_956 = arith.constant -16 : i32
    %and3A_957 = arith.andi %squeeze3A_955, %and3A_956 : i32
    %multiple_of3A_958 = tpu.assume_multiple %and3A_957, 16 : i32
    %add3A_959 = arith.constant 63 : i32
    %add3A_960 = arith.addi %mul3A_2, %add3A_959 : i32
    %dma_start3A_961 = arith.constant 1008 : i32
    %dma_start3A_962 = tpu.memref_slice %arg8[%dma_start3A_961] : memref<1024xf32, #tpu.memory_space<vmem>> -> memref<16xf32, #tpu.memory_space<vmem>>
    %dma_start3A_963 = tpu.memref_slice %arg2[%add3A_960, %multiple_of3A_958] : memref<2048x32000xf32, #tpu.memory_space<hbm>> -> memref<1x16xf32, #tpu.memory_space<hbm>>
    %dma_start3A_964 = tpu.memref_squeeze %dma_start3A_963 : memref<1x16xf32, #tpu.memory_space<hbm>> -> memref<16xf32, #tpu.memory_space<hbm>>
    %dma_start3A_965 = arith.constant 1008 : i32
    %dma_start3A_966 = tpu.memref_slice %arg8[%dma_start3A_965] : memref<1024xf32, #tpu.memory_space<vmem>> -> memref<16xf32, #tpu.memory_space<vmem>>
    %dma_start3A_967 = tpu.memref_slice %arg2[%add3A_960, %multiple_of3A_958] : memref<2048x32000xf32, #tpu.memory_space<hbm>> -> memref<1x16xf32, #tpu.memory_space<hbm>>
    %dma_start3A_968 = tpu.memref_squeeze %dma_start3A_967 : memref<1x16xf32, #tpu.memory_space<hbm>> -> memref<16xf32, #tpu.memory_space<hbm>>
    tpu.enqueue_dma source(%dma_start3A_968 : memref<16xf32, #tpu.memory_space<hbm>>) target(%dma_start3A_966 : memref<16xf32, #tpu.memory_space<vmem>>) target_semaphore(%arg10 : memref<!tpu.dma_semaphore, #tpu.memory_space<semaphore_mem>>)
    %dma_wait3A = arith.constant 0 : i32
    %dma_wait3A_969 = tpu.memref_slice %arg8[%dma_wait3A] : memref<1024xf32, #tpu.memory_space<vmem>> -> memref<16xf32, #tpu.memory_space<vmem>>
    %dma_wait3A_970 = tpu.memref_slice %arg2[%add3A_16, %multiple_of3A] : memref<2048x32000xf32, #tpu.memory_space<hbm>> -> memref<1x16xf32, #tpu.memory_space<hbm>>
    %dma_wait3A_971 = tpu.memref_squeeze %dma_wait3A_970 : memref<1x16xf32, #tpu.memory_space<hbm>> -> memref<16xf32, #tpu.memory_space<hbm>>
    %dma_wait3A_972 = arith.constant 0 : i32
    %dma_wait3A_973 = tpu.memref_slice %arg8[%dma_wait3A_972] : memref<1024xf32, #tpu.memory_space<vmem>> -> memref<16xf32, #tpu.memory_space<vmem>>
    %dma_wait3A_974 = tpu.memref_slice %arg2[%add3A_16, %multiple_of3A] : memref<2048x32000xf32, #tpu.memory_space<hbm>> -> memref<1x16xf32, #tpu.memory_space<hbm>>
    %dma_wait3A_975 = tpu.memref_squeeze %dma_wait3A_974 : memref<1x16xf32, #tpu.memory_space<hbm>> -> memref<16xf32, #tpu.memory_space<hbm>>
    tpu.wait_dma2 semaphore(%arg10 : memref<!tpu.dma_semaphore, #tpu.memory_space<semaphore_mem>>) src(%dma_wait3A_975 : memref<16xf32, #tpu.memory_space<hbm>>) dst(%dma_wait3A_973 : memref<16xf32, #tpu.memory_space<vmem>>)
    %dma_wait3A_976 = arith.constant 16 : i32
    %dma_wait3A_977 = tpu.memref_slice %arg8[%dma_wait3A_976] : memref<1024xf32, #tpu.memory_space<vmem>> -> memref<16xf32, #tpu.memory_space<vmem>>
    %dma_wait3A_978 = tpu.memref_slice %arg2[%add3A_30, %multiple_of3A_28] : memref<2048x32000xf32, #tpu.memory_space<hbm>> -> memref<1x16xf32, #tpu.memory_space<hbm>>
    %dma_wait3A_979 = tpu.memref_squeeze %dma_wait3A_978 : memref<1x16xf32, #tpu.memory_space<hbm>> -> memref<16xf32, #tpu.memory_space<hbm>>
    %dma_wait3A_980 = arith.constant 16 : i32
    %dma_wait3A_981 = tpu.memref_slice %arg8[%dma_wait3A_980] : memref<1024xf32, #tpu.memory_space<vmem>> -> memref<16xf32, #tpu.memory_space<vmem>>
    %dma_wait3A_982 = tpu.memref_slice %arg2[%add3A_30, %multiple_of3A_28] : memref<2048x32000xf32, #tpu.memory_space<hbm>> -> memref<1x16xf32, #tpu.memory_space<hbm>>
    %dma_wait3A_983 = tpu.memref_squeeze %dma_wait3A_982 : memref<1x16xf32, #tpu.memory_space<hbm>> -> memref<16xf32, #tpu.memory_space<hbm>>
    tpu.wait_dma2 semaphore(%arg10 : memref<!tpu.dma_semaphore, #tpu.memory_space<semaphore_mem>>) src(%dma_wait3A_983 : memref<16xf32, #tpu.memory_space<hbm>>) dst(%dma_wait3A_981 : memref<16xf32, #tpu.memory_space<vmem>>)
    %dma_wait3A_984 = arith.constant 32 : i32
    %dma_wait3A_985 = tpu.memref_slice %arg8[%dma_wait3A_984] : memref<1024xf32, #tpu.memory_space<vmem>> -> memref<16xf32, #tpu.memory_space<vmem>>
    %dma_wait3A_986 = tpu.memref_slice %arg2[%add3A_45, %multiple_of3A_43] : memref<2048x32000xf32, #tpu.memory_space<hbm>> -> memref<1x16xf32, #tpu.memory_space<hbm>>
    %dma_wait3A_987 = tpu.memref_squeeze %dma_wait3A_986 : memref<1x16xf32, #tpu.memory_space<hbm>> -> memref<16xf32, #tpu.memory_space<hbm>>
    %dma_wait3A_988 = arith.constant 32 : i32
    %dma_wait3A_989 = tpu.memref_slice %arg8[%dma_wait3A_988] : memref<1024xf32, #tpu.memory_space<vmem>> -> memref<16xf32, #tpu.memory_space<vmem>>
    %dma_wait3A_990 = tpu.memref_slice %arg2[%add3A_45, %multiple_of3A_43] : memref<2048x32000xf32, #tpu.memory_space<hbm>> -> memref<1x16xf32, #tpu.memory_space<hbm>>
    %dma_wait3A_991 = tpu.memref_squeeze %dma_wait3A_990 : memref<1x16xf32, #tpu.memory_space<hbm>> -> memref<16xf32, #tpu.memory_space<hbm>>
    tpu.wait_dma2 semaphore(%arg10 : memref<!tpu.dma_semaphore, #tpu.memory_space<semaphore_mem>>) src(%dma_wait3A_991 : memref<16xf32, #tpu.memory_space<hbm>>) dst(%dma_wait3A_989 : memref<16xf32, #tpu.memory_space<vmem>>)
    %dma_wait3A_992 = arith.constant 48 : i32
    %dma_wait3A_993 = tpu.memref_slice %arg8[%dma_wait3A_992] : memref<1024xf32, #tpu.memory_space<vmem>> -> memref<16xf32, #tpu.memory_space<vmem>>
    %dma_wait3A_994 = tpu.memref_slice %arg2[%add3A_60, %multiple_of3A_58] : memref<2048x32000xf32, #tpu.memory_space<hbm>> -> memref<1x16xf32, #tpu.memory_space<hbm>>
    %dma_wait3A_995 = tpu.memref_squeeze %dma_wait3A_994 : memref<1x16xf32, #tpu.memory_space<hbm>> -> memref<16xf32, #tpu.memory_space<hbm>>
    %dma_wait3A_996 = arith.constant 48 : i32
    %dma_wait3A_997 = tpu.memref_slice %arg8[%dma_wait3A_996] : memref<1024xf32, #tpu.memory_space<vmem>> -> memref<16xf32, #tpu.memory_space<vmem>>
    %dma_wait3A_998 = tpu.memref_slice %arg2[%add3A_60, %multiple_of3A_58] : memref<2048x32000xf32, #tpu.memory_space<hbm>> -> memref<1x16xf32, #tpu.memory_space<hbm>>
    %dma_wait3A_999 = tpu.memref_squeeze %dma_wait3A_998 : memref<1x16xf32, #tpu.memory_space<hbm>> -> memref<16xf32, #tpu.memory_space<hbm>>
    tpu.wait_dma2 semaphore(%arg10 : memref<!tpu.dma_semaphore, #tpu.memory_space<semaphore_mem>>) src(%dma_wait3A_999 : memref<16xf32, #tpu.memory_space<hbm>>) dst(%dma_wait3A_997 : memref<16xf32, #tpu.memory_space<vmem>>)
    %dma_wait3A_1000 = arith.constant 64 : i32
    %dma_wait3A_1001 = tpu.memref_slice %arg8[%dma_wait3A_1000] : memref<1024xf32, #tpu.memory_space<vmem>> -> memref<16xf32, #tpu.memory_space<vmem>>
    %dma_wait3A_1002 = tpu.memref_slice %arg2[%add3A_75, %multiple_of3A_73] : memref<2048x32000xf32, #tpu.memory_space<hbm>> -> memref<1x16xf32, #tpu.memory_space<hbm>>
    %dma_wait3A_1003 = tpu.memref_squeeze %dma_wait3A_1002 : memref<1x16xf32, #tpu.memory_space<hbm>> -> memref<16xf32, #tpu.memory_space<hbm>>
    %dma_wait3A_1004 = arith.constant 64 : i32
    %dma_wait3A_1005 = tpu.memref_slice %arg8[%dma_wait3A_1004] : memref<1024xf32, #tpu.memory_space<vmem>> -> memref<16xf32, #tpu.memory_space<vmem>>
    %dma_wait3A_1006 = tpu.memref_slice %arg2[%add3A_75, %multiple_of3A_73] : memref<2048x32000xf32, #tpu.memory_space<hbm>> -> memref<1x16xf32, #tpu.memory_space<hbm>>
    %dma_wait3A_1007 = tpu.memref_squeeze %dma_wait3A_1006 : memref<1x16xf32, #tpu.memory_space<hbm>> -> memref<16xf32, #tpu.memory_space<hbm>>
    tpu.wait_dma2 semaphore(%arg10 : memref<!tpu.dma_semaphore, #tpu.memory_space<semaphore_mem>>) src(%dma_wait3A_1007 : memref<16xf32, #tpu.memory_space<hbm>>) dst(%dma_wait3A_1005 : memref<16xf32, #tpu.memory_space<vmem>>)
    %dma_wait3A_1008 = arith.constant 80 : i32
    %dma_wait3A_1009 = tpu.memref_slice %arg8[%dma_wait3A_1008] : memref<1024xf32, #tpu.memory_space<vmem>> -> memref<16xf32, #tpu.memory_space<vmem>>
    %dma_wait3A_1010 = tpu.memref_slice %arg2[%add3A_90, %multiple_of3A_88] : memref<2048x32000xf32, #tpu.memory_space<hbm>> -> memref<1x16xf32, #tpu.memory_space<hbm>>
    %dma_wait3A_1011 = tpu.memref_squeeze %dma_wait3A_1010 : memref<1x16xf32, #tpu.memory_space<hbm>> -> memref<16xf32, #tpu.memory_space<hbm>>
    %dma_wait3A_1012 = arith.constant 80 : i32
    %dma_wait3A_1013 = tpu.memref_slice %arg8[%dma_wait3A_1012] : memref<1024xf32, #tpu.memory_space<vmem>> -> memref<16xf32, #tpu.memory_space<vmem>>
    %dma_wait3A_1014 = tpu.memref_slice %arg2[%add3A_90, %multiple_of3A_88] : memref<2048x32000xf32, #tpu.memory_space<hbm>> -> memref<1x16xf32, #tpu.memory_space<hbm>>
    %dma_wait3A_1015 = tpu.memref_squeeze %dma_wait3A_1014 : memref<1x16xf32, #tpu.memory_space<hbm>> -> memref<16xf32, #tpu.memory_space<hbm>>
    tpu.wait_dma2 semaphore(%arg10 : memref<!tpu.dma_semaphore, #tpu.memory_space<semaphore_mem>>) src(%dma_wait3A_1015 : memref<16xf32, #tpu.memory_space<hbm>>) dst(%dma_wait3A_1013 : memref<16xf32, #tpu.memory_space<vmem>>)
    %dma_wait3A_1016 = arith.constant 96 : i32
    %dma_wait3A_1017 = tpu.memref_slice %arg8[%dma_wait3A_1016] : memref<1024xf32, #tpu.memory_space<vmem>> -> memref<16xf32, #tpu.memory_space<vmem>>
    %dma_wait3A_1018 = tpu.memref_slice %arg2[%add3A_105, %multiple_of3A_103] : memref<2048x32000xf32, #tpu.memory_space<hbm>> -> memref<1x16xf32, #tpu.memory_space<hbm>>
    %dma_wait3A_1019 = tpu.memref_squeeze %dma_wait3A_1018 : memref<1x16xf32, #tpu.memory_space<hbm>> -> memref<16xf32, #tpu.memory_space<hbm>>
    %dma_wait3A_1020 = arith.constant 96 : i32
    %dma_wait3A_1021 = tpu.memref_slice %arg8[%dma_wait3A_1020] : memref<1024xf32, #tpu.memory_space<vmem>> -> memref<16xf32, #tpu.memory_space<vmem>>
    %dma_wait3A_1022 = tpu.memref_slice %arg2[%add3A_105, %multiple_of3A_103] : memref<2048x32000xf32, #tpu.memory_space<hbm>> -> memref<1x16xf32, #tpu.memory_space<hbm>>
    %dma_wait3A_1023 = tpu.memref_squeeze %dma_wait3A_1022 : memref<1x16xf32, #tpu.memory_space<hbm>> -> memref<16xf32, #tpu.memory_space<hbm>>
    tpu.wait_dma2 semaphore(%arg10 : memref<!tpu.dma_semaphore, #tpu.memory_space<semaphore_mem>>) src(%dma_wait3A_1023 : memref<16xf32, #tpu.memory_space<hbm>>) dst(%dma_wait3A_1021 : memref<16xf32, #tpu.memory_space<vmem>>)
    %dma_wait3A_1024 = arith.constant 112 : i32
    %dma_wait3A_1025 = tpu.memref_slice %arg8[%dma_wait3A_1024] : memref<1024xf32, #tpu.memory_space<vmem>> -> memref<16xf32, #tpu.memory_space<vmem>>
    %dma_wait3A_1026 = tpu.memref_slice %arg2[%add3A_120, %multiple_of3A_118] : memref<2048x32000xf32, #tpu.memory_space<hbm>> -> memref<1x16xf32, #tpu.memory_space<hbm>>
    %dma_wait3A_1027 = tpu.memref_squeeze %dma_wait3A_1026 : memref<1x16xf32, #tpu.memory_space<hbm>> -> memref<16xf32, #tpu.memory_space<hbm>>
    %dma_wait3A_1028 = arith.constant 112 : i32
    %dma_wait3A_1029 = tpu.memref_slice %arg8[%dma_wait3A_1028] : memref<1024xf32, #tpu.memory_space<vmem>> -> memref<16xf32, #tpu.memory_space<vmem>>
    %dma_wait3A_1030 = tpu.memref_slice %arg2[%add3A_120, %multiple_of3A_118] : memref<2048x32000xf32, #tpu.memory_space<hbm>> -> memref<1x16xf32, #tpu.memory_space<hbm>>
    %dma_wait3A_1031 = tpu.memref_squeeze %dma_wait3A_1030 : memref<1x16xf32, #tpu.memory_space<hbm>> -> memref<16xf32, #tpu.memory_space<hbm>>
    tpu.wait_dma2 semaphore(%arg10 : memref<!tpu.dma_semaphore, #tpu.memory_space<semaphore_mem>>) src(%dma_wait3A_1031 : memref<16xf32, #tpu.memory_space<hbm>>) dst(%dma_wait3A_1029 : memref<16xf32, #tpu.memory_space<vmem>>)
    %dma_wait3A_1032 = arith.constant 128 : i32
    %dma_wait3A_1033 = tpu.memref_slice %arg8[%dma_wait3A_1032] : memref<1024xf32, #tpu.memory_space<vmem>> -> memref<16xf32, #tpu.memory_space<vmem>>
    %dma_wait3A_1034 = tpu.memref_slice %arg2[%add3A_135, %multiple_of3A_133] : memref<2048x32000xf32, #tpu.memory_space<hbm>> -> memref<1x16xf32, #tpu.memory_space<hbm>>
    %dma_wait3A_1035 = tpu.memref_squeeze %dma_wait3A_1034 : memref<1x16xf32, #tpu.memory_space<hbm>> -> memref<16xf32, #tpu.memory_space<hbm>>
    %dma_wait3A_1036 = arith.constant 128 : i32
    %dma_wait3A_1037 = tpu.memref_slice %arg8[%dma_wait3A_1036] : memref<1024xf32, #tpu.memory_space<vmem>> -> memref<16xf32, #tpu.memory_space<vmem>>
    %dma_wait3A_1038 = tpu.memref_slice %arg2[%add3A_135, %multiple_of3A_133] : memref<2048x32000xf32, #tpu.memory_space<hbm>> -> memref<1x16xf32, #tpu.memory_space<hbm>>
    %dma_wait3A_1039 = tpu.memref_squeeze %dma_wait3A_1038 : memref<1x16xf32, #tpu.memory_space<hbm>> -> memref<16xf32, #tpu.memory_space<hbm>>
    tpu.wait_dma2 semaphore(%arg10 : memref<!tpu.dma_semaphore, #tpu.memory_space<semaphore_mem>>) src(%dma_wait3A_1039 : memref<16xf32, #tpu.memory_space<hbm>>) dst(%dma_wait3A_1037 : memref<16xf32, #tpu.memory_space<vmem>>)
    %dma_wait3A_1040 = arith.constant 144 : i32
    %dma_wait3A_1041 = tpu.memref_slice %arg8[%dma_wait3A_1040] : memref<1024xf32, #tpu.memory_space<vmem>> -> memref<16xf32, #tpu.memory_space<vmem>>
    %dma_wait3A_1042 = tpu.memref_slice %arg2[%add3A_150, %multiple_of3A_148] : memref<2048x32000xf32, #tpu.memory_space<hbm>> -> memref<1x16xf32, #tpu.memory_space<hbm>>
    %dma_wait3A_1043 = tpu.memref_squeeze %dma_wait3A_1042 : memref<1x16xf32, #tpu.memory_space<hbm>> -> memref<16xf32, #tpu.memory_space<hbm>>
    %dma_wait3A_1044 = arith.constant 144 : i32
    %dma_wait3A_1045 = tpu.memref_slice %arg8[%dma_wait3A_1044] : memref<1024xf32, #tpu.memory_space<vmem>> -> memref<16xf32, #tpu.memory_space<vmem>>
    %dma_wait3A_1046 = tpu.memref_slice %arg2[%add3A_150, %multiple_of3A_148] : memref<2048x32000xf32, #tpu.memory_space<hbm>> -> memref<1x16xf32, #tpu.memory_space<hbm>>
    %dma_wait3A_1047 = tpu.memref_squeeze %dma_wait3A_1046 : memref<1x16xf32, #tpu.memory_space<hbm>> -> memref<16xf32, #tpu.memory_space<hbm>>
    tpu.wait_dma2 semaphore(%arg10 : memref<!tpu.dma_semaphore, #tpu.memory_space<semaphore_mem>>) src(%dma_wait3A_1047 : memref<16xf32, #tpu.memory_space<hbm>>) dst(%dma_wait3A_1045 : memref<16xf32, #tpu.memory_space<vmem>>)
    %dma_wait3A_1048 = arith.constant 160 : i32
    %dma_wait3A_1049 = tpu.memref_slice %arg8[%dma_wait3A_1048] : memref<1024xf32, #tpu.memory_space<vmem>> -> memref<16xf32, #tpu.memory_space<vmem>>
    %dma_wait3A_1050 = tpu.memref_slice %arg2[%add3A_165, %multiple_of3A_163] : memref<2048x32000xf32, #tpu.memory_space<hbm>> -> memref<1x16xf32, #tpu.memory_space<hbm>>
    %dma_wait3A_1051 = tpu.memref_squeeze %dma_wait3A_1050 : memref<1x16xf32, #tpu.memory_space<hbm>> -> memref<16xf32, #tpu.memory_space<hbm>>
    %dma_wait3A_1052 = arith.constant 160 : i32
    %dma_wait3A_1053 = tpu.memref_slice %arg8[%dma_wait3A_1052] : memref<1024xf32, #tpu.memory_space<vmem>> -> memref<16xf32, #tpu.memory_space<vmem>>
    %dma_wait3A_1054 = tpu.memref_slice %arg2[%add3A_165, %multiple_of3A_163] : memref<2048x32000xf32, #tpu.memory_space<hbm>> -> memref<1x16xf32, #tpu.memory_space<hbm>>
    %dma_wait3A_1055 = tpu.memref_squeeze %dma_wait3A_1054 : memref<1x16xf32, #tpu.memory_space<hbm>> -> memref<16xf32, #tpu.memory_space<hbm>>
    tpu.wait_dma2 semaphore(%arg10 : memref<!tpu.dma_semaphore, #tpu.memory_space<semaphore_mem>>) src(%dma_wait3A_1055 : memref<16xf32, #tpu.memory_space<hbm>>) dst(%dma_wait3A_1053 : memref<16xf32, #tpu.memory_space<vmem>>)
    %dma_wait3A_1056 = arith.constant 176 : i32
    %dma_wait3A_1057 = tpu.memref_slice %arg8[%dma_wait3A_1056] : memref<1024xf32, #tpu.memory_space<vmem>> -> memref<16xf32, #tpu.memory_space<vmem>>
    %dma_wait3A_1058 = tpu.memref_slice %arg2[%add3A_180, %multiple_of3A_178] : memref<2048x32000xf32, #tpu.memory_space<hbm>> -> memref<1x16xf32, #tpu.memory_space<hbm>>
    %dma_wait3A_1059 = tpu.memref_squeeze %dma_wait3A_1058 : memref<1x16xf32, #tpu.memory_space<hbm>> -> memref<16xf32, #tpu.memory_space<hbm>>
    %dma_wait3A_1060 = arith.constant 176 : i32
    %dma_wait3A_1061 = tpu.memref_slice %arg8[%dma_wait3A_1060] : memref<1024xf32, #tpu.memory_space<vmem>> -> memref<16xf32, #tpu.memory_space<vmem>>
    %dma_wait3A_1062 = tpu.memref_slice %arg2[%add3A_180, %multiple_of3A_178] : memref<2048x32000xf32, #tpu.memory_space<hbm>> -> memref<1x16xf32, #tpu.memory_space<hbm>>
    %dma_wait3A_1063 = tpu.memref_squeeze %dma_wait3A_1062 : memref<1x16xf32, #tpu.memory_space<hbm>> -> memref<16xf32, #tpu.memory_space<hbm>>
    tpu.wait_dma2 semaphore(%arg10 : memref<!tpu.dma_semaphore, #tpu.memory_space<semaphore_mem>>) src(%dma_wait3A_1063 : memref<16xf32, #tpu.memory_space<hbm>>) dst(%dma_wait3A_1061 : memref<16xf32, #tpu.memory_space<vmem>>)
    %dma_wait3A_1064 = arith.constant 192 : i32
    %dma_wait3A_1065 = tpu.memref_slice %arg8[%dma_wait3A_1064] : memref<1024xf32, #tpu.memory_space<vmem>> -> memref<16xf32, #tpu.memory_space<vmem>>
    %dma_wait3A_1066 = tpu.memref_slice %arg2[%add3A_195, %multiple_of3A_193] : memref<2048x32000xf32, #tpu.memory_space<hbm>> -> memref<1x16xf32, #tpu.memory_space<hbm>>
    %dma_wait3A_1067 = tpu.memref_squeeze %dma_wait3A_1066 : memref<1x16xf32, #tpu.memory_space<hbm>> -> memref<16xf32, #tpu.memory_space<hbm>>
    %dma_wait3A_1068 = arith.constant 192 : i32
    %dma_wait3A_1069 = tpu.memref_slice %arg8[%dma_wait3A_1068] : memref<1024xf32, #tpu.memory_space<vmem>> -> memref<16xf32, #tpu.memory_space<vmem>>
    %dma_wait3A_1070 = tpu.memref_slice %arg2[%add3A_195, %multiple_of3A_193] : memref<2048x32000xf32, #tpu.memory_space<hbm>> -> memref<1x16xf32, #tpu.memory_space<hbm>>
    %dma_wait3A_1071 = tpu.memref_squeeze %dma_wait3A_1070 : memref<1x16xf32, #tpu.memory_space<hbm>> -> memref<16xf32, #tpu.memory_space<hbm>>
    tpu.wait_dma2 semaphore(%arg10 : memref<!tpu.dma_semaphore, #tpu.memory_space<semaphore_mem>>) src(%dma_wait3A_1071 : memref<16xf32, #tpu.memory_space<hbm>>) dst(%dma_wait3A_1069 : memref<16xf32, #tpu.memory_space<vmem>>)
    %dma_wait3A_1072 = arith.constant 208 : i32
    %dma_wait3A_1073 = tpu.memref_slice %arg8[%dma_wait3A_1072] : memref<1024xf32, #tpu.memory_space<vmem>> -> memref<16xf32, #tpu.memory_space<vmem>>
    %dma_wait3A_1074 = tpu.memref_slice %arg2[%add3A_210, %multiple_of3A_208] : memref<2048x32000xf32, #tpu.memory_space<hbm>> -> memref<1x16xf32, #tpu.memory_space<hbm>>
    %dma_wait3A_1075 = tpu.memref_squeeze %dma_wait3A_1074 : memref<1x16xf32, #tpu.memory_space<hbm>> -> memref<16xf32, #tpu.memory_space<hbm>>
    %dma_wait3A_1076 = arith.constant 208 : i32
    %dma_wait3A_1077 = tpu.memref_slice %arg8[%dma_wait3A_1076] : memref<1024xf32, #tpu.memory_space<vmem>> -> memref<16xf32, #tpu.memory_space<vmem>>
    %dma_wait3A_1078 = tpu.memref_slice %arg2[%add3A_210, %multiple_of3A_208] : memref<2048x32000xf32, #tpu.memory_space<hbm>> -> memref<1x16xf32, #tpu.memory_space<hbm>>
    %dma_wait3A_1079 = tpu.memref_squeeze %dma_wait3A_1078 : memref<1x16xf32, #tpu.memory_space<hbm>> -> memref<16xf32, #tpu.memory_space<hbm>>
    tpu.wait_dma2 semaphore(%arg10 : memref<!tpu.dma_semaphore, #tpu.memory_space<semaphore_mem>>) src(%dma_wait3A_1079 : memref<16xf32, #tpu.memory_space<hbm>>) dst(%dma_wait3A_1077 : memref<16xf32, #tpu.memory_space<vmem>>)
    %dma_wait3A_1080 = arith.constant 224 : i32
    %dma_wait3A_1081 = tpu.memref_slice %arg8[%dma_wait3A_1080] : memref<1024xf32, #tpu.memory_space<vmem>> -> memref<16xf32, #tpu.memory_space<vmem>>
    %dma_wait3A_1082 = tpu.memref_slice %arg2[%add3A_225, %multiple_of3A_223] : memref<2048x32000xf32, #tpu.memory_space<hbm>> -> memref<1x16xf32, #tpu.memory_space<hbm>>
    %dma_wait3A_1083 = tpu.memref_squeeze %dma_wait3A_1082 : memref<1x16xf32, #tpu.memory_space<hbm>> -> memref<16xf32, #tpu.memory_space<hbm>>
    %dma_wait3A_1084 = arith.constant 224 : i32
    %dma_wait3A_1085 = tpu.memref_slice %arg8[%dma_wait3A_1084] : memref<1024xf32, #tpu.memory_space<vmem>> -> memref<16xf32, #tpu.memory_space<vmem>>
    %dma_wait3A_1086 = tpu.memref_slice %arg2[%add3A_225, %multiple_of3A_223] : memref<2048x32000xf32, #tpu.memory_space<hbm>> -> memref<1x16xf32, #tpu.memory_space<hbm>>
    %dma_wait3A_1087 = tpu.memref_squeeze %dma_wait3A_1086 : memref<1x16xf32, #tpu.memory_space<hbm>> -> memref<16xf32, #tpu.memory_space<hbm>>
    tpu.wait_dma2 semaphore(%arg10 : memref<!tpu.dma_semaphore, #tpu.memory_space<semaphore_mem>>) src(%dma_wait3A_1087 : memref<16xf32, #tpu.memory_space<hbm>>) dst(%dma_wait3A_1085 : memref<16xf32, #tpu.memory_space<vmem>>)
    %dma_wait3A_1088 = arith.constant 240 : i32
    %dma_wait3A_1089 = tpu.memref_slice %arg8[%dma_wait3A_1088] : memref<1024xf32, #tpu.memory_space<vmem>> -> memref<16xf32, #tpu.memory_space<vmem>>
    %dma_wait3A_1090 = tpu.memref_slice %arg2[%add3A_240, %multiple_of3A_238] : memref<2048x32000xf32, #tpu.memory_space<hbm>> -> memref<1x16xf32, #tpu.memory_space<hbm>>
    %dma_wait3A_1091 = tpu.memref_squeeze %dma_wait3A_1090 : memref<1x16xf32, #tpu.memory_space<hbm>> -> memref<16xf32, #tpu.memory_space<hbm>>
    %dma_wait3A_1092 = arith.constant 240 : i32
    %dma_wait3A_1093 = tpu.memref_slice %arg8[%dma_wait3A_1092] : memref<1024xf32, #tpu.memory_space<vmem>> -> memref<16xf32, #tpu.memory_space<vmem>>
    %dma_wait3A_1094 = tpu.memref_slice %arg2[%add3A_240, %multiple_of3A_238] : memref<2048x32000xf32, #tpu.memory_space<hbm>> -> memref<1x16xf32, #tpu.memory_space<hbm>>
    %dma_wait3A_1095 = tpu.memref_squeeze %dma_wait3A_1094 : memref<1x16xf32, #tpu.memory_space<hbm>> -> memref<16xf32, #tpu.memory_space<hbm>>
    tpu.wait_dma2 semaphore(%arg10 : memref<!tpu.dma_semaphore, #tpu.memory_space<semaphore_mem>>) src(%dma_wait3A_1095 : memref<16xf32, #tpu.memory_space<hbm>>) dst(%dma_wait3A_1093 : memref<16xf32, #tpu.memory_space<vmem>>)
    %dma_wait3A_1096 = arith.constant 256 : i32
    %dma_wait3A_1097 = tpu.memref_slice %arg8[%dma_wait3A_1096] : memref<1024xf32, #tpu.memory_space<vmem>> -> memref<16xf32, #tpu.memory_space<vmem>>
    %dma_wait3A_1098 = tpu.memref_slice %arg2[%add3A_255, %multiple_of3A_253] : memref<2048x32000xf32, #tpu.memory_space<hbm>> -> memref<1x16xf32, #tpu.memory_space<hbm>>
    %dma_wait3A_1099 = tpu.memref_squeeze %dma_wait3A_1098 : memref<1x16xf32, #tpu.memory_space<hbm>> -> memref<16xf32, #tpu.memory_space<hbm>>
    %dma_wait3A_1100 = arith.constant 256 : i32
    %dma_wait3A_1101 = tpu.memref_slice %arg8[%dma_wait3A_1100] : memref<1024xf32, #tpu.memory_space<vmem>> -> memref<16xf32, #tpu.memory_space<vmem>>
    %dma_wait3A_1102 = tpu.memref_slice %arg2[%add3A_255, %multiple_of3A_253] : memref<2048x32000xf32, #tpu.memory_space<hbm>> -> memref<1x16xf32, #tpu.memory_space<hbm>>
    %dma_wait3A_1103 = tpu.memref_squeeze %dma_wait3A_1102 : memref<1x16xf32, #tpu.memory_space<hbm>> -> memref<16xf32, #tpu.memory_space<hbm>>
    tpu.wait_dma2 semaphore(%arg10 : memref<!tpu.dma_semaphore, #tpu.memory_space<semaphore_mem>>) src(%dma_wait3A_1103 : memref<16xf32, #tpu.memory_space<hbm>>) dst(%dma_wait3A_1101 : memref<16xf32, #tpu.memory_space<vmem>>)
    %dma_wait3A_1104 = arith.constant 272 : i32
    %dma_wait3A_1105 = tpu.memref_slice %arg8[%dma_wait3A_1104] : memref<1024xf32, #tpu.memory_space<vmem>> -> memref<16xf32, #tpu.memory_space<vmem>>
    %dma_wait3A_1106 = tpu.memref_slice %arg2[%add3A_270, %multiple_of3A_268] : memref<2048x32000xf32, #tpu.memory_space<hbm>> -> memref<1x16xf32, #tpu.memory_space<hbm>>
    %dma_wait3A_1107 = tpu.memref_squeeze %dma_wait3A_1106 : memref<1x16xf32, #tpu.memory_space<hbm>> -> memref<16xf32, #tpu.memory_space<hbm>>
    %dma_wait3A_1108 = arith.constant 272 : i32
    %dma_wait3A_1109 = tpu.memref_slice %arg8[%dma_wait3A_1108] : memref<1024xf32, #tpu.memory_space<vmem>> -> memref<16xf32, #tpu.memory_space<vmem>>
    %dma_wait3A_1110 = tpu.memref_slice %arg2[%add3A_270, %multiple_of3A_268] : memref<2048x32000xf32, #tpu.memory_space<hbm>> -> memref<1x16xf32, #tpu.memory_space<hbm>>
    %dma_wait3A_1111 = tpu.memref_squeeze %dma_wait3A_1110 : memref<1x16xf32, #tpu.memory_space<hbm>> -> memref<16xf32, #tpu.memory_space<hbm>>
    tpu.wait_dma2 semaphore(%arg10 : memref<!tpu.dma_semaphore, #tpu.memory_space<semaphore_mem>>) src(%dma_wait3A_1111 : memref<16xf32, #tpu.memory_space<hbm>>) dst(%dma_wait3A_1109 : memref<16xf32, #tpu.memory_space<vmem>>)
    %dma_wait3A_1112 = arith.constant 288 : i32
    %dma_wait3A_1113 = tpu.memref_slice %arg8[%dma_wait3A_1112] : memref<1024xf32, #tpu.memory_space<vmem>> -> memref<16xf32, #tpu.memory_space<vmem>>
    %dma_wait3A_1114 = tpu.memref_slice %arg2[%add3A_285, %multiple_of3A_283] : memref<2048x32000xf32, #tpu.memory_space<hbm>> -> memref<1x16xf32, #tpu.memory_space<hbm>>
    %dma_wait3A_1115 = tpu.memref_squeeze %dma_wait3A_1114 : memref<1x16xf32, #tpu.memory_space<hbm>> -> memref<16xf32, #tpu.memory_space<hbm>>
    %dma_wait3A_1116 = arith.constant 288 : i32
    %dma_wait3A_1117 = tpu.memref_slice %arg8[%dma_wait3A_1116] : memref<1024xf32, #tpu.memory_space<vmem>> -> memref<16xf32, #tpu.memory_space<vmem>>
    %dma_wait3A_1118 = tpu.memref_slice %arg2[%add3A_285, %multiple_of3A_283] : memref<2048x32000xf32, #tpu.memory_space<hbm>> -> memref<1x16xf32, #tpu.memory_space<hbm>>
    %dma_wait3A_1119 = tpu.memref_squeeze %dma_wait3A_1118 : memref<1x16xf32, #tpu.memory_space<hbm>> -> memref<16xf32, #tpu.memory_space<hbm>>
    tpu.wait_dma2 semaphore(%arg10 : memref<!tpu.dma_semaphore, #tpu.memory_space<semaphore_mem>>) src(%dma_wait3A_1119 : memref<16xf32, #tpu.memory_space<hbm>>) dst(%dma_wait3A_1117 : memref<16xf32, #tpu.memory_space<vmem>>)
    %dma_wait3A_1120 = arith.constant 304 : i32
    %dma_wait3A_1121 = tpu.memref_slice %arg8[%dma_wait3A_1120] : memref<1024xf32, #tpu.memory_space<vmem>> -> memref<16xf32, #tpu.memory_space<vmem>>
    %dma_wait3A_1122 = tpu.memref_slice %arg2[%add3A_300, %multiple_of3A_298] : memref<2048x32000xf32, #tpu.memory_space<hbm>> -> memref<1x16xf32, #tpu.memory_space<hbm>>
    %dma_wait3A_1123 = tpu.memref_squeeze %dma_wait3A_1122 : memref<1x16xf32, #tpu.memory_space<hbm>> -> memref<16xf32, #tpu.memory_space<hbm>>
    %dma_wait3A_1124 = arith.constant 304 : i32
    %dma_wait3A_1125 = tpu.memref_slice %arg8[%dma_wait3A_1124] : memref<1024xf32, #tpu.memory_space<vmem>> -> memref<16xf32, #tpu.memory_space<vmem>>
    %dma_wait3A_1126 = tpu.memref_slice %arg2[%add3A_300, %multiple_of3A_298] : memref<2048x32000xf32, #tpu.memory_space<hbm>> -> memref<1x16xf32, #tpu.memory_space<hbm>>
    %dma_wait3A_1127 = tpu.memref_squeeze %dma_wait3A_1126 : memref<1x16xf32, #tpu.memory_space<hbm>> -> memref<16xf32, #tpu.memory_space<hbm>>
    tpu.wait_dma2 semaphore(%arg10 : memref<!tpu.dma_semaphore, #tpu.memory_space<semaphore_mem>>) src(%dma_wait3A_1127 : memref<16xf32, #tpu.memory_space<hbm>>) dst(%dma_wait3A_1125 : memref<16xf32, #tpu.memory_space<vmem>>)
    %dma_wait3A_1128 = arith.constant 320 : i32
    %dma_wait3A_1129 = tpu.memref_slice %arg8[%dma_wait3A_1128] : memref<1024xf32, #tpu.memory_space<vmem>> -> memref<16xf32, #tpu.memory_space<vmem>>
    %dma_wait3A_1130 = tpu.memref_slice %arg2[%add3A_315, %multiple_of3A_313] : memref<2048x32000xf32, #tpu.memory_space<hbm>> -> memref<1x16xf32, #tpu.memory_space<hbm>>
    %dma_wait3A_1131 = tpu.memref_squeeze %dma_wait3A_1130 : memref<1x16xf32, #tpu.memory_space<hbm>> -> memref<16xf32, #tpu.memory_space<hbm>>
    %dma_wait3A_1132 = arith.constant 320 : i32
    %dma_wait3A_1133 = tpu.memref_slice %arg8[%dma_wait3A_1132] : memref<1024xf32, #tpu.memory_space<vmem>> -> memref<16xf32, #tpu.memory_space<vmem>>
    %dma_wait3A_1134 = tpu.memref_slice %arg2[%add3A_315, %multiple_of3A_313] : memref<2048x32000xf32, #tpu.memory_space<hbm>> -> memref<1x16xf32, #tpu.memory_space<hbm>>
    %dma_wait3A_1135 = tpu.memref_squeeze %dma_wait3A_1134 : memref<1x16xf32, #tpu.memory_space<hbm>> -> memref<16xf32, #tpu.memory_space<hbm>>
    tpu.wait_dma2 semaphore(%arg10 : memref<!tpu.dma_semaphore, #tpu.memory_space<semaphore_mem>>) src(%dma_wait3A_1135 : memref<16xf32, #tpu.memory_space<hbm>>) dst(%dma_wait3A_1133 : memref<16xf32, #tpu.memory_space<vmem>>)
    %dma_wait3A_1136 = arith.constant 336 : i32
    %dma_wait3A_1137 = tpu.memref_slice %arg8[%dma_wait3A_1136] : memref<1024xf32, #tpu.memory_space<vmem>> -> memref<16xf32, #tpu.memory_space<vmem>>
    %dma_wait3A_1138 = tpu.memref_slice %arg2[%add3A_330, %multiple_of3A_328] : memref<2048x32000xf32, #tpu.memory_space<hbm>> -> memref<1x16xf32, #tpu.memory_space<hbm>>
    %dma_wait3A_1139 = tpu.memref_squeeze %dma_wait3A_1138 : memref<1x16xf32, #tpu.memory_space<hbm>> -> memref<16xf32, #tpu.memory_space<hbm>>
    %dma_wait3A_1140 = arith.constant 336 : i32
    %dma_wait3A_1141 = tpu.memref_slice %arg8[%dma_wait3A_1140] : memref<1024xf32, #tpu.memory_space<vmem>> -> memref<16xf32, #tpu.memory_space<vmem>>
    %dma_wait3A_1142 = tpu.memref_slice %arg2[%add3A_330, %multiple_of3A_328] : memref<2048x32000xf32, #tpu.memory_space<hbm>> -> memref<1x16xf32, #tpu.memory_space<hbm>>
    %dma_wait3A_1143 = tpu.memref_squeeze %dma_wait3A_1142 : memref<1x16xf32, #tpu.memory_space<hbm>> -> memref<16xf32, #tpu.memory_space<hbm>>
    tpu.wait_dma2 semaphore(%arg10 : memref<!tpu.dma_semaphore, #tpu.memory_space<semaphore_mem>>) src(%dma_wait3A_1143 : memref<16xf32, #tpu.memory_space<hbm>>) dst(%dma_wait3A_1141 : memref<16xf32, #tpu.memory_space<vmem>>)
    %dma_wait3A_1144 = arith.constant 352 : i32
    %dma_wait3A_1145 = tpu.memref_slice %arg8[%dma_wait3A_1144] : memref<1024xf32, #tpu.memory_space<vmem>> -> memref<16xf32, #tpu.memory_space<vmem>>
    %dma_wait3A_1146 = tpu.memref_slice %arg2[%add3A_345, %multiple_of3A_343] : memref<2048x32000xf32, #tpu.memory_space<hbm>> -> memref<1x16xf32, #tpu.memory_space<hbm>>
    %dma_wait3A_1147 = tpu.memref_squeeze %dma_wait3A_1146 : memref<1x16xf32, #tpu.memory_space<hbm>> -> memref<16xf32, #tpu.memory_space<hbm>>
    %dma_wait3A_1148 = arith.constant 352 : i32
    %dma_wait3A_1149 = tpu.memref_slice %arg8[%dma_wait3A_1148] : memref<1024xf32, #tpu.memory_space<vmem>> -> memref<16xf32, #tpu.memory_space<vmem>>
    %dma_wait3A_1150 = tpu.memref_slice %arg2[%add3A_345, %multiple_of3A_343] : memref<2048x32000xf32, #tpu.memory_space<hbm>> -> memref<1x16xf32, #tpu.memory_space<hbm>>
    %dma_wait3A_1151 = tpu.memref_squeeze %dma_wait3A_1150 : memref<1x16xf32, #tpu.memory_space<hbm>> -> memref<16xf32, #tpu.memory_space<hbm>>
    tpu.wait_dma2 semaphore(%arg10 : memref<!tpu.dma_semaphore, #tpu.memory_space<semaphore_mem>>) src(%dma_wait3A_1151 : memref<16xf32, #tpu.memory_space<hbm>>) dst(%dma_wait3A_1149 : memref<16xf32, #tpu.memory_space<vmem>>)
    %dma_wait3A_1152 = arith.constant 368 : i32
    %dma_wait3A_1153 = tpu.memref_slice %arg8[%dma_wait3A_1152] : memref<1024xf32, #tpu.memory_space<vmem>> -> memref<16xf32, #tpu.memory_space<vmem>>
    %dma_wait3A_1154 = tpu.memref_slice %arg2[%add3A_360, %multiple_of3A_358] : memref<2048x32000xf32, #tpu.memory_space<hbm>> -> memref<1x16xf32, #tpu.memory_space<hbm>>
    %dma_wait3A_1155 = tpu.memref_squeeze %dma_wait3A_1154 : memref<1x16xf32, #tpu.memory_space<hbm>> -> memref<16xf32, #tpu.memory_space<hbm>>
    %dma_wait3A_1156 = arith.constant 368 : i32
    %dma_wait3A_1157 = tpu.memref_slice %arg8[%dma_wait3A_1156] : memref<1024xf32, #tpu.memory_space<vmem>> -> memref<16xf32, #tpu.memory_space<vmem>>
    %dma_wait3A_1158 = tpu.memref_slice %arg2[%add3A_360, %multiple_of3A_358] : memref<2048x32000xf32, #tpu.memory_space<hbm>> -> memref<1x16xf32, #tpu.memory_space<hbm>>
    %dma_wait3A_1159 = tpu.memref_squeeze %dma_wait3A_1158 : memref<1x16xf32, #tpu.memory_space<hbm>> -> memref<16xf32, #tpu.memory_space<hbm>>
    tpu.wait_dma2 semaphore(%arg10 : memref<!tpu.dma_semaphore, #tpu.memory_space<semaphore_mem>>) src(%dma_wait3A_1159 : memref<16xf32, #tpu.memory_space<hbm>>) dst(%dma_wait3A_1157 : memref<16xf32, #tpu.memory_space<vmem>>)
    %dma_wait3A_1160 = arith.constant 384 : i32
    %dma_wait3A_1161 = tpu.memref_slice %arg8[%dma_wait3A_1160] : memref<1024xf32, #tpu.memory_space<vmem>> -> memref<16xf32, #tpu.memory_space<vmem>>
    %dma_wait3A_1162 = tpu.memref_slice %arg2[%add3A_375, %multiple_of3A_373] : memref<2048x32000xf32, #tpu.memory_space<hbm>> -> memref<1x16xf32, #tpu.memory_space<hbm>>
    %dma_wait3A_1163 = tpu.memref_squeeze %dma_wait3A_1162 : memref<1x16xf32, #tpu.memory_space<hbm>> -> memref<16xf32, #tpu.memory_space<hbm>>
    %dma_wait3A_1164 = arith.constant 384 : i32
    %dma_wait3A_1165 = tpu.memref_slice %arg8[%dma_wait3A_1164] : memref<1024xf32, #tpu.memory_space<vmem>> -> memref<16xf32, #tpu.memory_space<vmem>>
    %dma_wait3A_1166 = tpu.memref_slice %arg2[%add3A_375, %multiple_of3A_373] : memref<2048x32000xf32, #tpu.memory_space<hbm>> -> memref<1x16xf32, #tpu.memory_space<hbm>>
    %dma_wait3A_1167 = tpu.memref_squeeze %dma_wait3A_1166 : memref<1x16xf32, #tpu.memory_space<hbm>> -> memref<16xf32, #tpu.memory_space<hbm>>
    tpu.wait_dma2 semaphore(%arg10 : memref<!tpu.dma_semaphore, #tpu.memory_space<semaphore_mem>>) src(%dma_wait3A_1167 : memref<16xf32, #tpu.memory_space<hbm>>) dst(%dma_wait3A_1165 : memref<16xf32, #tpu.memory_space<vmem>>)
    %dma_wait3A_1168 = arith.constant 400 : i32
    %dma_wait3A_1169 = tpu.memref_slice %arg8[%dma_wait3A_1168] : memref<1024xf32, #tpu.memory_space<vmem>> -> memref<16xf32, #tpu.memory_space<vmem>>
    %dma_wait3A_1170 = tpu.memref_slice %arg2[%add3A_390, %multiple_of3A_388] : memref<2048x32000xf32, #tpu.memory_space<hbm>> -> memref<1x16xf32, #tpu.memory_space<hbm>>
    %dma_wait3A_1171 = tpu.memref_squeeze %dma_wait3A_1170 : memref<1x16xf32, #tpu.memory_space<hbm>> -> memref<16xf32, #tpu.memory_space<hbm>>
    %dma_wait3A_1172 = arith.constant 400 : i32
    %dma_wait3A_1173 = tpu.memref_slice %arg8[%dma_wait3A_1172] : memref<1024xf32, #tpu.memory_space<vmem>> -> memref<16xf32, #tpu.memory_space<vmem>>
    %dma_wait3A_1174 = tpu.memref_slice %arg2[%add3A_390, %multiple_of3A_388] : memref<2048x32000xf32, #tpu.memory_space<hbm>> -> memref<1x16xf32, #tpu.memory_space<hbm>>
    %dma_wait3A_1175 = tpu.memref_squeeze %dma_wait3A_1174 : memref<1x16xf32, #tpu.memory_space<hbm>> -> memref<16xf32, #tpu.memory_space<hbm>>
    tpu.wait_dma2 semaphore(%arg10 : memref<!tpu.dma_semaphore, #tpu.memory_space<semaphore_mem>>) src(%dma_wait3A_1175 : memref<16xf32, #tpu.memory_space<hbm>>) dst(%dma_wait3A_1173 : memref<16xf32, #tpu.memory_space<vmem>>)
    %dma_wait3A_1176 = arith.constant 416 : i32
    %dma_wait3A_1177 = tpu.memref_slice %arg8[%dma_wait3A_1176] : memref<1024xf32, #tpu.memory_space<vmem>> -> memref<16xf32, #tpu.memory_space<vmem>>
    %dma_wait3A_1178 = tpu.memref_slice %arg2[%add3A_405, %multiple_of3A_403] : memref<2048x32000xf32, #tpu.memory_space<hbm>> -> memref<1x16xf32, #tpu.memory_space<hbm>>
    %dma_wait3A_1179 = tpu.memref_squeeze %dma_wait3A_1178 : memref<1x16xf32, #tpu.memory_space<hbm>> -> memref<16xf32, #tpu.memory_space<hbm>>
    %dma_wait3A_1180 = arith.constant 416 : i32
    %dma_wait3A_1181 = tpu.memref_slice %arg8[%dma_wait3A_1180] : memref<1024xf32, #tpu.memory_space<vmem>> -> memref<16xf32, #tpu.memory_space<vmem>>
    %dma_wait3A_1182 = tpu.memref_slice %arg2[%add3A_405, %multiple_of3A_403] : memref<2048x32000xf32, #tpu.memory_space<hbm>> -> memref<1x16xf32, #tpu.memory_space<hbm>>
    %dma_wait3A_1183 = tpu.memref_squeeze %dma_wait3A_1182 : memref<1x16xf32, #tpu.memory_space<hbm>> -> memref<16xf32, #tpu.memory_space<hbm>>
    tpu.wait_dma2 semaphore(%arg10 : memref<!tpu.dma_semaphore, #tpu.memory_space<semaphore_mem>>) src(%dma_wait3A_1183 : memref<16xf32, #tpu.memory_space<hbm>>) dst(%dma_wait3A_1181 : memref<16xf32, #tpu.memory_space<vmem>>)
    %dma_wait3A_1184 = arith.constant 432 : i32
    %dma_wait3A_1185 = tpu.memref_slice %arg8[%dma_wait3A_1184] : memref<1024xf32, #tpu.memory_space<vmem>> -> memref<16xf32, #tpu.memory_space<vmem>>
    %dma_wait3A_1186 = tpu.memref_slice %arg2[%add3A_420, %multiple_of3A_418] : memref<2048x32000xf32, #tpu.memory_space<hbm>> -> memref<1x16xf32, #tpu.memory_space<hbm>>
    %dma_wait3A_1187 = tpu.memref_squeeze %dma_wait3A_1186 : memref<1x16xf32, #tpu.memory_space<hbm>> -> memref<16xf32, #tpu.memory_space<hbm>>
    %dma_wait3A_1188 = arith.constant 432 : i32
    %dma_wait3A_1189 = tpu.memref_slice %arg8[%dma_wait3A_1188] : memref<1024xf32, #tpu.memory_space<vmem>> -> memref<16xf32, #tpu.memory_space<vmem>>
    %dma_wait3A_1190 = tpu.memref_slice %arg2[%add3A_420, %multiple_of3A_418] : memref<2048x32000xf32, #tpu.memory_space<hbm>> -> memref<1x16xf32, #tpu.memory_space<hbm>>
    %dma_wait3A_1191 = tpu.memref_squeeze %dma_wait3A_1190 : memref<1x16xf32, #tpu.memory_space<hbm>> -> memref<16xf32, #tpu.memory_space<hbm>>
    tpu.wait_dma2 semaphore(%arg10 : memref<!tpu.dma_semaphore, #tpu.memory_space<semaphore_mem>>) src(%dma_wait3A_1191 : memref<16xf32, #tpu.memory_space<hbm>>) dst(%dma_wait3A_1189 : memref<16xf32, #tpu.memory_space<vmem>>)
    %dma_wait3A_1192 = arith.constant 448 : i32
    %dma_wait3A_1193 = tpu.memref_slice %arg8[%dma_wait3A_1192] : memref<1024xf32, #tpu.memory_space<vmem>> -> memref<16xf32, #tpu.memory_space<vmem>>
    %dma_wait3A_1194 = tpu.memref_slice %arg2[%add3A_435, %multiple_of3A_433] : memref<2048x32000xf32, #tpu.memory_space<hbm>> -> memref<1x16xf32, #tpu.memory_space<hbm>>
    %dma_wait3A_1195 = tpu.memref_squeeze %dma_wait3A_1194 : memref<1x16xf32, #tpu.memory_space<hbm>> -> memref<16xf32, #tpu.memory_space<hbm>>
    %dma_wait3A_1196 = arith.constant 448 : i32
    %dma_wait3A_1197 = tpu.memref_slice %arg8[%dma_wait3A_1196] : memref<1024xf32, #tpu.memory_space<vmem>> -> memref<16xf32, #tpu.memory_space<vmem>>
    %dma_wait3A_1198 = tpu.memref_slice %arg2[%add3A_435, %multiple_of3A_433] : memref<2048x32000xf32, #tpu.memory_space<hbm>> -> memref<1x16xf32, #tpu.memory_space<hbm>>
    %dma_wait3A_1199 = tpu.memref_squeeze %dma_wait3A_1198 : memref<1x16xf32, #tpu.memory_space<hbm>> -> memref<16xf32, #tpu.memory_space<hbm>>
    tpu.wait_dma2 semaphore(%arg10 : memref<!tpu.dma_semaphore, #tpu.memory_space<semaphore_mem>>) src(%dma_wait3A_1199 : memref<16xf32, #tpu.memory_space<hbm>>) dst(%dma_wait3A_1197 : memref<16xf32, #tpu.memory_space<vmem>>)
    %dma_wait3A_1200 = arith.constant 464 : i32
    %dma_wait3A_1201 = tpu.memref_slice %arg8[%dma_wait3A_1200] : memref<1024xf32, #tpu.memory_space<vmem>> -> memref<16xf32, #tpu.memory_space<vmem>>
    %dma_wait3A_1202 = tpu.memref_slice %arg2[%add3A_450, %multiple_of3A_448] : memref<2048x32000xf32, #tpu.memory_space<hbm>> -> memref<1x16xf32, #tpu.memory_space<hbm>>
    %dma_wait3A_1203 = tpu.memref_squeeze %dma_wait3A_1202 : memref<1x16xf32, #tpu.memory_space<hbm>> -> memref<16xf32, #tpu.memory_space<hbm>>
    %dma_wait3A_1204 = arith.constant 464 : i32
    %dma_wait3A_1205 = tpu.memref_slice %arg8[%dma_wait3A_1204] : memref<1024xf32, #tpu.memory_space<vmem>> -> memref<16xf32, #tpu.memory_space<vmem>>
    %dma_wait3A_1206 = tpu.memref_slice %arg2[%add3A_450, %multiple_of3A_448] : memref<2048x32000xf32, #tpu.memory_space<hbm>> -> memref<1x16xf32, #tpu.memory_space<hbm>>
    %dma_wait3A_1207 = tpu.memref_squeeze %dma_wait3A_1206 : memref<1x16xf32, #tpu.memory_space<hbm>> -> memref<16xf32, #tpu.memory_space<hbm>>
    tpu.wait_dma2 semaphore(%arg10 : memref<!tpu.dma_semaphore, #tpu.memory_space<semaphore_mem>>) src(%dma_wait3A_1207 : memref<16xf32, #tpu.memory_space<hbm>>) dst(%dma_wait3A_1205 : memref<16xf32, #tpu.memory_space<vmem>>)
    %dma_wait3A_1208 = arith.constant 480 : i32
    %dma_wait3A_1209 = tpu.memref_slice %arg8[%dma_wait3A_1208] : memref<1024xf32, #tpu.memory_space<vmem>> -> memref<16xf32, #tpu.memory_space<vmem>>
    %dma_wait3A_1210 = tpu.memref_slice %arg2[%add3A_465, %multiple_of3A_463] : memref<2048x32000xf32, #tpu.memory_space<hbm>> -> memref<1x16xf32, #tpu.memory_space<hbm>>
    %dma_wait3A_1211 = tpu.memref_squeeze %dma_wait3A_1210 : memref<1x16xf32, #tpu.memory_space<hbm>> -> memref<16xf32, #tpu.memory_space<hbm>>
    %dma_wait3A_1212 = arith.constant 480 : i32
    %dma_wait3A_1213 = tpu.memref_slice %arg8[%dma_wait3A_1212] : memref<1024xf32, #tpu.memory_space<vmem>> -> memref<16xf32, #tpu.memory_space<vmem>>
    %dma_wait3A_1214 = tpu.memref_slice %arg2[%add3A_465, %multiple_of3A_463] : memref<2048x32000xf32, #tpu.memory_space<hbm>> -> memref<1x16xf32, #tpu.memory_space<hbm>>
    %dma_wait3A_1215 = tpu.memref_squeeze %dma_wait3A_1214 : memref<1x16xf32, #tpu.memory_space<hbm>> -> memref<16xf32, #tpu.memory_space<hbm>>
    tpu.wait_dma2 semaphore(%arg10 : memref<!tpu.dma_semaphore, #tpu.memory_space<semaphore_mem>>) src(%dma_wait3A_1215 : memref<16xf32, #tpu.memory_space<hbm>>) dst(%dma_wait3A_1213 : memref<16xf32, #tpu.memory_space<vmem>>)
    %dma_wait3A_1216 = arith.constant 496 : i32
    %dma_wait3A_1217 = tpu.memref_slice %arg8[%dma_wait3A_1216] : memref<1024xf32, #tpu.memory_space<vmem>> -> memref<16xf32, #tpu.memory_space<vmem>>
    %dma_wait3A_1218 = tpu.memref_slice %arg2[%add3A_480, %multiple_of3A_478] : memref<2048x32000xf32, #tpu.memory_space<hbm>> -> memref<1x16xf32, #tpu.memory_space<hbm>>
    %dma_wait3A_1219 = tpu.memref_squeeze %dma_wait3A_1218 : memref<1x16xf32, #tpu.memory_space<hbm>> -> memref<16xf32, #tpu.memory_space<hbm>>
    %dma_wait3A_1220 = arith.constant 496 : i32
    %dma_wait3A_1221 = tpu.memref_slice %arg8[%dma_wait3A_1220] : memref<1024xf32, #tpu.memory_space<vmem>> -> memref<16xf32, #tpu.memory_space<vmem>>
    %dma_wait3A_1222 = tpu.memref_slice %arg2[%add3A_480, %multiple_of3A_478] : memref<2048x32000xf32, #tpu.memory_space<hbm>> -> memref<1x16xf32, #tpu.memory_space<hbm>>
    %dma_wait3A_1223 = tpu.memref_squeeze %dma_wait3A_1222 : memref<1x16xf32, #tpu.memory_space<hbm>> -> memref<16xf32, #tpu.memory_space<hbm>>
    tpu.wait_dma2 semaphore(%arg10 : memref<!tpu.dma_semaphore, #tpu.memory_space<semaphore_mem>>) src(%dma_wait3A_1223 : memref<16xf32, #tpu.memory_space<hbm>>) dst(%dma_wait3A_1221 : memref<16xf32, #tpu.memory_space<vmem>>)
    %dma_wait3A_1224 = arith.constant 512 : i32
    %dma_wait3A_1225 = tpu.memref_slice %arg8[%dma_wait3A_1224] : memref<1024xf32, #tpu.memory_space<vmem>> -> memref<16xf32, #tpu.memory_space<vmem>>
    %dma_wait3A_1226 = tpu.memref_slice %arg2[%add3A_495, %multiple_of3A_493] : memref<2048x32000xf32, #tpu.memory_space<hbm>> -> memref<1x16xf32, #tpu.memory_space<hbm>>
    %dma_wait3A_1227 = tpu.memref_squeeze %dma_wait3A_1226 : memref<1x16xf32, #tpu.memory_space<hbm>> -> memref<16xf32, #tpu.memory_space<hbm>>
    %dma_wait3A_1228 = arith.constant 512 : i32
    %dma_wait3A_1229 = tpu.memref_slice %arg8[%dma_wait3A_1228] : memref<1024xf32, #tpu.memory_space<vmem>> -> memref<16xf32, #tpu.memory_space<vmem>>
    %dma_wait3A_1230 = tpu.memref_slice %arg2[%add3A_495, %multiple_of3A_493] : memref<2048x32000xf32, #tpu.memory_space<hbm>> -> memref<1x16xf32, #tpu.memory_space<hbm>>
    %dma_wait3A_1231 = tpu.memref_squeeze %dma_wait3A_1230 : memref<1x16xf32, #tpu.memory_space<hbm>> -> memref<16xf32, #tpu.memory_space<hbm>>
    tpu.wait_dma2 semaphore(%arg10 : memref<!tpu.dma_semaphore, #tpu.memory_space<semaphore_mem>>) src(%dma_wait3A_1231 : memref<16xf32, #tpu.memory_space<hbm>>) dst(%dma_wait3A_1229 : memref<16xf32, #tpu.memory_space<vmem>>)
    %dma_wait3A_1232 = arith.constant 528 : i32
    %dma_wait3A_1233 = tpu.memref_slice %arg8[%dma_wait3A_1232] : memref<1024xf32, #tpu.memory_space<vmem>> -> memref<16xf32, #tpu.memory_space<vmem>>
    %dma_wait3A_1234 = tpu.memref_slice %arg2[%add3A_510, %multiple_of3A_508] : memref<2048x32000xf32, #tpu.memory_space<hbm>> -> memref<1x16xf32, #tpu.memory_space<hbm>>
    %dma_wait3A_1235 = tpu.memref_squeeze %dma_wait3A_1234 : memref<1x16xf32, #tpu.memory_space<hbm>> -> memref<16xf32, #tpu.memory_space<hbm>>
    %dma_wait3A_1236 = arith.constant 528 : i32
    %dma_wait3A_1237 = tpu.memref_slice %arg8[%dma_wait3A_1236] : memref<1024xf32, #tpu.memory_space<vmem>> -> memref<16xf32, #tpu.memory_space<vmem>>
    %dma_wait3A_1238 = tpu.memref_slice %arg2[%add3A_510, %multiple_of3A_508] : memref<2048x32000xf32, #tpu.memory_space<hbm>> -> memref<1x16xf32, #tpu.memory_space<hbm>>
    %dma_wait3A_1239 = tpu.memref_squeeze %dma_wait3A_1238 : memref<1x16xf32, #tpu.memory_space<hbm>> -> memref<16xf32, #tpu.memory_space<hbm>>
    tpu.wait_dma2 semaphore(%arg10 : memref<!tpu.dma_semaphore, #tpu.memory_space<semaphore_mem>>) src(%dma_wait3A_1239 : memref<16xf32, #tpu.memory_space<hbm>>) dst(%dma_wait3A_1237 : memref<16xf32, #tpu.memory_space<vmem>>)
    %dma_wait3A_1240 = arith.constant 544 : i32
    %dma_wait3A_1241 = tpu.memref_slice %arg8[%dma_wait3A_1240] : memref<1024xf32, #tpu.memory_space<vmem>> -> memref<16xf32, #tpu.memory_space<vmem>>
    %dma_wait3A_1242 = tpu.memref_slice %arg2[%add3A_525, %multiple_of3A_523] : memref<2048x32000xf32, #tpu.memory_space<hbm>> -> memref<1x16xf32, #tpu.memory_space<hbm>>
    %dma_wait3A_1243 = tpu.memref_squeeze %dma_wait3A_1242 : memref<1x16xf32, #tpu.memory_space<hbm>> -> memref<16xf32, #tpu.memory_space<hbm>>
    %dma_wait3A_1244 = arith.constant 544 : i32
    %dma_wait3A_1245 = tpu.memref_slice %arg8[%dma_wait3A_1244] : memref<1024xf32, #tpu.memory_space<vmem>> -> memref<16xf32, #tpu.memory_space<vmem>>
    %dma_wait3A_1246 = tpu.memref_slice %arg2[%add3A_525, %multiple_of3A_523] : memref<2048x32000xf32, #tpu.memory_space<hbm>> -> memref<1x16xf32, #tpu.memory_space<hbm>>
    %dma_wait3A_1247 = tpu.memref_squeeze %dma_wait3A_1246 : memref<1x16xf32, #tpu.memory_space<hbm>> -> memref<16xf32, #tpu.memory_space<hbm>>
    tpu.wait_dma2 semaphore(%arg10 : memref<!tpu.dma_semaphore, #tpu.memory_space<semaphore_mem>>) src(%dma_wait3A_1247 : memref<16xf32, #tpu.memory_space<hbm>>) dst(%dma_wait3A_1245 : memref<16xf32, #tpu.memory_space<vmem>>)
    %dma_wait3A_1248 = arith.constant 560 : i32
    %dma_wait3A_1249 = tpu.memref_slice %arg8[%dma_wait3A_1248] : memref<1024xf32, #tpu.memory_space<vmem>> -> memref<16xf32, #tpu.memory_space<vmem>>
    %dma_wait3A_1250 = tpu.memref_slice %arg2[%add3A_540, %multiple_of3A_538] : memref<2048x32000xf32, #tpu.memory_space<hbm>> -> memref<1x16xf32, #tpu.memory_space<hbm>>
    %dma_wait3A_1251 = tpu.memref_squeeze %dma_wait3A_1250 : memref<1x16xf32, #tpu.memory_space<hbm>> -> memref<16xf32, #tpu.memory_space<hbm>>
    %dma_wait3A_1252 = arith.constant 560 : i32
    %dma_wait3A_1253 = tpu.memref_slice %arg8[%dma_wait3A_1252] : memref<1024xf32, #tpu.memory_space<vmem>> -> memref<16xf32, #tpu.memory_space<vmem>>
    %dma_wait3A_1254 = tpu.memref_slice %arg2[%add3A_540, %multiple_of3A_538] : memref<2048x32000xf32, #tpu.memory_space<hbm>> -> memref<1x16xf32, #tpu.memory_space<hbm>>
    %dma_wait3A_1255 = tpu.memref_squeeze %dma_wait3A_1254 : memref<1x16xf32, #tpu.memory_space<hbm>> -> memref<16xf32, #tpu.memory_space<hbm>>
    tpu.wait_dma2 semaphore(%arg10 : memref<!tpu.dma_semaphore, #tpu.memory_space<semaphore_mem>>) src(%dma_wait3A_1255 : memref<16xf32, #tpu.memory_space<hbm>>) dst(%dma_wait3A_1253 : memref<16xf32, #tpu.memory_space<vmem>>)
    %dma_wait3A_1256 = arith.constant 576 : i32
    %dma_wait3A_1257 = tpu.memref_slice %arg8[%dma_wait3A_1256] : memref<1024xf32, #tpu.memory_space<vmem>> -> memref<16xf32, #tpu.memory_space<vmem>>
    %dma_wait3A_1258 = tpu.memref_slice %arg2[%add3A_555, %multiple_of3A_553] : memref<2048x32000xf32, #tpu.memory_space<hbm>> -> memref<1x16xf32, #tpu.memory_space<hbm>>
    %dma_wait3A_1259 = tpu.memref_squeeze %dma_wait3A_1258 : memref<1x16xf32, #tpu.memory_space<hbm>> -> memref<16xf32, #tpu.memory_space<hbm>>
    %dma_wait3A_1260 = arith.constant 576 : i32
    %dma_wait3A_1261 = tpu.memref_slice %arg8[%dma_wait3A_1260] : memref<1024xf32, #tpu.memory_space<vmem>> -> memref<16xf32, #tpu.memory_space<vmem>>
    %dma_wait3A_1262 = tpu.memref_slice %arg2[%add3A_555, %multiple_of3A_553] : memref<2048x32000xf32, #tpu.memory_space<hbm>> -> memref<1x16xf32, #tpu.memory_space<hbm>>
    %dma_wait3A_1263 = tpu.memref_squeeze %dma_wait3A_1262 : memref<1x16xf32, #tpu.memory_space<hbm>> -> memref<16xf32, #tpu.memory_space<hbm>>
    tpu.wait_dma2 semaphore(%arg10 : memref<!tpu.dma_semaphore, #tpu.memory_space<semaphore_mem>>) src(%dma_wait3A_1263 : memref<16xf32, #tpu.memory_space<hbm>>) dst(%dma_wait3A_1261 : memref<16xf32, #tpu.memory_space<vmem>>)
    %dma_wait3A_1264 = arith.constant 592 : i32
    %dma_wait3A_1265 = tpu.memref_slice %arg8[%dma_wait3A_1264] : memref<1024xf32, #tpu.memory_space<vmem>> -> memref<16xf32, #tpu.memory_space<vmem>>
    %dma_wait3A_1266 = tpu.memref_slice %arg2[%add3A_570, %multiple_of3A_568] : memref<2048x32000xf32, #tpu.memory_space<hbm>> -> memref<1x16xf32, #tpu.memory_space<hbm>>
    %dma_wait3A_1267 = tpu.memref_squeeze %dma_wait3A_1266 : memref<1x16xf32, #tpu.memory_space<hbm>> -> memref<16xf32, #tpu.memory_space<hbm>>
    %dma_wait3A_1268 = arith.constant 592 : i32
    %dma_wait3A_1269 = tpu.memref_slice %arg8[%dma_wait3A_1268] : memref<1024xf32, #tpu.memory_space<vmem>> -> memref<16xf32, #tpu.memory_space<vmem>>
    %dma_wait3A_1270 = tpu.memref_slice %arg2[%add3A_570, %multiple_of3A_568] : memref<2048x32000xf32, #tpu.memory_space<hbm>> -> memref<1x16xf32, #tpu.memory_space<hbm>>
    %dma_wait3A_1271 = tpu.memref_squeeze %dma_wait3A_1270 : memref<1x16xf32, #tpu.memory_space<hbm>> -> memref<16xf32, #tpu.memory_space<hbm>>
    tpu.wait_dma2 semaphore(%arg10 : memref<!tpu.dma_semaphore, #tpu.memory_space<semaphore_mem>>) src(%dma_wait3A_1271 : memref<16xf32, #tpu.memory_space<hbm>>) dst(%dma_wait3A_1269 : memref<16xf32, #tpu.memory_space<vmem>>)
    %dma_wait3A_1272 = arith.constant 608 : i32
    %dma_wait3A_1273 = tpu.memref_slice %arg8[%dma_wait3A_1272] : memref<1024xf32, #tpu.memory_space<vmem>> -> memref<16xf32, #tpu.memory_space<vmem>>
    %dma_wait3A_1274 = tpu.memref_slice %arg2[%add3A_585, %multiple_of3A_583] : memref<2048x32000xf32, #tpu.memory_space<hbm>> -> memref<1x16xf32, #tpu.memory_space<hbm>>
    %dma_wait3A_1275 = tpu.memref_squeeze %dma_wait3A_1274 : memref<1x16xf32, #tpu.memory_space<hbm>> -> memref<16xf32, #tpu.memory_space<hbm>>
    %dma_wait3A_1276 = arith.constant 608 : i32
    %dma_wait3A_1277 = tpu.memref_slice %arg8[%dma_wait3A_1276] : memref<1024xf32, #tpu.memory_space<vmem>> -> memref<16xf32, #tpu.memory_space<vmem>>
    %dma_wait3A_1278 = tpu.memref_slice %arg2[%add3A_585, %multiple_of3A_583] : memref<2048x32000xf32, #tpu.memory_space<hbm>> -> memref<1x16xf32, #tpu.memory_space<hbm>>
    %dma_wait3A_1279 = tpu.memref_squeeze %dma_wait3A_1278 : memref<1x16xf32, #tpu.memory_space<hbm>> -> memref<16xf32, #tpu.memory_space<hbm>>
    tpu.wait_dma2 semaphore(%arg10 : memref<!tpu.dma_semaphore, #tpu.memory_space<semaphore_mem>>) src(%dma_wait3A_1279 : memref<16xf32, #tpu.memory_space<hbm>>) dst(%dma_wait3A_1277 : memref<16xf32, #tpu.memory_space<vmem>>)
    %dma_wait3A_1280 = arith.constant 624 : i32
    %dma_wait3A_1281 = tpu.memref_slice %arg8[%dma_wait3A_1280] : memref<1024xf32, #tpu.memory_space<vmem>> -> memref<16xf32, #tpu.memory_space<vmem>>
    %dma_wait3A_1282 = tpu.memref_slice %arg2[%add3A_600, %multiple_of3A_598] : memref<2048x32000xf32, #tpu.memory_space<hbm>> -> memref<1x16xf32, #tpu.memory_space<hbm>>
    %dma_wait3A_1283 = tpu.memref_squeeze %dma_wait3A_1282 : memref<1x16xf32, #tpu.memory_space<hbm>> -> memref<16xf32, #tpu.memory_space<hbm>>
    %dma_wait3A_1284 = arith.constant 624 : i32
    %dma_wait3A_1285 = tpu.memref_slice %arg8[%dma_wait3A_1284] : memref<1024xf32, #tpu.memory_space<vmem>> -> memref<16xf32, #tpu.memory_space<vmem>>
    %dma_wait3A_1286 = tpu.memref_slice %arg2[%add3A_600, %multiple_of3A_598] : memref<2048x32000xf32, #tpu.memory_space<hbm>> -> memref<1x16xf32, #tpu.memory_space<hbm>>
    %dma_wait3A_1287 = tpu.memref_squeeze %dma_wait3A_1286 : memref<1x16xf32, #tpu.memory_space<hbm>> -> memref<16xf32, #tpu.memory_space<hbm>>
    tpu.wait_dma2 semaphore(%arg10 : memref<!tpu.dma_semaphore, #tpu.memory_space<semaphore_mem>>) src(%dma_wait3A_1287 : memref<16xf32, #tpu.memory_space<hbm>>) dst(%dma_wait3A_1285 : memref<16xf32, #tpu.memory_space<vmem>>)
    %dma_wait3A_1288 = arith.constant 640 : i32
    %dma_wait3A_1289 = tpu.memref_slice %arg8[%dma_wait3A_1288] : memref<1024xf32, #tpu.memory_space<vmem>> -> memref<16xf32, #tpu.memory_space<vmem>>
    %dma_wait3A_1290 = tpu.memref_slice %arg2[%add3A_615, %multiple_of3A_613] : memref<2048x32000xf32, #tpu.memory_space<hbm>> -> memref<1x16xf32, #tpu.memory_space<hbm>>
    %dma_wait3A_1291 = tpu.memref_squeeze %dma_wait3A_1290 : memref<1x16xf32, #tpu.memory_space<hbm>> -> memref<16xf32, #tpu.memory_space<hbm>>
    %dma_wait3A_1292 = arith.constant 640 : i32
    %dma_wait3A_1293 = tpu.memref_slice %arg8[%dma_wait3A_1292] : memref<1024xf32, #tpu.memory_space<vmem>> -> memref<16xf32, #tpu.memory_space<vmem>>
    %dma_wait3A_1294 = tpu.memref_slice %arg2[%add3A_615, %multiple_of3A_613] : memref<2048x32000xf32, #tpu.memory_space<hbm>> -> memref<1x16xf32, #tpu.memory_space<hbm>>
    %dma_wait3A_1295 = tpu.memref_squeeze %dma_wait3A_1294 : memref<1x16xf32, #tpu.memory_space<hbm>> -> memref<16xf32, #tpu.memory_space<hbm>>
    tpu.wait_dma2 semaphore(%arg10 : memref<!tpu.dma_semaphore, #tpu.memory_space<semaphore_mem>>) src(%dma_wait3A_1295 : memref<16xf32, #tpu.memory_space<hbm>>) dst(%dma_wait3A_1293 : memref<16xf32, #tpu.memory_space<vmem>>)
    %dma_wait3A_1296 = arith.constant 656 : i32
    %dma_wait3A_1297 = tpu.memref_slice %arg8[%dma_wait3A_1296] : memref<1024xf32, #tpu.memory_space<vmem>> -> memref<16xf32, #tpu.memory_space<vmem>>
    %dma_wait3A_1298 = tpu.memref_slice %arg2[%add3A_630, %multiple_of3A_628] : memref<2048x32000xf32, #tpu.memory_space<hbm>> -> memref<1x16xf32, #tpu.memory_space<hbm>>
    %dma_wait3A_1299 = tpu.memref_squeeze %dma_wait3A_1298 : memref<1x16xf32, #tpu.memory_space<hbm>> -> memref<16xf32, #tpu.memory_space<hbm>>
    %dma_wait3A_1300 = arith.constant 656 : i32
    %dma_wait3A_1301 = tpu.memref_slice %arg8[%dma_wait3A_1300] : memref<1024xf32, #tpu.memory_space<vmem>> -> memref<16xf32, #tpu.memory_space<vmem>>
    %dma_wait3A_1302 = tpu.memref_slice %arg2[%add3A_630, %multiple_of3A_628] : memref<2048x32000xf32, #tpu.memory_space<hbm>> -> memref<1x16xf32, #tpu.memory_space<hbm>>
    %dma_wait3A_1303 = tpu.memref_squeeze %dma_wait3A_1302 : memref<1x16xf32, #tpu.memory_space<hbm>> -> memref<16xf32, #tpu.memory_space<hbm>>
    tpu.wait_dma2 semaphore(%arg10 : memref<!tpu.dma_semaphore, #tpu.memory_space<semaphore_mem>>) src(%dma_wait3A_1303 : memref<16xf32, #tpu.memory_space<hbm>>) dst(%dma_wait3A_1301 : memref<16xf32, #tpu.memory_space<vmem>>)
    %dma_wait3A_1304 = arith.constant 672 : i32
    %dma_wait3A_1305 = tpu.memref_slice %arg8[%dma_wait3A_1304] : memref<1024xf32, #tpu.memory_space<vmem>> -> memref<16xf32, #tpu.memory_space<vmem>>
    %dma_wait3A_1306 = tpu.memref_slice %arg2[%add3A_645, %multiple_of3A_643] : memref<2048x32000xf32, #tpu.memory_space<hbm>> -> memref<1x16xf32, #tpu.memory_space<hbm>>
    %dma_wait3A_1307 = tpu.memref_squeeze %dma_wait3A_1306 : memref<1x16xf32, #tpu.memory_space<hbm>> -> memref<16xf32, #tpu.memory_space<hbm>>
    %dma_wait3A_1308 = arith.constant 672 : i32
    %dma_wait3A_1309 = tpu.memref_slice %arg8[%dma_wait3A_1308] : memref<1024xf32, #tpu.memory_space<vmem>> -> memref<16xf32, #tpu.memory_space<vmem>>
    %dma_wait3A_1310 = tpu.memref_slice %arg2[%add3A_645, %multiple_of3A_643] : memref<2048x32000xf32, #tpu.memory_space<hbm>> -> memref<1x16xf32, #tpu.memory_space<hbm>>
    %dma_wait3A_1311 = tpu.memref_squeeze %dma_wait3A_1310 : memref<1x16xf32, #tpu.memory_space<hbm>> -> memref<16xf32, #tpu.memory_space<hbm>>
    tpu.wait_dma2 semaphore(%arg10 : memref<!tpu.dma_semaphore, #tpu.memory_space<semaphore_mem>>) src(%dma_wait3A_1311 : memref<16xf32, #tpu.memory_space<hbm>>) dst(%dma_wait3A_1309 : memref<16xf32, #tpu.memory_space<vmem>>)
    %dma_wait3A_1312 = arith.constant 688 : i32
    %dma_wait3A_1313 = tpu.memref_slice %arg8[%dma_wait3A_1312] : memref<1024xf32, #tpu.memory_space<vmem>> -> memref<16xf32, #tpu.memory_space<vmem>>
    %dma_wait3A_1314 = tpu.memref_slice %arg2[%add3A_660, %multiple_of3A_658] : memref<2048x32000xf32, #tpu.memory_space<hbm>> -> memref<1x16xf32, #tpu.memory_space<hbm>>
    %dma_wait3A_1315 = tpu.memref_squeeze %dma_wait3A_1314 : memref<1x16xf32, #tpu.memory_space<hbm>> -> memref<16xf32, #tpu.memory_space<hbm>>
    %dma_wait3A_1316 = arith.constant 688 : i32
    %dma_wait3A_1317 = tpu.memref_slice %arg8[%dma_wait3A_1316] : memref<1024xf32, #tpu.memory_space<vmem>> -> memref<16xf32, #tpu.memory_space<vmem>>
    %dma_wait3A_1318 = tpu.memref_slice %arg2[%add3A_660, %multiple_of3A_658] : memref<2048x32000xf32, #tpu.memory_space<hbm>> -> memref<1x16xf32, #tpu.memory_space<hbm>>
    %dma_wait3A_1319 = tpu.memref_squeeze %dma_wait3A_1318 : memref<1x16xf32, #tpu.memory_space<hbm>> -> memref<16xf32, #tpu.memory_space<hbm>>
    tpu.wait_dma2 semaphore(%arg10 : memref<!tpu.dma_semaphore, #tpu.memory_space<semaphore_mem>>) src(%dma_wait3A_1319 : memref<16xf32, #tpu.memory_space<hbm>>) dst(%dma_wait3A_1317 : memref<16xf32, #tpu.memory_space<vmem>>)
    %dma_wait3A_1320 = arith.constant 704 : i32
    %dma_wait3A_1321 = tpu.memref_slice %arg8[%dma_wait3A_1320] : memref<1024xf32, #tpu.memory_space<vmem>> -> memref<16xf32, #tpu.memory_space<vmem>>
    %dma_wait3A_1322 = tpu.memref_slice %arg2[%add3A_675, %multiple_of3A_673] : memref<2048x32000xf32, #tpu.memory_space<hbm>> -> memref<1x16xf32, #tpu.memory_space<hbm>>
    %dma_wait3A_1323 = tpu.memref_squeeze %dma_wait3A_1322 : memref<1x16xf32, #tpu.memory_space<hbm>> -> memref<16xf32, #tpu.memory_space<hbm>>
    %dma_wait3A_1324 = arith.constant 704 : i32
    %dma_wait3A_1325 = tpu.memref_slice %arg8[%dma_wait3A_1324] : memref<1024xf32, #tpu.memory_space<vmem>> -> memref<16xf32, #tpu.memory_space<vmem>>
    %dma_wait3A_1326 = tpu.memref_slice %arg2[%add3A_675, %multiple_of3A_673] : memref<2048x32000xf32, #tpu.memory_space<hbm>> -> memref<1x16xf32, #tpu.memory_space<hbm>>
    %dma_wait3A_1327 = tpu.memref_squeeze %dma_wait3A_1326 : memref<1x16xf32, #tpu.memory_space<hbm>> -> memref<16xf32, #tpu.memory_space<hbm>>
    tpu.wait_dma2 semaphore(%arg10 : memref<!tpu.dma_semaphore, #tpu.memory_space<semaphore_mem>>) src(%dma_wait3A_1327 : memref<16xf32, #tpu.memory_space<hbm>>) dst(%dma_wait3A_1325 : memref<16xf32, #tpu.memory_space<vmem>>)
    %dma_wait3A_1328 = arith.constant 720 : i32
    %dma_wait3A_1329 = tpu.memref_slice %arg8[%dma_wait3A_1328] : memref<1024xf32, #tpu.memory_space<vmem>> -> memref<16xf32, #tpu.memory_space<vmem>>
    %dma_wait3A_1330 = tpu.memref_slice %arg2[%add3A_690, %multiple_of3A_688] : memref<2048x32000xf32, #tpu.memory_space<hbm>> -> memref<1x16xf32, #tpu.memory_space<hbm>>
    %dma_wait3A_1331 = tpu.memref_squeeze %dma_wait3A_1330 : memref<1x16xf32, #tpu.memory_space<hbm>> -> memref<16xf32, #tpu.memory_space<hbm>>
    %dma_wait3A_1332 = arith.constant 720 : i32
    %dma_wait3A_1333 = tpu.memref_slice %arg8[%dma_wait3A_1332] : memref<1024xf32, #tpu.memory_space<vmem>> -> memref<16xf32, #tpu.memory_space<vmem>>
    %dma_wait3A_1334 = tpu.memref_slice %arg2[%add3A_690, %multiple_of3A_688] : memref<2048x32000xf32, #tpu.memory_space<hbm>> -> memref<1x16xf32, #tpu.memory_space<hbm>>
    %dma_wait3A_1335 = tpu.memref_squeeze %dma_wait3A_1334 : memref<1x16xf32, #tpu.memory_space<hbm>> -> memref<16xf32, #tpu.memory_space<hbm>>
    tpu.wait_dma2 semaphore(%arg10 : memref<!tpu.dma_semaphore, #tpu.memory_space<semaphore_mem>>) src(%dma_wait3A_1335 : memref<16xf32, #tpu.memory_space<hbm>>) dst(%dma_wait3A_1333 : memref<16xf32, #tpu.memory_space<vmem>>)
    %dma_wait3A_1336 = arith.constant 736 : i32
    %dma_wait3A_1337 = tpu.memref_slice %arg8[%dma_wait3A_1336] : memref<1024xf32, #tpu.memory_space<vmem>> -> memref<16xf32, #tpu.memory_space<vmem>>
    %dma_wait3A_1338 = tpu.memref_slice %arg2[%add3A_705, %multiple_of3A_703] : memref<2048x32000xf32, #tpu.memory_space<hbm>> -> memref<1x16xf32, #tpu.memory_space<hbm>>
    %dma_wait3A_1339 = tpu.memref_squeeze %dma_wait3A_1338 : memref<1x16xf32, #tpu.memory_space<hbm>> -> memref<16xf32, #tpu.memory_space<hbm>>
    %dma_wait3A_1340 = arith.constant 736 : i32
    %dma_wait3A_1341 = tpu.memref_slice %arg8[%dma_wait3A_1340] : memref<1024xf32, #tpu.memory_space<vmem>> -> memref<16xf32, #tpu.memory_space<vmem>>
    %dma_wait3A_1342 = tpu.memref_slice %arg2[%add3A_705, %multiple_of3A_703] : memref<2048x32000xf32, #tpu.memory_space<hbm>> -> memref<1x16xf32, #tpu.memory_space<hbm>>
    %dma_wait3A_1343 = tpu.memref_squeeze %dma_wait3A_1342 : memref<1x16xf32, #tpu.memory_space<hbm>> -> memref<16xf32, #tpu.memory_space<hbm>>
    tpu.wait_dma2 semaphore(%arg10 : memref<!tpu.dma_semaphore, #tpu.memory_space<semaphore_mem>>) src(%dma_wait3A_1343 : memref<16xf32, #tpu.memory_space<hbm>>) dst(%dma_wait3A_1341 : memref<16xf32, #tpu.memory_space<vmem>>)
    %dma_wait3A_1344 = arith.constant 752 : i32
    %dma_wait3A_1345 = tpu.memref_slice %arg8[%dma_wait3A_1344] : memref<1024xf32, #tpu.memory_space<vmem>> -> memref<16xf32, #tpu.memory_space<vmem>>
    %dma_wait3A_1346 = tpu.memref_slice %arg2[%add3A_720, %multiple_of3A_718] : memref<2048x32000xf32, #tpu.memory_space<hbm>> -> memref<1x16xf32, #tpu.memory_space<hbm>>
    %dma_wait3A_1347 = tpu.memref_squeeze %dma_wait3A_1346 : memref<1x16xf32, #tpu.memory_space<hbm>> -> memref<16xf32, #tpu.memory_space<hbm>>
    %dma_wait3A_1348 = arith.constant 752 : i32
    %dma_wait3A_1349 = tpu.memref_slice %arg8[%dma_wait3A_1348] : memref<1024xf32, #tpu.memory_space<vmem>> -> memref<16xf32, #tpu.memory_space<vmem>>
    %dma_wait3A_1350 = tpu.memref_slice %arg2[%add3A_720, %multiple_of3A_718] : memref<2048x32000xf32, #tpu.memory_space<hbm>> -> memref<1x16xf32, #tpu.memory_space<hbm>>
    %dma_wait3A_1351 = tpu.memref_squeeze %dma_wait3A_1350 : memref<1x16xf32, #tpu.memory_space<hbm>> -> memref<16xf32, #tpu.memory_space<hbm>>
    tpu.wait_dma2 semaphore(%arg10 : memref<!tpu.dma_semaphore, #tpu.memory_space<semaphore_mem>>) src(%dma_wait3A_1351 : memref<16xf32, #tpu.memory_space<hbm>>) dst(%dma_wait3A_1349 : memref<16xf32, #tpu.memory_space<vmem>>)
    %dma_wait3A_1352 = arith.constant 768 : i32
    %dma_wait3A_1353 = tpu.memref_slice %arg8[%dma_wait3A_1352] : memref<1024xf32, #tpu.memory_space<vmem>> -> memref<16xf32, #tpu.memory_space<vmem>>
    %dma_wait3A_1354 = tpu.memref_slice %arg2[%add3A_735, %multiple_of3A_733] : memref<2048x32000xf32, #tpu.memory_space<hbm>> -> memref<1x16xf32, #tpu.memory_space<hbm>>
    %dma_wait3A_1355 = tpu.memref_squeeze %dma_wait3A_1354 : memref<1x16xf32, #tpu.memory_space<hbm>> -> memref<16xf32, #tpu.memory_space<hbm>>
    %dma_wait3A_1356 = arith.constant 768 : i32
    %dma_wait3A_1357 = tpu.memref_slice %arg8[%dma_wait3A_1356] : memref<1024xf32, #tpu.memory_space<vmem>> -> memref<16xf32, #tpu.memory_space<vmem>>
    %dma_wait3A_1358 = tpu.memref_slice %arg2[%add3A_735, %multiple_of3A_733] : memref<2048x32000xf32, #tpu.memory_space<hbm>> -> memref<1x16xf32, #tpu.memory_space<hbm>>
    %dma_wait3A_1359 = tpu.memref_squeeze %dma_wait3A_1358 : memref<1x16xf32, #tpu.memory_space<hbm>> -> memref<16xf32, #tpu.memory_space<hbm>>
    tpu.wait_dma2 semaphore(%arg10 : memref<!tpu.dma_semaphore, #tpu.memory_space<semaphore_mem>>) src(%dma_wait3A_1359 : memref<16xf32, #tpu.memory_space<hbm>>) dst(%dma_wait3A_1357 : memref<16xf32, #tpu.memory_space<vmem>>)
    %dma_wait3A_1360 = arith.constant 784 : i32
    %dma_wait3A_1361 = tpu.memref_slice %arg8[%dma_wait3A_1360] : memref<1024xf32, #tpu.memory_space<vmem>> -> memref<16xf32, #tpu.memory_space<vmem>>
    %dma_wait3A_1362 = tpu.memref_slice %arg2[%add3A_750, %multiple_of3A_748] : memref<2048x32000xf32, #tpu.memory_space<hbm>> -> memref<1x16xf32, #tpu.memory_space<hbm>>
    %dma_wait3A_1363 = tpu.memref_squeeze %dma_wait3A_1362 : memref<1x16xf32, #tpu.memory_space<hbm>> -> memref<16xf32, #tpu.memory_space<hbm>>
    %dma_wait3A_1364 = arith.constant 784 : i32
    %dma_wait3A_1365 = tpu.memref_slice %arg8[%dma_wait3A_1364] : memref<1024xf32, #tpu.memory_space<vmem>> -> memref<16xf32, #tpu.memory_space<vmem>>
    %dma_wait3A_1366 = tpu.memref_slice %arg2[%add3A_750, %multiple_of3A_748] : memref<2048x32000xf32, #tpu.memory_space<hbm>> -> memref<1x16xf32, #tpu.memory_space<hbm>>
    %dma_wait3A_1367 = tpu.memref_squeeze %dma_wait3A_1366 : memref<1x16xf32, #tpu.memory_space<hbm>> -> memref<16xf32, #tpu.memory_space<hbm>>
    tpu.wait_dma2 semaphore(%arg10 : memref<!tpu.dma_semaphore, #tpu.memory_space<semaphore_mem>>) src(%dma_wait3A_1367 : memref<16xf32, #tpu.memory_space<hbm>>) dst(%dma_wait3A_1365 : memref<16xf32, #tpu.memory_space<vmem>>)
    %dma_wait3A_1368 = arith.constant 800 : i32
    %dma_wait3A_1369 = tpu.memref_slice %arg8[%dma_wait3A_1368] : memref<1024xf32, #tpu.memory_space<vmem>> -> memref<16xf32, #tpu.memory_space<vmem>>
    %dma_wait3A_1370 = tpu.memref_slice %arg2[%add3A_765, %multiple_of3A_763] : memref<2048x32000xf32, #tpu.memory_space<hbm>> -> memref<1x16xf32, #tpu.memory_space<hbm>>
    %dma_wait3A_1371 = tpu.memref_squeeze %dma_wait3A_1370 : memref<1x16xf32, #tpu.memory_space<hbm>> -> memref<16xf32, #tpu.memory_space<hbm>>
    %dma_wait3A_1372 = arith.constant 800 : i32
    %dma_wait3A_1373 = tpu.memref_slice %arg8[%dma_wait3A_1372] : memref<1024xf32, #tpu.memory_space<vmem>> -> memref<16xf32, #tpu.memory_space<vmem>>
    %dma_wait3A_1374 = tpu.memref_slice %arg2[%add3A_765, %multiple_of3A_763] : memref<2048x32000xf32, #tpu.memory_space<hbm>> -> memref<1x16xf32, #tpu.memory_space<hbm>>
    %dma_wait3A_1375 = tpu.memref_squeeze %dma_wait3A_1374 : memref<1x16xf32, #tpu.memory_space<hbm>> -> memref<16xf32, #tpu.memory_space<hbm>>
    tpu.wait_dma2 semaphore(%arg10 : memref<!tpu.dma_semaphore, #tpu.memory_space<semaphore_mem>>) src(%dma_wait3A_1375 : memref<16xf32, #tpu.memory_space<hbm>>) dst(%dma_wait3A_1373 : memref<16xf32, #tpu.memory_space<vmem>>)
    %dma_wait3A_1376 = arith.constant 816 : i32
    %dma_wait3A_1377 = tpu.memref_slice %arg8[%dma_wait3A_1376] : memref<1024xf32, #tpu.memory_space<vmem>> -> memref<16xf32, #tpu.memory_space<vmem>>
    %dma_wait3A_1378 = tpu.memref_slice %arg2[%add3A_780, %multiple_of3A_778] : memref<2048x32000xf32, #tpu.memory_space<hbm>> -> memref<1x16xf32, #tpu.memory_space<hbm>>
    %dma_wait3A_1379 = tpu.memref_squeeze %dma_wait3A_1378 : memref<1x16xf32, #tpu.memory_space<hbm>> -> memref<16xf32, #tpu.memory_space<hbm>>
    %dma_wait3A_1380 = arith.constant 816 : i32
    %dma_wait3A_1381 = tpu.memref_slice %arg8[%dma_wait3A_1380] : memref<1024xf32, #tpu.memory_space<vmem>> -> memref<16xf32, #tpu.memory_space<vmem>>
    %dma_wait3A_1382 = tpu.memref_slice %arg2[%add3A_780, %multiple_of3A_778] : memref<2048x32000xf32, #tpu.memory_space<hbm>> -> memref<1x16xf32, #tpu.memory_space<hbm>>
    %dma_wait3A_1383 = tpu.memref_squeeze %dma_wait3A_1382 : memref<1x16xf32, #tpu.memory_space<hbm>> -> memref<16xf32, #tpu.memory_space<hbm>>
    tpu.wait_dma2 semaphore(%arg10 : memref<!tpu.dma_semaphore, #tpu.memory_space<semaphore_mem>>) src(%dma_wait3A_1383 : memref<16xf32, #tpu.memory_space<hbm>>) dst(%dma_wait3A_1381 : memref<16xf32, #tpu.memory_space<vmem>>)
    %dma_wait3A_1384 = arith.constant 832 : i32
    %dma_wait3A_1385 = tpu.memref_slice %arg8[%dma_wait3A_1384] : memref<1024xf32, #tpu.memory_space<vmem>> -> memref<16xf32, #tpu.memory_space<vmem>>
    %dma_wait3A_1386 = tpu.memref_slice %arg2[%add3A_795, %multiple_of3A_793] : memref<2048x32000xf32, #tpu.memory_space<hbm>> -> memref<1x16xf32, #tpu.memory_space<hbm>>
    %dma_wait3A_1387 = tpu.memref_squeeze %dma_wait3A_1386 : memref<1x16xf32, #tpu.memory_space<hbm>> -> memref<16xf32, #tpu.memory_space<hbm>>
    %dma_wait3A_1388 = arith.constant 832 : i32
    %dma_wait3A_1389 = tpu.memref_slice %arg8[%dma_wait3A_1388] : memref<1024xf32, #tpu.memory_space<vmem>> -> memref<16xf32, #tpu.memory_space<vmem>>
    %dma_wait3A_1390 = tpu.memref_slice %arg2[%add3A_795, %multiple_of3A_793] : memref<2048x32000xf32, #tpu.memory_space<hbm>> -> memref<1x16xf32, #tpu.memory_space<hbm>>
    %dma_wait3A_1391 = tpu.memref_squeeze %dma_wait3A_1390 : memref<1x16xf32, #tpu.memory_space<hbm>> -> memref<16xf32, #tpu.memory_space<hbm>>
    tpu.wait_dma2 semaphore(%arg10 : memref<!tpu.dma_semaphore, #tpu.memory_space<semaphore_mem>>) src(%dma_wait3A_1391 : memref<16xf32, #tpu.memory_space<hbm>>) dst(%dma_wait3A_1389 : memref<16xf32, #tpu.memory_space<vmem>>)
    %dma_wait3A_1392 = arith.constant 848 : i32
    %dma_wait3A_1393 = tpu.memref_slice %arg8[%dma_wait3A_1392] : memref<1024xf32, #tpu.memory_space<vmem>> -> memref<16xf32, #tpu.memory_space<vmem>>
    %dma_wait3A_1394 = tpu.memref_slice %arg2[%add3A_810, %multiple_of3A_808] : memref<2048x32000xf32, #tpu.memory_space<hbm>> -> memref<1x16xf32, #tpu.memory_space<hbm>>
    %dma_wait3A_1395 = tpu.memref_squeeze %dma_wait3A_1394 : memref<1x16xf32, #tpu.memory_space<hbm>> -> memref<16xf32, #tpu.memory_space<hbm>>
    %dma_wait3A_1396 = arith.constant 848 : i32
    %dma_wait3A_1397 = tpu.memref_slice %arg8[%dma_wait3A_1396] : memref<1024xf32, #tpu.memory_space<vmem>> -> memref<16xf32, #tpu.memory_space<vmem>>
    %dma_wait3A_1398 = tpu.memref_slice %arg2[%add3A_810, %multiple_of3A_808] : memref<2048x32000xf32, #tpu.memory_space<hbm>> -> memref<1x16xf32, #tpu.memory_space<hbm>>
    %dma_wait3A_1399 = tpu.memref_squeeze %dma_wait3A_1398 : memref<1x16xf32, #tpu.memory_space<hbm>> -> memref<16xf32, #tpu.memory_space<hbm>>
    tpu.wait_dma2 semaphore(%arg10 : memref<!tpu.dma_semaphore, #tpu.memory_space<semaphore_mem>>) src(%dma_wait3A_1399 : memref<16xf32, #tpu.memory_space<hbm>>) dst(%dma_wait3A_1397 : memref<16xf32, #tpu.memory_space<vmem>>)
    %dma_wait3A_1400 = arith.constant 864 : i32
    %dma_wait3A_1401 = tpu.memref_slice %arg8[%dma_wait3A_1400] : memref<1024xf32, #tpu.memory_space<vmem>> -> memref<16xf32, #tpu.memory_space<vmem>>
    %dma_wait3A_1402 = tpu.memref_slice %arg2[%add3A_825, %multiple_of3A_823] : memref<2048x32000xf32, #tpu.memory_space<hbm>> -> memref<1x16xf32, #tpu.memory_space<hbm>>
    %dma_wait3A_1403 = tpu.memref_squeeze %dma_wait3A_1402 : memref<1x16xf32, #tpu.memory_space<hbm>> -> memref<16xf32, #tpu.memory_space<hbm>>
    %dma_wait3A_1404 = arith.constant 864 : i32
    %dma_wait3A_1405 = tpu.memref_slice %arg8[%dma_wait3A_1404] : memref<1024xf32, #tpu.memory_space<vmem>> -> memref<16xf32, #tpu.memory_space<vmem>>
    %dma_wait3A_1406 = tpu.memref_slice %arg2[%add3A_825, %multiple_of3A_823] : memref<2048x32000xf32, #tpu.memory_space<hbm>> -> memref<1x16xf32, #tpu.memory_space<hbm>>
    %dma_wait3A_1407 = tpu.memref_squeeze %dma_wait3A_1406 : memref<1x16xf32, #tpu.memory_space<hbm>> -> memref<16xf32, #tpu.memory_space<hbm>>
    tpu.wait_dma2 semaphore(%arg10 : memref<!tpu.dma_semaphore, #tpu.memory_space<semaphore_mem>>) src(%dma_wait3A_1407 : memref<16xf32, #tpu.memory_space<hbm>>) dst(%dma_wait3A_1405 : memref<16xf32, #tpu.memory_space<vmem>>)
    %dma_wait3A_1408 = arith.constant 880 : i32
    %dma_wait3A_1409 = tpu.memref_slice %arg8[%dma_wait3A_1408] : memref<1024xf32, #tpu.memory_space<vmem>> -> memref<16xf32, #tpu.memory_space<vmem>>
    %dma_wait3A_1410 = tpu.memref_slice %arg2[%add3A_840, %multiple_of3A_838] : memref<2048x32000xf32, #tpu.memory_space<hbm>> -> memref<1x16xf32, #tpu.memory_space<hbm>>
    %dma_wait3A_1411 = tpu.memref_squeeze %dma_wait3A_1410 : memref<1x16xf32, #tpu.memory_space<hbm>> -> memref<16xf32, #tpu.memory_space<hbm>>
    %dma_wait3A_1412 = arith.constant 880 : i32
    %dma_wait3A_1413 = tpu.memref_slice %arg8[%dma_wait3A_1412] : memref<1024xf32, #tpu.memory_space<vmem>> -> memref<16xf32, #tpu.memory_space<vmem>>
    %dma_wait3A_1414 = tpu.memref_slice %arg2[%add3A_840, %multiple_of3A_838] : memref<2048x32000xf32, #tpu.memory_space<hbm>> -> memref<1x16xf32, #tpu.memory_space<hbm>>
    %dma_wait3A_1415 = tpu.memref_squeeze %dma_wait3A_1414 : memref<1x16xf32, #tpu.memory_space<hbm>> -> memref<16xf32, #tpu.memory_space<hbm>>
    tpu.wait_dma2 semaphore(%arg10 : memref<!tpu.dma_semaphore, #tpu.memory_space<semaphore_mem>>) src(%dma_wait3A_1415 : memref<16xf32, #tpu.memory_space<hbm>>) dst(%dma_wait3A_1413 : memref<16xf32, #tpu.memory_space<vmem>>)
    %dma_wait3A_1416 = arith.constant 896 : i32
    %dma_wait3A_1417 = tpu.memref_slice %arg8[%dma_wait3A_1416] : memref<1024xf32, #tpu.memory_space<vmem>> -> memref<16xf32, #tpu.memory_space<vmem>>
    %dma_wait3A_1418 = tpu.memref_slice %arg2[%add3A_855, %multiple_of3A_853] : memref<2048x32000xf32, #tpu.memory_space<hbm>> -> memref<1x16xf32, #tpu.memory_space<hbm>>
    %dma_wait3A_1419 = tpu.memref_squeeze %dma_wait3A_1418 : memref<1x16xf32, #tpu.memory_space<hbm>> -> memref<16xf32, #tpu.memory_space<hbm>>
    %dma_wait3A_1420 = arith.constant 896 : i32
    %dma_wait3A_1421 = tpu.memref_slice %arg8[%dma_wait3A_1420] : memref<1024xf32, #tpu.memory_space<vmem>> -> memref<16xf32, #tpu.memory_space<vmem>>
    %dma_wait3A_1422 = tpu.memref_slice %arg2[%add3A_855, %multiple_of3A_853] : memref<2048x32000xf32, #tpu.memory_space<hbm>> -> memref<1x16xf32, #tpu.memory_space<hbm>>
    %dma_wait3A_1423 = tpu.memref_squeeze %dma_wait3A_1422 : memref<1x16xf32, #tpu.memory_space<hbm>> -> memref<16xf32, #tpu.memory_space<hbm>>
    tpu.wait_dma2 semaphore(%arg10 : memref<!tpu.dma_semaphore, #tpu.memory_space<semaphore_mem>>) src(%dma_wait3A_1423 : memref<16xf32, #tpu.memory_space<hbm>>) dst(%dma_wait3A_1421 : memref<16xf32, #tpu.memory_space<vmem>>)
    %dma_wait3A_1424 = arith.constant 912 : i32
    %dma_wait3A_1425 = tpu.memref_slice %arg8[%dma_wait3A_1424] : memref<1024xf32, #tpu.memory_space<vmem>> -> memref<16xf32, #tpu.memory_space<vmem>>
    %dma_wait3A_1426 = tpu.memref_slice %arg2[%add3A_870, %multiple_of3A_868] : memref<2048x32000xf32, #tpu.memory_space<hbm>> -> memref<1x16xf32, #tpu.memory_space<hbm>>
    %dma_wait3A_1427 = tpu.memref_squeeze %dma_wait3A_1426 : memref<1x16xf32, #tpu.memory_space<hbm>> -> memref<16xf32, #tpu.memory_space<hbm>>
    %dma_wait3A_1428 = arith.constant 912 : i32
    %dma_wait3A_1429 = tpu.memref_slice %arg8[%dma_wait3A_1428] : memref<1024xf32, #tpu.memory_space<vmem>> -> memref<16xf32, #tpu.memory_space<vmem>>
    %dma_wait3A_1430 = tpu.memref_slice %arg2[%add3A_870, %multiple_of3A_868] : memref<2048x32000xf32, #tpu.memory_space<hbm>> -> memref<1x16xf32, #tpu.memory_space<hbm>>
    %dma_wait3A_1431 = tpu.memref_squeeze %dma_wait3A_1430 : memref<1x16xf32, #tpu.memory_space<hbm>> -> memref<16xf32, #tpu.memory_space<hbm>>
    tpu.wait_dma2 semaphore(%arg10 : memref<!tpu.dma_semaphore, #tpu.memory_space<semaphore_mem>>) src(%dma_wait3A_1431 : memref<16xf32, #tpu.memory_space<hbm>>) dst(%dma_wait3A_1429 : memref<16xf32, #tpu.memory_space<vmem>>)
    %dma_wait3A_1432 = arith.constant 928 : i32
    %dma_wait3A_1433 = tpu.memref_slice %arg8[%dma_wait3A_1432] : memref<1024xf32, #tpu.memory_space<vmem>> -> memref<16xf32, #tpu.memory_space<vmem>>
    %dma_wait3A_1434 = tpu.memref_slice %arg2[%add3A_885, %multiple_of3A_883] : memref<2048x32000xf32, #tpu.memory_space<hbm>> -> memref<1x16xf32, #tpu.memory_space<hbm>>
    %dma_wait3A_1435 = tpu.memref_squeeze %dma_wait3A_1434 : memref<1x16xf32, #tpu.memory_space<hbm>> -> memref<16xf32, #tpu.memory_space<hbm>>
    %dma_wait3A_1436 = arith.constant 928 : i32
    %dma_wait3A_1437 = tpu.memref_slice %arg8[%dma_wait3A_1436] : memref<1024xf32, #tpu.memory_space<vmem>> -> memref<16xf32, #tpu.memory_space<vmem>>
    %dma_wait3A_1438 = tpu.memref_slice %arg2[%add3A_885, %multiple_of3A_883] : memref<2048x32000xf32, #tpu.memory_space<hbm>> -> memref<1x16xf32, #tpu.memory_space<hbm>>
    %dma_wait3A_1439 = tpu.memref_squeeze %dma_wait3A_1438 : memref<1x16xf32, #tpu.memory_space<hbm>> -> memref<16xf32, #tpu.memory_space<hbm>>
    tpu.wait_dma2 semaphore(%arg10 : memref<!tpu.dma_semaphore, #tpu.memory_space<semaphore_mem>>) src(%dma_wait3A_1439 : memref<16xf32, #tpu.memory_space<hbm>>) dst(%dma_wait3A_1437 : memref<16xf32, #tpu.memory_space<vmem>>)
    %dma_wait3A_1440 = arith.constant 944 : i32
    %dma_wait3A_1441 = tpu.memref_slice %arg8[%dma_wait3A_1440] : memref<1024xf32, #tpu.memory_space<vmem>> -> memref<16xf32, #tpu.memory_space<vmem>>
    %dma_wait3A_1442 = tpu.memref_slice %arg2[%add3A_900, %multiple_of3A_898] : memref<2048x32000xf32, #tpu.memory_space<hbm>> -> memref<1x16xf32, #tpu.memory_space<hbm>>
    %dma_wait3A_1443 = tpu.memref_squeeze %dma_wait3A_1442 : memref<1x16xf32, #tpu.memory_space<hbm>> -> memref<16xf32, #tpu.memory_space<hbm>>
    %dma_wait3A_1444 = arith.constant 944 : i32
    %dma_wait3A_1445 = tpu.memref_slice %arg8[%dma_wait3A_1444] : memref<1024xf32, #tpu.memory_space<vmem>> -> memref<16xf32, #tpu.memory_space<vmem>>
    %dma_wait3A_1446 = tpu.memref_slice %arg2[%add3A_900, %multiple_of3A_898] : memref<2048x32000xf32, #tpu.memory_space<hbm>> -> memref<1x16xf32, #tpu.memory_space<hbm>>
    %dma_wait3A_1447 = tpu.memref_squeeze %dma_wait3A_1446 : memref<1x16xf32, #tpu.memory_space<hbm>> -> memref<16xf32, #tpu.memory_space<hbm>>
    tpu.wait_dma2 semaphore(%arg10 : memref<!tpu.dma_semaphore, #tpu.memory_space<semaphore_mem>>) src(%dma_wait3A_1447 : memref<16xf32, #tpu.memory_space<hbm>>) dst(%dma_wait3A_1445 : memref<16xf32, #tpu.memory_space<vmem>>)
    %dma_wait3A_1448 = arith.constant 960 : i32
    %dma_wait3A_1449 = tpu.memref_slice %arg8[%dma_wait3A_1448] : memref<1024xf32, #tpu.memory_space<vmem>> -> memref<16xf32, #tpu.memory_space<vmem>>
    %dma_wait3A_1450 = tpu.memref_slice %arg2[%add3A_915, %multiple_of3A_913] : memref<2048x32000xf32, #tpu.memory_space<hbm>> -> memref<1x16xf32, #tpu.memory_space<hbm>>
    %dma_wait3A_1451 = tpu.memref_squeeze %dma_wait3A_1450 : memref<1x16xf32, #tpu.memory_space<hbm>> -> memref<16xf32, #tpu.memory_space<hbm>>
    %dma_wait3A_1452 = arith.constant 960 : i32
    %dma_wait3A_1453 = tpu.memref_slice %arg8[%dma_wait3A_1452] : memref<1024xf32, #tpu.memory_space<vmem>> -> memref<16xf32, #tpu.memory_space<vmem>>
    %dma_wait3A_1454 = tpu.memref_slice %arg2[%add3A_915, %multiple_of3A_913] : memref<2048x32000xf32, #tpu.memory_space<hbm>> -> memref<1x16xf32, #tpu.memory_space<hbm>>
    %dma_wait3A_1455 = tpu.memref_squeeze %dma_wait3A_1454 : memref<1x16xf32, #tpu.memory_space<hbm>> -> memref<16xf32, #tpu.memory_space<hbm>>
    tpu.wait_dma2 semaphore(%arg10 : memref<!tpu.dma_semaphore, #tpu.memory_space<semaphore_mem>>) src(%dma_wait3A_1455 : memref<16xf32, #tpu.memory_space<hbm>>) dst(%dma_wait3A_1453 : memref<16xf32, #tpu.memory_space<vmem>>)
    %dma_wait3A_1456 = arith.constant 976 : i32
    %dma_wait3A_1457 = tpu.memref_slice %arg8[%dma_wait3A_1456] : memref<1024xf32, #tpu.memory_space<vmem>> -> memref<16xf32, #tpu.memory_space<vmem>>
    %dma_wait3A_1458 = tpu.memref_slice %arg2[%add3A_930, %multiple_of3A_928] : memref<2048x32000xf32, #tpu.memory_space<hbm>> -> memref<1x16xf32, #tpu.memory_space<hbm>>
    %dma_wait3A_1459 = tpu.memref_squeeze %dma_wait3A_1458 : memref<1x16xf32, #tpu.memory_space<hbm>> -> memref<16xf32, #tpu.memory_space<hbm>>
    %dma_wait3A_1460 = arith.constant 976 : i32
    %dma_wait3A_1461 = tpu.memref_slice %arg8[%dma_wait3A_1460] : memref<1024xf32, #tpu.memory_space<vmem>> -> memref<16xf32, #tpu.memory_space<vmem>>
    %dma_wait3A_1462 = tpu.memref_slice %arg2[%add3A_930, %multiple_of3A_928] : memref<2048x32000xf32, #tpu.memory_space<hbm>> -> memref<1x16xf32, #tpu.memory_space<hbm>>
    %dma_wait3A_1463 = tpu.memref_squeeze %dma_wait3A_1462 : memref<1x16xf32, #tpu.memory_space<hbm>> -> memref<16xf32, #tpu.memory_space<hbm>>
    tpu.wait_dma2 semaphore(%arg10 : memref<!tpu.dma_semaphore, #tpu.memory_space<semaphore_mem>>) src(%dma_wait3A_1463 : memref<16xf32, #tpu.memory_space<hbm>>) dst(%dma_wait3A_1461 : memref<16xf32, #tpu.memory_space<vmem>>)
    %dma_wait3A_1464 = arith.constant 992 : i32
    %dma_wait3A_1465 = tpu.memref_slice %arg8[%dma_wait3A_1464] : memref<1024xf32, #tpu.memory_space<vmem>> -> memref<16xf32, #tpu.memory_space<vmem>>
    %dma_wait3A_1466 = tpu.memref_slice %arg2[%add3A_945, %multiple_of3A_943] : memref<2048x32000xf32, #tpu.memory_space<hbm>> -> memref<1x16xf32, #tpu.memory_space<hbm>>
    %dma_wait3A_1467 = tpu.memref_squeeze %dma_wait3A_1466 : memref<1x16xf32, #tpu.memory_space<hbm>> -> memref<16xf32, #tpu.memory_space<hbm>>
    %dma_wait3A_1468 = arith.constant 992 : i32
    %dma_wait3A_1469 = tpu.memref_slice %arg8[%dma_wait3A_1468] : memref<1024xf32, #tpu.memory_space<vmem>> -> memref<16xf32, #tpu.memory_space<vmem>>
    %dma_wait3A_1470 = tpu.memref_slice %arg2[%add3A_945, %multiple_of3A_943] : memref<2048x32000xf32, #tpu.memory_space<hbm>> -> memref<1x16xf32, #tpu.memory_space<hbm>>
    %dma_wait3A_1471 = tpu.memref_squeeze %dma_wait3A_1470 : memref<1x16xf32, #tpu.memory_space<hbm>> -> memref<16xf32, #tpu.memory_space<hbm>>
    tpu.wait_dma2 semaphore(%arg10 : memref<!tpu.dma_semaphore, #tpu.memory_space<semaphore_mem>>) src(%dma_wait3A_1471 : memref<16xf32, #tpu.memory_space<hbm>>) dst(%dma_wait3A_1469 : memref<16xf32, #tpu.memory_space<vmem>>)
    %dma_wait3A_1472 = arith.constant 1008 : i32
    %dma_wait3A_1473 = tpu.memref_slice %arg8[%dma_wait3A_1472] : memref<1024xf32, #tpu.memory_space<vmem>> -> memref<16xf32, #tpu.memory_space<vmem>>
    %dma_wait3A_1474 = tpu.memref_slice %arg2[%add3A_960, %multiple_of3A_958] : memref<2048x32000xf32, #tpu.memory_space<hbm>> -> memref<1x16xf32, #tpu.memory_space<hbm>>
    %dma_wait3A_1475 = tpu.memref_squeeze %dma_wait3A_1474 : memref<1x16xf32, #tpu.memory_space<hbm>> -> memref<16xf32, #tpu.memory_space<hbm>>
    %dma_wait3A_1476 = arith.constant 1008 : i32
    %dma_wait3A_1477 = tpu.memref_slice %arg8[%dma_wait3A_1476] : memref<1024xf32, #tpu.memory_space<vmem>> -> memref<16xf32, #tpu.memory_space<vmem>>
    %dma_wait3A_1478 = tpu.memref_slice %arg2[%add3A_960, %multiple_of3A_958] : memref<2048x32000xf32, #tpu.memory_space<hbm>> -> memref<1x16xf32, #tpu.memory_space<hbm>>
    %dma_wait3A_1479 = tpu.memref_squeeze %dma_wait3A_1478 : memref<1x16xf32, #tpu.memory_space<hbm>> -> memref<16xf32, #tpu.memory_space<hbm>>
    tpu.wait_dma2 semaphore(%arg10 : memref<!tpu.dma_semaphore, #tpu.memory_space<semaphore_mem>>) src(%dma_wait3A_1479 : memref<16xf32, #tpu.memory_space<hbm>>) dst(%dma_wait3A_1477 : memref<16xf32, #tpu.memory_space<vmem>>)
    %iota3A = tpu.iota {dimensions = array<i32: 0>} : vector<16xi32>
    %broadcast_in_dim3A = arith.constant 0.000000e+00 : f32
    %broadcast_in_dim3A_1480 = vector.broadcast %broadcast_in_dim3A : f32 to vector<16xf32>
    %broadcast_in_dim3A_1481 = arith.constant 0.000000e+00 : f32
    %broadcast_in_dim3A_1482 = vector.broadcast %broadcast_in_dim3A_1481 : f32 to vector<16xf32>
    %get3A_1483 = arith.constant 0 : index
    %get3A_1484 = tpu.vector_load %arg7[%get3A_1483] {strides = array<i32>} : memref<64xf32, #tpu.memory_space<vmem>>, vector<16xf32>,
    %get3A_1485 = vector.shape_cast %get3A_1484 : vector<16xf32> to vector<16xf32>
    %add3A_1486 = arith.addf %broadcast_in_dim3A_1482, %get3A_1485 : vector<16xf32>
    %get3A_1487 = arith.constant 16 : index
    %get3A_1488 = tpu.vector_load %arg7[%get3A_1487] {strides = array<i32>} : memref<64xf32, #tpu.memory_space<vmem>>, vector<16xf32>,
    %get3A_1489 = vector.shape_cast %get3A_1488 : vector<16xf32> to vector<16xf32>
    %add3A_1490 = arith.addf %add3A_1486, %get3A_1489 : vector<16xf32>
    %get3A_1491 = arith.constant 32 : index
    %get3A_1492 = tpu.vector_load %arg7[%get3A_1491] {strides = array<i32>} : memref<64xf32, #tpu.memory_space<vmem>>, vector<16xf32>,
    %get3A_1493 = vector.shape_cast %get3A_1492 : vector<16xf32> to vector<16xf32>
    %add3A_1494 = arith.addf %add3A_1490, %get3A_1493 : vector<16xf32>
    %get3A_1495 = arith.constant 48 : index
    %get3A_1496 = tpu.vector_load %arg7[%get3A_1495] {strides = array<i32>} : memref<64xf32, #tpu.memory_space<vmem>>, vector<16xf32>,
    %get3A_1497 = vector.shape_cast %get3A_1496 : vector<16xf32> to vector<16xf32>
    %add3A_1498 = arith.addf %add3A_1494, %get3A_1497 : vector<16xf32>
    %get3A_1499 = arith.constant 0 : index
    %get3A_1500 = tpu.vector_load %arg7[%get3A_1499] {strides = array<i32>} : memref<64xf32, #tpu.memory_space<vmem>>, vector<16xf32>,
    %get3A_1501 = vector.shape_cast %get3A_1500 : vector<16xf32> to vector<16xf32>
    %get3A_1502 = arith.constant 16 : index
    %get3A_1503 = tpu.vector_load %arg7[%get3A_1502] {strides = array<i32>} : memref<64xf32, #tpu.memory_space<vmem>>, vector<16xf32>,
    %get3A_1504 = vector.shape_cast %get3A_1503 : vector<16xf32> to vector<16xf32>
    %get3A_1505 = arith.constant 32 : index
    %get3A_1506 = tpu.vector_load %arg7[%get3A_1505] {strides = array<i32>} : memref<64xf32, #tpu.memory_space<vmem>>, vector<16xf32>,
    %get3A_1507 = vector.shape_cast %get3A_1506 : vector<16xf32> to vector<16xf32>
    %get3A_1508 = arith.constant 48 : index
    %get3A_1509 = tpu.vector_load %arg7[%get3A_1508] {strides = array<i32>} : memref<64xf32, #tpu.memory_space<vmem>>, vector<16xf32>,
    %get3A_1510 = vector.shape_cast %get3A_1509 : vector<16xf32> to vector<16xf32>
    %slice3A_1511 = vector.extract_strided_slice %get3A_4 {offsets = [0], sizes = [1], strides = [1]} : vector<16xi32> to vector<1xi32>
    %squeeze3A_1512 = vector.extract %slice3A_1511[0] : i32 from vector<1xi32>
    %slice3A_1513 = vector.extract_strided_slice %get3A_1501 {offsets = [0], sizes = [1], strides = [1]} : vector<16xf32> to vector<1xf32>
    %squeeze3A_1514 = vector.extract %slice3A_1513[0] : f32 from vector<1xf32>
    %get3A_1515 = arith.constant 0 : index
    %get3A_1516 = tpu.vector_load %arg8[%get3A_1515] {strides = array<i32>} : memref<1024xf32, #tpu.memory_space<vmem>>, vector<16xf32>,
    %get3A_1517 = vector.shape_cast %get3A_1516 : vector<16xf32> to vector<16xf32>
    %and3A_1518 = arith.constant 15 : i32
    %and3A_1519 = arith.andi %squeeze3A_1512, %and3A_1518 : i32
    %eq3A = vector.broadcast %and3A_1519 : i32 to vector<16xi32>
    %eq3A_1520 = arith.cmpi eq, %iota3A, %eq3A : vector<16xi32>
    %mul3A_1521 = vector.broadcast %squeeze3A_1514 : f32 to vector<16xf32>
    %mul3A_1522 = arith.mulf %get3A_1517, %mul3A_1521 : vector<16xf32>
    %jit3A = arith.constant 0.000000e+00 : f32
    %broadcast_in_dim3A_1523 = vector.broadcast %jit3A : f32 to vector<16xf32>
    %select_n3A = arith.select %eq3A_1520, %mul3A_1522, %broadcast_in_dim3A_1523 : vector<16xi1>, vector<16xf32>
    %add3A_1524 = arith.addf %broadcast_in_dim3A_1480, %select_n3A : vector<16xf32>
    %slice3A_1525 = vector.extract_strided_slice %get3A_4 {offsets = [1], sizes = [1], strides = [1]} : vector<16xi32> to vector<1xi32>
    %squeeze3A_1526 = vector.extract %slice3A_1525[0] : i32 from vector<1xi32>
    %slice3A_1527 = vector.extract_strided_slice %get3A_1501 {offsets = [1], sizes = [1], strides = [1]} : vector<16xf32> to vector<1xf32>
    %squeeze3A_1528 = vector.extract %slice3A_1527[0] : f32 from vector<1xf32>
    %get3A_1529 = arith.constant 16 : index
    %get3A_1530 = tpu.vector_load %arg8[%get3A_1529] {strides = array<i32>} : memref<1024xf32, #tpu.memory_space<vmem>>, vector<16xf32>,
    %get3A_1531 = vector.shape_cast %get3A_1530 : vector<16xf32> to vector<16xf32>
    %and3A_1532 = arith.constant 15 : i32
    %and3A_1533 = arith.andi %squeeze3A_1526, %and3A_1532 : i32
    %eq3A_1534 = vector.broadcast %and3A_1533 : i32 to vector<16xi32>
    %eq3A_1535 = arith.cmpi eq, %iota3A, %eq3A_1534 : vector<16xi32>
    %mul3A_1536 = vector.broadcast %squeeze3A_1528 : f32 to vector<16xf32>
    %mul3A_1537 = arith.mulf %get3A_1531, %mul3A_1536 : vector<16xf32>
    %jit3A_1538 = arith.constant 0.000000e+00 : f32
    %broadcast_in_dim3A_1539 = vector.broadcast %jit3A_1538 : f32 to vector<16xf32>
    %select_n3A_1540 = arith.select %eq3A_1535, %mul3A_1537, %broadcast_in_dim3A_1539 : vector<16xi1>, vector<16xf32>
    %add3A_1541 = arith.addf %add3A_1524, %select_n3A_1540 : vector<16xf32>
    %slice3A_1542 = vector.extract_strided_slice %get3A_4 {offsets = [2], sizes = [1], strides = [1]} : vector<16xi32> to vector<1xi32>
    %squeeze3A_1543 = vector.extract %slice3A_1542[0] : i32 from vector<1xi32>
    %slice3A_1544 = vector.extract_strided_slice %get3A_1501 {offsets = [2], sizes = [1], strides = [1]} : vector<16xf32> to vector<1xf32>
    %squeeze3A_1545 = vector.extract %slice3A_1544[0] : f32 from vector<1xf32>
    %get3A_1546 = arith.constant 32 : index
    %get3A_1547 = tpu.vector_load %arg8[%get3A_1546] {strides = array<i32>} : memref<1024xf32, #tpu.memory_space<vmem>>, vector<16xf32>,
    %get3A_1548 = vector.shape_cast %get3A_1547 : vector<16xf32> to vector<16xf32>
    %and3A_1549 = arith.constant 15 : i32
    %and3A_1550 = arith.andi %squeeze3A_1543, %and3A_1549 : i32
    %eq3A_1551 = vector.broadcast %and3A_1550 : i32 to vector<16xi32>
    %eq3A_1552 = arith.cmpi eq, %iota3A, %eq3A_1551 : vector<16xi32>
    %mul3A_1553 = vector.broadcast %squeeze3A_1545 : f32 to vector<16xf32>
    %mul3A_1554 = arith.mulf %get3A_1548, %mul3A_1553 : vector<16xf32>
    %jit3A_1555 = arith.constant 0.000000e+00 : f32
    %broadcast_in_dim3A_1556 = vector.broadcast %jit3A_1555 : f32 to vector<16xf32>
    %select_n3A_1557 = arith.select %eq3A_1552, %mul3A_1554, %broadcast_in_dim3A_1556 : vector<16xi1>, vector<16xf32>
    %add3A_1558 = arith.addf %add3A_1541, %select_n3A_1557 : vector<16xf32>
    %slice3A_1559 = vector.extract_strided_slice %get3A_4 {offsets = [3], sizes = [1], strides = [1]} : vector<16xi32> to vector<1xi32>
    %squeeze3A_1560 = vector.extract %slice3A_1559[0] : i32 from vector<1xi32>
    %slice3A_1561 = vector.extract_strided_slice %get3A_1501 {offsets = [3], sizes = [1], strides = [1]} : vector<16xf32> to vector<1xf32>
    %squeeze3A_1562 = vector.extract %slice3A_1561[0] : f32 from vector<1xf32>
    %get3A_1563 = arith.constant 48 : index
    %get3A_1564 = tpu.vector_load %arg8[%get3A_1563] {strides = array<i32>} : memref<1024xf32, #tpu.memory_space<vmem>>, vector<16xf32>,
    %get3A_1565 = vector.shape_cast %get3A_1564 : vector<16xf32> to vector<16xf32>
    %and3A_1566 = arith.constant 15 : i32
    %and3A_1567 = arith.andi %squeeze3A_1560, %and3A_1566 : i32
    %eq3A_1568 = vector.broadcast %and3A_1567 : i32 to vector<16xi32>
    %eq3A_1569 = arith.cmpi eq, %iota3A, %eq3A_1568 : vector<16xi32>
    %mul3A_1570 = vector.broadcast %squeeze3A_1562 : f32 to vector<16xf32>
    %mul3A_1571 = arith.mulf %get3A_1565, %mul3A_1570 : vector<16xf32>
    %jit3A_1572 = arith.constant 0.000000e+00 : f32
    %broadcast_in_dim3A_1573 = vector.broadcast %jit3A_1572 : f32 to vector<16xf32>
    %select_n3A_1574 = arith.select %eq3A_1569, %mul3A_1571, %broadcast_in_dim3A_1573 : vector<16xi1>, vector<16xf32>
    %add3A_1575 = arith.addf %add3A_1558, %select_n3A_1574 : vector<16xf32>
    %slice3A_1576 = vector.extract_strided_slice %get3A_4 {offsets = [4], sizes = [1], strides = [1]} : vector<16xi32> to vector<1xi32>
    %squeeze3A_1577 = vector.extract %slice3A_1576[0] : i32 from vector<1xi32>
    %slice3A_1578 = vector.extract_strided_slice %get3A_1501 {offsets = [4], sizes = [1], strides = [1]} : vector<16xf32> to vector<1xf32>
    %squeeze3A_1579 = vector.extract %slice3A_1578[0] : f32 from vector<1xf32>
    %get3A_1580 = arith.constant 64 : index
    %get3A_1581 = tpu.vector_load %arg8[%get3A_1580] {strides = array<i32>} : memref<1024xf32, #tpu.memory_space<vmem>>, vector<16xf32>,
    %get3A_1582 = vector.shape_cast %get3A_1581 : vector<16xf32> to vector<16xf32>
    %and3A_1583 = arith.constant 15 : i32
    %and3A_1584 = arith.andi %squeeze3A_1577, %and3A_1583 : i32
    %eq3A_1585 = vector.broadcast %and3A_1584 : i32 to vector<16xi32>
    %eq3A_1586 = arith.cmpi eq, %iota3A, %eq3A_1585 : vector<16xi32>
    %mul3A_1587 = vector.broadcast %squeeze3A_1579 : f32 to vector<16xf32>
    %mul3A_1588 = arith.mulf %get3A_1582, %mul3A_1587 : vector<16xf32>
    %jit3A_1589 = arith.constant 0.000000e+00 : f32
    %broadcast_in_dim3A_1590 = vector.broadcast %jit3A_1589 : f32 to vector<16xf32>
    %select_n3A_1591 = arith.select %eq3A_1586, %mul3A_1588, %broadcast_in_dim3A_1590 : vector<16xi1>, vector<16xf32>
    %add3A_1592 = arith.addf %add3A_1575, %select_n3A_1591 : vector<16xf32>
    %slice3A_1593 = vector.extract_strided_slice %get3A_4 {offsets = [5], sizes = [1], strides = [1]} : vector<16xi32> to vector<1xi32>
    %squeeze3A_1594 = vector.extract %slice3A_1593[0] : i32 from vector<1xi32>
    %slice3A_1595 = vector.extract_strided_slice %get3A_1501 {offsets = [5], sizes = [1], strides = [1]} : vector<16xf32> to vector<1xf32>
    %squeeze3A_1596 = vector.extract %slice3A_1595[0] : f32 from vector<1xf32>
    %get3A_1597 = arith.constant 80 : index
    %get3A_1598 = tpu.vector_load %arg8[%get3A_1597] {strides = array<i32>} : memref<1024xf32, #tpu.memory_space<vmem>>, vector<16xf32>,
    %get3A_1599 = vector.shape_cast %get3A_1598 : vector<16xf32> to vector<16xf32>
    %and3A_1600 = arith.constant 15 : i32
    %and3A_1601 = arith.andi %squeeze3A_1594, %and3A_1600 : i32
    %eq3A_1602 = vector.broadcast %and3A_1601 : i32 to vector<16xi32>
    %eq3A_1603 = arith.cmpi eq, %iota3A, %eq3A_1602 : vector<16xi32>
    %mul3A_1604 = vector.broadcast %squeeze3A_1596 : f32 to vector<16xf32>
    %mul3A_1605 = arith.mulf %get3A_1599, %mul3A_1604 : vector<16xf32>
    %jit3A_1606 = arith.constant 0.000000e+00 : f32
    %broadcast_in_dim3A_1607 = vector.broadcast %jit3A_1606 : f32 to vector<16xf32>
    %select_n3A_1608 = arith.select %eq3A_1603, %mul3A_1605, %broadcast_in_dim3A_1607 : vector<16xi1>, vector<16xf32>
    %add3A_1609 = arith.addf %add3A_1592, %select_n3A_1608 : vector<16xf32>
    %slice3A_1610 = vector.extract_strided_slice %get3A_4 {offsets = [6], sizes = [1], strides = [1]} : vector<16xi32> to vector<1xi32>
    %squeeze3A_1611 = vector.extract %slice3A_1610[0] : i32 from vector<1xi32>
    %slice3A_1612 = vector.extract_strided_slice %get3A_1501 {offsets = [6], sizes = [1], strides = [1]} : vector<16xf32> to vector<1xf32>
    %squeeze3A_1613 = vector.extract %slice3A_1612[0] : f32 from vector<1xf32>
    %get3A_1614 = arith.constant 96 : index
    %get3A_1615 = tpu.vector_load %arg8[%get3A_1614] {strides = array<i32>} : memref<1024xf32, #tpu.memory_space<vmem>>, vector<16xf32>,
    %get3A_1616 = vector.shape_cast %get3A_1615 : vector<16xf32> to vector<16xf32>
    %and3A_1617 = arith.constant 15 : i32
    %and3A_1618 = arith.andi %squeeze3A_1611, %and3A_1617 : i32
    %eq3A_1619 = vector.broadcast %and3A_1618 : i32 to vector<16xi32>
    %eq3A_1620 = arith.cmpi eq, %iota3A, %eq3A_1619 : vector<16xi32>
    %mul3A_1621 = vector.broadcast %squeeze3A_1613 : f32 to vector<16xf32>
    %mul3A_1622 = arith.mulf %get3A_1616, %mul3A_1621 : vector<16xf32>
    %jit3A_1623 = arith.constant 0.000000e+00 : f32
    %broadcast_in_dim3A_1624 = vector.broadcast %jit3A_1623 : f32 to vector<16xf32>
    %select_n3A_1625 = arith.select %eq3A_1620, %mul3A_1622, %broadcast_in_dim3A_1624 : vector<16xi1>, vector<16xf32>
    %add3A_1626 = arith.addf %add3A_1609, %select_n3A_1625 : vector<16xf32>
    %slice3A_1627 = vector.extract_strided_slice %get3A_4 {offsets = [7], sizes = [1], strides = [1]} : vector<16xi32> to vector<1xi32>
    %squeeze3A_1628 = vector.extract %slice3A_1627[0] : i32 from vector<1xi32>
    %slice3A_1629 = vector.extract_strided_slice %get3A_1501 {offsets = [7], sizes = [1], strides = [1]} : vector<16xf32> to vector<1xf32>
    %squeeze3A_1630 = vector.extract %slice3A_1629[0] : f32 from vector<1xf32>
    %get3A_1631 = arith.constant 112 : index
    %get3A_1632 = tpu.vector_load %arg8[%get3A_1631] {strides = array<i32>} : memref<1024xf32, #tpu.memory_space<vmem>>, vector<16xf32>,
    %get3A_1633 = vector.shape_cast %get3A_1632 : vector<16xf32> to vector<16xf32>
    %and3A_1634 = arith.constant 15 : i32
    %and3A_1635 = arith.andi %squeeze3A_1628, %and3A_1634 : i32
    %eq3A_1636 = vector.broadcast %and3A_1635 : i32 to vector<16xi32>
    %eq3A_1637 = arith.cmpi eq, %iota3A, %eq3A_1636 : vector<16xi32>
    %mul3A_1638 = vector.broadcast %squeeze3A_1630 : f32 to vector<16xf32>
    %mul3A_1639 = arith.mulf %get3A_1633, %mul3A_1638 : vector<16xf32>
    %jit3A_1640 = arith.constant 0.000000e+00 : f32
    %broadcast_in_dim3A_1641 = vector.broadcast %jit3A_1640 : f32 to vector<16xf32>
    %select_n3A_1642 = arith.select %eq3A_1637, %mul3A_1639, %broadcast_in_dim3A_1641 : vector<16xi1>, vector<16xf32>
    %add3A_1643 = arith.addf %add3A_1626, %select_n3A_1642 : vector<16xf32>
    %slice3A_1644 = vector.extract_strided_slice %get3A_4 {offsets = [8], sizes = [1], strides = [1]} : vector<16xi32> to vector<1xi32>
    %squeeze3A_1645 = vector.extract %slice3A_1644[0] : i32 from vector<1xi32>
    %slice3A_1646 = vector.extract_strided_slice %get3A_1501 {offsets = [8], sizes = [1], strides = [1]} : vector<16xf32> to vector<1xf32>
    %squeeze3A_1647 = vector.extract %slice3A_1646[0] : f32 from vector<1xf32>
    %get3A_1648 = arith.constant 128 : index
    %get3A_1649 = tpu.vector_load %arg8[%get3A_1648] {strides = array<i32>} : memref<1024xf32, #tpu.memory_space<vmem>>, vector<16xf32>,
    %get3A_1650 = vector.shape_cast %get3A_1649 : vector<16xf32> to vector<16xf32>
    %and3A_1651 = arith.constant 15 : i32
    %and3A_1652 = arith.andi %squeeze3A_1645, %and3A_1651 : i32
    %eq3A_1653 = vector.broadcast %and3A_1652 : i32 to vector<16xi32>
    %eq3A_1654 = arith.cmpi eq, %iota3A, %eq3A_1653 : vector<16xi32>
    %mul3A_1655 = vector.broadcast %squeeze3A_1647 : f32 to vector<16xf32>
    %mul3A_1656 = arith.mulf %get3A_1650, %mul3A_1655 : vector<16xf32>
    %jit3A_1657 = arith.constant 0.000000e+00 : f32
    %broadcast_in_dim3A_1658 = vector.broadcast %jit3A_1657 : f32 to vector<16xf32>
    %select_n3A_1659 = arith.select %eq3A_1654, %mul3A_1656, %broadcast_in_dim3A_1658 : vector<16xi1>, vector<16xf32>
    %add3A_1660 = arith.addf %add3A_1643, %select_n3A_1659 : vector<16xf32>
    %slice3A_1661 = vector.extract_strided_slice %get3A_4 {offsets = [9], sizes = [1], strides = [1]} : vector<16xi32> to vector<1xi32>
    %squeeze3A_1662 = vector.extract %slice3A_1661[0] : i32 from vector<1xi32>
    %slice3A_1663 = vector.extract_strided_slice %get3A_1501 {offsets = [9], sizes = [1], strides = [1]} : vector<16xf32> to vector<1xf32>
    %squeeze3A_1664 = vector.extract %slice3A_1663[0] : f32 from vector<1xf32>
    %get3A_1665 = arith.constant 144 : index
    %get3A_1666 = tpu.vector_load %arg8[%get3A_1665] {strides = array<i32>} : memref<1024xf32, #tpu.memory_space<vmem>>, vector<16xf32>,
    %get3A_1667 = vector.shape_cast %get3A_1666 : vector<16xf32> to vector<16xf32>
    %and3A_1668 = arith.constant 15 : i32
    %and3A_1669 = arith.andi %squeeze3A_1662, %and3A_1668 : i32
    %eq3A_1670 = vector.broadcast %and3A_1669 : i32 to vector<16xi32>
    %eq3A_1671 = arith.cmpi eq, %iota3A, %eq3A_1670 : vector<16xi32>
    %mul3A_1672 = vector.broadcast %squeeze3A_1664 : f32 to vector<16xf32>
    %mul3A_1673 = arith.mulf %get3A_1667, %mul3A_1672 : vector<16xf32>
    %jit3A_1674 = arith.constant 0.000000e+00 : f32
    %broadcast_in_dim3A_1675 = vector.broadcast %jit3A_1674 : f32 to vector<16xf32>
    %select_n3A_1676 = arith.select %eq3A_1671, %mul3A_1673, %broadcast_in_dim3A_1675 : vector<16xi1>, vector<16xf32>
    %add3A_1677 = arith.addf %add3A_1660, %select_n3A_1676 : vector<16xf32>
    %slice3A_1678 = vector.extract_strided_slice %get3A_4 {offsets = [10], sizes = [1], strides = [1]} : vector<16xi32> to vector<1xi32>
    %squeeze3A_1679 = vector.extract %slice3A_1678[0] : i32 from vector<1xi32>
    %slice3A_1680 = vector.extract_strided_slice %get3A_1501 {offsets = [10], sizes = [1], strides = [1]} : vector<16xf32> to vector<1xf32>
    %squeeze3A_1681 = vector.extract %slice3A_1680[0] : f32 from vector<1xf32>
    %get3A_1682 = arith.constant 160 : index
    %get3A_1683 = tpu.vector_load %arg8[%get3A_1682] {strides = array<i32>} : memref<1024xf32, #tpu.memory_space<vmem>>, vector<16xf32>,
    %get3A_1684 = vector.shape_cast %get3A_1683 : vector<16xf32> to vector<16xf32>
    %and3A_1685 = arith.constant 15 : i32
    %and3A_1686 = arith.andi %squeeze3A_1679, %and3A_1685 : i32
    %eq3A_1687 = vector.broadcast %and3A_1686 : i32 to vector<16xi32>
    %eq3A_1688 = arith.cmpi eq, %iota3A, %eq3A_1687 : vector<16xi32>
    %mul3A_1689 = vector.broadcast %squeeze3A_1681 : f32 to vector<16xf32>
    %mul3A_1690 = arith.mulf %get3A_1684, %mul3A_1689 : vector<16xf32>
    %jit3A_1691 = arith.constant 0.000000e+00 : f32
    %broadcast_in_dim3A_1692 = vector.broadcast %jit3A_1691 : f32 to vector<16xf32>
    %select_n3A_1693 = arith.select %eq3A_1688, %mul3A_1690, %broadcast_in_dim3A_1692 : vector<16xi1>, vector<16xf32>
    %add3A_1694 = arith.addf %add3A_1677, %select_n3A_1693 : vector<16xf32>
    %slice3A_1695 = vector.extract_strided_slice %get3A_4 {offsets = [11], sizes = [1], strides = [1]} : vector<16xi32> to vector<1xi32>
    %squeeze3A_1696 = vector.extract %slice3A_1695[0] : i32 from vector<1xi32>
    %slice3A_1697 = vector.extract_strided_slice %get3A_1501 {offsets = [11], sizes = [1], strides = [1]} : vector<16xf32> to vector<1xf32>
    %squeeze3A_1698 = vector.extract %slice3A_1697[0] : f32 from vector<1xf32>
    %get3A_1699 = arith.constant 176 : index
    %get3A_1700 = tpu.vector_load %arg8[%get3A_1699] {strides = array<i32>} : memref<1024xf32, #tpu.memory_space<vmem>>, vector<16xf32>,
    %get3A_1701 = vector.shape_cast %get3A_1700 : vector<16xf32> to vector<16xf32>
    %and3A_1702 = arith.constant 15 : i32
    %and3A_1703 = arith.andi %squeeze3A_1696, %and3A_1702 : i32
    %eq3A_1704 = vector.broadcast %and3A_1703 : i32 to vector<16xi32>
    %eq3A_1705 = arith.cmpi eq, %iota3A, %eq3A_1704 : vector<16xi32>
    %mul3A_1706 = vector.broadcast %squeeze3A_1698 : f32 to vector<16xf32>
    %mul3A_1707 = arith.mulf %get3A_1701, %mul3A_1706 : vector<16xf32>
    %jit3A_1708 = arith.constant 0.000000e+00 : f32
    %broadcast_in_dim3A_1709 = vector.broadcast %jit3A_1708 : f32 to vector<16xf32>
    %select_n3A_1710 = arith.select %eq3A_1705, %mul3A_1707, %broadcast_in_dim3A_1709 : vector<16xi1>, vector<16xf32>
    %add3A_1711 = arith.addf %add3A_1694, %select_n3A_1710 : vector<16xf32>
    %slice3A_1712 = vector.extract_strided_slice %get3A_4 {offsets = [12], sizes = [1], strides = [1]} : vector<16xi32> to vector<1xi32>
    %squeeze3A_1713 = vector.extract %slice3A_1712[0] : i32 from vector<1xi32>
    %slice3A_1714 = vector.extract_strided_slice %get3A_1501 {offsets = [12], sizes = [1], strides = [1]} : vector<16xf32> to vector<1xf32>
    %squeeze3A_1715 = vector.extract %slice3A_1714[0] : f32 from vector<1xf32>
    %get3A_1716 = arith.constant 192 : index
    %get3A_1717 = tpu.vector_load %arg8[%get3A_1716] {strides = array<i32>} : memref<1024xf32, #tpu.memory_space<vmem>>, vector<16xf32>,
    %get3A_1718 = vector.shape_cast %get3A_1717 : vector<16xf32> to vector<16xf32>
    %and3A_1719 = arith.constant 15 : i32
    %and3A_1720 = arith.andi %squeeze3A_1713, %and3A_1719 : i32
    %eq3A_1721 = vector.broadcast %and3A_1720 : i32 to vector<16xi32>
    %eq3A_1722 = arith.cmpi eq, %iota3A, %eq3A_1721 : vector<16xi32>
    %mul3A_1723 = vector.broadcast %squeeze3A_1715 : f32 to vector<16xf32>
    %mul3A_1724 = arith.mulf %get3A_1718, %mul3A_1723 : vector<16xf32>
    %jit3A_1725 = arith.constant 0.000000e+00 : f32
    %broadcast_in_dim3A_1726 = vector.broadcast %jit3A_1725 : f32 to vector<16xf32>
    %select_n3A_1727 = arith.select %eq3A_1722, %mul3A_1724, %broadcast_in_dim3A_1726 : vector<16xi1>, vector<16xf32>
    %add3A_1728 = arith.addf %add3A_1711, %select_n3A_1727 : vector<16xf32>
    %slice3A_1729 = vector.extract_strided_slice %get3A_4 {offsets = [13], sizes = [1], strides = [1]} : vector<16xi32> to vector<1xi32>
    %squeeze3A_1730 = vector.extract %slice3A_1729[0] : i32 from vector<1xi32>
    %slice3A_1731 = vector.extract_strided_slice %get3A_1501 {offsets = [13], sizes = [1], strides = [1]} : vector<16xf32> to vector<1xf32>
    %squeeze3A_1732 = vector.extract %slice3A_1731[0] : f32 from vector<1xf32>
    %get3A_1733 = arith.constant 208 : index
    %get3A_1734 = tpu.vector_load %arg8[%get3A_1733] {strides = array<i32>} : memref<1024xf32, #tpu.memory_space<vmem>>, vector<16xf32>,
    %get3A_1735 = vector.shape_cast %get3A_1734 : vector<16xf32> to vector<16xf32>
    %and3A_1736 = arith.constant 15 : i32
    %and3A_1737 = arith.andi %squeeze3A_1730, %and3A_1736 : i32
    %eq3A_1738 = vector.broadcast %and3A_1737 : i32 to vector<16xi32>
    %eq3A_1739 = arith.cmpi eq, %iota3A, %eq3A_1738 : vector<16xi32>
    %mul3A_1740 = vector.broadcast %squeeze3A_1732 : f32 to vector<16xf32>
    %mul3A_1741 = arith.mulf %get3A_1735, %mul3A_1740 : vector<16xf32>
    %jit3A_1742 = arith.constant 0.000000e+00 : f32
    %broadcast_in_dim3A_1743 = vector.broadcast %jit3A_1742 : f32 to vector<16xf32>
    %select_n3A_1744 = arith.select %eq3A_1739, %mul3A_1741, %broadcast_in_dim3A_1743 : vector<16xi1>, vector<16xf32>
    %add3A_1745 = arith.addf %add3A_1728, %select_n3A_1744 : vector<16xf32>
    %slice3A_1746 = vector.extract_strided_slice %get3A_4 {offsets = [14], sizes = [1], strides = [1]} : vector<16xi32> to vector<1xi32>
    %squeeze3A_1747 = vector.extract %slice3A_1746[0] : i32 from vector<1xi32>
    %slice3A_1748 = vector.extract_strided_slice %get3A_1501 {offsets = [14], sizes = [1], strides = [1]} : vector<16xf32> to vector<1xf32>
    %squeeze3A_1749 = vector.extract %slice3A_1748[0] : f32 from vector<1xf32>
    %get3A_1750 = arith.constant 224 : index
    %get3A_1751 = tpu.vector_load %arg8[%get3A_1750] {strides = array<i32>} : memref<1024xf32, #tpu.memory_space<vmem>>, vector<16xf32>,
    %get3A_1752 = vector.shape_cast %get3A_1751 : vector<16xf32> to vector<16xf32>
    %and3A_1753 = arith.constant 15 : i32
    %and3A_1754 = arith.andi %squeeze3A_1747, %and3A_1753 : i32
    %eq3A_1755 = vector.broadcast %and3A_1754 : i32 to vector<16xi32>
    %eq3A_1756 = arith.cmpi eq, %iota3A, %eq3A_1755 : vector<16xi32>
    %mul3A_1757 = vector.broadcast %squeeze3A_1749 : f32 to vector<16xf32>
    %mul3A_1758 = arith.mulf %get3A_1752, %mul3A_1757 : vector<16xf32>
    %jit3A_1759 = arith.constant 0.000000e+00 : f32
    %broadcast_in_dim3A_1760 = vector.broadcast %jit3A_1759 : f32 to vector<16xf32>
    %select_n3A_1761 = arith.select %eq3A_1756, %mul3A_1758, %broadcast_in_dim3A_1760 : vector<16xi1>, vector<16xf32>
    %add3A_1762 = arith.addf %add3A_1745, %select_n3A_1761 : vector<16xf32>
    %slice3A_1763 = vector.extract_strided_slice %get3A_4 {offsets = [15], sizes = [1], strides = [1]} : vector<16xi32> to vector<1xi32>
    %squeeze3A_1764 = vector.extract %slice3A_1763[0] : i32 from vector<1xi32>
    %slice3A_1765 = vector.extract_strided_slice %get3A_1501 {offsets = [15], sizes = [1], strides = [1]} : vector<16xf32> to vector<1xf32>
    %squeeze3A_1766 = vector.extract %slice3A_1765[0] : f32 from vector<1xf32>
    %get3A_1767 = arith.constant 240 : index
    %get3A_1768 = tpu.vector_load %arg8[%get3A_1767] {strides = array<i32>} : memref<1024xf32, #tpu.memory_space<vmem>>, vector<16xf32>,
    %get3A_1769 = vector.shape_cast %get3A_1768 : vector<16xf32> to vector<16xf32>
    %and3A_1770 = arith.constant 15 : i32
    %and3A_1771 = arith.andi %squeeze3A_1764, %and3A_1770 : i32
    %eq3A_1772 = vector.broadcast %and3A_1771 : i32 to vector<16xi32>
    %eq3A_1773 = arith.cmpi eq, %iota3A, %eq3A_1772 : vector<16xi32>
    %mul3A_1774 = vector.broadcast %squeeze3A_1766 : f32 to vector<16xf32>
    %mul3A_1775 = arith.mulf %get3A_1769, %mul3A_1774 : vector<16xf32>
    %jit3A_1776 = arith.constant 0.000000e+00 : f32
    %broadcast_in_dim3A_1777 = vector.broadcast %jit3A_1776 : f32 to vector<16xf32>
    %select_n3A_1778 = arith.select %eq3A_1773, %mul3A_1775, %broadcast_in_dim3A_1777 : vector<16xi1>, vector<16xf32>
    %add3A_1779 = arith.addf %add3A_1762, %select_n3A_1778 : vector<16xf32>
    %slice3A_1780 = vector.extract_strided_slice %get3A_7 {offsets = [0], sizes = [1], strides = [1]} : vector<16xi32> to vector<1xi32>
    %squeeze3A_1781 = vector.extract %slice3A_1780[0] : i32 from vector<1xi32>
    %slice3A_1782 = vector.extract_strided_slice %get3A_1504 {offsets = [0], sizes = [1], strides = [1]} : vector<16xf32> to vector<1xf32>
    %squeeze3A_1783 = vector.extract %slice3A_1782[0] : f32 from vector<1xf32>
    %get3A_1784 = arith.constant 256 : index
    %get3A_1785 = tpu.vector_load %arg8[%get3A_1784] {strides = array<i32>} : memref<1024xf32, #tpu.memory_space<vmem>>, vector<16xf32>,
    %get3A_1786 = vector.shape_cast %get3A_1785 : vector<16xf32> to vector<16xf32>
    %and3A_1787 = arith.constant 15 : i32
    %and3A_1788 = arith.andi %squeeze3A_1781, %and3A_1787 : i32
    %eq3A_1789 = vector.broadcast %and3A_1788 : i32 to vector<16xi32>
    %eq3A_1790 = arith.cmpi eq, %iota3A, %eq3A_1789 : vector<16xi32>
    %mul3A_1791 = vector.broadcast %squeeze3A_1783 : f32 to vector<16xf32>
    %mul3A_1792 = arith.mulf %get3A_1786, %mul3A_1791 : vector<16xf32>
    %jit3A_1793 = arith.constant 0.000000e+00 : f32
    %broadcast_in_dim3A_1794 = vector.broadcast %jit3A_1793 : f32 to vector<16xf32>
    %select_n3A_1795 = arith.select %eq3A_1790, %mul3A_1792, %broadcast_in_dim3A_1794 : vector<16xi1>, vector<16xf32>
    %add3A_1796 = arith.addf %add3A_1779, %select_n3A_1795 : vector<16xf32>
    %slice3A_1797 = vector.extract_strided_slice %get3A_7 {offsets = [1], sizes = [1], strides = [1]} : vector<16xi32> to vector<1xi32>
    %squeeze3A_1798 = vector.extract %slice3A_1797[0] : i32 from vector<1xi32>
    %slice3A_1799 = vector.extract_strided_slice %get3A_1504 {offsets = [1], sizes = [1], strides = [1]} : vector<16xf32> to vector<1xf32>
    %squeeze3A_1800 = vector.extract %slice3A_1799[0] : f32 from vector<1xf32>
    %get3A_1801 = arith.constant 272 : index
    %get3A_1802 = tpu.vector_load %arg8[%get3A_1801] {strides = array<i32>} : memref<1024xf32, #tpu.memory_space<vmem>>, vector<16xf32>,
    %get3A_1803 = vector.shape_cast %get3A_1802 : vector<16xf32> to vector<16xf32>
    %and3A_1804 = arith.constant 15 : i32
    %and3A_1805 = arith.andi %squeeze3A_1798, %and3A_1804 : i32
    %eq3A_1806 = vector.broadcast %and3A_1805 : i32 to vector<16xi32>
    %eq3A_1807 = arith.cmpi eq, %iota3A, %eq3A_1806 : vector<16xi32>
    %mul3A_1808 = vector.broadcast %squeeze3A_1800 : f32 to vector<16xf32>
    %mul3A_1809 = arith.mulf %get3A_1803, %mul3A_1808 : vector<16xf32>
    %jit3A_1810 = arith.constant 0.000000e+00 : f32
    %broadcast_in_dim3A_1811 = vector.broadcast %jit3A_1810 : f32 to vector<16xf32>
    %select_n3A_1812 = arith.select %eq3A_1807, %mul3A_1809, %broadcast_in_dim3A_1811 : vector<16xi1>, vector<16xf32>
    %add3A_1813 = arith.addf %add3A_1796, %select_n3A_1812 : vector<16xf32>
    %slice3A_1814 = vector.extract_strided_slice %get3A_7 {offsets = [2], sizes = [1], strides = [1]} : vector<16xi32> to vector<1xi32>
    %squeeze3A_1815 = vector.extract %slice3A_1814[0] : i32 from vector<1xi32>
    %slice3A_1816 = vector.extract_strided_slice %get3A_1504 {offsets = [2], sizes = [1], strides = [1]} : vector<16xf32> to vector<1xf32>
    %squeeze3A_1817 = vector.extract %slice3A_1816[0] : f32 from vector<1xf32>
    %get3A_1818 = arith.constant 288 : index
    %get3A_1819 = tpu.vector_load %arg8[%get3A_1818] {strides = array<i32>} : memref<1024xf32, #tpu.memory_space<vmem>>, vector<16xf32>,
    %get3A_1820 = vector.shape_cast %get3A_1819 : vector<16xf32> to vector<16xf32>
    %and3A_1821 = arith.constant 15 : i32
    %and3A_1822 = arith.andi %squeeze3A_1815, %and3A_1821 : i32
    %eq3A_1823 = vector.broadcast %and3A_1822 : i32 to vector<16xi32>
    %eq3A_1824 = arith.cmpi eq, %iota3A, %eq3A_1823 : vector<16xi32>
    %mul3A_1825 = vector.broadcast %squeeze3A_1817 : f32 to vector<16xf32>
    %mul3A_1826 = arith.mulf %get3A_1820, %mul3A_1825 : vector<16xf32>
    %jit3A_1827 = arith.constant 0.000000e+00 : f32
    %broadcast_in_dim3A_1828 = vector.broadcast %jit3A_1827 : f32 to vector<16xf32>
    %select_n3A_1829 = arith.select %eq3A_1824, %mul3A_1826, %broadcast_in_dim3A_1828 : vector<16xi1>, vector<16xf32>
    %add3A_1830 = arith.addf %add3A_1813, %select_n3A_1829 : vector<16xf32>
    %slice3A_1831 = vector.extract_strided_slice %get3A_7 {offsets = [3], sizes = [1], strides = [1]} : vector<16xi32> to vector<1xi32>
    %squeeze3A_1832 = vector.extract %slice3A_1831[0] : i32 from vector<1xi32>
    %slice3A_1833 = vector.extract_strided_slice %get3A_1504 {offsets = [3], sizes = [1], strides = [1]} : vector<16xf32> to vector<1xf32>
    %squeeze3A_1834 = vector.extract %slice3A_1833[0] : f32 from vector<1xf32>
    %get3A_1835 = arith.constant 304 : index
    %get3A_1836 = tpu.vector_load %arg8[%get3A_1835] {strides = array<i32>} : memref<1024xf32, #tpu.memory_space<vmem>>, vector<16xf32>,
    %get3A_1837 = vector.shape_cast %get3A_1836 : vector<16xf32> to vector<16xf32>
    %and3A_1838 = arith.constant 15 : i32
    %and3A_1839 = arith.andi %squeeze3A_1832, %and3A_1838 : i32
    %eq3A_1840 = vector.broadcast %and3A_1839 : i32 to vector<16xi32>
    %eq3A_1841 = arith.cmpi eq, %iota3A, %eq3A_1840 : vector<16xi32>
    %mul3A_1842 = vector.broadcast %squeeze3A_1834 : f32 to vector<16xf32>
    %mul3A_1843 = arith.mulf %get3A_1837, %mul3A_1842 : vector<16xf32>
    %jit3A_1844 = arith.constant 0.000000e+00 : f32
    %broadcast_in_dim3A_1845 = vector.broadcast %jit3A_1844 : f32 to vector<16xf32>
    %select_n3A_1846 = arith.select %eq3A_1841, %mul3A_1843, %broadcast_in_dim3A_1845 : vector<16xi1>, vector<16xf32>
    %add3A_1847 = arith.addf %add3A_1830, %select_n3A_1846 : vector<16xf32>
    %slice3A_1848 = vector.extract_strided_slice %get3A_7 {offsets = [4], sizes = [1], strides = [1]} : vector<16xi32> to vector<1xi32>
    %squeeze3A_1849 = vector.extract %slice3A_1848[0] : i32 from vector<1xi32>
    %slice3A_1850 = vector.extract_strided_slice %get3A_1504 {offsets = [4], sizes = [1], strides = [1]} : vector<16xf32> to vector<1xf32>
    %squeeze3A_1851 = vector.extract %slice3A_1850[0] : f32 from vector<1xf32>
    %get3A_1852 = arith.constant 320 : index
    %get3A_1853 = tpu.vector_load %arg8[%get3A_1852] {strides = array<i32>} : memref<1024xf32, #tpu.memory_space<vmem>>, vector<16xf32>,
    %get3A_1854 = vector.shape_cast %get3A_1853 : vector<16xf32> to vector<16xf32>
    %and3A_1855 = arith.constant 15 : i32
    %and3A_1856 = arith.andi %squeeze3A_1849, %and3A_1855 : i32
    %eq3A_1857 = vector.broadcast %and3A_1856 : i32 to vector<16xi32>
    %eq3A_1858 = arith.cmpi eq, %iota3A, %eq3A_1857 : vector<16xi32>
    %mul3A_1859 = vector.broadcast %squeeze3A_1851 : f32 to vector<16xf32>
    %mul3A_1860 = arith.mulf %get3A_1854, %mul3A_1859 : vector<16xf32>
    %jit3A_1861 = arith.constant 0.000000e+00 : f32
    %broadcast_in_dim3A_1862 = vector.broadcast %jit3A_1861 : f32 to vector<16xf32>
    %select_n3A_1863 = arith.select %eq3A_1858, %mul3A_1860, %broadcast_in_dim3A_1862 : vector<16xi1>, vector<16xf32>
    %add3A_1864 = arith.addf %add3A_1847, %select_n3A_1863 : vector<16xf32>
    %slice3A_1865 = vector.extract_strided_slice %get3A_7 {offsets = [5], sizes = [1], strides = [1]} : vector<16xi32> to vector<1xi32>
    %squeeze3A_1866 = vector.extract %slice3A_1865[0] : i32 from vector<1xi32>
    %slice3A_1867 = vector.extract_strided_slice %get3A_1504 {offsets = [5], sizes = [1], strides = [1]} : vector<16xf32> to vector<1xf32>
    %squeeze3A_1868 = vector.extract %slice3A_1867[0] : f32 from vector<1xf32>
    %get3A_1869 = arith.constant 336 : index
    %get3A_1870 = tpu.vector_load %arg8[%get3A_1869] {strides = array<i32>} : memref<1024xf32, #tpu.memory_space<vmem>>, vector<16xf32>,
    %get3A_1871 = vector.shape_cast %get3A_1870 : vector<16xf32> to vector<16xf32>
    %and3A_1872 = arith.constant 15 : i32
    %and3A_1873 = arith.andi %squeeze3A_1866, %and3A_1872 : i32
    %eq3A_1874 = vector.broadcast %and3A_1873 : i32 to vector<16xi32>
    %eq3A_1875 = arith.cmpi eq, %iota3A, %eq3A_1874 : vector<16xi32>
    %mul3A_1876 = vector.broadcast %squeeze3A_1868 : f32 to vector<16xf32>
    %mul3A_1877 = arith.mulf %get3A_1871, %mul3A_1876 : vector<16xf32>
    %jit3A_1878 = arith.constant 0.000000e+00 : f32
    %broadcast_in_dim3A_1879 = vector.broadcast %jit3A_1878 : f32 to vector<16xf32>
    %select_n3A_1880 = arith.select %eq3A_1875, %mul3A_1877, %broadcast_in_dim3A_1879 : vector<16xi1>, vector<16xf32>
    %add3A_1881 = arith.addf %add3A_1864, %select_n3A_1880 : vector<16xf32>
    %slice3A_1882 = vector.extract_strided_slice %get3A_7 {offsets = [6], sizes = [1], strides = [1]} : vector<16xi32> to vector<1xi32>
    %squeeze3A_1883 = vector.extract %slice3A_1882[0] : i32 from vector<1xi32>
    %slice3A_1884 = vector.extract_strided_slice %get3A_1504 {offsets = [6], sizes = [1], strides = [1]} : vector<16xf32> to vector<1xf32>
    %squeeze3A_1885 = vector.extract %slice3A_1884[0] : f32 from vector<1xf32>
    %get3A_1886 = arith.constant 352 : index
    %get3A_1887 = tpu.vector_load %arg8[%get3A_1886] {strides = array<i32>} : memref<1024xf32, #tpu.memory_space<vmem>>, vector<16xf32>,
    %get3A_1888 = vector.shape_cast %get3A_1887 : vector<16xf32> to vector<16xf32>
    %and3A_1889 = arith.constant 15 : i32
    %and3A_1890 = arith.andi %squeeze3A_1883, %and3A_1889 : i32
    %eq3A_1891 = vector.broadcast %and3A_1890 : i32 to vector<16xi32>
    %eq3A_1892 = arith.cmpi eq, %iota3A, %eq3A_1891 : vector<16xi32>
    %mul3A_1893 = vector.broadcast %squeeze3A_1885 : f32 to vector<16xf32>
    %mul3A_1894 = arith.mulf %get3A_1888, %mul3A_1893 : vector<16xf32>
    %jit3A_1895 = arith.constant 0.000000e+00 : f32
    %broadcast_in_dim3A_1896 = vector.broadcast %jit3A_1895 : f32 to vector<16xf32>
    %select_n3A_1897 = arith.select %eq3A_1892, %mul3A_1894, %broadcast_in_dim3A_1896 : vector<16xi1>, vector<16xf32>
    %add3A_1898 = arith.addf %add3A_1881, %select_n3A_1897 : vector<16xf32>
    %slice3A_1899 = vector.extract_strided_slice %get3A_7 {offsets = [7], sizes = [1], strides = [1]} : vector<16xi32> to vector<1xi32>
    %squeeze3A_1900 = vector.extract %slice3A_1899[0] : i32 from vector<1xi32>
    %slice3A_1901 = vector.extract_strided_slice %get3A_1504 {offsets = [7], sizes = [1], strides = [1]} : vector<16xf32> to vector<1xf32>
    %squeeze3A_1902 = vector.extract %slice3A_1901[0] : f32 from vector<1xf32>
    %get3A_1903 = arith.constant 368 : index
    %get3A_1904 = tpu.vector_load %arg8[%get3A_1903] {strides = array<i32>} : memref<1024xf32, #tpu.memory_space<vmem>>, vector<16xf32>,
    %get3A_1905 = vector.shape_cast %get3A_1904 : vector<16xf32> to vector<16xf32>
    %and3A_1906 = arith.constant 15 : i32
    %and3A_1907 = arith.andi %squeeze3A_1900, %and3A_1906 : i32
    %eq3A_1908 = vector.broadcast %and3A_1907 : i32 to vector<16xi32>
    %eq3A_1909 = arith.cmpi eq, %iota3A, %eq3A_1908 : vector<16xi32>
    %mul3A_1910 = vector.broadcast %squeeze3A_1902 : f32 to vector<16xf32>
    %mul3A_1911 = arith.mulf %get3A_1905, %mul3A_1910 : vector<16xf32>
    %jit3A_1912 = arith.constant 0.000000e+00 : f32
    %broadcast_in_dim3A_1913 = vector.broadcast %jit3A_1912 : f32 to vector<16xf32>
    %select_n3A_1914 = arith.select %eq3A_1909, %mul3A_1911, %broadcast_in_dim3A_1913 : vector<16xi1>, vector<16xf32>
    %add3A_1915 = arith.addf %add3A_1898, %select_n3A_1914 : vector<16xf32>
    %slice3A_1916 = vector.extract_strided_slice %get3A_7 {offsets = [8], sizes = [1], strides = [1]} : vector<16xi32> to vector<1xi32>
    %squeeze3A_1917 = vector.extract %slice3A_1916[0] : i32 from vector<1xi32>
    %slice3A_1918 = vector.extract_strided_slice %get3A_1504 {offsets = [8], sizes = [1], strides = [1]} : vector<16xf32> to vector<1xf32>
    %squeeze3A_1919 = vector.extract %slice3A_1918[0] : f32 from vector<1xf32>
    %get3A_1920 = arith.constant 384 : index
    %get3A_1921 = tpu.vector_load %arg8[%get3A_1920] {strides = array<i32>} : memref<1024xf32, #tpu.memory_space<vmem>>, vector<16xf32>,
    %get3A_1922 = vector.shape_cast %get3A_1921 : vector<16xf32> to vector<16xf32>
    %and3A_1923 = arith.constant 15 : i32
    %and3A_1924 = arith.andi %squeeze3A_1917, %and3A_1923 : i32
    %eq3A_1925 = vector.broadcast %and3A_1924 : i32 to vector<16xi32>
    %eq3A_1926 = arith.cmpi eq, %iota3A, %eq3A_1925 : vector<16xi32>
    %mul3A_1927 = vector.broadcast %squeeze3A_1919 : f32 to vector<16xf32>
    %mul3A_1928 = arith.mulf %get3A_1922, %mul3A_1927 : vector<16xf32>
    %jit3A_1929 = arith.constant 0.000000e+00 : f32
    %broadcast_in_dim3A_1930 = vector.broadcast %jit3A_1929 : f32 to vector<16xf32>
    %select_n3A_1931 = arith.select %eq3A_1926, %mul3A_1928, %broadcast_in_dim3A_1930 : vector<16xi1>, vector<16xf32>
    %add3A_1932 = arith.addf %add3A_1915, %select_n3A_1931 : vector<16xf32>
    %slice3A_1933 = vector.extract_strided_slice %get3A_7 {offsets = [9], sizes = [1], strides = [1]} : vector<16xi32> to vector<1xi32>
    %squeeze3A_1934 = vector.extract %slice3A_1933[0] : i32 from vector<1xi32>
    %slice3A_1935 = vector.extract_strided_slice %get3A_1504 {offsets = [9], sizes = [1], strides = [1]} : vector<16xf32> to vector<1xf32>
    %squeeze3A_1936 = vector.extract %slice3A_1935[0] : f32 from vector<1xf32>
    %get3A_1937 = arith.constant 400 : index
    %get3A_1938 = tpu.vector_load %arg8[%get3A_1937] {strides = array<i32>} : memref<1024xf32, #tpu.memory_space<vmem>>, vector<16xf32>,
    %get3A_1939 = vector.shape_cast %get3A_1938 : vector<16xf32> to vector<16xf32>
    %and3A_1940 = arith.constant 15 : i32
    %and3A_1941 = arith.andi %squeeze3A_1934, %and3A_1940 : i32
    %eq3A_1942 = vector.broadcast %and3A_1941 : i32 to vector<16xi32>
    %eq3A_1943 = arith.cmpi eq, %iota3A, %eq3A_1942 : vector<16xi32>
    %mul3A_1944 = vector.broadcast %squeeze3A_1936 : f32 to vector<16xf32>
    %mul3A_1945 = arith.mulf %get3A_1939, %mul3A_1944 : vector<16xf32>
    %jit3A_1946 = arith.constant 0.000000e+00 : f32
    %broadcast_in_dim3A_1947 = vector.broadcast %jit3A_1946 : f32 to vector<16xf32>
    %select_n3A_1948 = arith.select %eq3A_1943, %mul3A_1945, %broadcast_in_dim3A_1947 : vector<16xi1>, vector<16xf32>
    %add3A_1949 = arith.addf %add3A_1932, %select_n3A_1948 : vector<16xf32>
    %slice3A_1950 = vector.extract_strided_slice %get3A_7 {offsets = [10], sizes = [1], strides = [1]} : vector<16xi32> to vector<1xi32>
    %squeeze3A_1951 = vector.extract %slice3A_1950[0] : i32 from vector<1xi32>
    %slice3A_1952 = vector.extract_strided_slice %get3A_1504 {offsets = [10], sizes = [1], strides = [1]} : vector<16xf32> to vector<1xf32>
    %squeeze3A_1953 = vector.extract %slice3A_1952[0] : f32 from vector<1xf32>
    %get3A_1954 = arith.constant 416 : index
    %get3A_1955 = tpu.vector_load %arg8[%get3A_1954] {strides = array<i32>} : memref<1024xf32, #tpu.memory_space<vmem>>, vector<16xf32>,
    %get3A_1956 = vector.shape_cast %get3A_1955 : vector<16xf32> to vector<16xf32>
    %and3A_1957 = arith.constant 15 : i32
    %and3A_1958 = arith.andi %squeeze3A_1951, %and3A_1957 : i32
    %eq3A_1959 = vector.broadcast %and3A_1958 : i32 to vector<16xi32>
    %eq3A_1960 = arith.cmpi eq, %iota3A, %eq3A_1959 : vector<16xi32>
    %mul3A_1961 = vector.broadcast %squeeze3A_1953 : f32 to vector<16xf32>
    %mul3A_1962 = arith.mulf %get3A_1956, %mul3A_1961 : vector<16xf32>
    %jit3A_1963 = arith.constant 0.000000e+00 : f32
    %broadcast_in_dim3A_1964 = vector.broadcast %jit3A_1963 : f32 to vector<16xf32>
    %select_n3A_1965 = arith.select %eq3A_1960, %mul3A_1962, %broadcast_in_dim3A_1964 : vector<16xi1>, vector<16xf32>
    %add3A_1966 = arith.addf %add3A_1949, %select_n3A_1965 : vector<16xf32>
    %slice3A_1967 = vector.extract_strided_slice %get3A_7 {offsets = [11], sizes = [1], strides = [1]} : vector<16xi32> to vector<1xi32>
    %squeeze3A_1968 = vector.extract %slice3A_1967[0] : i32 from vector<1xi32>
    %slice3A_1969 = vector.extract_strided_slice %get3A_1504 {offsets = [11], sizes = [1], strides = [1]} : vector<16xf32> to vector<1xf32>
    %squeeze3A_1970 = vector.extract %slice3A_1969[0] : f32 from vector<1xf32>
    %get3A_1971 = arith.constant 432 : index
    %get3A_1972 = tpu.vector_load %arg8[%get3A_1971] {strides = array<i32>} : memref<1024xf32, #tpu.memory_space<vmem>>, vector<16xf32>,
    %get3A_1973 = vector.shape_cast %get3A_1972 : vector<16xf32> to vector<16xf32>
    %and3A_1974 = arith.constant 15 : i32
    %and3A_1975 = arith.andi %squeeze3A_1968, %and3A_1974 : i32
    %eq3A_1976 = vector.broadcast %and3A_1975 : i32 to vector<16xi32>
    %eq3A_1977 = arith.cmpi eq, %iota3A, %eq3A_1976 : vector<16xi32>
    %mul3A_1978 = vector.broadcast %squeeze3A_1970 : f32 to vector<16xf32>
    %mul3A_1979 = arith.mulf %get3A_1973, %mul3A_1978 : vector<16xf32>
    %jit3A_1980 = arith.constant 0.000000e+00 : f32
    %broadcast_in_dim3A_1981 = vector.broadcast %jit3A_1980 : f32 to vector<16xf32>
    %select_n3A_1982 = arith.select %eq3A_1977, %mul3A_1979, %broadcast_in_dim3A_1981 : vector<16xi1>, vector<16xf32>
    %add3A_1983 = arith.addf %add3A_1966, %select_n3A_1982 : vector<16xf32>
    %slice3A_1984 = vector.extract_strided_slice %get3A_7 {offsets = [12], sizes = [1], strides = [1]} : vector<16xi32> to vector<1xi32>
    %squeeze3A_1985 = vector.extract %slice3A_1984[0] : i32 from vector<1xi32>
    %slice3A_1986 = vector.extract_strided_slice %get3A_1504 {offsets = [12], sizes = [1], strides = [1]} : vector<16xf32> to vector<1xf32>
    %squeeze3A_1987 = vector.extract %slice3A_1986[0] : f32 from vector<1xf32>
    %get3A_1988 = arith.constant 448 : index
    %get3A_1989 = tpu.vector_load %arg8[%get3A_1988] {strides = array<i32>} : memref<1024xf32, #tpu.memory_space<vmem>>, vector<16xf32>,
    %get3A_1990 = vector.shape_cast %get3A_1989 : vector<16xf32> to vector<16xf32>
    %and3A_1991 = arith.constant 15 : i32
    %and3A_1992 = arith.andi %squeeze3A_1985, %and3A_1991 : i32
    %eq3A_1993 = vector.broadcast %and3A_1992 : i32 to vector<16xi32>
    %eq3A_1994 = arith.cmpi eq, %iota3A, %eq3A_1993 : vector<16xi32>
    %mul3A_1995 = vector.broadcast %squeeze3A_1987 : f32 to vector<16xf32>
    %mul3A_1996 = arith.mulf %get3A_1990, %mul3A_1995 : vector<16xf32>
    %jit3A_1997 = arith.constant 0.000000e+00 : f32
    %broadcast_in_dim3A_1998 = vector.broadcast %jit3A_1997 : f32 to vector<16xf32>
    %select_n3A_1999 = arith.select %eq3A_1994, %mul3A_1996, %broadcast_in_dim3A_1998 : vector<16xi1>, vector<16xf32>
    %add3A_2000 = arith.addf %add3A_1983, %select_n3A_1999 : vector<16xf32>
    %slice3A_2001 = vector.extract_strided_slice %get3A_7 {offsets = [13], sizes = [1], strides = [1]} : vector<16xi32> to vector<1xi32>
    %squeeze3A_2002 = vector.extract %slice3A_2001[0] : i32 from vector<1xi32>
    %slice3A_2003 = vector.extract_strided_slice %get3A_1504 {offsets = [13], sizes = [1], strides = [1]} : vector<16xf32> to vector<1xf32>
    %squeeze3A_2004 = vector.extract %slice3A_2003[0] : f32 from vector<1xf32>
    %get3A_2005 = arith.constant 464 : index
    %get3A_2006 = tpu.vector_load %arg8[%get3A_2005] {strides = array<i32>} : memref<1024xf32, #tpu.memory_space<vmem>>, vector<16xf32>,
    %get3A_2007 = vector.shape_cast %get3A_2006 : vector<16xf32> to vector<16xf32>
    %and3A_2008 = arith.constant 15 : i32
    %and3A_2009 = arith.andi %squeeze3A_2002, %and3A_2008 : i32
    %eq3A_2010 = vector.broadcast %and3A_2009 : i32 to vector<16xi32>
    %eq3A_2011 = arith.cmpi eq, %iota3A, %eq3A_2010 : vector<16xi32>
    %mul3A_2012 = vector.broadcast %squeeze3A_2004 : f32 to vector<16xf32>
    %mul3A_2013 = arith.mulf %get3A_2007, %mul3A_2012 : vector<16xf32>
    %jit3A_2014 = arith.constant 0.000000e+00 : f32
    %broadcast_in_dim3A_2015 = vector.broadcast %jit3A_2014 : f32 to vector<16xf32>
    %select_n3A_2016 = arith.select %eq3A_2011, %mul3A_2013, %broadcast_in_dim3A_2015 : vector<16xi1>, vector<16xf32>
    %add3A_2017 = arith.addf %add3A_2000, %select_n3A_2016 : vector<16xf32>
    %slice3A_2018 = vector.extract_strided_slice %get3A_7 {offsets = [14], sizes = [1], strides = [1]} : vector<16xi32> to vector<1xi32>
    %squeeze3A_2019 = vector.extract %slice3A_2018[0] : i32 from vector<1xi32>
    %slice3A_2020 = vector.extract_strided_slice %get3A_1504 {offsets = [14], sizes = [1], strides = [1]} : vector<16xf32> to vector<1xf32>
    %squeeze3A_2021 = vector.extract %slice3A_2020[0] : f32 from vector<1xf32>
    %get3A_2022 = arith.constant 480 : index
    %get3A_2023 = tpu.vector_load %arg8[%get3A_2022] {strides = array<i32>} : memref<1024xf32, #tpu.memory_space<vmem>>, vector<16xf32>,
    %get3A_2024 = vector.shape_cast %get3A_2023 : vector<16xf32> to vector<16xf32>
    %and3A_2025 = arith.constant 15 : i32
    %and3A_2026 = arith.andi %squeeze3A_2019, %and3A_2025 : i32
    %eq3A_2027 = vector.broadcast %and3A_2026 : i32 to vector<16xi32>
    %eq3A_2028 = arith.cmpi eq, %iota3A, %eq3A_2027 : vector<16xi32>
    %mul3A_2029 = vector.broadcast %squeeze3A_2021 : f32 to vector<16xf32>
    %mul3A_2030 = arith.mulf %get3A_2024, %mul3A_2029 : vector<16xf32>
    %jit3A_2031 = arith.constant 0.000000e+00 : f32
    %broadcast_in_dim3A_2032 = vector.broadcast %jit3A_2031 : f32 to vector<16xf32>
    %select_n3A_2033 = arith.select %eq3A_2028, %mul3A_2030, %broadcast_in_dim3A_2032 : vector<16xi1>, vector<16xf32>
    %add3A_2034 = arith.addf %add3A_2017, %select_n3A_2033 : vector<16xf32>
    %slice3A_2035 = vector.extract_strided_slice %get3A_7 {offsets = [15], sizes = [1], strides = [1]} : vector<16xi32> to vector<1xi32>
    %squeeze3A_2036 = vector.extract %slice3A_2035[0] : i32 from vector<1xi32>
    %slice3A_2037 = vector.extract_strided_slice %get3A_1504 {offsets = [15], sizes = [1], strides = [1]} : vector<16xf32> to vector<1xf32>
    %squeeze3A_2038 = vector.extract %slice3A_2037[0] : f32 from vector<1xf32>
    %get3A_2039 = arith.constant 496 : index
    %get3A_2040 = tpu.vector_load %arg8[%get3A_2039] {strides = array<i32>} : memref<1024xf32, #tpu.memory_space<vmem>>, vector<16xf32>,
    %get3A_2041 = vector.shape_cast %get3A_2040 : vector<16xf32> to vector<16xf32>
    %and3A_2042 = arith.constant 15 : i32
    %and3A_2043 = arith.andi %squeeze3A_2036, %and3A_2042 : i32
    %eq3A_2044 = vector.broadcast %and3A_2043 : i32 to vector<16xi32>
    %eq3A_2045 = arith.cmpi eq, %iota3A, %eq3A_2044 : vector<16xi32>
    %mul3A_2046 = vector.broadcast %squeeze3A_2038 : f32 to vector<16xf32>
    %mul3A_2047 = arith.mulf %get3A_2041, %mul3A_2046 : vector<16xf32>
    %jit3A_2048 = arith.constant 0.000000e+00 : f32
    %broadcast_in_dim3A_2049 = vector.broadcast %jit3A_2048 : f32 to vector<16xf32>
    %select_n3A_2050 = arith.select %eq3A_2045, %mul3A_2047, %broadcast_in_dim3A_2049 : vector<16xi1>, vector<16xf32>
    %add3A_2051 = arith.addf %add3A_2034, %select_n3A_2050 : vector<16xf32>
    %slice3A_2052 = vector.extract_strided_slice %get3A_10 {offsets = [0], sizes = [1], strides = [1]} : vector<16xi32> to vector<1xi32>
    %squeeze3A_2053 = vector.extract %slice3A_2052[0] : i32 from vector<1xi32>
    %slice3A_2054 = vector.extract_strided_slice %get3A_1507 {offsets = [0], sizes = [1], strides = [1]} : vector<16xf32> to vector<1xf32>
    %squeeze3A_2055 = vector.extract %slice3A_2054[0] : f32 from vector<1xf32>
    %get3A_2056 = arith.constant 512 : index
    %get3A_2057 = tpu.vector_load %arg8[%get3A_2056] {strides = array<i32>} : memref<1024xf32, #tpu.memory_space<vmem>>, vector<16xf32>,
    %get3A_2058 = vector.shape_cast %get3A_2057 : vector<16xf32> to vector<16xf32>
    %and3A_2059 = arith.constant 15 : i32
    %and3A_2060 = arith.andi %squeeze3A_2053, %and3A_2059 : i32
    %eq3A_2061 = vector.broadcast %and3A_2060 : i32 to vector<16xi32>
    %eq3A_2062 = arith.cmpi eq, %iota3A, %eq3A_2061 : vector<16xi32>
    %mul3A_2063 = vector.broadcast %squeeze3A_2055 : f32 to vector<16xf32>
    %mul3A_2064 = arith.mulf %get3A_2058, %mul3A_2063 : vector<16xf32>
    %jit3A_2065 = arith.constant 0.000000e+00 : f32
    %broadcast_in_dim3A_2066 = vector.broadcast %jit3A_2065 : f32 to vector<16xf32>
    %select_n3A_2067 = arith.select %eq3A_2062, %mul3A_2064, %broadcast_in_dim3A_2066 : vector<16xi1>, vector<16xf32>
    %add3A_2068 = arith.addf %add3A_2051, %select_n3A_2067 : vector<16xf32>
    %slice3A_2069 = vector.extract_strided_slice %get3A_10 {offsets = [1], sizes = [1], strides = [1]} : vector<16xi32> to vector<1xi32>
    %squeeze3A_2070 = vector.extract %slice3A_2069[0] : i32 from vector<1xi32>
    %slice3A_2071 = vector.extract_strided_slice %get3A_1507 {offsets = [1], sizes = [1], strides = [1]} : vector<16xf32> to vector<1xf32>
    %squeeze3A_2072 = vector.extract %slice3A_2071[0] : f32 from vector<1xf32>
    %get3A_2073 = arith.constant 528 : index
    %get3A_2074 = tpu.vector_load %arg8[%get3A_2073] {strides = array<i32>} : memref<1024xf32, #tpu.memory_space<vmem>>, vector<16xf32>,
    %get3A_2075 = vector.shape_cast %get3A_2074 : vector<16xf32> to vector<16xf32>
    %and3A_2076 = arith.constant 15 : i32
    %and3A_2077 = arith.andi %squeeze3A_2070, %and3A_2076 : i32
    %eq3A_2078 = vector.broadcast %and3A_2077 : i32 to vector<16xi32>
    %eq3A_2079 = arith.cmpi eq, %iota3A, %eq3A_2078 : vector<16xi32>
    %mul3A_2080 = vector.broadcast %squeeze3A_2072 : f32 to vector<16xf32>
    %mul3A_2081 = arith.mulf %get3A_2075, %mul3A_2080 : vector<16xf32>
    %jit3A_2082 = arith.constant 0.000000e+00 : f32
    %broadcast_in_dim3A_2083 = vector.broadcast %jit3A_2082 : f32 to vector<16xf32>
    %select_n3A_2084 = arith.select %eq3A_2079, %mul3A_2081, %broadcast_in_dim3A_2083 : vector<16xi1>, vector<16xf32>
    %add3A_2085 = arith.addf %add3A_2068, %select_n3A_2084 : vector<16xf32>
    %slice3A_2086 = vector.extract_strided_slice %get3A_10 {offsets = [2], sizes = [1], strides = [1]} : vector<16xi32> to vector<1xi32>
    %squeeze3A_2087 = vector.extract %slice3A_2086[0] : i32 from vector<1xi32>
    %slice3A_2088 = vector.extract_strided_slice %get3A_1507 {offsets = [2], sizes = [1], strides = [1]} : vector<16xf32> to vector<1xf32>
    %squeeze3A_2089 = vector.extract %slice3A_2088[0] : f32 from vector<1xf32>
    %get3A_2090 = arith.constant 544 : index
    %get3A_2091 = tpu.vector_load %arg8[%get3A_2090] {strides = array<i32>} : memref<1024xf32, #tpu.memory_space<vmem>>, vector<16xf32>,
    %get3A_2092 = vector.shape_cast %get3A_2091 : vector<16xf32> to vector<16xf32>
    %and3A_2093 = arith.constant 15 : i32
    %and3A_2094 = arith.andi %squeeze3A_2087, %and3A_2093 : i32
    %eq3A_2095 = vector.broadcast %and3A_2094 : i32 to vector<16xi32>
    %eq3A_2096 = arith.cmpi eq, %iota3A, %eq3A_2095 : vector<16xi32>
    %mul3A_2097 = vector.broadcast %squeeze3A_2089 : f32 to vector<16xf32>
    %mul3A_2098 = arith.mulf %get3A_2092, %mul3A_2097 : vector<16xf32>
    %jit3A_2099 = arith.constant 0.000000e+00 : f32
    %broadcast_in_dim3A_2100 = vector.broadcast %jit3A_2099 : f32 to vector<16xf32>
    %select_n3A_2101 = arith.select %eq3A_2096, %mul3A_2098, %broadcast_in_dim3A_2100 : vector<16xi1>, vector<16xf32>
    %add3A_2102 = arith.addf %add3A_2085, %select_n3A_2101 : vector<16xf32>
    %slice3A_2103 = vector.extract_strided_slice %get3A_10 {offsets = [3], sizes = [1], strides = [1]} : vector<16xi32> to vector<1xi32>
    %squeeze3A_2104 = vector.extract %slice3A_2103[0] : i32 from vector<1xi32>
    %slice3A_2105 = vector.extract_strided_slice %get3A_1507 {offsets = [3], sizes = [1], strides = [1]} : vector<16xf32> to vector<1xf32>
    %squeeze3A_2106 = vector.extract %slice3A_2105[0] : f32 from vector<1xf32>
    %get3A_2107 = arith.constant 560 : index
    %get3A_2108 = tpu.vector_load %arg8[%get3A_2107] {strides = array<i32>} : memref<1024xf32, #tpu.memory_space<vmem>>, vector<16xf32>,
    %get3A_2109 = vector.shape_cast %get3A_2108 : vector<16xf32> to vector<16xf32>
    %and3A_2110 = arith.constant 15 : i32
    %and3A_2111 = arith.andi %squeeze3A_2104, %and3A_2110 : i32
    %eq3A_2112 = vector.broadcast %and3A_2111 : i32 to vector<16xi32>
    %eq3A_2113 = arith.cmpi eq, %iota3A, %eq3A_2112 : vector<16xi32>
    %mul3A_2114 = vector.broadcast %squeeze3A_2106 : f32 to vector<16xf32>
    %mul3A_2115 = arith.mulf %get3A_2109, %mul3A_2114 : vector<16xf32>
    %jit3A_2116 = arith.constant 0.000000e+00 : f32
    %broadcast_in_dim3A_2117 = vector.broadcast %jit3A_2116 : f32 to vector<16xf32>
    %select_n3A_2118 = arith.select %eq3A_2113, %mul3A_2115, %broadcast_in_dim3A_2117 : vector<16xi1>, vector<16xf32>
    %add3A_2119 = arith.addf %add3A_2102, %select_n3A_2118 : vector<16xf32>
    %slice3A_2120 = vector.extract_strided_slice %get3A_10 {offsets = [4], sizes = [1], strides = [1]} : vector<16xi32> to vector<1xi32>
    %squeeze3A_2121 = vector.extract %slice3A_2120[0] : i32 from vector<1xi32>
    %slice3A_2122 = vector.extract_strided_slice %get3A_1507 {offsets = [4], sizes = [1], strides = [1]} : vector<16xf32> to vector<1xf32>
    %squeeze3A_2123 = vector.extract %slice3A_2122[0] : f32 from vector<1xf32>
    %get3A_2124 = arith.constant 576 : index
    %get3A_2125 = tpu.vector_load %arg8[%get3A_2124] {strides = array<i32>} : memref<1024xf32, #tpu.memory_space<vmem>>, vector<16xf32>,
    %get3A_2126 = vector.shape_cast %get3A_2125 : vector<16xf32> to vector<16xf32>
    %and3A_2127 = arith.constant 15 : i32
    %and3A_2128 = arith.andi %squeeze3A_2121, %and3A_2127 : i32
    %eq3A_2129 = vector.broadcast %and3A_2128 : i32 to vector<16xi32>
    %eq3A_2130 = arith.cmpi eq, %iota3A, %eq3A_2129 : vector<16xi32>
    %mul3A_2131 = vector.broadcast %squeeze3A_2123 : f32 to vector<16xf32>
    %mul3A_2132 = arith.mulf %get3A_2126, %mul3A_2131 : vector<16xf32>
    %jit3A_2133 = arith.constant 0.000000e+00 : f32
    %broadcast_in_dim3A_2134 = vector.broadcast %jit3A_2133 : f32 to vector<16xf32>
    %select_n3A_2135 = arith.select %eq3A_2130, %mul3A_2132, %broadcast_in_dim3A_2134 : vector<16xi1>, vector<16xf32>
    %add3A_2136 = arith.addf %add3A_2119, %select_n3A_2135 : vector<16xf32>
    %slice3A_2137 = vector.extract_strided_slice %get3A_10 {offsets = [5], sizes = [1], strides = [1]} : vector<16xi32> to vector<1xi32>
    %squeeze3A_2138 = vector.extract %slice3A_2137[0] : i32 from vector<1xi32>
    %slice3A_2139 = vector.extract_strided_slice %get3A_1507 {offsets = [5], sizes = [1], strides = [1]} : vector<16xf32> to vector<1xf32>
    %squeeze3A_2140 = vector.extract %slice3A_2139[0] : f32 from vector<1xf32>
    %get3A_2141 = arith.constant 592 : index
    %get3A_2142 = tpu.vector_load %arg8[%get3A_2141] {strides = array<i32>} : memref<1024xf32, #tpu.memory_space<vmem>>, vector<16xf32>,
    %get3A_2143 = vector.shape_cast %get3A_2142 : vector<16xf32> to vector<16xf32>
    %and3A_2144 = arith.constant 15 : i32
    %and3A_2145 = arith.andi %squeeze3A_2138, %and3A_2144 : i32
    %eq3A_2146 = vector.broadcast %and3A_2145 : i32 to vector<16xi32>
    %eq3A_2147 = arith.cmpi eq, %iota3A, %eq3A_2146 : vector<16xi32>
    %mul3A_2148 = vector.broadcast %squeeze3A_2140 : f32 to vector<16xf32>
    %mul3A_2149 = arith.mulf %get3A_2143, %mul3A_2148 : vector<16xf32>
    %jit3A_2150 = arith.constant 0.000000e+00 : f32
    %broadcast_in_dim3A_2151 = vector.broadcast %jit3A_2150 : f32 to vector<16xf32>
    %select_n3A_2152 = arith.select %eq3A_2147, %mul3A_2149, %broadcast_in_dim3A_2151 : vector<16xi1>, vector<16xf32>
    %add3A_2153 = arith.addf %add3A_2136, %select_n3A_2152 : vector<16xf32>
    %slice3A_2154 = vector.extract_strided_slice %get3A_10 {offsets = [6], sizes = [1], strides = [1]} : vector<16xi32> to vector<1xi32>
    %squeeze3A_2155 = vector.extract %slice3A_2154[0] : i32 from vector<1xi32>
    %slice3A_2156 = vector.extract_strided_slice %get3A_1507 {offsets = [6], sizes = [1], strides = [1]} : vector<16xf32> to vector<1xf32>
    %squeeze3A_2157 = vector.extract %slice3A_2156[0] : f32 from vector<1xf32>
    %get3A_2158 = arith.constant 608 : index
    %get3A_2159 = tpu.vector_load %arg8[%get3A_2158] {strides = array<i32>} : memref<1024xf32, #tpu.memory_space<vmem>>, vector<16xf32>,
    %get3A_2160 = vector.shape_cast %get3A_2159 : vector<16xf32> to vector<16xf32>
    %and3A_2161 = arith.constant 15 : i32
    %and3A_2162 = arith.andi %squeeze3A_2155, %and3A_2161 : i32
    %eq3A_2163 = vector.broadcast %and3A_2162 : i32 to vector<16xi32>
    %eq3A_2164 = arith.cmpi eq, %iota3A, %eq3A_2163 : vector<16xi32>
    %mul3A_2165 = vector.broadcast %squeeze3A_2157 : f32 to vector<16xf32>
    %mul3A_2166 = arith.mulf %get3A_2160, %mul3A_2165 : vector<16xf32>
    %jit3A_2167 = arith.constant 0.000000e+00 : f32
    %broadcast_in_dim3A_2168 = vector.broadcast %jit3A_2167 : f32 to vector<16xf32>
    %select_n3A_2169 = arith.select %eq3A_2164, %mul3A_2166, %broadcast_in_dim3A_2168 : vector<16xi1>, vector<16xf32>
    %add3A_2170 = arith.addf %add3A_2153, %select_n3A_2169 : vector<16xf32>
    %slice3A_2171 = vector.extract_strided_slice %get3A_10 {offsets = [7], sizes = [1], strides = [1]} : vector<16xi32> to vector<1xi32>
    %squeeze3A_2172 = vector.extract %slice3A_2171[0] : i32 from vector<1xi32>
    %slice3A_2173 = vector.extract_strided_slice %get3A_1507 {offsets = [7], sizes = [1], strides = [1]} : vector<16xf32> to vector<1xf32>
    %squeeze3A_2174 = vector.extract %slice3A_2173[0] : f32 from vector<1xf32>
    %get3A_2175 = arith.constant 624 : index
    %get3A_2176 = tpu.vector_load %arg8[%get3A_2175] {strides = array<i32>} : memref<1024xf32, #tpu.memory_space<vmem>>, vector<16xf32>,
    %get3A_2177 = vector.shape_cast %get3A_2176 : vector<16xf32> to vector<16xf32>
    %and3A_2178 = arith.constant 15 : i32
    %and3A_2179 = arith.andi %squeeze3A_2172, %and3A_2178 : i32
    %eq3A_2180 = vector.broadcast %and3A_2179 : i32 to vector<16xi32>
    %eq3A_2181 = arith.cmpi eq, %iota3A, %eq3A_2180 : vector<16xi32>
    %mul3A_2182 = vector.broadcast %squeeze3A_2174 : f32 to vector<16xf32>
    %mul3A_2183 = arith.mulf %get3A_2177, %mul3A_2182 : vector<16xf32>
    %jit3A_2184 = arith.constant 0.000000e+00 : f32
    %broadcast_in_dim3A_2185 = vector.broadcast %jit3A_2184 : f32 to vector<16xf32>
    %select_n3A_2186 = arith.select %eq3A_2181, %mul3A_2183, %broadcast_in_dim3A_2185 : vector<16xi1>, vector<16xf32>
    %add3A_2187 = arith.addf %add3A_2170, %select_n3A_2186 : vector<16xf32>
    %slice3A_2188 = vector.extract_strided_slice %get3A_10 {offsets = [8], sizes = [1], strides = [1]} : vector<16xi32> to vector<1xi32>
    %squeeze3A_2189 = vector.extract %slice3A_2188[0] : i32 from vector<1xi32>
    %slice3A_2190 = vector.extract_strided_slice %get3A_1507 {offsets = [8], sizes = [1], strides = [1]} : vector<16xf32> to vector<1xf32>
    %squeeze3A_2191 = vector.extract %slice3A_2190[0] : f32 from vector<1xf32>
    %get3A_2192 = arith.constant 640 : index
    %get3A_2193 = tpu.vector_load %arg8[%get3A_2192] {strides = array<i32>} : memref<1024xf32, #tpu.memory_space<vmem>>, vector<16xf32>,
    %get3A_2194 = vector.shape_cast %get3A_2193 : vector<16xf32> to vector<16xf32>
    %and3A_2195 = arith.constant 15 : i32
    %and3A_2196 = arith.andi %squeeze3A_2189, %and3A_2195 : i32
    %eq3A_2197 = vector.broadcast %and3A_2196 : i32 to vector<16xi32>
    %eq3A_2198 = arith.cmpi eq, %iota3A, %eq3A_2197 : vector<16xi32>
    %mul3A_2199 = vector.broadcast %squeeze3A_2191 : f32 to vector<16xf32>
    %mul3A_2200 = arith.mulf %get3A_2194, %mul3A_2199 : vector<16xf32>
    %jit3A_2201 = arith.constant 0.000000e+00 : f32
    %broadcast_in_dim3A_2202 = vector.broadcast %jit3A_2201 : f32 to vector<16xf32>
    %select_n3A_2203 = arith.select %eq3A_2198, %mul3A_2200, %broadcast_in_dim3A_2202 : vector<16xi1>, vector<16xf32>
    %add3A_2204 = arith.addf %add3A_2187, %select_n3A_2203 : vector<16xf32>
    %slice3A_2205 = vector.extract_strided_slice %get3A_10 {offsets = [9], sizes = [1], strides = [1]} : vector<16xi32> to vector<1xi32>
    %squeeze3A_2206 = vector.extract %slice3A_2205[0] : i32 from vector<1xi32>
    %slice3A_2207 = vector.extract_strided_slice %get3A_1507 {offsets = [9], sizes = [1], strides = [1]} : vector<16xf32> to vector<1xf32>
    %squeeze3A_2208 = vector.extract %slice3A_2207[0] : f32 from vector<1xf32>
    %get3A_2209 = arith.constant 656 : index
    %get3A_2210 = tpu.vector_load %arg8[%get3A_2209] {strides = array<i32>} : memref<1024xf32, #tpu.memory_space<vmem>>, vector<16xf32>,
    %get3A_2211 = vector.shape_cast %get3A_2210 : vector<16xf32> to vector<16xf32>
    %and3A_2212 = arith.constant 15 : i32
    %and3A_2213 = arith.andi %squeeze3A_2206, %and3A_2212 : i32
    %eq3A_2214 = vector.broadcast %and3A_2213 : i32 to vector<16xi32>
    %eq3A_2215 = arith.cmpi eq, %iota3A, %eq3A_2214 : vector<16xi32>
    %mul3A_2216 = vector.broadcast %squeeze3A_2208 : f32 to vector<16xf32>
    %mul3A_2217 = arith.mulf %get3A_2211, %mul3A_2216 : vector<16xf32>
    %jit3A_2218 = arith.constant 0.000000e+00 : f32
    %broadcast_in_dim3A_2219 = vector.broadcast %jit3A_2218 : f32 to vector<16xf32>
    %select_n3A_2220 = arith.select %eq3A_2215, %mul3A_2217, %broadcast_in_dim3A_2219 : vector<16xi1>, vector<16xf32>
    %add3A_2221 = arith.addf %add3A_2204, %select_n3A_2220 : vector<16xf32>
    %slice3A_2222 = vector.extract_strided_slice %get3A_10 {offsets = [10], sizes = [1], strides = [1]} : vector<16xi32> to vector<1xi32>
    %squeeze3A_2223 = vector.extract %slice3A_2222[0] : i32 from vector<1xi32>
    %slice3A_2224 = vector.extract_strided_slice %get3A_1507 {offsets = [10], sizes = [1], strides = [1]} : vector<16xf32> to vector<1xf32>
    %squeeze3A_2225 = vector.extract %slice3A_2224[0] : f32 from vector<1xf32>
    %get3A_2226 = arith.constant 672 : index
    %get3A_2227 = tpu.vector_load %arg8[%get3A_2226] {strides = array<i32>} : memref<1024xf32, #tpu.memory_space<vmem>>, vector<16xf32>,
    %get3A_2228 = vector.shape_cast %get3A_2227 : vector<16xf32> to vector<16xf32>
    %and3A_2229 = arith.constant 15 : i32
    %and3A_2230 = arith.andi %squeeze3A_2223, %and3A_2229 : i32
    %eq3A_2231 = vector.broadcast %and3A_2230 : i32 to vector<16xi32>
    %eq3A_2232 = arith.cmpi eq, %iota3A, %eq3A_2231 : vector<16xi32>
    %mul3A_2233 = vector.broadcast %squeeze3A_2225 : f32 to vector<16xf32>
    %mul3A_2234 = arith.mulf %get3A_2228, %mul3A_2233 : vector<16xf32>
    %jit3A_2235 = arith.constant 0.000000e+00 : f32
    %broadcast_in_dim3A_2236 = vector.broadcast %jit3A_2235 : f32 to vector<16xf32>
    %select_n3A_2237 = arith.select %eq3A_2232, %mul3A_2234, %broadcast_in_dim3A_2236 : vector<16xi1>, vector<16xf32>
    %add3A_2238 = arith.addf %add3A_2221, %select_n3A_2237 : vector<16xf32>
    %slice3A_2239 = vector.extract_strided_slice %get3A_10 {offsets = [11], sizes = [1], strides = [1]} : vector<16xi32> to vector<1xi32>
    %squeeze3A_2240 = vector.extract %slice3A_2239[0] : i32 from vector<1xi32>
    %slice3A_2241 = vector.extract_strided_slice %get3A_1507 {offsets = [11], sizes = [1], strides = [1]} : vector<16xf32> to vector<1xf32>
    %squeeze3A_2242 = vector.extract %slice3A_2241[0] : f32 from vector<1xf32>
    %get3A_2243 = arith.constant 688 : index
    %get3A_2244 = tpu.vector_load %arg8[%get3A_2243] {strides = array<i32>} : memref<1024xf32, #tpu.memory_space<vmem>>, vector<16xf32>,
    %get3A_2245 = vector.shape_cast %get3A_2244 : vector<16xf32> to vector<16xf32>
    %and3A_2246 = arith.constant 15 : i32
    %and3A_2247 = arith.andi %squeeze3A_2240, %and3A_2246 : i32
    %eq3A_2248 = vector.broadcast %and3A_2247 : i32 to vector<16xi32>
    %eq3A_2249 = arith.cmpi eq, %iota3A, %eq3A_2248 : vector<16xi32>
    %mul3A_2250 = vector.broadcast %squeeze3A_2242 : f32 to vector<16xf32>
    %mul3A_2251 = arith.mulf %get3A_2245, %mul3A_2250 : vector<16xf32>
    %jit3A_2252 = arith.constant 0.000000e+00 : f32
    %broadcast_in_dim3A_2253 = vector.broadcast %jit3A_2252 : f32 to vector<16xf32>
    %select_n3A_2254 = arith.select %eq3A_2249, %mul3A_2251, %broadcast_in_dim3A_2253 : vector<16xi1>, vector<16xf32>
    %add3A_2255 = arith.addf %add3A_2238, %select_n3A_2254 : vector<16xf32>
    %slice3A_2256 = vector.extract_strided_slice %get3A_10 {offsets = [12], sizes = [1], strides = [1]} : vector<16xi32> to vector<1xi32>
    %squeeze3A_2257 = vector.extract %slice3A_2256[0] : i32 from vector<1xi32>
    %slice3A_2258 = vector.extract_strided_slice %get3A_1507 {offsets = [12], sizes = [1], strides = [1]} : vector<16xf32> to vector<1xf32>
    %squeeze3A_2259 = vector.extract %slice3A_2258[0] : f32 from vector<1xf32>
    %get3A_2260 = arith.constant 704 : index
    %get3A_2261 = tpu.vector_load %arg8[%get3A_2260] {strides = array<i32>} : memref<1024xf32, #tpu.memory_space<vmem>>, vector<16xf32>,
    %get3A_2262 = vector.shape_cast %get3A_2261 : vector<16xf32> to vector<16xf32>
    %and3A_2263 = arith.constant 15 : i32
    %and3A_2264 = arith.andi %squeeze3A_2257, %and3A_2263 : i32
    %eq3A_2265 = vector.broadcast %and3A_2264 : i32 to vector<16xi32>
    %eq3A_2266 = arith.cmpi eq, %iota3A, %eq3A_2265 : vector<16xi32>
    %mul3A_2267 = vector.broadcast %squeeze3A_2259 : f32 to vector<16xf32>
    %mul3A_2268 = arith.mulf %get3A_2262, %mul3A_2267 : vector<16xf32>
    %jit3A_2269 = arith.constant 0.000000e+00 : f32
    %broadcast_in_dim3A_2270 = vector.broadcast %jit3A_2269 : f32 to vector<16xf32>
    %select_n3A_2271 = arith.select %eq3A_2266, %mul3A_2268, %broadcast_in_dim3A_2270 : vector<16xi1>, vector<16xf32>
    %add3A_2272 = arith.addf %add3A_2255, %select_n3A_2271 : vector<16xf32>
    %slice3A_2273 = vector.extract_strided_slice %get3A_10 {offsets = [13], sizes = [1], strides = [1]} : vector<16xi32> to vector<1xi32>
    %squeeze3A_2274 = vector.extract %slice3A_2273[0] : i32 from vector<1xi32>
    %slice3A_2275 = vector.extract_strided_slice %get3A_1507 {offsets = [13], sizes = [1], strides = [1]} : vector<16xf32> to vector<1xf32>
    %squeeze3A_2276 = vector.extract %slice3A_2275[0] : f32 from vector<1xf32>
    %get3A_2277 = arith.constant 720 : index
    %get3A_2278 = tpu.vector_load %arg8[%get3A_2277] {strides = array<i32>} : memref<1024xf32, #tpu.memory_space<vmem>>, vector<16xf32>,
    %get3A_2279 = vector.shape_cast %get3A_2278 : vector<16xf32> to vector<16xf32>
    %and3A_2280 = arith.constant 15 : i32
    %and3A_2281 = arith.andi %squeeze3A_2274, %and3A_2280 : i32
    %eq3A_2282 = vector.broadcast %and3A_2281 : i32 to vector<16xi32>
    %eq3A_2283 = arith.cmpi eq, %iota3A, %eq3A_2282 : vector<16xi32>
    %mul3A_2284 = vector.broadcast %squeeze3A_2276 : f32 to vector<16xf32>
    %mul3A_2285 = arith.mulf %get3A_2279, %mul3A_2284 : vector<16xf32>
    %jit3A_2286 = arith.constant 0.000000e+00 : f32
    %broadcast_in_dim3A_2287 = vector.broadcast %jit3A_2286 : f32 to vector<16xf32>
    %select_n3A_2288 = arith.select %eq3A_2283, %mul3A_2285, %broadcast_in_dim3A_2287 : vector<16xi1>, vector<16xf32>
    %add3A_2289 = arith.addf %add3A_2272, %select_n3A_2288 : vector<16xf32>
    %slice3A_2290 = vector.extract_strided_slice %get3A_10 {offsets = [14], sizes = [1], strides = [1]} : vector<16xi32> to vector<1xi32>
    %squeeze3A_2291 = vector.extract %slice3A_2290[0] : i32 from vector<1xi32>
    %slice3A_2292 = vector.extract_strided_slice %get3A_1507 {offsets = [14], sizes = [1], strides = [1]} : vector<16xf32> to vector<1xf32>
    %squeeze3A_2293 = vector.extract %slice3A_2292[0] : f32 from vector<1xf32>
    %get3A_2294 = arith.constant 736 : index
    %get3A_2295 = tpu.vector_load %arg8[%get3A_2294] {strides = array<i32>} : memref<1024xf32, #tpu.memory_space<vmem>>, vector<16xf32>,
    %get3A_2296 = vector.shape_cast %get3A_2295 : vector<16xf32> to vector<16xf32>
    %and3A_2297 = arith.constant 15 : i32
    %and3A_2298 = arith.andi %squeeze3A_2291, %and3A_2297 : i32
    %eq3A_2299 = vector.broadcast %and3A_2298 : i32 to vector<16xi32>
    %eq3A_2300 = arith.cmpi eq, %iota3A, %eq3A_2299 : vector<16xi32>
    %mul3A_2301 = vector.broadcast %squeeze3A_2293 : f32 to vector<16xf32>
    %mul3A_2302 = arith.mulf %get3A_2296, %mul3A_2301 : vector<16xf32>
    %jit3A_2303 = arith.constant 0.000000e+00 : f32
    %broadcast_in_dim3A_2304 = vector.broadcast %jit3A_2303 : f32 to vector<16xf32>
    %select_n3A_2305 = arith.select %eq3A_2300, %mul3A_2302, %broadcast_in_dim3A_2304 : vector<16xi1>, vector<16xf32>
    %add3A_2306 = arith.addf %add3A_2289, %select_n3A_2305 : vector<16xf32>
    %slice3A_2307 = vector.extract_strided_slice %get3A_10 {offsets = [15], sizes = [1], strides = [1]} : vector<16xi32> to vector<1xi32>
    %squeeze3A_2308 = vector.extract %slice3A_2307[0] : i32 from vector<1xi32>
    %slice3A_2309 = vector.extract_strided_slice %get3A_1507 {offsets = [15], sizes = [1], strides = [1]} : vector<16xf32> to vector<1xf32>
    %squeeze3A_2310 = vector.extract %slice3A_2309[0] : f32 from vector<1xf32>
    %get3A_2311 = arith.constant 752 : index
    %get3A_2312 = tpu.vector_load %arg8[%get3A_2311] {strides = array<i32>} : memref<1024xf32, #tpu.memory_space<vmem>>, vector<16xf32>,
    %get3A_2313 = vector.shape_cast %get3A_2312 : vector<16xf32> to vector<16xf32>
    %and3A_2314 = arith.constant 15 : i32
    %and3A_2315 = arith.andi %squeeze3A_2308, %and3A_2314 : i32
    %eq3A_2316 = vector.broadcast %and3A_2315 : i32 to vector<16xi32>
    %eq3A_2317 = arith.cmpi eq, %iota3A, %eq3A_2316 : vector<16xi32>
    %mul3A_2318 = vector.broadcast %squeeze3A_2310 : f32 to vector<16xf32>
    %mul3A_2319 = arith.mulf %get3A_2313, %mul3A_2318 : vector<16xf32>
    %jit3A_2320 = arith.constant 0.000000e+00 : f32
    %broadcast_in_dim3A_2321 = vector.broadcast %jit3A_2320 : f32 to vector<16xf32>
    %select_n3A_2322 = arith.select %eq3A_2317, %mul3A_2319, %broadcast_in_dim3A_2321 : vector<16xi1>, vector<16xf32>
    %add3A_2323 = arith.addf %add3A_2306, %select_n3A_2322 : vector<16xf32>
    %slice3A_2324 = vector.extract_strided_slice %get3A_13 {offsets = [0], sizes = [1], strides = [1]} : vector<16xi32> to vector<1xi32>
    %squeeze3A_2325 = vector.extract %slice3A_2324[0] : i32 from vector<1xi32>
    %slice3A_2326 = vector.extract_strided_slice %get3A_1510 {offsets = [0], sizes = [1], strides = [1]} : vector<16xf32> to vector<1xf32>
    %squeeze3A_2327 = vector.extract %slice3A_2326[0] : f32 from vector<1xf32>
    %get3A_2328 = arith.constant 768 : index
    %get3A_2329 = tpu.vector_load %arg8[%get3A_2328] {strides = array<i32>} : memref<1024xf32, #tpu.memory_space<vmem>>, vector<16xf32>,
    %get3A_2330 = vector.shape_cast %get3A_2329 : vector<16xf32> to vector<16xf32>
    %and3A_2331 = arith.constant 15 : i32
    %and3A_2332 = arith.andi %squeeze3A_2325, %and3A_2331 : i32
    %eq3A_2333 = vector.broadcast %and3A_2332 : i32 to vector<16xi32>
    %eq3A_2334 = arith.cmpi eq, %iota3A, %eq3A_2333 : vector<16xi32>
    %mul3A_2335 = vector.broadcast %squeeze3A_2327 : f32 to vector<16xf32>
    %mul3A_2336 = arith.mulf %get3A_2330, %mul3A_2335 : vector<16xf32>
    %jit3A_2337 = arith.constant 0.000000e+00 : f32
    %broadcast_in_dim3A_2338 = vector.broadcast %jit3A_2337 : f32 to vector<16xf32>
    %select_n3A_2339 = arith.select %eq3A_2334, %mul3A_2336, %broadcast_in_dim3A_2338 : vector<16xi1>, vector<16xf32>
    %add3A_2340 = arith.addf %add3A_2323, %select_n3A_2339 : vector<16xf32>
    %slice3A_2341 = vector.extract_strided_slice %get3A_13 {offsets = [1], sizes = [1], strides = [1]} : vector<16xi32> to vector<1xi32>
    %squeeze3A_2342 = vector.extract %slice3A_2341[0] : i32 from vector<1xi32>
    %slice3A_2343 = vector.extract_strided_slice %get3A_1510 {offsets = [1], sizes = [1], strides = [1]} : vector<16xf32> to vector<1xf32>
    %squeeze3A_2344 = vector.extract %slice3A_2343[0] : f32 from vector<1xf32>
    %get3A_2345 = arith.constant 784 : index
    %get3A_2346 = tpu.vector_load %arg8[%get3A_2345] {strides = array<i32>} : memref<1024xf32, #tpu.memory_space<vmem>>, vector<16xf32>,
    %get3A_2347 = vector.shape_cast %get3A_2346 : vector<16xf32> to vector<16xf32>
    %and3A_2348 = arith.constant 15 : i32
    %and3A_2349 = arith.andi %squeeze3A_2342, %and3A_2348 : i32
    %eq3A_2350 = vector.broadcast %and3A_2349 : i32 to vector<16xi32>
    %eq3A_2351 = arith.cmpi eq, %iota3A, %eq3A_2350 : vector<16xi32>
    %mul3A_2352 = vector.broadcast %squeeze3A_2344 : f32 to vector<16xf32>
    %mul3A_2353 = arith.mulf %get3A_2347, %mul3A_2352 : vector<16xf32>
    %jit3A_2354 = arith.constant 0.000000e+00 : f32
    %broadcast_in_dim3A_2355 = vector.broadcast %jit3A_2354 : f32 to vector<16xf32>
    %select_n3A_2356 = arith.select %eq3A_2351, %mul3A_2353, %broadcast_in_dim3A_2355 : vector<16xi1>, vector<16xf32>
    %add3A_2357 = arith.addf %add3A_2340, %select_n3A_2356 : vector<16xf32>
    %slice3A_2358 = vector.extract_strided_slice %get3A_13 {offsets = [2], sizes = [1], strides = [1]} : vector<16xi32> to vector<1xi32>
    %squeeze3A_2359 = vector.extract %slice3A_2358[0] : i32 from vector<1xi32>
    %slice3A_2360 = vector.extract_strided_slice %get3A_1510 {offsets = [2], sizes = [1], strides = [1]} : vector<16xf32> to vector<1xf32>
    %squeeze3A_2361 = vector.extract %slice3A_2360[0] : f32 from vector<1xf32>
    %get3A_2362 = arith.constant 800 : index
    %get3A_2363 = tpu.vector_load %arg8[%get3A_2362] {strides = array<i32>} : memref<1024xf32, #tpu.memory_space<vmem>>, vector<16xf32>,
    %get3A_2364 = vector.shape_cast %get3A_2363 : vector<16xf32> to vector<16xf32>
    %and3A_2365 = arith.constant 15 : i32
    %and3A_2366 = arith.andi %squeeze3A_2359, %and3A_2365 : i32
    %eq3A_2367 = vector.broadcast %and3A_2366 : i32 to vector<16xi32>
    %eq3A_2368 = arith.cmpi eq, %iota3A, %eq3A_2367 : vector<16xi32>
    %mul3A_2369 = vector.broadcast %squeeze3A_2361 : f32 to vector<16xf32>
    %mul3A_2370 = arith.mulf %get3A_2364, %mul3A_2369 : vector<16xf32>
    %jit3A_2371 = arith.constant 0.000000e+00 : f32
    %broadcast_in_dim3A_2372 = vector.broadcast %jit3A_2371 : f32 to vector<16xf32>
    %select_n3A_2373 = arith.select %eq3A_2368, %mul3A_2370, %broadcast_in_dim3A_2372 : vector<16xi1>, vector<16xf32>
    %add3A_2374 = arith.addf %add3A_2357, %select_n3A_2373 : vector<16xf32>
    %slice3A_2375 = vector.extract_strided_slice %get3A_13 {offsets = [3], sizes = [1], strides = [1]} : vector<16xi32> to vector<1xi32>
    %squeeze3A_2376 = vector.extract %slice3A_2375[0] : i32 from vector<1xi32>
    %slice3A_2377 = vector.extract_strided_slice %get3A_1510 {offsets = [3], sizes = [1], strides = [1]} : vector<16xf32> to vector<1xf32>
    %squeeze3A_2378 = vector.extract %slice3A_2377[0] : f32 from vector<1xf32>
    %get3A_2379 = arith.constant 816 : index
    %get3A_2380 = tpu.vector_load %arg8[%get3A_2379] {strides = array<i32>} : memref<1024xf32, #tpu.memory_space<vmem>>, vector<16xf32>,
    %get3A_2381 = vector.shape_cast %get3A_2380 : vector<16xf32> to vector<16xf32>
    %and3A_2382 = arith.constant 15 : i32
    %and3A_2383 = arith.andi %squeeze3A_2376, %and3A_2382 : i32
    %eq3A_2384 = vector.broadcast %and3A_2383 : i32 to vector<16xi32>
    %eq3A_2385 = arith.cmpi eq, %iota3A, %eq3A_2384 : vector<16xi32>
    %mul3A_2386 = vector.broadcast %squeeze3A_2378 : f32 to vector<16xf32>
    %mul3A_2387 = arith.mulf %get3A_2381, %mul3A_2386 : vector<16xf32>
    %jit3A_2388 = arith.constant 0.000000e+00 : f32
    %broadcast_in_dim3A_2389 = vector.broadcast %jit3A_2388 : f32 to vector<16xf32>
    %select_n3A_2390 = arith.select %eq3A_2385, %mul3A_2387, %broadcast_in_dim3A_2389 : vector<16xi1>, vector<16xf32>
    %add3A_2391 = arith.addf %add3A_2374, %select_n3A_2390 : vector<16xf32>
    %slice3A_2392 = vector.extract_strided_slice %get3A_13 {offsets = [4], sizes = [1], strides = [1]} : vector<16xi32> to vector<1xi32>
    %squeeze3A_2393 = vector.extract %slice3A_2392[0] : i32 from vector<1xi32>
    %slice3A_2394 = vector.extract_strided_slice %get3A_1510 {offsets = [4], sizes = [1], strides = [1]} : vector<16xf32> to vector<1xf32>
    %squeeze3A_2395 = vector.extract %slice3A_2394[0] : f32 from vector<1xf32>
    %get3A_2396 = arith.constant 832 : index
    %get3A_2397 = tpu.vector_load %arg8[%get3A_2396] {strides = array<i32>} : memref<1024xf32, #tpu.memory_space<vmem>>, vector<16xf32>,
    %get3A_2398 = vector.shape_cast %get3A_2397 : vector<16xf32> to vector<16xf32>
    %and3A_2399 = arith.constant 15 : i32
    %and3A_2400 = arith.andi %squeeze3A_2393, %and3A_2399 : i32
    %eq3A_2401 = vector.broadcast %and3A_2400 : i32 to vector<16xi32>
    %eq3A_2402 = arith.cmpi eq, %iota3A, %eq3A_2401 : vector<16xi32>
    %mul3A_2403 = vector.broadcast %squeeze3A_2395 : f32 to vector<16xf32>
    %mul3A_2404 = arith.mulf %get3A_2398, %mul3A_2403 : vector<16xf32>
    %jit3A_2405 = arith.constant 0.000000e+00 : f32
    %broadcast_in_dim3A_2406 = vector.broadcast %jit3A_2405 : f32 to vector<16xf32>
    %select_n3A_2407 = arith.select %eq3A_2402, %mul3A_2404, %broadcast_in_dim3A_2406 : vector<16xi1>, vector<16xf32>
    %add3A_2408 = arith.addf %add3A_2391, %select_n3A_2407 : vector<16xf32>
    %slice3A_2409 = vector.extract_strided_slice %get3A_13 {offsets = [5], sizes = [1], strides = [1]} : vector<16xi32> to vector<1xi32>
    %squeeze3A_2410 = vector.extract %slice3A_2409[0] : i32 from vector<1xi32>
    %slice3A_2411 = vector.extract_strided_slice %get3A_1510 {offsets = [5], sizes = [1], strides = [1]} : vector<16xf32> to vector<1xf32>
    %squeeze3A_2412 = vector.extract %slice3A_2411[0] : f32 from vector<1xf32>
    %get3A_2413 = arith.constant 848 : index
    %get3A_2414 = tpu.vector_load %arg8[%get3A_2413] {strides = array<i32>} : memref<1024xf32, #tpu.memory_space<vmem>>, vector<16xf32>,
    %get3A_2415 = vector.shape_cast %get3A_2414 : vector<16xf32> to vector<16xf32>
    %and3A_2416 = arith.constant 15 : i32
    %and3A_2417 = arith.andi %squeeze3A_2410, %and3A_2416 : i32
    %eq3A_2418 = vector.broadcast %and3A_2417 : i32 to vector<16xi32>
    %eq3A_2419 = arith.cmpi eq, %iota3A, %eq3A_2418 : vector<16xi32>
    %mul3A_2420 = vector.broadcast %squeeze3A_2412 : f32 to vector<16xf32>
    %mul3A_2421 = arith.mulf %get3A_2415, %mul3A_2420 : vector<16xf32>
    %jit3A_2422 = arith.constant 0.000000e+00 : f32
    %broadcast_in_dim3A_2423 = vector.broadcast %jit3A_2422 : f32 to vector<16xf32>
    %select_n3A_2424 = arith.select %eq3A_2419, %mul3A_2421, %broadcast_in_dim3A_2423 : vector<16xi1>, vector<16xf32>
    %add3A_2425 = arith.addf %add3A_2408, %select_n3A_2424 : vector<16xf32>
    %slice3A_2426 = vector.extract_strided_slice %get3A_13 {offsets = [6], sizes = [1], strides = [1]} : vector<16xi32> to vector<1xi32>
    %squeeze3A_2427 = vector.extract %slice3A_2426[0] : i32 from vector<1xi32>
    %slice3A_2428 = vector.extract_strided_slice %get3A_1510 {offsets = [6], sizes = [1], strides = [1]} : vector<16xf32> to vector<1xf32>
    %squeeze3A_2429 = vector.extract %slice3A_2428[0] : f32 from vector<1xf32>
    %get3A_2430 = arith.constant 864 : index
    %get3A_2431 = tpu.vector_load %arg8[%get3A_2430] {strides = array<i32>} : memref<1024xf32, #tpu.memory_space<vmem>>, vector<16xf32>,
    %get3A_2432 = vector.shape_cast %get3A_2431 : vector<16xf32> to vector<16xf32>
    %and3A_2433 = arith.constant 15 : i32
    %and3A_2434 = arith.andi %squeeze3A_2427, %and3A_2433 : i32
    %eq3A_2435 = vector.broadcast %and3A_2434 : i32 to vector<16xi32>
    %eq3A_2436 = arith.cmpi eq, %iota3A, %eq3A_2435 : vector<16xi32>
    %mul3A_2437 = vector.broadcast %squeeze3A_2429 : f32 to vector<16xf32>
    %mul3A_2438 = arith.mulf %get3A_2432, %mul3A_2437 : vector<16xf32>
    %jit3A_2439 = arith.constant 0.000000e+00 : f32
    %broadcast_in_dim3A_2440 = vector.broadcast %jit3A_2439 : f32 to vector<16xf32>
    %select_n3A_2441 = arith.select %eq3A_2436, %mul3A_2438, %broadcast_in_dim3A_2440 : vector<16xi1>, vector<16xf32>
    %add3A_2442 = arith.addf %add3A_2425, %select_n3A_2441 : vector<16xf32>
    %slice3A_2443 = vector.extract_strided_slice %get3A_13 {offsets = [7], sizes = [1], strides = [1]} : vector<16xi32> to vector<1xi32>
    %squeeze3A_2444 = vector.extract %slice3A_2443[0] : i32 from vector<1xi32>
    %slice3A_2445 = vector.extract_strided_slice %get3A_1510 {offsets = [7], sizes = [1], strides = [1]} : vector<16xf32> to vector<1xf32>
    %squeeze3A_2446 = vector.extract %slice3A_2445[0] : f32 from vector<1xf32>
    %get3A_2447 = arith.constant 880 : index
    %get3A_2448 = tpu.vector_load %arg8[%get3A_2447] {strides = array<i32>} : memref<1024xf32, #tpu.memory_space<vmem>>, vector<16xf32>,
    %get3A_2449 = vector.shape_cast %get3A_2448 : vector<16xf32> to vector<16xf32>
    %and3A_2450 = arith.constant 15 : i32
    %and3A_2451 = arith.andi %squeeze3A_2444, %and3A_2450 : i32
    %eq3A_2452 = vector.broadcast %and3A_2451 : i32 to vector<16xi32>
    %eq3A_2453 = arith.cmpi eq, %iota3A, %eq3A_2452 : vector<16xi32>
    %mul3A_2454 = vector.broadcast %squeeze3A_2446 : f32 to vector<16xf32>
    %mul3A_2455 = arith.mulf %get3A_2449, %mul3A_2454 : vector<16xf32>
    %jit3A_2456 = arith.constant 0.000000e+00 : f32
    %broadcast_in_dim3A_2457 = vector.broadcast %jit3A_2456 : f32 to vector<16xf32>
    %select_n3A_2458 = arith.select %eq3A_2453, %mul3A_2455, %broadcast_in_dim3A_2457 : vector<16xi1>, vector<16xf32>
    %add3A_2459 = arith.addf %add3A_2442, %select_n3A_2458 : vector<16xf32>
    %slice3A_2460 = vector.extract_strided_slice %get3A_13 {offsets = [8], sizes = [1], strides = [1]} : vector<16xi32> to vector<1xi32>
    %squeeze3A_2461 = vector.extract %slice3A_2460[0] : i32 from vector<1xi32>
    %slice3A_2462 = vector.extract_strided_slice %get3A_1510 {offsets = [8], sizes = [1], strides = [1]} : vector<16xf32> to vector<1xf32>
    %squeeze3A_2463 = vector.extract %slice3A_2462[0] : f32 from vector<1xf32>
    %get3A_2464 = arith.constant 896 : index
    %get3A_2465 = tpu.vector_load %arg8[%get3A_2464] {strides = array<i32>} : memref<1024xf32, #tpu.memory_space<vmem>>, vector<16xf32>,
    %get3A_2466 = vector.shape_cast %get3A_2465 : vector<16xf32> to vector<16xf32>
    %and3A_2467 = arith.constant 15 : i32
    %and3A_2468 = arith.andi %squeeze3A_2461, %and3A_2467 : i32
    %eq3A_2469 = vector.broadcast %and3A_2468 : i32 to vector<16xi32>
    %eq3A_2470 = arith.cmpi eq, %iota3A, %eq3A_2469 : vector<16xi32>
    %mul3A_2471 = vector.broadcast %squeeze3A_2463 : f32 to vector<16xf32>
    %mul3A_2472 = arith.mulf %get3A_2466, %mul3A_2471 : vector<16xf32>
    %jit3A_2473 = arith.constant 0.000000e+00 : f32
    %broadcast_in_dim3A_2474 = vector.broadcast %jit3A_2473 : f32 to vector<16xf32>
    %select_n3A_2475 = arith.select %eq3A_2470, %mul3A_2472, %broadcast_in_dim3A_2474 : vector<16xi1>, vector<16xf32>
    %add3A_2476 = arith.addf %add3A_2459, %select_n3A_2475 : vector<16xf32>
    %slice3A_2477 = vector.extract_strided_slice %get3A_13 {offsets = [9], sizes = [1], strides = [1]} : vector<16xi32> to vector<1xi32>
    %squeeze3A_2478 = vector.extract %slice3A_2477[0] : i32 from vector<1xi32>
    %slice3A_2479 = vector.extract_strided_slice %get3A_1510 {offsets = [9], sizes = [1], strides = [1]} : vector<16xf32> to vector<1xf32>
    %squeeze3A_2480 = vector.extract %slice3A_2479[0] : f32 from vector<1xf32>
    %get3A_2481 = arith.constant 912 : index
    %get3A_2482 = tpu.vector_load %arg8[%get3A_2481] {strides = array<i32>} : memref<1024xf32, #tpu.memory_space<vmem>>, vector<16xf32>,
    %get3A_2483 = vector.shape_cast %get3A_2482 : vector<16xf32> to vector<16xf32>
    %and3A_2484 = arith.constant 15 : i32
    %and3A_2485 = arith.andi %squeeze3A_2478, %and3A_2484 : i32
    %eq3A_2486 = vector.broadcast %and3A_2485 : i32 to vector<16xi32>
    %eq3A_2487 = arith.cmpi eq, %iota3A, %eq3A_2486 : vector<16xi32>
    %mul3A_2488 = vector.broadcast %squeeze3A_2480 : f32 to vector<16xf32>
    %mul3A_2489 = arith.mulf %get3A_2483, %mul3A_2488 : vector<16xf32>
    %jit3A_2490 = arith.constant 0.000000e+00 : f32
    %broadcast_in_dim3A_2491 = vector.broadcast %jit3A_2490 : f32 to vector<16xf32>
    %select_n3A_2492 = arith.select %eq3A_2487, %mul3A_2489, %broadcast_in_dim3A_2491 : vector<16xi1>, vector<16xf32>
    %add3A_2493 = arith.addf %add3A_2476, %select_n3A_2492 : vector<16xf32>
    %slice3A_2494 = vector.extract_strided_slice %get3A_13 {offsets = [10], sizes = [1], strides = [1]} : vector<16xi32> to vector<1xi32>
    %squeeze3A_2495 = vector.extract %slice3A_2494[0] : i32 from vector<1xi32>
    %slice3A_2496 = vector.extract_strided_slice %get3A_1510 {offsets = [10], sizes = [1], strides = [1]} : vector<16xf32> to vector<1xf32>
    %squeeze3A_2497 = vector.extract %slice3A_2496[0] : f32 from vector<1xf32>
    %get3A_2498 = arith.constant 928 : index
    %get3A_2499 = tpu.vector_load %arg8[%get3A_2498] {strides = array<i32>} : memref<1024xf32, #tpu.memory_space<vmem>>, vector<16xf32>,
    %get3A_2500 = vector.shape_cast %get3A_2499 : vector<16xf32> to vector<16xf32>
    %and3A_2501 = arith.constant 15 : i32
    %and3A_2502 = arith.andi %squeeze3A_2495, %and3A_2501 : i32
    %eq3A_2503 = vector.broadcast %and3A_2502 : i32 to vector<16xi32>
    %eq3A_2504 = arith.cmpi eq, %iota3A, %eq3A_2503 : vector<16xi32>
    %mul3A_2505 = vector.broadcast %squeeze3A_2497 : f32 to vector<16xf32>
    %mul3A_2506 = arith.mulf %get3A_2500, %mul3A_2505 : vector<16xf32>
    %jit3A_2507 = arith.constant 0.000000e+00 : f32
    %broadcast_in_dim3A_2508 = vector.broadcast %jit3A_2507 : f32 to vector<16xf32>
    %select_n3A_2509 = arith.select %eq3A_2504, %mul3A_2506, %broadcast_in_dim3A_2508 : vector<16xi1>, vector<16xf32>
    %add3A_2510 = arith.addf %add3A_2493, %select_n3A_2509 : vector<16xf32>
    %slice3A_2511 = vector.extract_strided_slice %get3A_13 {offsets = [11], sizes = [1], strides = [1]} : vector<16xi32> to vector<1xi32>
    %squeeze3A_2512 = vector.extract %slice3A_2511[0] : i32 from vector<1xi32>
    %slice3A_2513 = vector.extract_strided_slice %get3A_1510 {offsets = [11], sizes = [1], strides = [1]} : vector<16xf32> to vector<1xf32>
    %squeeze3A_2514 = vector.extract %slice3A_2513[0] : f32 from vector<1xf32>
    %get3A_2515 = arith.constant 944 : index
    %get3A_2516 = tpu.vector_load %arg8[%get3A_2515] {strides = array<i32>} : memref<1024xf32, #tpu.memory_space<vmem>>, vector<16xf32>,
    %get3A_2517 = vector.shape_cast %get3A_2516 : vector<16xf32> to vector<16xf32>
    %and3A_2518 = arith.constant 15 : i32
    %and3A_2519 = arith.andi %squeeze3A_2512, %and3A_2518 : i32
    %eq3A_2520 = vector.broadcast %and3A_2519 : i32 to vector<16xi32>
    %eq3A_2521 = arith.cmpi eq, %iota3A, %eq3A_2520 : vector<16xi32>
    %mul3A_2522 = vector.broadcast %squeeze3A_2514 : f32 to vector<16xf32>
    %mul3A_2523 = arith.mulf %get3A_2517, %mul3A_2522 : vector<16xf32>
    %jit3A_2524 = arith.constant 0.000000e+00 : f32
    %broadcast_in_dim3A_2525 = vector.broadcast %jit3A_2524 : f32 to vector<16xf32>
    %select_n3A_2526 = arith.select %eq3A_2521, %mul3A_2523, %broadcast_in_dim3A_2525 : vector<16xi1>, vector<16xf32>
    %add3A_2527 = arith.addf %add3A_2510, %select_n3A_2526 : vector<16xf32>
    %slice3A_2528 = vector.extract_strided_slice %get3A_13 {offsets = [12], sizes = [1], strides = [1]} : vector<16xi32> to vector<1xi32>
    %squeeze3A_2529 = vector.extract %slice3A_2528[0] : i32 from vector<1xi32>
    %slice3A_2530 = vector.extract_strided_slice %get3A_1510 {offsets = [12], sizes = [1], strides = [1]} : vector<16xf32> to vector<1xf32>
    %squeeze3A_2531 = vector.extract %slice3A_2530[0] : f32 from vector<1xf32>
    %get3A_2532 = arith.constant 960 : index
    %get3A_2533 = tpu.vector_load %arg8[%get3A_2532] {strides = array<i32>} : memref<1024xf32, #tpu.memory_space<vmem>>, vector<16xf32>,
    %get3A_2534 = vector.shape_cast %get3A_2533 : vector<16xf32> to vector<16xf32>
    %and3A_2535 = arith.constant 15 : i32
    %and3A_2536 = arith.andi %squeeze3A_2529, %and3A_2535 : i32
    %eq3A_2537 = vector.broadcast %and3A_2536 : i32 to vector<16xi32>
    %eq3A_2538 = arith.cmpi eq, %iota3A, %eq3A_2537 : vector<16xi32>
    %mul3A_2539 = vector.broadcast %squeeze3A_2531 : f32 to vector<16xf32>
    %mul3A_2540 = arith.mulf %get3A_2534, %mul3A_2539 : vector<16xf32>
    %jit3A_2541 = arith.constant 0.000000e+00 : f32
    %broadcast_in_dim3A_2542 = vector.broadcast %jit3A_2541 : f32 to vector<16xf32>
    %select_n3A_2543 = arith.select %eq3A_2538, %mul3A_2540, %broadcast_in_dim3A_2542 : vector<16xi1>, vector<16xf32>
    %add3A_2544 = arith.addf %add3A_2527, %select_n3A_2543 : vector<16xf32>
    %slice3A_2545 = vector.extract_strided_slice %get3A_13 {offsets = [13], sizes = [1], strides = [1]} : vector<16xi32> to vector<1xi32>
    %squeeze3A_2546 = vector.extract %slice3A_2545[0] : i32 from vector<1xi32>
    %slice3A_2547 = vector.extract_strided_slice %get3A_1510 {offsets = [13], sizes = [1], strides = [1]} : vector<16xf32> to vector<1xf32>
    %squeeze3A_2548 = vector.extract %slice3A_2547[0] : f32 from vector<1xf32>
    %get3A_2549 = arith.constant 976 : index
    %get3A_2550 = tpu.vector_load %arg8[%get3A_2549] {strides = array<i32>} : memref<1024xf32, #tpu.memory_space<vmem>>, vector<16xf32>,
    %get3A_2551 = vector.shape_cast %get3A_2550 : vector<16xf32> to vector<16xf32>
    %and3A_2552 = arith.constant 15 : i32
    %and3A_2553 = arith.andi %squeeze3A_2546, %and3A_2552 : i32
    %eq3A_2554 = vector.broadcast %and3A_2553 : i32 to vector<16xi32>
    %eq3A_2555 = arith.cmpi eq, %iota3A, %eq3A_2554 : vector<16xi32>
    %mul3A_2556 = vector.broadcast %squeeze3A_2548 : f32 to vector<16xf32>
    %mul3A_2557 = arith.mulf %get3A_2551, %mul3A_2556 : vector<16xf32>
    %jit3A_2558 = arith.constant 0.000000e+00 : f32
    %broadcast_in_dim3A_2559 = vector.broadcast %jit3A_2558 : f32 to vector<16xf32>
    %select_n3A_2560 = arith.select %eq3A_2555, %mul3A_2557, %broadcast_in_dim3A_2559 : vector<16xi1>, vector<16xf32>
    %add3A_2561 = arith.addf %add3A_2544, %select_n3A_2560 : vector<16xf32>
    %slice3A_2562 = vector.extract_strided_slice %get3A_13 {offsets = [14], sizes = [1], strides = [1]} : vector<16xi32> to vector<1xi32>
    %squeeze3A_2563 = vector.extract %slice3A_2562[0] : i32 from vector<1xi32>
    %slice3A_2564 = vector.extract_strided_slice %get3A_1510 {offsets = [14], sizes = [1], strides = [1]} : vector<16xf32> to vector<1xf32>
    %squeeze3A_2565 = vector.extract %slice3A_2564[0] : f32 from vector<1xf32>
    %get3A_2566 = arith.constant 992 : index
    %get3A_2567 = tpu.vector_load %arg8[%get3A_2566] {strides = array<i32>} : memref<1024xf32, #tpu.memory_space<vmem>>, vector<16xf32>,
    %get3A_2568 = vector.shape_cast %get3A_2567 : vector<16xf32> to vector<16xf32>
    %and3A_2569 = arith.constant 15 : i32
    %and3A_2570 = arith.andi %squeeze3A_2563, %and3A_2569 : i32
    %eq3A_2571 = vector.broadcast %and3A_2570 : i32 to vector<16xi32>
    %eq3A_2572 = arith.cmpi eq, %iota3A, %eq3A_2571 : vector<16xi32>
    %mul3A_2573 = vector.broadcast %squeeze3A_2565 : f32 to vector<16xf32>
    %mul3A_2574 = arith.mulf %get3A_2568, %mul3A_2573 : vector<16xf32>
    %jit3A_2575 = arith.constant 0.000000e+00 : f32
    %broadcast_in_dim3A_2576 = vector.broadcast %jit3A_2575 : f32 to vector<16xf32>
    %select_n3A_2577 = arith.select %eq3A_2572, %mul3A_2574, %broadcast_in_dim3A_2576 : vector<16xi1>, vector<16xf32>
    %add3A_2578 = arith.addf %add3A_2561, %select_n3A_2577 : vector<16xf32>
    %slice3A_2579 = vector.extract_strided_slice %get3A_13 {offsets = [15], sizes = [1], strides = [1]} : vector<16xi32> to vector<1xi32>
    %squeeze3A_2580 = vector.extract %slice3A_2579[0] : i32 from vector<1xi32>
    %slice3A_2581 = vector.extract_strided_slice %get3A_1510 {offsets = [15], sizes = [1], strides = [1]} : vector<16xf32> to vector<1xf32>
    %squeeze3A_2582 = vector.extract %slice3A_2581[0] : f32 from vector<1xf32>
    %get3A_2583 = arith.constant 1008 : index
    %get3A_2584 = tpu.vector_load %arg8[%get3A_2583] {strides = array<i32>} : memref<1024xf32, #tpu.memory_space<vmem>>, vector<16xf32>,
    %get3A_2585 = vector.shape_cast %get3A_2584 : vector<16xf32> to vector<16xf32>
    %and3A_2586 = arith.constant 15 : i32
    %and3A_2587 = arith.andi %squeeze3A_2580, %and3A_2586 : i32
    %eq3A_2588 = vector.broadcast %and3A_2587 : i32 to vector<16xi32>
    %eq3A_2589 = arith.cmpi eq, %iota3A, %eq3A_2588 : vector<16xi32>
    %mul3A_2590 = vector.broadcast %squeeze3A_2582 : f32 to vector<16xf32>
    %mul3A_2591 = arith.mulf %get3A_2585, %mul3A_2590 : vector<16xf32>
    %jit3A_2592 = arith.constant 0.000000e+00 : f32
    %broadcast_in_dim3A_2593 = vector.broadcast %jit3A_2592 : f32 to vector<16xf32>
    %select_n3A_2594 = arith.select %eq3A_2589, %mul3A_2591, %broadcast_in_dim3A_2593 : vector<16xi1>, vector<16xf32>
    %add3A_2595 = arith.addf %add3A_2578, %select_n3A_2594 : vector<16xf32>
    %swap3A = arith.constant 0 : index
    %swap3A_2596 = tpu.vector_load %arg9[%swap3A] {strides = array<i32>} : memref<32xf32, #tpu.memory_space<vmem>>, vector<16xf32>,
    %swap3A_2597 = vector.shape_cast %swap3A_2596 : vector<16xf32> to vector<16xf32>
    %swap3A_2598 = vector.shape_cast %add3A_2595 : vector<16xf32> to vector<16xf32>
    tpu.vector_store %arg9[%swap3A], %swap3A_2598 {strides = array<i32>} : memref<32xf32, #tpu.memory_space<vmem>>, vector<16xf32>,
    %swap3A_2599 = arith.constant 16 : index
    %swap3A_2600 = tpu.vector_load %arg9[%swap3A_2599] {strides = array<i32>} : memref<32xf32, #tpu.memory_space<vmem>>, vector<16xf32>,
    %swap3A_2601 = vector.shape_cast %swap3A_2600 : vector<16xf32> to vector<16xf32>
    %swap3A_2602 = vector.shape_cast %add3A_1498 : vector<16xf32> to vector<16xf32>
    tpu.vector_store %arg9[%swap3A_2599], %swap3A_2602 {strides = array<i32>} : memref<32xf32, #tpu.memory_space<vmem>>, vector<16xf32>,
    "tpu.region"() ({
      %run_scoped3A = tpu.sem_alloc : memref<!tpu.dma_semaphore, #tpu.memory_space<semaphore_mem>>
      %dma_start3A_2603 = arith.constant 0 : i32
      %dma_start3A_2604 = tpu.memref_slice %arg5[%add3A, %dma_start3A_2603] : memref<32x32xf32, #tpu.memory_space<hbm>> -> memref<1x32xf32, #tpu.memory_space<hbm>>
      %dma_start3A_2605 = tpu.memref_squeeze %dma_start3A_2604 : memref<1x32xf32, #tpu.memory_space<hbm>> -> memref<32xf32, #tpu.memory_space<hbm>>
      %dma_start3A_2606 = arith.constant 0 : i32
      %dma_start3A_2607 = tpu.memref_slice %arg5[%add3A, %dma_start3A_2606] : memref<32x32xf32, #tpu.memory_space<hbm>> -> memref<1x32xf32, #tpu.memory_space<hbm>>
      %dma_start3A_2608 = tpu.memref_squeeze %dma_start3A_2607 : memref<1x32xf32, #tpu.memory_space<hbm>> -> memref<32xf32, #tpu.memory_space<hbm>>
      tpu.enqueue_dma source(%arg9 : memref<32xf32, #tpu.memory_space<vmem>>) target(%dma_start3A_2608 : memref<32xf32, #tpu.memory_space<hbm>>) target_semaphore(%run_scoped3A : memref<!tpu.dma_semaphore, #tpu.memory_space<semaphore_mem>>)
      %dma_wait3A_2609 = arith.constant 0 : i32
      %dma_wait3A_2610 = tpu.memref_slice %arg5[%add3A, %dma_wait3A_2609] : memref<32x32xf32, #tpu.memory_space<hbm>> -> memref<1x32xf32, #tpu.memory_space<hbm>>
      %dma_wait3A_2611 = tpu.memref_squeeze %dma_wait3A_2610 : memref<1x32xf32, #tpu.memory_space<hbm>> -> memref<32xf32, #tpu.memory_space<hbm>>
      %dma_wait3A_2612 = arith.constant 0 : i32
      %dma_wait3A_2613 = tpu.memref_slice %arg5[%add3A, %dma_wait3A_2612] : memref<32x32xf32, #tpu.memory_space<hbm>> -> memref<1x32xf32, #tpu.memory_space<hbm>>
      %dma_wait3A_2614 = tpu.memref_squeeze %dma_wait3A_2613 : memref<1x32xf32, #tpu.memory_space<hbm>> -> memref<32xf32, #tpu.memory_space<hbm>>
      tpu.wait_dma2 semaphore(%run_scoped3A : memref<!tpu.dma_semaphore, #tpu.memory_space<semaphore_mem>>) src(%arg9 : memref<32xf32, #tpu.memory_space<vmem>>) dst(%dma_wait3A_2614 : memref<32xf32, #tpu.memory_space<hbm>>)
      tpu.yield
    }) : () -> ()
    return
  }
}

module attributes {stable_mosaic.version = 14 : i64} {
  func.func @_tc_body(%arg0: i32, %arg1: memref<128x32000xf32, #tpu.memory_space<vmem>>, %arg2: memref<128x1xf32, #tpu.memory_space<vmem>>, %arg3: memref<32x32xf32, #tpu.memory_space<vmem>>, %arg4: memref<1x1xf32, #tpu.memory_space<smem>>, %arg5: memref<1x1xf32, #tpu.memory_space<smem>>) attributes {dimension_semantics = [#tpu.dimension_semantics<arbitrary>], iteration_bounds = array<i64: 16>, scalar_prefetch = 0 : i64, scratch_operands = 1 : i64, tpu.core_type = #tpu.core_type<tc>, window_params = [{transform_indices = @transform_0, window_bounds = array<i64: 128, 32000>}, {transform_indices = @transform_1, window_bounds = array<i64: 128, 1>}, {pipeline_mode = #tpu.pipeline_mode<synchronous>, transform_indices = @transform_2, window_bounds = array<i64: 32, 32>}, {transform_indices = @transform_3, window_bounds = array<i64: 1, 1>}]} {
    %eq3A = arith.constant 0 : i32
    %eq3A_0 = arith.cmpi eq, %arg0, %eq3A : i32
    %convert_element_type3A = arith.extui %eq3A_0 : i1 to i32
    %cond3A = arith.constant 0 : i32
    %cond3A_1 = arith.cmpi ne, %convert_element_type3A, %cond3A : i32
    scf.if %cond3A_1 {
      %swap3A_23 = arith.constant 0.000000e+00 : f32
      %swap3A_24 = arith.constant 0 : index
      %swap3A_25 = arith.constant 0 : index
      %swap3A_26 = memref.load %arg5[%swap3A_24, %swap3A_25] : memref<1x1xf32, #tpu.memory_space<smem>>
      memref.store %swap3A_23, %arg5[%swap3A_24, %swap3A_25] : memref<1x1xf32, #tpu.memory_space<smem>>
    } else {
    }
    %get3A = arith.constant 0 : index
    %get3A_2 = arith.constant 0 : index
    %get3A_3 = vector.load %arg1[%get3A, %get3A_2] : memref<128x32000xf32, #tpu.memory_space<vmem>>, vector<128x32000xf32>
    %get3A_4 = arith.constant 0 : index
    %get3A_5 = arith.constant 0 : index
    %get3A_6 = vector.load %arg2[%get3A_4, %get3A_5] : memref<128x1xf32, #tpu.memory_space<vmem>>, vector<128x1xf32>
    %reduce_sum3A = arith.constant dense<0.000000e+00> : vector<128xf32>
    %reduce_sum3A_7 = vector.multi_reduction <add>, %get3A_3, %reduce_sum3A [1] : vector<128x32000xf32> to vector<128xf32>
    %broadcast_in_dim3A = vector.shape_cast %reduce_sum3A_7 : vector<128xf32> to vector<128x1xf32>
    %get3A_8 = arith.constant 0 : index
    %get3A_9 = arith.constant 0 : index
    %get3A_10 = memref.load %arg5[%get3A_8, %get3A_9] : memref<1x1xf32, #tpu.memory_space<smem>>
    %mul3A = arith.mulf %broadcast_in_dim3A, %get3A_6 : vector<128x1xf32>
    %reduce_sum3A_11 = vector.shape_cast %mul3A : vector<128x1xf32> to vector<1x128x1xf32>
    %reduce_sum3A_12 = arith.constant dense<0.000000e+00> : vector<1xf32>
    %reduce_sum3A_13 = vector.multi_reduction <add>, %reduce_sum3A_11, %reduce_sum3A_12 [1, 2] : vector<1x128x1xf32> to vector<1xf32>
    %reduce_sum3A_14 = vector.shape_cast %reduce_sum3A_13 : vector<1xf32> to vector<1x1x1xf32>
    %reduce_sum3A_15 = vector.extract %reduce_sum3A_14[0, 0, 0] : f32 from vector<1x1x1xf32>
    %add3A = arith.addf %get3A_10, %reduce_sum3A_15 : f32
    %swap3A = arith.constant 0 : index
    %swap3A_16 = arith.constant 0 : index
    %swap3A_17 = memref.load %arg5[%swap3A, %swap3A_16] : memref<1x1xf32, #tpu.memory_space<smem>>
    memref.store %add3A, %arg5[%swap3A, %swap3A_16] : memref<1x1xf32, #tpu.memory_space<smem>>
    %eq3A_18 = arith.constant 15 : i32
    %eq3A_19 = arith.cmpi eq, %arg0, %eq3A_18 : i32
    %convert_element_type3A_20 = arith.extui %eq3A_19 : i1 to i32
    %cond3A_21 = arith.constant 0 : i32
    %cond3A_22 = arith.cmpi ne, %convert_element_type3A_20, %cond3A_21 : i32
    scf.if %cond3A_22 {
      %get3A_23 = arith.constant 0 : index
      %get3A_24 = arith.constant 0 : index
      %get3A_25 = vector.load %arg3[%get3A_23, %get3A_24] : memref<32x32xf32, #tpu.memory_space<vmem>>, vector<32x32xf32>
      %slice3A = vector.extract_strided_slice %get3A_25 {offsets = [0, 0], sizes = [32, 16], strides = [1, 1]} : vector<32x32xf32> to vector<32x16xf32>
      %reduce_sum3A_26 = vector.shape_cast %slice3A : vector<32x16xf32> to vector<1x32x16xf32>
      %reduce_sum3A_27 = arith.constant dense<0.000000e+00> : vector<1xf32>
      %reduce_sum3A_28 = vector.multi_reduction <add>, %reduce_sum3A_26, %reduce_sum3A_27 [1, 2] : vector<1x32x16xf32> to vector<1xf32>
      %reduce_sum3A_29 = vector.shape_cast %reduce_sum3A_28 : vector<1xf32> to vector<1x1x1xf32>
      %reduce_sum3A_30 = vector.extract %reduce_sum3A_29[0, 0, 0] : f32 from vector<1x1x1xf32>
      %slice3A_31 = vector.extract_strided_slice %get3A_25 {offsets = [0, 16], sizes = [32, 16], strides = [1, 1]} : vector<32x32xf32> to vector<32x16xf32>
      %reduce_sum3A_32 = vector.shape_cast %slice3A_31 : vector<32x16xf32> to vector<1x32x16xf32>
      %reduce_sum3A_33 = arith.constant dense<0.000000e+00> : vector<1xf32>
      %reduce_sum3A_34 = vector.multi_reduction <add>, %reduce_sum3A_32, %reduce_sum3A_33 [1, 2] : vector<1x32x16xf32> to vector<1xf32>
      %reduce_sum3A_35 = vector.shape_cast %reduce_sum3A_34 : vector<1xf32> to vector<1x1x1xf32>
      %reduce_sum3A_36 = vector.extract %reduce_sum3A_35[0, 0, 0] : f32 from vector<1x1x1xf32>
      %mul3A_37 = arith.constant -1.36242902 : f32
      %mul3A_38 = arith.mulf %mul3A_37, %reduce_sum3A_36 : f32
      %get3A_39 = arith.constant 0 : index
      %get3A_40 = arith.constant 0 : index
      %get3A_41 = memref.load %arg5[%get3A_39, %get3A_40] : memref<1x1xf32, #tpu.memory_space<smem>>
      %mul3A_42 = arith.constant 3.12509769E-6 : f32
      %mul3A_43 = arith.mulf %mul3A_42, %get3A_41 : f32
      %sub3A = arith.subf %mul3A_38, %mul3A_43 : f32
      %mul3A_44 = arith.constant -0.899996876 : f32
      %mul3A_45 = arith.mulf %mul3A_44, %reduce_sum3A_30 : f32
      %add3A_46 = arith.addf %sub3A, %mul3A_45 : f32
      %div3A = arith.divf %add3A_46, %reduce_sum3A_36 : f32
      %swap3A_47 = arith.constant 0 : index
      %swap3A_48 = arith.constant 0 : index
      %swap3A_49 = memref.load %arg4[%swap3A_47, %swap3A_48] : memref<1x1xf32, #tpu.memory_space<smem>>
      memref.store %div3A, %arg4[%swap3A_47, %swap3A_48] : memref<1x1xf32, #tpu.memory_space<smem>>
    } else {
    }
    return
  }
  func.func @transform_0(%arg0: i32) -> (i32, i32) {
    %c0_i32 = arith.constant 0 : i32
    %c0_i32_0 = arith.constant 0 : i32
    return %arg0, %c0_i32 : i32, i32
  }
  func.func @transform_1(%arg0: i32) -> (i32, i32) {
    %c0_i32 = arith.constant 0 : i32
    %c0_i32_0 = arith.constant 0 : i32
    return %arg0, %c0_i32 : i32, i32
  }
  func.func @transform_2(%arg0: i32) -> (i32, i32) {
    %c0_i32 = arith.constant 0 : i32
    %c0_i32_0 = arith.constant 0 : i32
    %c0_i32_1 = arith.constant 0 : i32
    return %c0_i32, %c0_i32_0 : i32, i32
  }
  func.func @transform_3(%arg0: i32) -> (i32, i32) {
    %c0_i32 = arith.constant 0 : i32
    %c0_i32_0 = arith.constant 0 : i32
    %c0_i32_1 = arith.constant 0 : i32
    return %c0_i32, %c0_i32_0 : i32, i32
  }
}

</mosaic_0001>

<sc_bundles>
// kernel: kernel.4.cloned.1.call-start
scs
__scs_entry_jumppad:
0x0: {  	(pc) =	sbr.rel $0x88, $3  }
0x1: {  	(tag) =	ssettag $0x0;
	lr =	simm.s32 $0x1  }
0x2: {  	[smem:$0x3F9E] =	sst lr;
	_ =	strace $0xD0000000  }
0x3: {  	_ = 	snop  }
0x4: {  	_ = 	snop  }
0x5: {  	_ = 	snop  }
0x6: {  	_ = 	snop  }
0x7: {  	_ = 	snop  }
__scs_overlays_trampoline_lowered:
0x8: {  	[smem:$0x3FAD] =	sst s0  }
0x9: {  	[smem:$0x3FAE] =	sst s1  }
0xa: {  	[smem:$0x3FAF] =	sst s2  }
0xb: {  	[smem:$0x3FB0] =	sst s3  }
0xc: {  	[smem:$0x3FB1] =	sst s4  }
0xd: {  	[smem:$0x3FB2] =	sst s5  }
0xe: {  	[smem:$0x3FB3] =	sst s6  }
0xf: {  	[smem:$0x3FB4] =	sst s7  }
0x10: {  	[smem:$0x3FB5] =	sst s8  }
0x11: {  	[smem:$0x3FB6] =	sst s9;
	s0 =	simm.s32 @!p0 $0x0  }
0x12: {  	s1 =	sld [smem:$0x3F9C];
	s0 =	simm.s32 @p0 $0x1  }
0x13: {  	[smem:$0x3FB7] =	sst s0;
	s0 =	simm.s32 @!p1 $0x0  }
0x14: {  	s2 =	sld [smem:$0x3F9B];
	s0 =	simm.s32 @p1 $0x1  }
0x15: {  	[smem:$0x3FB8] =	sst s0;
	s0 =	simm.s32 @!p2 $0x0  }
0x16: {  	s3 =	sld [smem:$0x3FDB];
	s0 =	simm.s32 @p2 $0x1  }
0x17: {  	s4 =	simm.s32 $0x1BF5;
	[smem:$0x3FBA] =	sst s0  }
0x18: {  	s0 =	sld [smem:$0x3F9D];
	_ =	swait.ge [sflag:s4], $0x0  }
0x19: {  	s7 =	sld [smem:$0x3F9E]  }
0x1a: {  	s8 =	sadd.s32 $0xFFFFE003, lr  }
0x1b: {  	s9 =	sadd.s32 $0xFFFFFEF7, lr;
	s5 =	simm.s32 $0xFFFFFFFF;
	p2 =	slt.u32 s8, $0xFFFFF086  }
0x1c: {  	p1 =	slt.u32 s9, $0xF7A;
	s5 =	simm.s32 @!p2 $0x0  }
0x1d: {  	s5 =	simm.s32 @p1 $0x1;
	p0 =	seq.s32 s7, s2  }
0x1e: {  	s7 =	smul.u32 @!p0 $0xF7A, s2;
	p2 =	seq.s32 @!p0 s5, $0x0  }
0x1f: {  	s9 =	smul.u32 $0xF7A, s1;
	s8 =	simm.s32 @!p0 $0x1BF5;
	p2 =	por !p2, p0  }
0x20: {  	[sflag:s8] =	ssyncset.s32 @!p0 $0xFFFFF086;
	s6 =	sadd.s32 @!p0 s3, s7;
	s7 =	simm.s32 @!p0 $0x108  }
0x21: {  	s3 =	sadd.s32 s3, s9;
	s6 =	sadd.s32 @!p0 $0x88, s6;
	s7 =	simm.s32 @p2 $0x1082  }
0x22: {  	[simem:s7], [sflag:s8] =	dma.local @!p0 [hbm:s6], $0xF7A  }
0x23: {  	s9 =	sor.u32 $0xD0000000, s2;
	s6 =	simm.s32 $0x108;
	_ =	swait.ge @!p0 [sflag:s8], $0x0  }
0x24: {  	s3 =	sadd.s32 $0x88, s3;
	s6 =	simm.s32 @!p1 $0x1082;
	[sflag:s4] =	ssyncset.s32 $0xFFFFF086  }
0x25: {  	[simem:s6], [sflag:s4] =	dma.local [hbm:s3], $0xF7A  }
0x26: {  	[smem:$0x3F9E] =	sst s1;
	(tag) =	ssettag s2;
	_ =	strace s9  }
0x27: {  	s1 =	sld [smem:$0x3FAE]  }
0x28: {  	s2 =	sld [smem:$0x3FAF]  }
0x29: {  	s4 =	sld [smem:$0x3FB1]  }
0x2a: {  	p0 =	seq.s32 s5, $0x0;
	s5 =	sld [smem:$0x3FB2]  }
0x2b: {  	s6 =	sld [smem:$0x3FB3]  }
0x2c: {  	s7 =	sld [smem:$0x3FB4]  }
0x2d: {  	s3 =	simm.s32 $0x108;
	s8 =	sld [smem:$0x3FB5]  }
0x2e: {  	s3 =	simm.s32 @!p0 $0x1082;
	s9 =	sld [smem:$0x3FB6]  }
0x2f: {  	lr =	sadd.s32 s0, s3;
	s0 =	sld [smem:$0x3FAD]  }
0x30: {  	s3 =	sld [smem:$0x3FB0]  }
0x31: {  	[smem:$0x3FB9] =	sst s10  }
0x32: {  	s10 =	sld [smem:$0x3FB7];
	_ =	sdelay $0x3  }
0x33: {  	p0 =	seq.s32 s10, $0x1;
	s10 =	sld [smem:$0x3FB9];
	_ =	sdelay $0x3  }
0x34: {  	[smem:$0x3FB9] =	sst s10  }
0x35: {  	s10 =	sld [smem:$0x3FB8];
	_ =	sdelay $0x3  }
0x36: {  	p1 =	seq.s32 s10, $0x1;
	s10 =	sld [smem:$0x3FB9];
	_ =	sdelay $0x3  }
0x37: {  	[smem:$0x3FB9] =	sst s10  }
0x38: {  	s10 =	sld [smem:$0x3FBA]  }
0x39: {  	_ = 	snop;
	(pc) =	sbr.ind lr, $3  }
0x3a: {  	_ = 	snop  }
0x3b: {  	_ = 	snop  }
0x3c: {  	p2 =	seq.s32 s10, $0x1;
	s10 =	sld [smem:$0x3FB9]  }
0x3d: {  	_ =	shalt  }
0x3e: {  	_ =	shalt  }
0x3f: {  	_ =	shalt  }
0x40: {  	_ =	shalt  }
0x41: {  	_ =	shalt  }
0x42: {  	_ =	shalt  }
0x43: {  	_ =	shalt  }
0x44: {  	_ =	shalt  }
0x45: {  	_ =	shalt  }
0x46: {  	_ =	shalt  }
0x47: {  	_ =	shalt  }
0x48: {  	_ =	shalt  }
0x49: {  	_ =	shalt  }
0x4a: {  	_ =	shalt  }
0x4b: {  	_ =	shalt  }
0x4c: {  	_ =	shalt  }
0x4d: {  	_ =	shalt  }
0x4e: {  	_ =	shalt  }
0x4f: {  	_ =	shalt  }
0x50: {  	_ =	shalt  }
0x51: {  	_ =	shalt  }
0x52: {  	_ =	shalt  }
0x53: {  	_ =	shalt  }
0x54: {  	_ =	shalt  }
0x55: {  	_ =	shalt  }
0x56: {  	_ =	shalt  }
0x57: {  	_ =	shalt  }
0x58: {  	_ =	shalt  }
0x59: {  	_ =	shalt  }
0x5a: {  	_ =	shalt  }
0x5b: {  	_ =	shalt  }
0x5c: {  	_ =	shalt  }
0x5d: {  	_ =	shalt  }
0x5e: {  	_ =	shalt  }
0x5f: {  	_ =	shalt  }
0x60: {  	_ =	shalt  }
0x61: {  	_ =	shalt  }
0x62: {  	_ =	shalt  }
0x63: {  	_ =	shalt  }
0x64: {  	_ =	shalt  }
0x65: {  	_ =	shalt  }
0x66: {  	_ =	shalt  }
0x67: {  	_ =	shalt  }
0x68: {  	_ =	shalt  }
0x69: {  	_ =	shalt  }
0x6a: {  	_ =	shalt  }
0x6b: {  	_ =	shalt  }
0x6c: {  	_ =	shalt  }
0x6d: {  	_ =	shalt  }
0x6e: {  	_ =	shalt  }
0x6f: {  	_ =	shalt  }
0x70: {  	_ =	shalt  }
0x71: {  	_ =	shalt  }
0x72: {  	_ =	shalt  }
0x73: {  	_ =	shalt  }
0x74: {  	_ =	shalt  }
0x75: {  	_ =	shalt  }
0x76: {  	_ =	shalt  }
0x77: {  	_ =	shalt  }
0x78: {  	_ =	shalt  }
0x79: {  	_ =	shalt  }
0x7a: {  	_ =	shalt  }
0x7b: {  	_ =	shalt  }
0x7c: {  	_ =	shalt  }
0x7d: {  	_ =	shalt  }
0x7e: {  	_ =	shalt  }
0x7f: {  	_ =	shalt  }
0x80: {  	_ =	shalt  }
0x81: {  	_ =	shalt  }
0x82: {  	_ =	shalt  }
0x83: {  	_ =	shalt  }
0x84: {  	_ =	shalt  }
0x85: {  	_ =	shalt  }
0x86: {  	_ =	shalt  }
0x87: {  	_ =	shalt  }
.Lfunc_end0:
.L_simem_size_0:
called_computation_lowered:
.L_overlay_start_0:
0x88: {  	s2 =	sld [smem:$0x3FD9]  }
0x89: {  	s3 =	sld [smem:$0x3FFE];
	_ =	sdelay $0x1  }
0x8a: {  	s1 =	srdreg.scid  }
0x8b: {  	s0 =	sand.u32 $0x1, s1  }
0x8c: {  	s17 =	sshll.u32 s0, $0xA;
	s2 =	sadd.s32 s3, s2  }
0x8d: {  	s2 =	sadd.s32 s2, s17  }
0x8e: {  	[smem:$0x3FC5] =	sst s2  }
0x8f: {  	_ = 	snop  }
0x90: {  	s2 =	sld [smem:$0x3FC9];
	(tm) =	ssettm $0x1  }
0x91: {  	s18 =	sld [smem:$0x3FFB];
	_ =	sdelay $0x3  }
0x92: {  	_ =	strace s18  }
0x93: {  	s3 =	sld [smem:$0x3FFC];
	_ =	sdelay $0x3  }
0x94: {  	_ =	strace s3  }
0x95: {  	s3 =	sld [smem:$0x3FFD];
	_ =	sdelay $0x3  }
0x96: {  	_ =	strace s3  }
0x97: {  	_ =	strace $0x8FFFFFFF  }
0x98: {  	s19 =	sld [smem:$0x3FDB];
	_ =	sdelay $0x1  }
0x99: {  	s4 =	simm.s32 $_scs_section_size  }
0x9a: {  	s5 =	simm.s32 $_size__tile_overlayer_lowered;
	s6 =	simm.s32 $_tile_overlayer_lowered  }
0x9b: {  	s22 =	simm.s32 $0x1BFF;
	s21 =	sshll.u32 s6, $0x1;
	s3 =	sadd.s32 s4, s19  }
0x9c: {  	s7 =	simm.s32 $0x0;
	s20 =	sshll.u32 s5, $0x1;
	s5 =	sadd.s32 s21, s3  }
0x9d: {  	[timem:s7], [sflag:s22] =	dma.local [hbm:s5], s20  }
0x9e: {  	_ =	swait.ge [sflag:s22], s20  }
0x9f: {  	s4 =	ssub.s32 $0x0, s20;
	[sflag:s22] =	ssyncset.done $0x0  }
0xa0: {  	[sflag:s22] =	ssyncadd.s32 s4;
	_ =	sdelay $0x1  }
0xa1: {  	s23 =	simm.s32 $0x1B8B  }
0xa2: {  	_ =	swait.ge [sflag:s23], $0x1  }
0xa3: {  	[sflag:s23] =	ssyncset.done $0x0  }
0xa4: {  	s25 =	simm.s32 $0x1B8E;
	s24 =	sld [smem:$0x3FFE];
	[sflag:s23] =	ssyncadd.s32 $0xFFFFFFFF  }
0xa5: {  	s26 =	simm.s32 $execute0_lowered;
	[smem:$0x3FD2] =	sst s25  }
0xa6: {  	s5 =	sshll.u32 s26, $0x1;
	_ =	strace $0x80000046;
	[dreg:$0x1] =	wrdreg $0xFFFFFFFF  }
0xa7: {  	s28 =	simm.s32 $_size_execute0_lowered;
	s3 =	sadd.s32 s3, s5;
	[dreg:$0x0] =	wrdreg $0x0  }
0xa8: {  	s5 =	sshll.u32 s28, $0x1;
	[dreg:$0x2] =	wrdreg s3  }
0xa9: {  	[dreg:$0x3] =	wrdreg s5  }
0xaa: {  	[dreg:$0x4] =	wrdreg $0xC0  }
0xab: {  	_ =	task [dreg:s7], $0x5FFFF  }
0xac: {  	[dreg:$0x1] =	wrdreg $0xFFFFFFFF  }
0xad: {  	[dreg:$0x0] =	wrdreg $0x60  }
0xae: {  	[dreg:$0x2] =	wrdreg s2  }
0xaf: {  	[dreg:$0x3] =	wrdreg s24  }
0xb0: {  	[dreg:$0x4] =	wrdreg $0x9  }
0xb1: {  	_ =	task.clear_ibuf [dreg:s7], $0x5FFFF;
	_ =	strace $0x90000046  }
0xb2: {  	s29 =	simm.s32 $0x9;
	_ =	strace $0x80000048  }
0xb3: {  	_ =	swait.ge [sflag:s29], $0x1  }
0xb4: {  	[sflag:s29] =	ssyncadd.s32 $0xFFFFFFFF  }
0xb5: {  	_ =	strace $0x90000048  }
0xb6: {  	_ =	sfence  }
0xb7: {  	s30 =	sld [smem:$0x0];
	_ =	sdelay $0x2  }
0xb8: {  	s31 =	sshll.u32 s1, $0xD;
	s1 =	sshrl.u32 s1, $0x2  }
0xb9: {  	s3 =	sand.u32 $0x4000, s31;
	s1 =	sadd.s32 s1, s30  }
0xba: {  	s0 =	sor.u32 s3, s0;
	s1 =	sshll.u32 s1, $0x11  }
0xbb: {  	s0 =	sor.u32 s1, s0  }
0xbc: {  	s0 =	sadd.s32 $0x8F2B, s0  }
0xbd: {  	[sflag:s0] =	ssyncadd.remote.s32 $0x1  }
0xbe: {  	_ =	sfence.sel $0xFFFF  }
0xbf: {  	[dreg:$0x0] =	wrdreg $0xFFFFFFFF;
	(pc) =	sbr.abs _section_cstart, $3  }
0xc0: {  	[dreg:$0x1] =	wrdreg $0xFFFFFFFF  }
0xc1: {  	_ =	task.clear_ibuf [dreg:s7], $0x2FFFF;
	_ =	strace $0x9FFFFFFF  }
0xc2: {  	(tm) =	ssettm $0x7FFFFFFF  }
0xc3: {  	_ =	shalt  }
tec
execute0_lowered:
.L_overlay_start_1:
0x0: {  	(tag) =	ssettag $0x1  }
0x1: {  	s11 =	rddreg [dreg:$0x0]  }
0x2: {  	s14 =	rddreg [dreg:$0x1];
	s3 =	simm.s32 $0x0  }
0x3: {  	s15 =	simm.s32 $0x80;
	[smem:$0x7FF] =	sst s3  }
0x4: {  	s16 =	simm.s32 $0x100;
	_ =	strace $0x80000047;
	[dreg:$0x6] =	wrdreg s15  }
0x5: {  	s17 =	simm.s32 $0x110;
	[dreg:$0x7] =	wrdreg s16  }
0x6: {  	s18 =	simm.s32 $0x120;
	[dreg:$0x8] =	wrdreg s17  }
0x7: {  	s19 =	simm.s32 $0x130;
	[dreg:$0x9] =	wrdreg s18  }
0x8: {  	s20 =	simm.s32 $0x140;
	[dreg:$0xa] =	wrdreg s19  }
0x9: {  	s21 =	simm.s32 $0x150;
	[dreg:$0xb] =	wrdreg s20  }
0xa: {  	s22 =	simm.s32 $0x160;
	[dreg:$0xc] =	wrdreg s21  }
0xb: {  	s23 =	simm.s32 $0x170;
	[dreg:$0xd] =	wrdreg s22  }
0xc: {  	s24 =	simm.s32 $0x180;
	[dreg:$0xe] =	wrdreg s23  }
0xd: {  	s25 =	simm.s32 $0x190;
	[dreg:$0xf] =	wrdreg s24  }
0xe: {  	s26 =	simm.s32 $0x1A0;
	[dreg:$0x10] =	wrdreg s25  }
0xf: {  	s28 =	simm.s32 $0x1B0;
	[dreg:$0x11] =	wrdreg s26  }
0x10: {  	s29 =	simm.s32 $0x1C0;
	[dreg:$0x12] =	wrdreg s28  }
0x11: {  	s30 =	simm.s32 $0x1D0;
	[dreg:$0x13] =	wrdreg s29  }
0x12: {  	s31 =	simm.s32 $0x1E0;
	[dreg:$0x14] =	wrdreg s30  }
0x13: {  	s7 =	simm.s32 $0x220;
	[dreg:$0x15] =	wrdreg s31  }
0x14: {  	s0 =	srdreg.scid;
	s8 =	simm.s32 $0x230;
	[dreg:$0x19] =	wrdreg s7  }
0x15: {  	s2 =	stileid.u32;
	s9 =	simm.s32 $0x240;
	[dreg:$0x1a] =	wrdreg s8  }
0x16: {  	s10 =	simm.s32 $0x250;
	s12 =	simm.s32 $0x260;
	[dreg:$0x1b] =	wrdreg s9  }
0x17: {  	s1 =	sand.u32 $0x1, s0;
	s13 =	sshll.u32 s2, $0x1;
	[dreg:$0x1c] =	wrdreg s10  }
0x18: {  	s0 =	sor.u32 s1, s13;
	[dreg:$0x1d] =	wrdreg s12;
	s13 =	simm.s32 $0x270  }
0x19: {  	s15 =	simm.s32 $0x290;
	[dreg:$0x1e] =	wrdreg s13  }
0x1a: {  	s16 =	simm.s32 $0x2A0;
	[smem:$0x7D6] =	sst s15  }
0x1b: {  	s17 =	simm.s32 $0x2B0;
	[smem:$0x7D7] =	sst s16  }
0x1c: {  	s18 =	simm.s32 $0x2C0;
	[smem:$0x7D8] =	sst s17  }
0x1d: {  	s19 =	simm.s32 $0x2D0;
	[smem:$0x7D9] =	sst s18  }
0x1e: {  	s20 =	simm.s32 $0x2E0;
	[smem:$0x7DA] =	sst s19  }
0x1f: {  	s21 =	simm.s32 $0x2F0;
	[smem:$0x7DB] =	sst s20  }
0x20: {  	s22 =	simm.s32 $0x300;
	[smem:$0x7DC] =	sst s21  }
0x21: {  	s23 =	simm.s32 $0x310;
	[smem:$0x7DD] =	sst s22  }
0x22: {  	s24 =	simm.s32 $0x320;
	[smem:$0x7DE] =	sst s23  }
0x23: {  	s25 =	simm.s32 $0x330;
	[smem:$0x7DF] =	sst s24  }
0x24: {  	s26 =	simm.s32 $0x340;
	[smem:$0x7E0] =	sst s25  }
0x25: {  	s28 =	simm.s32 $0x350;
	[smem:$0x7E1] =	sst s26  }
0x26: {  	s29 =	simm.s32 $0x360;
	[smem:$0x7E2] =	sst s28  }
0x27: {  	s30 =	simm.s32 $0x370;
	[smem:$0x7E3] =	sst s29  }
0x28: {  	s31 =	simm.s32 $0x380;
	[smem:$0x7E4] =	sst s30  }
0x29: {  	s7 =	simm.s32 $0x3C0;
	[smem:$0x7E5] =	sst s31  }
0x2a: {  	s8 =	simm.s32 $0x3D0;
	[smem:$0x7E9] =	sst s7  }
0x2b: {  	s9 =	simm.s32 $0x3E0;
	[smem:$0x7EA] =	sst s8  }
0x2c: {  	s12 =	simm.s32 $0x3F0;
	[smem:$0x7EB] =	sst s9  }
0x2d: {  	[smem:$0x7EC] =	sst s12;
	s13 =	simm.s32 $0x400  }
0x2e: {  	s15 =	simm.s32 $0x420;
	[smem:$0x7ED] =	sst s13  }
0x2f: {  	s16 =	simm.s32 $0x430;
	[smem:$0x7EF] =	sst s15  }
0x30: {  	s17 =	simm.s32 $0x440;
	[smem:$0x7F0] =	sst s16  }
0x31: {  	s18 =	simm.s32 $0x450;
	[smem:$0x7F1] =	sst s17  }
0x32: {  	s19 =	simm.s32 $0x460;
	[smem:$0x7F2] =	sst s18  }
0x33: {  	s20 =	simm.s32 $0x470;
	[smem:$0x7F3] =	sst s19  }
0x34: {  	s21 =	simm.s32 $0x480;
	[smem:$0x7F4] =	sst s20  }
0x35: {  	s23 =	simm.s32 $0x490;
	[smem:$0x7F5] =	sst s21  }
0x36: {  	s24 =	simm.s32 $0x4A0;
	[smem:$0x7F6] =	sst s23  }
0x37: {  	s25 =	simm.s32 $0x4B0;
	[smem:$0x7F7] =	sst s24  }
0x38: {  	s26 =	simm.s32 $0x4C0;
	[smem:$0x7F8] =	sst s25  }
0x39: {  	s28 =	simm.s32 $0x4D0;
	[smem:$0x7F9] =	sst s26  }
0x3a: {  	s29 =	simm.s32 $0x4E0;
	[smem:$0x7FA] =	sst s28  }
0x3b: {  	s4 =	sshll.u32 s0, $0x3;
	s30 =	simm.s32 $0x4F0;
	[smem:$0x7FB] =	sst s29  }
0x3c: {  	s5 =	sshll.u32 s0, $0x4;
	s31 =	simm.s32 $0x500;
	[smem:$0x7FC] =	sst s30  }
0x3d: {  	s2 =	sadd.s32 s5, s14;
	s5 =	simm.s32 $0x200;
	[smem:$0x7FD] =	sst s31  }
0x3e: {  	s4 =	sadd.s32 s4, s14;
	s14 =	simm.s32 $0x280;
	[dreg:$0x17] =	wrdreg s5  }
0x3f: {  	s1 =	ssub.s32 $0x2, s1;
	s6 =	sadd.s32 $0x800, s4;
	[dreg:$0x1f] =	wrdreg s14  }
0x40: {  	s10 =	sshrl.u32 s1, $0x1;
	s4 =	sadd.s32 $0xA00, s4;
	[dreg:$0x3] =	wrdreg s6  }
0x41: {  	s22 =	sadd.s32 $0x10, s11;
	s2 =	sadd.s32 $0xC00, s2;
	[dreg:$0x4] =	wrdreg s4  }
0x42: {  	s7 =	sadd.s32 $0x30, s11;
	s5 =	simm.s32 $0x3A0;
	[dreg:$0x5] =	wrdreg s2  }
0x43: {  	s8 =	sadd.s32 $0x40, s11;
	s14 =	simm.s32 $0x410;
	[smem:$0x7E7] =	sst s5  }
0x44: {  	s9 =	sadd.s32 $0x50, s11;
	s4 =	simm.s32 $0x1F0;
	[smem:$0x7EE] =	sst s14  }
0x45: {  	s1 =	ssub.s32 s1, s10;
	s6 =	simm.s32 $0x210;
	[dreg:$0x16] =	wrdreg s4  }
0x46: {  	s10 =	sadd.s32 $0x60, s11;
	[dreg:$0x18] =	wrdreg s6;
	s4 =	simm.s32 $0x390  }
0x47: {  	s6 =	simm.s32 $0x3B0;
	[smem:$0x7E6] =	sst s4;
	s4 =	smul.u32 $0x1F4000, s0  }
0x48: {  	s21 =	simm.s32 $0x1;
	s1 =	smax.u32 s1, $0x1;
	[smem:$0x7E8] =	sst s6  }
0x49: {  	s6 =	sadd.s32 $0x20, s11;
	s11 =	sadd.s32 $0x70, s11;
	s12 =	sadd.s32 $0x3E800, s4  }
0x4a: {  	s13 =	sadd.s32 $0x7D000, s4;
	s14 =	sadd.s32 $0xBB800, s4;
	s16 =	sadd.s32 $0x138800, s4  }
0x4b: {  	v0 =	vlaneseq.u32;
	s15 =	sadd.s32 $0xFA000, s4;
	s17 =	sadd.s32 $0x177000, s4;
	s18 =	sadd.s32 $0x1B5800, s4  }
.LBB2_1:
0x4c: {  	[smem:$0x7D5] =	sst s1  }
0x4d: {  	s0 =	rddreg [dreg:$0x3];
	s2 =	simm.s32 $0x2  }
0x4e: {  	[tilespmem:s3], [sflag:$0x2] =	stream.linear.gather [hbm4b:s0+s3], $0x40, $0x38;
	[tilespmem:$0x580] =	vst v63  }
0x4f: {  	_ =	swait.ge [sflag:s2], $0x40  }
0x50: {  	s25 =	rddreg [dreg:$0x4];
	[sflag:s2] =	ssyncset.done $0x0  }
0x51: {  	s26 =	rddreg [dreg:$0x6];
	[sflag:s2] =	ssyncadd.s32 $0xFFFFFFC0  }
0x52: {  	[tilespmem:s26], [sflag:$0x2] =	stream.linear.gather [hbm4b:s25+s3], $0x40, $0x38;
	[tilespmem:$0x580] =	vst v63  }
0x53: {  	_ =	swait.ge [sflag:s2], $0x40  }
0x54: {  	[sflag:s2] =	ssyncset.done $0x0  }
0x55: {  	[sflag:s2] =	ssyncadd.s32 $0xFFFFFFC0  }
0x56: {  	v4 =	vld [tilespmem:$0x0];
	_ =	sdelay $0x4  }
0x57: {  	(v2sf) =	vpush v4, $0x0;
	_ =	sdelay $0x5  }
0x58: {  	(v2sf) =	vpush v4, $0x1;
	_ =	sdelay $0x8  }
0x59: {  	s28 =	spop (v2sf);
	(v2sf) =	vpush v4, $0x2;
	_ =	sdelay $0x5  }
0x5a: {  	s31 =	spop (v2sf);
	(v2sf) =	vpush v4, $0x3;
	_ =	sdelay $0x5  }
0x5b: {  	s29 =	sshll.u32 s28, $0x3  }
0x5c: {  	s0 =	sand.u32 $0xFFFFFC00, s29  }
0x5d: {  	s1 =	sand.u32 $0x70, s28;
	s0 =	sadd.s32 s4, s0  }
0x5e: {  	s0 =	sor.u32 s1, s0;
	s20 =	spop (v2sf);
	(v2sf) =	vpush v4, $0x4  }
0x5f: {  	v3 =	vld [tilespmem:$0x10];
	s19 =	rddreg [dreg:$0x0];
	s0 =	sshrl.u32 s0, $0x3  }
0x60: {  	s30 =	rddreg [dreg:$0x7];
	v2 =	vld [tilespmem:$0x20];
	s2 =	sshll.u32 s31, $0x3;
	s0 =	sadd.s32 s19, s0  }
0x61: {  	v1 =	vld [tilespmem:$0x30];
	[tilespmem:s30], [sflag:$0x1] =	stream.linear.gather [hbm4b:s0+s3], $0x10, $0x38  }
0x62: {  	s0 =	sand.u32 $0xFFFFFC00, s2  }
0x63: {  	s1 =	sand.u32 $0x70, s31;
	s0 =	sadd.s32 s4, s0  }
0x64: {  	s0 =	sor.u32 s1, s0;
	s25 =	spop (v2sf);
	(v2sf) =	vpush v4, $0x5  }
0x65: {  	s0 =	sshrl.u32 s0, $0x3  }
0x66: {  	s5 =	rddreg [dreg:$0x8];
	s0 =	sadd.s32 s0, s22  }
0x67: {  	[tilespmem:s5], [sflag:$0x1] =	stream.linear.gather [hbm4b:s0+s3], $0x10, $0x38;
	[tilespmem:$0x580] =	vst v63  }
0x68: {  	s23 =	sshll.u32 s20, $0x3  }
0x69: {  	s0 =	sand.u32 $0xFFFFFC00, s23  }
0x6a: {  	s1 =	sand.u32 $0x70, s20;
	s0 =	sadd.s32 s4, s0  }
0x6b: {  	s0 =	sor.u32 s1, s0  }
0x6c: {  	s24 =	rddreg [dreg:$0x9];
	s0 =	sshrl.u32 s0, $0x3  }
0x6d: {  	s26 =	sshll.u32 s25, $0x3;
	s0 =	sadd.s32 s0, s6;
	s29 =	spop (v2sf);
	(v2sf) =	vpush v4, $0x6  }
0x6e: {  	[tilespmem:s24], [sflag:$0x1] =	stream.linear.gather [hbm4b:s0+s3], $0x10, $0x38;
	[tilespmem:$0x580] =	vst v63  }
0x6f: {  	s0 =	sand.u32 $0xFFFFFC00, s26  }
0x70: {  	s1 =	sand.u32 $0x70, s25;
	s0 =	sadd.s32 s4, s0  }
0x71: {  	s0 =	sor.u32 s1, s0  }
0x72: {  	[smem:$0x7A1] =	sst s28;
	s0 =	sshrl.u32 s0, $0x3  }
0x73: {  	s28 =	rddreg [dreg:$0xa];
	s0 =	sadd.s32 s0, s7;
	s2 =	spop (v2sf);
	(v2sf) =	vpush v4, $0x7  }
0x74: {  	[tilespmem:s28], [sflag:$0x1] =	stream.linear.gather [hbm4b:s0+s3], $0x10, $0x38;
	[tilespmem:$0x580] =	vst v63  }
0x75: {  	s30 =	sshll.u32 s29, $0x3  }
0x76: {  	s0 =	sand.u32 $0xFFFFFC00, s30  }
0x77: {  	s1 =	sand.u32 $0x70, s29;
	s0 =	sadd.s32 s4, s0  }
0x78: {  	s0 =	sor.u32 s1, s0  }
0x79: {  	[smem:$0x7A2] =	sst s31;
	s0 =	sshrl.u32 s0, $0x3  }
0x7a: {  	s31 =	rddreg [dreg:$0xb];
	s5 =	sshll.u32 s2, $0x3;
	s0 =	sadd.s32 s0, s8  }
0x7b: {  	[tilespmem:s31], [sflag:$0x1] =	stream.linear.gather [hbm4b:s0+s3], $0x10, $0x38;
	[tilespmem:$0x580] =	vst v63  }
0x7c: {  	s0 =	sand.u32 $0xFFFFFC00, s5;
	s23 =	spop (v2sf);
	(v2sf) =	vpush v4, $0x8  }
0x7d: {  	s1 =	sand.u32 $0x70, s2;
	s0 =	sadd.s32 s4, s0  }
0x7e: {  	s0 =	sor.u32 s1, s0  }
0x7f: {  	[smem:$0x7A3] =	sst s20;
	s0 =	sshrl.u32 s0, $0x3  }
0x80: {  	s20 =	rddreg [dreg:$0xc];
	s0 =	sadd.s32 s0, s9  }
0x81: {  	[tilespmem:s20], [sflag:$0x1] =	stream.linear.gather [hbm4b:s0+s3], $0x10, $0x38;
	[tilespmem:$0x580] =	vst v63  }
0x82: {  	s24 =	sshll.u32 s23, $0x3;
	s26 =	spop (v2sf);
	(v2sf) =	vpush v4, $0x9  }
0x83: {  	s0 =	sand.u32 $0xFFFFFC00, s24  }
0x84: {  	s1 =	sand.u32 $0x70, s23;
	s0 =	sadd.s32 s4, s0  }
0x85: {  	s0 =	sor.u32 s1, s0  }
0x86: {  	[smem:$0x7A4] =	sst s25;
	s0 =	sshrl.u32 s0, $0x3  }
0x87: {  	s25 =	rddreg [dreg:$0xd];
	s28 =	sshll.u32 s26, $0x3;
	s0 =	sadd.s32 s0, s10  }
0x88: {  	[tilespmem:s25], [sflag:$0x1] =	stream.linear.gather [hbm4b:s0+s3], $0x10, $0x38;
	[tilespmem:$0x580] =	vst v63  }
0x89: {  	s0 =	sand.u32 $0xFFFFFC00, s28  }
0x8a: {  	s1 =	sand.u32 $0x70, s26;
	s0 =	sadd.s32 s4, s0  }
0x8b: {  	s0 =	sor.u32 s1, s0;
	s30 =	spop (v2sf);
	(v2sf) =	vpush v4, $0xA  }
0x8c: {  	[smem:$0x7A5] =	sst s29;
	s0 =	sshrl.u32 s0, $0x3  }
0x8d: {  	s29 =	rddreg [dreg:$0xe];
	s0 =	sadd.s32 s0, s11  }
0x8e: {  	[tilespmem:s29], [sflag:$0x1] =	stream.linear.gather [hbm4b:s0+s3], $0x10, $0x38;
	[tilespmem:$0x580] =	vst v63  }
0x8f: {  	s31 =	sshll.u32 s30, $0x3  }
0x90: {  	s0 =	sand.u32 $0xFFFFFC00, s31  }
0x91: {  	s1 =	sand.u32 $0x70, s30;
	s5 =	spop (v2sf);
	(v2sf) =	vpush v4, $0xB;
	s0 =	sadd.s32 s12, s0  }
0x92: {  	s0 =	sor.u32 s1, s0  }
0x93: {  	[smem:$0x7A6] =	sst s2;
	s0 =	sshrl.u32 s0, $0x3  }
0x94: {  	s2 =	rddreg [dreg:$0xf];
	s20 =	sshll.u32 s5, $0x3;
	s0 =	sadd.s32 s19, s0  }
0x95: {  	[tilespmem:s2], [sflag:$0x1] =	stream.linear.gather [hbm4b:s0+s3], $0x10, $0x38;
	[tilespmem:$0x580] =	vst v63  }
0x96: {  	s0 =	sand.u32 $0xFFFFFC00, s20  }
0x97: {  	s1 =	sand.u32 $0x70, s5;
	s0 =	sadd.s32 s12, s0  }
0x98: {  	s0 =	sor.u32 s1, s0  }
0x99: {  	[smem:$0x7A7] =	sst s23;
	s0 =	sshrl.u32 s0, $0x3  }
0x9a: {  	s23 =	rddreg [dreg:$0x10];
	s0 =	sadd.s32 s0, s22;
	s24 =	spop (v2sf);
	(v2sf) =	vpush v4, $0xC  }
0x9b: {  	[tilespmem:s23], [sflag:$0x1] =	stream.linear.gather [hbm4b:s0+s3], $0x10, $0x38;
	[tilespmem:$0x580] =	vst v63  }
0x9c: {  	s25 =	sshll.u32 s24, $0x3  }
0x9d: {  	s0 =	sand.u32 $0xFFFFFC00, s25  }
0x9e: {  	s1 =	sand.u32 $0x70, s24;
	s0 =	sadd.s32 s12, s0  }
0x9f: {  	s0 =	sor.u32 s1, s0  }
0xa0: {  	[smem:$0x7A8] =	sst s26;
	s28 =	spop (v2sf);
	s0 =	sshrl.u32 s0, $0x3  }
0xa1: {  	s26 =	rddreg [dreg:$0x11];
	s29 =	sshll.u32 s28, $0x3;
	s0 =	sadd.s32 s0, s6  }
0xa2: {  	(v2sf) =	vpush v4, $0xD;
	[tilespmem:s26], [sflag:$0x1] =	stream.linear.gather [hbm4b:s0+s3], $0x10, $0x38;
	[tilespmem:$0x580] =	vst v63  }
0xa3: {  	s0 =	sand.u32 $0xFFFFFC00, s29  }
0xa4: {  	[smem:$0x7A9] =	sst s30;
	s1 =	sand.u32 $0x70, s28;
	s0 =	sadd.s32 s12, s0  }
0xa5: {  	s30 =	rddreg [dreg:$0x12];
	s0 =	sor.u32 s1, s0  }
0xa6: {  	[smem:$0x7AA] =	sst s5;
	s0 =	sshrl.u32 s0, $0x3  }
0xa7: {  	[smem:$0x7AB] =	sst s24;
	s0 =	sadd.s32 s0, s7  }
0xa8: {  	[tilespmem:s30], [sflag:$0x1] =	stream.linear.gather [hbm4b:s0+s3], $0x10, $0x38;
	[tilespmem:$0x580] =	vst v63  }
0xa9: {  	[smem:$0x7AC] =	sst s28;
	s31 =	spop (v2sf)  }
0xaa: {  	[smem:$0x7AD] =	sst s31  }
0xab: {  	(v2sf) =	vpush v4, $0xE;
	_ =	sdelay $0x5  }
0xac: {  	s20 =	spop (v2sf);
	(v2sf) =	vpush v4, $0xF;
	_ =	sdelay $0x8  }
0xad: {  	s25 =	spop (v2sf);
	(v2sf) =	vpush v3, $0x0;
	_ =	sdelay $0x5  }
0xae: {  	s29 =	spop (v2sf);
	(v2sf) =	vpush v3, $0x1;
	_ =	sdelay $0x7  }
0xaf: {  	s2 =	sshll.u32 s31, $0x3  }
0xb0: {  	s0 =	sand.u32 $0xFFFFFC00, s2;
	s2 =	spop (v2sf);
	(v2sf) =	vpush v3, $0x2  }
0xb1: {  	s1 =	sand.u32 $0x70, s31;
	s0 =	sadd.s32 s12, s0  }
0xb2: {  	s0 =	sor.u32 s1, s0  }
0xb3: {  	s0 =	sshrl.u32 s0, $0x3  }
0xb4: {  	s5 =	rddreg [dreg:$0x13];
	s23 =	sshll.u32 s20, $0x3;
	s0 =	sadd.s32 s0, s8  }
0xb5: {  	[tilespmem:s5], [sflag:$0x1] =	stream.linear.gather [hbm4b:s0+s3], $0x10, $0x38;
	[tilespmem:$0x580] =	vst v63  }
0xb6: {  	s0 =	sand.u32 $0xFFFFFC00, s23;
	s23 =	spop (v2sf);
	(v2sf) =	vpush v3, $0x3;
	_ =	sdelay $0x2  }
0xb7: {  	s1 =	sand.u32 $0x70, s20;
	s0 =	sadd.s32 s12, s0  }
0xb8: {  	s0 =	sor.u32 s1, s0  }
0xb9: {  	s0 =	sshrl.u32 s0, $0x3  }
0xba: {  	s24 =	rddreg [dreg:$0x14];
	s0 =	sadd.s32 s0, s9  }
0xbb: {  	[tilespmem:s24], [sflag:$0x1] =	stream.linear.gather [hbm4b:s0+s3], $0x10, $0x38;
	[tilespmem:$0x580] =	vst v63  }
0xbc: {  	s26 =	sshll.u32 s25, $0x3  }
0xbd: {  	s0 =	sand.u32 $0xFFFFFC00, s26;
	s26 =	spop (v2sf);
	(v2sf) =	vpush v3, $0x4  }
0xbe: {  	s1 =	sand.u32 $0x70, s25;
	s0 =	sadd.s32 s12, s0  }
0xbf: {  	s0 =	sor.u32 s1, s0  }
0xc0: {  	s0 =	sshrl.u32 s0, $0x3  }
0xc1: {  	s28 =	rddreg [dreg:$0x15];
	s30 =	sshll.u32 s29, $0x3;
	s0 =	sadd.s32 s0, s10  }
0xc2: {  	[tilespmem:s28], [sflag:$0x1] =	stream.linear.gather [hbm4b:s0+s3], $0x10, $0x38;
	[tilespmem:$0x580] =	vst v63  }
0xc3: {  	s0 =	sand.u32 $0xFFFFFC00, s30;
	s30 =	spop (v2sf);
	(v2sf) =	vpush v3, $0x5;
	_ =	sdelay $0x2  }
0xc4: {  	s1 =	sand.u32 $0x70, s29;
	s0 =	sadd.s32 s12, s0  }
0xc5: {  	s0 =	sor.u32 s1, s0  }
0xc6: {  	s0 =	sshrl.u32 s0, $0x3  }
0xc7: {  	s31 =	rddreg [dreg:$0x16];
	s0 =	sadd.s32 s0, s11  }
0xc8: {  	[tilespmem:s31], [sflag:$0x1] =	stream.linear.gather [hbm4b:s0+s3], $0x10, $0x38;
	[tilespmem:$0x580] =	vst v63  }
0xc9: {  	s5 =	sshll.u32 s2, $0x3  }
0xca: {  	s0 =	sand.u32 $0xFFFFFC00, s5;
	s5 =	spop (v2sf);
	(v2sf) =	vpush v3, $0x6  }
0xcb: {  	s1 =	sand.u32 $0x70, s2;
	s0 =	sadd.s32 s13, s0  }
0xcc: {  	s0 =	sor.u32 s1, s0  }
0xcd: {  	[smem:$0x7AE] =	sst s20;
	s0 =	sshrl.u32 s0, $0x3  }
0xce: {  	s20 =	rddreg [dreg:$0x17];
	s24 =	sshll.u32 s23, $0x3;
	s0 =	sadd.s32 s19, s0  }
0xcf: {  	[tilespmem:s20], [sflag:$0x1] =	stream.linear.gather [hbm4b:s0+s3], $0x10, $0x38;
	[tilespmem:$0x580] =	vst v63  }
0xd0: {  	s0 =	sand.u32 $0xFFFFFC00, s24;
	s24 =	spop (v2sf);
	(v2sf) =	vpush v3, $0x7;
	_ =	sdelay $0x2  }
0xd1: {  	s1 =	sand.u32 $0x70, s23;
	s0 =	sadd.s32 s13, s0  }
0xd2: {  	s0 =	sor.u32 s1, s0  }
0xd3: {  	[smem:$0x7AF] =	sst s25;
	s0 =	sshrl.u32 s0, $0x3  }
0xd4: {  	s25 =	rddreg [dreg:$0x18];
	s0 =	sadd.s32 s0, s22  }
0xd5: {  	[tilespmem:s25], [sflag:$0x1] =	stream.linear.gather [hbm4b:s0+s3], $0x10, $0x38;
	[tilespmem:$0x580] =	vst v63  }
0xd6: {  	s28 =	sshll.u32 s26, $0x3  }
0xd7: {  	s0 =	sand.u32 $0xFFFFFC00, s28;
	s28 =	spop (v2sf);
	(v2sf) =	vpush v3, $0x8  }
0xd8: {  	s1 =	sand.u32 $0x70, s26;
	s0 =	sadd.s32 s13, s0  }
0xd9: {  	s0 =	sor.u32 s1, s0  }
0xda: {  	[smem:$0x7B0] =	sst s29;
	s0 =	sshrl.u32 s0, $0x3  }
0xdb: {  	s29 =	rddreg [dreg:$0x19];
	s31 =	sshll.u32 s30, $0x3;
	s0 =	sadd.s32 s0, s6  }
0xdc: {  	[tilespmem:s29], [sflag:$0x1] =	stream.linear.gather [hbm4b:s0+s3], $0x10, $0x38;
	[tilespmem:$0x580] =	vst v63  }
0xdd: {  	s0 =	sand.u32 $0xFFFFFC00, s31;
	s31 =	spop (v2sf);
	(v2sf) =	vpush v3, $0x9;
	_ =	sdelay $0x2  }
0xde: {  	s1 =	sand.u32 $0x70, s30;
	s0 =	sadd.s32 s13, s0  }
0xdf: {  	s0 =	sor.u32 s1, s0  }
0xe0: {  	[smem:$0x7B1] =	sst s2;
	s0 =	sshrl.u32 s0, $0x3  }
0xe1: {  	s2 =	rddreg [dreg:$0x1a];
	s0 =	sadd.s32 s0, s7  }
0xe2: {  	[tilespmem:s2], [sflag:$0x1] =	stream.linear.gather [hbm4b:s0+s3], $0x10, $0x38;
	[tilespmem:$0x580] =	vst v63  }
0xe3: {  	s20 =	sshll.u32 s5, $0x3  }
0xe4: {  	s0 =	sand.u32 $0xFFFFFC00, s20;
	s20 =	spop (v2sf);
	(v2sf) =	vpush v3, $0xA  }
0xe5: {  	s1 =	sand.u32 $0x70, s5;
	s0 =	sadd.s32 s13, s0  }
0xe6: {  	s0 =	sor.u32 s1, s0  }
0xe7: {  	[smem:$0x7B2] =	sst s23;
	s0 =	sshrl.u32 s0, $0x3  }
0xe8: {  	s23 =	rddreg [dreg:$0x1b];
	s25 =	sshll.u32 s24, $0x3;
	s0 =	sadd.s32 s0, s8  }
0xe9: {  	[tilespmem:s23], [sflag:$0x1] =	stream.linear.gather [hbm4b:s0+s3], $0x10, $0x38;
	[tilespmem:$0x580] =	vst v63  }
0xea: {  	s0 =	sand.u32 $0xFFFFFC00, s25;
	s25 =	spop (v2sf);
	(v2sf) =	vpush v3, $0xB;
	_ =	sdelay $0x2  }
0xeb: {  	s1 =	sand.u32 $0x70, s24;
	s0 =	sadd.s32 s13, s0  }
0xec: {  	s0 =	sor.u32 s1, s0  }
0xed: {  	[smem:$0x7B3] =	sst s26;
	s0 =	sshrl.u32 s0, $0x3  }
0xee: {  	s26 =	rddreg [dreg:$0x1c];
	s0 =	sadd.s32 s0, s9  }
0xef: {  	[tilespmem:s26], [sflag:$0x1] =	stream.linear.gather [hbm4b:s0+s3], $0x10, $0x38;
	[tilespmem:$0x580] =	vst v63  }
0xf0: {  	s29 =	sshll.u32 s28, $0x3  }
0xf1: {  	s0 =	sand.u32 $0xFFFFFC00, s29;
	s29 =	spop (v2sf);
	(v2sf) =	vpush v3, $0xC  }
0xf2: {  	s1 =	sand.u32 $0x70, s28;
	s0 =	sadd.s32 s13, s0  }
0xf3: {  	s0 =	sor.u32 s1, s0  }
0xf4: {  	[smem:$0x7B4] =	sst s30;
	s0 =	sshrl.u32 s0, $0x3  }
0xf5: {  	s30 =	rddreg [dreg:$0x1d];
	s2 =	sshll.u32 s31, $0x3;
	s0 =	sadd.s32 s0, s10  }
0xf6: {  	[tilespmem:s30], [sflag:$0x1] =	stream.linear.gather [hbm4b:s0+s3], $0x10, $0x38;
	[tilespmem:$0x580] =	vst v63  }
0xf7: {  	s0 =	sand.u32 $0xFFFFFC00, s2;
	s2 =	spop (v2sf);
	(v2sf) =	vpush v3, $0xD;
	_ =	sdelay $0x2  }
0xf8: {  	s1 =	sand.u32 $0x70, s31;
	s0 =	sadd.s32 s13, s0  }
0xf9: {  	s0 =	sor.u32 s1, s0  }
0xfa: {  	[smem:$0x7B5] =	sst s5;
	s0 =	sshrl.u32 s0, $0x3  }
0xfb: {  	s5 =	rddreg [dreg:$0x1e];
	s0 =	sadd.s32 s0, s11  }
0xfc: {  	[tilespmem:s5], [sflag:$0x1] =	stream.linear.gather [hbm4b:s0+s3], $0x10, $0x38;
	[tilespmem:$0x580] =	vst v63  }
0xfd: {  	s23 =	sshll.u32 s20, $0x3  }
0xfe: {  	s0 =	sand.u32 $0xFFFFFC00, s23;
	s23 =	spop (v2sf);
	(v2sf) =	vpush v3, $0xE  }
0xff: {  	s1 =	sand.u32 $0x70, s20;
	s0 =	sadd.s32 s14, s0  }
0x100: {  	s0 =	sor.u32 s1, s0  }
0x101: {  	[smem:$0x7B6] =	sst s24;
	s0 =	sshrl.u32 s0, $0x3  }
0x102: {  	s24 =	rddreg [dreg:$0x1f];
	s26 =	sshll.u32 s25, $0x3;
	s0 =	sadd.s32 s19, s0  }
0x103: {  	[tilespmem:s24], [sflag:$0x1] =	stream.linear.gather [hbm4b:s0+s3], $0x10, $0x38;
	[tilespmem:$0x580] =	vst v63  }
0x104: {  	s0 =	sand.u32 $0xFFFFFC00, s26;
	s26 =	spop (v2sf);
	(v2sf) =	vpush v3, $0xF  }
0x105: {  	[smem:$0x7B7] =	sst s28;
	s1 =	sand.u32 $0x70, s25;
	s0 =	sadd.s32 s14, s0  }
0x106: {  	s28 =	sld [smem:$0x7D6];
	s0 =	sor.u32 s1, s0  }
0x107: {  	s0 =	sshrl.u32 s0, $0x3  }
0x108: {  	s0 =	sadd.s32 s0, s22  }
0x109: {  	[tilespmem:s28], [sflag:$0x1] =	stream.linear.gather [hbm4b:s0+s3], $0x10, $0x38;
	[tilespmem:$0x580] =	vst v63  }
0x10a: {  	s30 =	sshll.u32 s29, $0x3  }
0x10b: {  	s0 =	sand.u32 $0xFFFFFC00, s30  }
0x10c: {  	[smem:$0x7B8] =	sst s31;
	s1 =	sand.u32 $0x70, s29;
	s0 =	sadd.s32 s14, s0  }
0x10d: {  	s31 =	sld [smem:$0x7D7];
	s0 =	sor.u32 s1, s0;
	s30 =	spop (v2sf);
	(v2sf) =	vpush v2, $0x0  }
0x10e: {  	s0 =	sshrl.u32 s0, $0x3  }
0x10f: {  	s5 =	sshll.u32 s2, $0x3;
	s0 =	sadd.s32 s0, s6  }
0x110: {  	[tilespmem:s31], [sflag:$0x1] =	stream.linear.gather [hbm4b:s0+s3], $0x10, $0x38;
	[tilespmem:$0x580] =	vst v63  }
0x111: {  	s0 =	sand.u32 $0xFFFFFC00, s5  }
0x112: {  	[smem:$0x7B9] =	sst s20;
	s1 =	sand.u32 $0x70, s2;
	s0 =	sadd.s32 s14, s0  }
0x113: {  	s20 =	sld [smem:$0x7D8];
	s0 =	sor.u32 s1, s0;
	s5 =	spop (v2sf);
	(v2sf) =	vpush v2, $0x1  }
0x114: {  	s0 =	sshrl.u32 s0, $0x3  }
0x115: {  	s0 =	sadd.s32 s0, s7  }
0x116: {  	[tilespmem:s20], [sflag:$0x1] =	stream.linear.gather [hbm4b:s0+s3], $0x10, $0x38;
	[tilespmem:$0x580] =	vst v63  }
0x117: {  	s24 =	sshll.u32 s23, $0x3  }
0x118: {  	s0 =	sand.u32 $0xFFFFFC00, s24  }
0x119: {  	[smem:$0x7BA] =	sst s25;
	s1 =	sand.u32 $0x70, s23;
	s0 =	sadd.s32 s14, s0  }
0x11a: {  	s25 =	sld [smem:$0x7D9];
	s0 =	sor.u32 s1, s0  }
0x11b: {  	s0 =	sshrl.u32 s0, $0x3  }
0x11c: {  	s28 =	sshll.u32 s26, $0x3;
	s0 =	sadd.s32 s0, s8;
	s24 =	spop (v2sf);
	(v2sf) =	vpush v2, $0x2  }
0x11d: {  	[tilespmem:s25], [sflag:$0x1] =	stream.linear.gather [hbm4b:s0+s3], $0x10, $0x38;
	[tilespmem:$0x580] =	vst v63  }
0x11e: {  	s0 =	sand.u32 $0xFFFFFC00, s28  }
0x11f: {  	[smem:$0x7BB] =	sst s29;
	s1 =	sand.u32 $0x70, s26;
	s0 =	sadd.s32 s14, s0  }
0x120: {  	s29 =	sld [smem:$0x7DA];
	s0 =	sor.u32 s1, s0  }
0x121: {  	s0 =	sshrl.u32 s0, $0x3  }
0x122: {  	s0 =	sadd.s32 s0, s9;
	s28 =	spop (v2sf);
	(v2sf) =	vpush v2, $0x3  }
0x123: {  	[tilespmem:s29], [sflag:$0x1] =	stream.linear.gather [hbm4b:s0+s3], $0x10, $0x38;
	[tilespmem:$0x580] =	vst v63  }
0x124: {  	s31 =	sshll.u32 s30, $0x3  }
0x125: {  	s0 =	sand.u32 $0xFFFFFC00, s31  }
0x126: {  	[smem:$0x7BC] =	sst s2;
	s1 =	sand.u32 $0x70, s30;
	s0 =	sadd.s32 s14, s0  }
0x127: {  	s2 =	sld [smem:$0x7DB];
	s0 =	sor.u32 s1, s0  }
0x128: {  	s0 =	sshrl.u32 s0, $0x3  }
0x129: {  	s20 =	sshll.u32 s5, $0x3;
	s0 =	sadd.s32 s0, s10  }
0x12a: {  	[tilespmem:s2], [sflag:$0x1] =	stream.linear.gather [hbm4b:s0+s3], $0x10, $0x38;
	[tilespmem:$0x580] =	vst v63  }
0x12b: {  	s0 =	sand.u32 $0xFFFFFC00, s20;
	s31 =	spop (v2sf);
	(v2sf) =	vpush v2, $0x4  }
0x12c: {  	[smem:$0x7BD] =	sst s23;
	s1 =	sand.u32 $0x70, s5;
	s0 =	sadd.s32 s14, s0  }
0x12d: {  	s23 =	sld [smem:$0x7DC];
	s0 =	sor.u32 s1, s0  }
0x12e: {  	s0 =	sshrl.u32 s0, $0x3  }
0x12f: {  	s0 =	sadd.s32 s0, s11  }
0x130: {  	[tilespmem:s23], [sflag:$0x1] =	stream.linear.gather [hbm4b:s0+s3], $0x10, $0x38;
	[tilespmem:$0x580] =	vst v63  }
0x131: {  	s25 =	sshll.u32 s24, $0x3;
	s20 =	spop (v2sf);
	(v2sf) =	vpush v2, $0x5  }
0x132: {  	s0 =	sand.u32 $0xFFFFFC00, s25  }
0x133: {  	[smem:$0x7BE] =	sst s26;
	s1 =	sand.u32 $0x70, s24;
	s0 =	sadd.s32 s15, s0  }
0x134: {  	s26 =	sld [smem:$0x7DD];
	s0 =	sor.u32 s1, s0  }
0x135: {  	s0 =	sshrl.u32 s0, $0x3  }
0x136: {  	s29 =	sshll.u32 s28, $0x3;
	s0 =	sadd.s32 s19, s0  }
0x137: {  	[tilespmem:s26], [sflag:$0x1] =	stream.linear.gather [hbm4b:s0+s3], $0x10, $0x38;
	[tilespmem:$0x580] =	vst v63  }
0x138: {  	s0 =	sand.u32 $0xFFFFFC00, s29  }
0x139: {  	[smem:$0x7BF] =	sst s30;
	s1 =	sand.u32 $0x70, s28;
	s0 =	sadd.s32 s15, s0  }
0x13a: {  	s30 =	sld [smem:$0x7DE];
	s0 =	sor.u32 s1, s0;
	s25 =	spop (v2sf);
	(v2sf) =	vpush v2, $0x6  }
0x13b: {  	s0 =	sshrl.u32 s0, $0x3  }
0x13c: {  	s0 =	sadd.s32 s0, s22  }
0x13d: {  	[tilespmem:s30], [sflag:$0x1] =	stream.linear.gather [hbm4b:s0+s3], $0x10, $0x38;
	[tilespmem:$0x580] =	vst v63  }
0x13e: {  	s2 =	sshll.u32 s31, $0x3  }
0x13f: {  	[smem:$0x7C0] =	sst s5;
	s0 =	sand.u32 $0xFFFFFC00, s2  }
0x140: {  	s1 =	sand.u32 $0x70, s31;
	s0 =	sadd.s32 s15, s0;
	s29 =	spop (v2sf);
	(v2sf) =	vpush v2, $0x7  }
0x141: {  	s5 =	sld [smem:$0x7DF];
	s0 =	sor.u32 s1, s0  }
0x142: {  	s0 =	sshrl.u32 s0, $0x3  }
0x143: {  	s23 =	sshll.u32 s20, $0x3;
	s0 =	sadd.s32 s0, s6  }
0x144: {  	[tilespmem:s5], [sflag:$0x1] =	stream.linear.gather [hbm4b:s0+s3], $0x10, $0x38;
	[tilespmem:$0x580] =	vst v63  }
0x145: {  	s0 =	sand.u32 $0xFFFFFC00, s23  }
0x146: {  	[smem:$0x7C1] =	sst s24;
	s1 =	sand.u32 $0x70, s20;
	s0 =	sadd.s32 s15, s0  }
0x147: {  	s24 =	sld [smem:$0x7E0];
	s0 =	sor.u32 s1, s0  }
0x148: {  	s0 =	sshrl.u32 s0, $0x3  }
0x149: {  	s0 =	sadd.s32 s0, s7;
	s2 =	spop (v2sf);
	(v2sf) =	vpush v2, $0x8  }
0x14a: {  	[tilespmem:s24], [sflag:$0x1] =	stream.linear.gather [hbm4b:s0+s3], $0x10, $0x38;
	[tilespmem:$0x580] =	vst v63  }
0x14b: {  	s26 =	sshll.u32 s25, $0x3  }
0x14c: {  	s0 =	sand.u32 $0xFFFFFC00, s26  }
0x14d: {  	[smem:$0x7C2] =	sst s28;
	s1 =	sand.u32 $0x70, s25;
	s0 =	sadd.s32 s15, s0  }
0x14e: {  	s28 =	sld [smem:$0x7E1];
	s0 =	sor.u32 s1, s0  }
0x14f: {  	s0 =	sshrl.u32 s0, $0x3;
	s23 =	spop (v2sf);
	(v2sf) =	vpush v2, $0x9  }
0x150: {  	s30 =	sshll.u32 s29, $0x3;
	s0 =	sadd.s32 s0, s8  }
0x151: {  	[tilespmem:s28], [sflag:$0x1] =	stream.linear.gather [hbm4b:s0+s3], $0x10, $0x38;
	[tilespmem:$0x580] =	vst v63  }
0x152: {  	s0 =	sand.u32 $0xFFFFFC00, s30  }
0x153: {  	[smem:$0x7C3] =	sst s31;
	s1 =	sand.u32 $0x70, s29;
	s0 =	sadd.s32 s15, s0  }
0x154: {  	s31 =	sld [smem:$0x7E2];
	s0 =	sor.u32 s1, s0  }
0x155: {  	s0 =	sshrl.u32 s0, $0x3  }
0x156: {  	s0 =	sadd.s32 s0, s9  }
0x157: {  	[tilespmem:s31], [sflag:$0x1] =	stream.linear.gather [hbm4b:s0+s3], $0x10, $0x38;
	[tilespmem:$0x580] =	vst v63  }
0x158: {  	s26 =	spop (v2sf);
	(v2sf) =	vpush v2, $0xA  }
0x159: {  	s5 =	sshll.u32 s2, $0x3  }
0x15a: {  	s0 =	sand.u32 $0xFFFFFC00, s5  }
0x15b: {  	[smem:$0x7C4] =	sst s20;
	s1 =	sand.u32 $0x70, s2;
	s0 =	sadd.s32 s15, s0  }
0x15c: {  	s20 =	sld [smem:$0x7E3];
	s0 =	sor.u32 s1, s0  }
0x15d: {  	s0 =	sshrl.u32 s0, $0x3  }
0x15e: {  	s24 =	sshll.u32 s23, $0x3;
	s0 =	sadd.s32 s0, s10;
	s30 =	spop (v2sf);
	(v2sf) =	vpush v2, $0xB  }
0x15f: {  	[tilespmem:s20], [sflag:$0x1] =	stream.linear.gather [hbm4b:s0+s3], $0x10, $0x38;
	[tilespmem:$0x580] =	vst v63  }
0x160: {  	s0 =	sand.u32 $0xFFFFFC00, s24  }
0x161: {  	[smem:$0x7C5] =	sst s25;
	s1 =	sand.u32 $0x70, s23;
	s0 =	sadd.s32 s15, s0  }
0x162: {  	s25 =	sld [smem:$0x7E4];
	s0 =	sor.u32 s1, s0  }
0x163: {  	s0 =	sshrl.u32 s0, $0x3  }
0x164: {  	s0 =	sadd.s32 s0, s11  }
0x165: {  	[tilespmem:s25], [sflag:$0x1] =	stream.linear.gather [hbm4b:s0+s3], $0x10, $0x38;
	[tilespmem:$0x580] =	vst v63  }
0x166: {  	s28 =	sshll.u32 s26, $0x3  }
0x167: {  	s0 =	sand.u32 $0xFFFFFC00, s28;
	s5 =	spop (v2sf);
	(v2sf) =	vpush v2, $0xC  }
0x168: {  	[smem:$0x7C6] =	sst s29;
	s1 =	sand.u32 $0x70, s26;
	s0 =	sadd.s32 s16, s0  }
0x169: {  	s29 =	sld [smem:$0x7E5];
	s0 =	sor.u32 s1, s0  }
0x16a: {  	s0 =	sshrl.u32 s0, $0x3  }
0x16b: {  	s31 =	sshll.u32 s30, $0x3;
	s0 =	sadd.s32 s19, s0  }
0x16c: {  	[tilespmem:s29], [sflag:$0x1] =	stream.linear.gather [hbm4b:s0+s3], $0x10, $0x38;
	[tilespmem:$0x580] =	vst v63  }
0x16d: {  	s0 =	sand.u32 $0xFFFFFC00, s31;
	s24 =	spop (v2sf);
	(v2sf) =	vpush v2, $0xD  }
0x16e: {  	[smem:$0x7C7] =	sst s2;
	s1 =	sand.u32 $0x70, s30;
	s0 =	sadd.s32 s16, s0  }
0x16f: {  	s2 =	sld [smem:$0x7E6];
	s0 =	sor.u32 s1, s0  }
0x170: {  	s0 =	sshrl.u32 s0, $0x3  }
0x171: {  	s0 =	sadd.s32 s0, s22  }
0x172: {  	[tilespmem:s2], [sflag:$0x1] =	stream.linear.gather [hbm4b:s0+s3], $0x10, $0x38;
	[tilespmem:$0x580] =	vst v63  }
0x173: {  	s20 =	sshll.u32 s5, $0x3  }
0x174: {  	s0 =	sand.u32 $0xFFFFFC00, s20  }
0x175: {  	[smem:$0x7C8] =	sst s23;
	s1 =	sand.u32 $0x70, s5;
	s0 =	sadd.s32 s16, s0  }
0x176: {  	s23 =	sld [smem:$0x7E7];
	s0 =	sor.u32 s1, s0;
	s28 =	spop (v2sf);
	(v2sf) =	vpush v2, $0xE  }
0x177: {  	s0 =	sshrl.u32 s0, $0x3  }
0x178: {  	s25 =	sshll.u32 s24, $0x3;
	s0 =	sadd.s32 s0, s6  }
0x179: {  	[tilespmem:s23], [sflag:$0x1] =	stream.linear.gather [hbm4b:s0+s3], $0x10, $0x38;
	[tilespmem:$0x580] =	vst v63  }
0x17a: {  	s0 =	sand.u32 $0xFFFFFC00, s25  }
0x17b: {  	[smem:$0x7C9] =	sst s26;
	s1 =	sand.u32 $0x70, s24;
	s0 =	sadd.s32 s16, s0  }
0x17c: {  	s26 =	sld [smem:$0x7E8];
	s0 =	sor.u32 s1, s0;
	s31 =	spop (v2sf);
	(v2sf) =	vpush v2, $0xF  }
0x17d: {  	s0 =	sshrl.u32 s0, $0x3  }
0x17e: {  	s0 =	sadd.s32 s0, s7  }
0x17f: {  	[tilespmem:s26], [sflag:$0x1] =	stream.linear.gather [hbm4b:s0+s3], $0x10, $0x38;
	[tilespmem:$0x580] =	vst v63  }
0x180: {  	s29 =	sshll.u32 s28, $0x3  }
0x181: {  	s0 =	sand.u32 $0xFFFFFC00, s29  }
0x182: {  	[smem:$0x7CA] =	sst s30;
	s1 =	sand.u32 $0x70, s28;
	s0 =	sadd.s32 s16, s0  }
0x183: {  	s30 =	sld [smem:$0x7E9];
	s0 =	sor.u32 s1, s0  }
0x184: {  	s0 =	sshrl.u32 s0, $0x3  }
0x185: {  	s2 =	sshll.u32 s31, $0x3;
	s0 =	sadd.s32 s0, s8;
	s20 =	spop (v2sf);
	(v2sf) =	vpush v1, $0x0  }
0x186: {  	[tilespmem:s30], [sflag:$0x1] =	stream.linear.gather [hbm4b:s0+s3], $0x10, $0x38;
	[tilespmem:$0x580] =	vst v63  }
0x187: {  	s0 =	sand.u32 $0xFFFFFC00, s2  }
0x188: {  	[smem:$0x7CB] =	sst s5;
	s1 =	sand.u32 $0x70, s31;
	s0 =	sadd.s32 s16, s0  }
0x189: {  	s5 =	sld [smem:$0x7EA];
	s0 =	sor.u32 s1, s0  }
0x18a: {  	s0 =	sshrl.u32 s0, $0x3  }
0x18b: {  	s0 =	sadd.s32 s0, s9;
	s25 =	spop (v2sf);
	(v2sf) =	vpush v1, $0x1  }
0x18c: {  	[tilespmem:s5], [sflag:$0x1] =	stream.linear.gather [hbm4b:s0+s3], $0x10, $0x38;
	[tilespmem:$0x580] =	vst v63  }
0x18d: {  	s23 =	sshll.u32 s20, $0x3  }
0x18e: {  	s0 =	sand.u32 $0xFFFFFC00, s23  }
0x18f: {  	[smem:$0x7CC] =	sst s24;
	s1 =	sand.u32 $0x70, s20;
	s0 =	sadd.s32 s16, s0  }
0x190: {  	s24 =	sld [smem:$0x7EB];
	s0 =	sor.u32 s1, s0  }
0x191: {  	s0 =	sshrl.u32 s0, $0x3  }
0x192: {  	s26 =	sshll.u32 s25, $0x3;
	s0 =	sadd.s32 s0, s10  }
0x193: {  	[tilespmem:s24], [sflag:$0x1] =	stream.linear.gather [hbm4b:s0+s3], $0x10, $0x38;
	[tilespmem:$0x580] =	vst v63  }
0x194: {  	s0 =	sand.u32 $0xFFFFFC00, s26;
	s29 =	spop (v2sf);
	(v2sf) =	vpush v1, $0x2  }
0x195: {  	[smem:$0x7CD] =	sst s28;
	s1 =	sand.u32 $0x70, s25;
	s0 =	sadd.s32 s16, s0  }
0x196: {  	s28 =	sld [smem:$0x7EC];
	s0 =	sor.u32 s1, s0  }
0x197: {  	s0 =	sshrl.u32 s0, $0x3  }
0x198: {  	s0 =	sadd.s32 s0, s11  }
0x199: {  	[tilespmem:s28], [sflag:$0x1] =	stream.linear.gather [hbm4b:s0+s3], $0x10, $0x38;
	[tilespmem:$0x580] =	vst v63  }
0x19a: {  	s30 =	sshll.u32 s29, $0x3;
	s2 =	spop (v2sf);
	(v2sf) =	vpush v1, $0x3  }
0x19b: {  	s0 =	sand.u32 $0xFFFFFC00, s30  }
0x19c: {  	[smem:$0x7CE] =	sst s31;
	s1 =	sand.u32 $0x70, s29;
	s0 =	sadd.s32 s17, s0  }
0x19d: {  	s31 =	sld [smem:$0x7ED];
	s0 =	sor.u32 s1, s0  }
0x19e: {  	s0 =	sshrl.u32 s0, $0x3  }
0x19f: {  	s5 =	sshll.u32 s2, $0x3;
	s0 =	sadd.s32 s19, s0  }
0x1a0: {  	[tilespmem:s31], [sflag:$0x1] =	stream.linear.gather [hbm4b:s0+s3], $0x10, $0x38;
	[tilespmem:$0x580] =	vst v63  }
0x1a1: {  	s0 =	sand.u32 $0xFFFFFC00, s5  }
0x1a2: {  	[smem:$0x7CF] =	sst s20;
	s1 =	sand.u32 $0x70, s2;
	s0 =	sadd.s32 s17, s0  }
0x1a3: {  	s20 =	sld [smem:$0x7EE];
	s0 =	sor.u32 s1, s0;
	s23 =	spop (v2sf);
	(v2sf) =	vpush v1, $0x4  }
0x1a4: {  	s0 =	sshrl.u32 s0, $0x3  }
0x1a5: {  	s0 =	sadd.s32 s0, s22  }
0x1a6: {  	[tilespmem:s20], [sflag:$0x1] =	stream.linear.gather [hbm4b:s0+s3], $0x10, $0x38;
	[tilespmem:$0x580] =	vst v63  }
0x1a7: {  	s24 =	sshll.u32 s23, $0x3  }
0x1a8: {  	[smem:$0x7D0] =	sst s25;
	s0 =	sand.u32 $0xFFFFFC00, s24  }
0x1a9: {  	s1 =	sand.u32 $0x70, s23;
	s26 =	spop (v2sf);
	(v2sf) =	vpush v1, $0x5;
	s0 =	sadd.s32 s17, s0  }
0x1aa: {  	s25 =	sld [smem:$0x7EF];
	s0 =	sor.u32 s1, s0  }
0x1ab: {  	s0 =	sshrl.u32 s0, $0x3  }
0x1ac: {  	s28 =	sshll.u32 s26, $0x3;
	s0 =	sadd.s32 s0, s6  }
0x1ad: {  	[tilespmem:s25], [sflag:$0x1] =	stream.linear.gather [hbm4b:s0+s3], $0x10, $0x38;
	[tilespmem:$0x580] =	vst v63  }
0x1ae: {  	s0 =	sand.u32 $0xFFFFFC00, s28  }
0x1af: {  	[smem:$0x7D1] =	sst s29;
	s1 =	sand.u32 $0x70, s26;
	s0 =	sadd.s32 s17, s0  }
0x1b0: {  	s29 =	sld [smem:$0x7F0];
	s0 =	sor.u32 s1, s0  }
0x1b1: {  	s0 =	sshrl.u32 s0, $0x3  }
0x1b2: {  	[smem:$0x7D2] =	sst s2;
	s0 =	sadd.s32 s0, s7;
	s2 =	spop (v2sf);
	(v2sf) =	vpush v1, $0x6  }
0x1b3: {  	[tilespmem:s29], [sflag:$0x1] =	stream.linear.gather [hbm4b:s0+s3], $0x10, $0x38;
	[tilespmem:$0x580] =	vst v63  }
0x1b4: {  	s30 =	sshll.u32 s2, $0x3  }
0x1b5: {  	s0 =	sand.u32 $0xFFFFFC00, s30  }
0x1b6: {  	s31 =	sand.u32 $0x70, s2;
	s0 =	sadd.s32 s17, s0  }
0x1b7: {  	s5 =	sld [smem:$0x7F1];
	s0 =	sor.u32 s31, s0  }
0x1b8: {  	s1 =	spop (v2sf);
	s0 =	sshrl.u32 s0, $0x3  }
0x1b9: {  	s20 =	sshll.u32 s1, $0x3;
	s0 =	sadd.s32 s0, s8  }
0x1ba: {  	(v2sf) =	vpush v1, $0x7;
	[tilespmem:s5], [sflag:$0x1] =	stream.linear.gather [hbm4b:s0+s3], $0x10, $0x38;
	[tilespmem:$0x580] =	vst v63  }
0x1bb: {  	s0 =	sand.u32 $0xFFFFFC00, s20  }
0x1bc: {  	[smem:$0x7D3] =	sst s23;
	s5 =	sand.u32 $0x70, s1;
	s0 =	sadd.s32 s17, s0  }
0x1bd: {  	s23 =	sld [smem:$0x7F2];
	s0 =	sor.u32 s5, s0  }
0x1be: {  	s0 =	sshrl.u32 s0, $0x3  }
0x1bf: {  	s0 =	sadd.s32 s0, s9  }
0x1c0: {  	[tilespmem:s23], [sflag:$0x1] =	stream.linear.gather [hbm4b:s0+s3], $0x10, $0x38;
	[tilespmem:$0x580] =	vst v63  }
0x1c1: {  	s0 =	spop (v2sf)  }
0x1c2: {  	(v2sf) =	vpush v1, $0x8;
	s24 =	sshll.u32 s0, $0x3  }
0x1c3: {  	s5 =	sand.u32 $0xFFFFFC00, s24  }
0x1c4: {  	s23 =	sand.u32 $0x70, s0;
	s5 =	sadd.s32 s17, s5  }
0x1c5: {  	s25 =	sld [smem:$0x7F3];
	s5 =	sor.u32 s23, s5  }
0x1c6: {  	s5 =	sshrl.u32 s5, $0x3  }
0x1c7: {  	s5 =	sadd.s32 s5, s10  }
0x1c8: {  	[tilespmem:s25], [sflag:$0x1] =	stream.linear.gather [hbm4b:s5+s3], $0x10, $0x38;
	[tilespmem:$0x580] =	vst v63  }
0x1c9: {  	s5 =	spop (v2sf)  }
0x1ca: {  	[smem:$0x7D4] =	sst s26;
	(v2sf) =	vpush v1, $0x9;
	s26 =	sshll.u32 s5, $0x3  }
0x1cb: {  	s23 =	sand.u32 $0xFFFFFC00, s26  }
0x1cc: {  	s24 =	sand.u32 $0x70, s5;
	s23 =	sadd.s32 s17, s23  }
0x1cd: {  	s28 =	sld [smem:$0x7F4];
	s23 =	sor.u32 s24, s23  }
0x1ce: {  	s23 =	sshrl.u32 s23, $0x3  }
0x1cf: {  	s23 =	sadd.s32 s23, s11  }
0x1d0: {  	[tilespmem:s28], [sflag:$0x1] =	stream.linear.gather [hbm4b:s23+s3], $0x10, $0x38;
	[tilespmem:$0x580] =	vst v63  }
0x1d1: {  	s31 =	spop (v2sf)  }
0x1d2: {  	(v2sf) =	vpush v1, $0xA;
	s29 =	sshll.u32 s31, $0x3  }
0x1d3: {  	s23 =	sand.u32 $0xFFFFFC00, s29  }
0x1d4: {  	s30 =	sand.u32 $0x70, s31;
	s23 =	sadd.s32 s18, s23  }
0x1d5: {  	s20 =	sld [smem:$0x7F5];
	s23 =	sor.u32 s30, s23  }
0x1d6: {  	s23 =	sshrl.u32 s23, $0x3  }
0x1d7: {  	s23 =	sadd.s32 s19, s23  }
0x1d8: {  	[tilespmem:s20], [sflag:$0x1] =	stream.linear.gather [hbm4b:s23+s3], $0x10, $0x38;
	[tilespmem:$0x580] =	vst v63  }
0x1d9: {  	s30 =	spop (v2sf)  }
0x1da: {  	(v2sf) =	vpush v1, $0xB;
	s24 =	sshll.u32 s30, $0x3  }
0x1db: {  	s23 =	sand.u32 $0xFFFFFC00, s24  }
0x1dc: {  	s25 =	sand.u32 $0x70, s30;
	s23 =	sadd.s32 s18, s23  }
0x1dd: {  	s26 =	sld [smem:$0x7F6];
	s23 =	sor.u32 s25, s23  }
0x1de: {  	s23 =	sshrl.u32 s23, $0x3  }
0x1df: {  	s23 =	sadd.s32 s23, s22  }
0x1e0: {  	[tilespmem:s26], [sflag:$0x1] =	stream.linear.gather [hbm4b:s23+s3], $0x10, $0x38;
	[tilespmem:$0x580] =	vst v63  }
0x1e1: {  	s29 =	spop (v2sf)  }
0x1e2: {  	(v2sf) =	vpush v1, $0xC;
	s28 =	sshll.u32 s29, $0x3  }
0x1e3: {  	s23 =	sand.u32 $0xFFFFFC00, s28  }
0x1e4: {  	s19 =	sand.u32 $0x70, s29;
	s23 =	sadd.s32 s18, s23  }
0x1e5: {  	s20 =	sld [smem:$0x7F7];
	s23 =	sor.u32 s19, s23  }
0x1e6: {  	s23 =	sshrl.u32 s23, $0x3  }
0x1e7: {  	s23 =	sadd.s32 s23, s6  }
0x1e8: {  	[tilespmem:s20], [sflag:$0x1] =	stream.linear.gather [hbm4b:s23+s3], $0x10, $0x38;
	[tilespmem:$0x580] =	vst v63  }
0x1e9: {  	s26 =	spop (v2sf)  }
0x1ea: {  	(v2sf) =	vpush v1, $0xD;
	s24 =	sshll.u32 s26, $0x3  }
0x1eb: {  	s23 =	sand.u32 $0xFFFFFC00, s24  }
0x1ec: {  	s25 =	sand.u32 $0x70, s26;
	s23 =	sadd.s32 s18, s23  }
0x1ed: {  	s28 =	sld [smem:$0x7F8];
	s23 =	sor.u32 s25, s23  }
0x1ee: {  	s23 =	sshrl.u32 s23, $0x3  }
0x1ef: {  	s23 =	sadd.s32 s23, s7  }
0x1f0: {  	[tilespmem:s28], [sflag:$0x1] =	stream.linear.gather [hbm4b:s23+s3], $0x10, $0x38;
	[tilespmem:$0x580] =	vst v63  }
0x1f1: {  	s24 =	spop (v2sf)  }
0x1f2: {  	(v2sf) =	vpush v1, $0xE;
	s19 =	sshll.u32 s24, $0x3  }
0x1f3: {  	s23 =	sand.u32 $0xFFFFFC00, s19  }
0x1f4: {  	s25 =	sand.u32 $0x70, s24;
	s23 =	sadd.s32 s18, s23  }
0x1f5: {  	s20 =	sld [smem:$0x7F9];
	s23 =	sor.u32 s25, s23  }
0x1f6: {  	s23 =	sshrl.u32 s23, $0x3  }
0x1f7: {  	s23 =	sadd.s32 s23, s8  }
0x1f8: {  	[tilespmem:s20], [sflag:$0x1] =	stream.linear.gather [hbm4b:s23+s3], $0x10, $0x38;
	[tilespmem:$0x580] =	vst v63  }
0x1f9: {  	s23 =	spop (v2sf)  }
0x1fa: {  	(v2sf) =	vpush v1, $0xF;
	s28 =	sshll.u32 s23, $0x3  }
0x1fb: {  	s25 =	sand.u32 $0xFFFFFC00, s28  }
0x1fc: {  	s28 =	sand.u32 $0x70, s23;
	s25 =	sadd.s32 s18, s25  }
0x1fd: {  	s19 =	sld [smem:$0x7FA];
	s25 =	sor.u32 s28, s25  }
0x1fe: {  	s25 =	sshrl.u32 s25, $0x3  }
0x1ff: {  	s25 =	sadd.s32 s25, s9  }
0x200: {  	[tilespmem:s19], [sflag:$0x1] =	stream.linear.gather [hbm4b:s25+s3], $0x10, $0x38;
	[tilespmem:$0x580] =	vst v63  }
0x201: {  	s28 =	spop (v2sf)  }
0x202: {  	s20 =	sshll.u32 s28, $0x3  }
0x203: {  	s25 =	sand.u32 $0xFFFFFC00, s20  }
0x204: {  	s20 =	sand.u32 $0x70, s28;
	s25 =	sadd.s32 s18, s25  }
0x205: {  	s19 =	sld [smem:$0x7FB];
	s20 =	sor.u32 s20, s25  }
0x206: {  	s20 =	sshrl.u32 s20, $0x3  }
0x207: {  	s20 =	sadd.s32 s20, s10  }
0x208: {  	[tilespmem:s19], [sflag:$0x1] =	stream.linear.gather [hbm4b:s20+s3], $0x10, $0x38;
	[tilespmem:$0x580] =	vst v63  }
0x209: {  	s25 =	spop (v2sf)  }
0x20a: {  	s19 =	sshll.u32 s25, $0x3  }
0x20b: {  	s20 =	sand.u32 $0xFFFFFC00, s19  }
0x20c: {  	s19 =	sand.u32 $0x70, s25;
	s20 =	sadd.s32 s18, s20  }
0x20d: {  	s19 =	sor.u32 s19, s20;
	s20 =	sld [smem:$0x7FC]  }
0x20e: {  	s19 =	sshrl.u32 s19, $0x3  }
0x20f: {  	s19 =	sadd.s32 s19, s11  }
0x210: {  	[tilespmem:s20], [sflag:$0x1] =	stream.linear.gather [hbm4b:s19+s3], $0x10, $0x38;
	[tilespmem:$0x580] =	vst v63  }
0x211: {  	_ =	swait.ge [sflag:s21], $0x10  }
0x212: {  	[sflag:s21] =	ssyncset.done $0x0  }
0x213: {  	[sflag:s21] =	ssyncadd.s32 $0xFFFFFFF0  }
0x214: {  	_ =	swait.ge [sflag:s21], $0x10  }
0x215: {  	[sflag:s21] =	ssyncset.done $0x0  }
0x216: {  	[sflag:s21] =	ssyncadd.s32 $0xFFFFFFF0  }
0x217: {  	_ =	swait.ge [sflag:s21], $0x10  }
0x218: {  	[sflag:s21] =	ssyncset.done $0x0  }
0x219: {  	[sflag:s21] =	ssyncadd.s32 $0xFFFFFFF0  }
0x21a: {  	_ =	swait.ge [sflag:s21], $0x10  }
0x21b: {  	[sflag:s21] =	ssyncset.done $0x0  }
0x21c: {  	[sflag:s21] =	ssyncadd.s32 $0xFFFFFFF0  }
0x21d: {  	_ =	swait.ge [sflag:s21], $0x10  }
0x21e: {  	[sflag:s21] =	ssyncset.done $0x0  }
0x21f: {  	[sflag:s21] =	ssyncadd.s32 $0xFFFFFFF0  }
0x220: {  	_ =	swait.ge [sflag:s21], $0x10  }
0x221: {  	[sflag:s21] =	ssyncset.done $0x0  }
0x222: {  	[sflag:s21] =	ssyncadd.s32 $0xFFFFFFF0  }
0x223: {  	_ =	swait.ge [sflag:s21], $0x10  }
0x224: {  	[sflag:s21] =	ssyncset.done $0x0  }
0x225: {  	[sflag:s21] =	ssyncadd.s32 $0xFFFFFFF0  }
0x226: {  	_ =	swait.ge [sflag:s21], $0x10  }
0x227: {  	[sflag:s21] =	ssyncset.done $0x0  }
0x228: {  	[sflag:s21] =	ssyncadd.s32 $0xFFFFFFF0  }
0x229: {  	_ =	swait.ge [sflag:s21], $0x10  }
0x22a: {  	[sflag:s21] =	ssyncset.done $0x0  }
0x22b: {  	[sflag:s21] =	ssyncadd.s32 $0xFFFFFFF0  }
0x22c: {  	_ =	swait.ge [sflag:s21], $0x10  }
0x22d: {  	[sflag:s21] =	ssyncset.done $0x0  }
0x22e: {  	[sflag:s21] =	ssyncadd.s32 $0xFFFFFFF0  }
0x22f: {  	_ =	swait.ge [sflag:s21], $0x10  }
0x230: {  	[sflag:s21] =	ssyncset.done $0x0  }
0x231: {  	[sflag:s21] =	ssyncadd.s32 $0xFFFFFFF0  }
0x232: {  	_ =	swait.ge [sflag:s21], $0x10  }
0x233: {  	[sflag:s21] =	ssyncset.done $0x0  }
0x234: {  	[sflag:s21] =	ssyncadd.s32 $0xFFFFFFF0  }
0x235: {  	_ =	swait.ge [sflag:s21], $0x10  }
0x236: {  	[sflag:s21] =	ssyncset.done $0x0  }
0x237: {  	[sflag:s21] =	ssyncadd.s32 $0xFFFFFFF0  }
0x238: {  	_ =	swait.ge [sflag:s21], $0x10  }
0x239: {  	[sflag:s21] =	ssyncset.done $0x0  }
0x23a: {  	[sflag:s21] =	ssyncadd.s32 $0xFFFFFFF0  }
0x23b: {  	_ =	swait.ge [sflag:s21], $0x10  }
0x23c: {  	[sflag:s21] =	ssyncset.done $0x0  }
0x23d: {  	[sflag:s21] =	ssyncadd.s32 $0xFFFFFFF0  }
0x23e: {  	_ =	swait.ge [sflag:s21], $0x10  }
0x23f: {  	[sflag:s21] =	ssyncset.done $0x0  }
0x240: {  	[sflag:s21] =	ssyncadd.s32 $0xFFFFFFF0  }
0x241: {  	_ =	swait.ge [sflag:s21], $0x10  }
0x242: {  	[sflag:s21] =	ssyncset.done $0x0  }
0x243: {  	[sflag:s21] =	ssyncadd.s32 $0xFFFFFFF0  }
0x244: {  	_ =	swait.ge [sflag:s21], $0x10  }
0x245: {  	[sflag:s21] =	ssyncset.done $0x0  }
0x246: {  	[sflag:s21] =	ssyncadd.s32 $0xFFFFFFF0  }
0x247: {  	_ =	swait.ge [sflag:s21], $0x10  }
0x248: {  	[sflag:s21] =	ssyncset.done $0x0  }
0x249: {  	[sflag:s21] =	ssyncadd.s32 $0xFFFFFFF0  }
0x24a: {  	_ =	swait.ge [sflag:s21], $0x10  }
0x24b: {  	[sflag:s21] =	ssyncset.done $0x0  }
0x24c: {  	[sflag:s21] =	ssyncadd.s32 $0xFFFFFFF0  }
0x24d: {  	_ =	swait.ge [sflag:s21], $0x10  }
0x24e: {  	[sflag:s21] =	ssyncset.done $0x0  }
0x24f: {  	[sflag:s21] =	ssyncadd.s32 $0xFFFFFFF0  }
0x250: {  	_ =	swait.ge [sflag:s21], $0x10  }
0x251: {  	[sflag:s21] =	ssyncset.done $0x0  }
0x252: {  	[sflag:s21] =	ssyncadd.s32 $0xFFFFFFF0  }
0x253: {  	_ =	swait.ge [sflag:s21], $0x10  }
0x254: {  	[sflag:s21] =	ssyncset.done $0x0  }
0x255: {  	[sflag:s21] =	ssyncadd.s32 $0xFFFFFFF0  }
0x256: {  	_ =	swait.ge [sflag:s21], $0x10  }
0x257: {  	[sflag:s21] =	ssyncset.done $0x0  }
0x258: {  	[sflag:s21] =	ssyncadd.s32 $0xFFFFFFF0  }
0x259: {  	_ =	swait.ge [sflag:s21], $0x10  }
0x25a: {  	[sflag:s21] =	ssyncset.done $0x0  }
0x25b: {  	[sflag:s21] =	ssyncadd.s32 $0xFFFFFFF0  }
0x25c: {  	_ =	swait.ge [sflag:s21], $0x10  }
0x25d: {  	[sflag:s21] =	ssyncset.done $0x0  }
0x25e: {  	[sflag:s21] =	ssyncadd.s32 $0xFFFFFFF0  }
0x25f: {  	_ =	swait.ge [sflag:s21], $0x10  }
0x260: {  	[sflag:s21] =	ssyncset.done $0x0  }
0x261: {  	[sflag:s21] =	ssyncadd.s32 $0xFFFFFFF0  }
0x262: {  	_ =	swait.ge [sflag:s21], $0x10  }
0x263: {  	[sflag:s21] =	ssyncset.done $0x0  }
0x264: {  	[sflag:s21] =	ssyncadd.s32 $0xFFFFFFF0  }
0x265: {  	_ =	swait.ge [sflag:s21], $0x10  }
0x266: {  	[sflag:s21] =	ssyncset.done $0x0  }
0x267: {  	[sflag:s21] =	ssyncadd.s32 $0xFFFFFFF0  }
0x268: {  	_ =	swait.ge [sflag:s21], $0x10  }
0x269: {  	[sflag:s21] =	ssyncset.done $0x0  }
0x26a: {  	[sflag:s21] =	ssyncadd.s32 $0xFFFFFFF0  }
0x26b: {  	_ =	swait.ge [sflag:s21], $0x10  }
0x26c: {  	[sflag:s21] =	ssyncset.done $0x0  }
0x26d: {  	[sflag:s21] =	ssyncadd.s32 $0xFFFFFFF0  }
0x26e: {  	_ =	swait.ge [sflag:s21], $0x10  }
0x26f: {  	[sflag:s21] =	ssyncset.done $0x0  }
0x270: {  	[sflag:s21] =	ssyncadd.s32 $0xFFFFFFF0  }
0x271: {  	_ =	swait.ge [sflag:s21], $0x10  }
0x272: {  	[sflag:s21] =	ssyncset.done $0x0  }
0x273: {  	[sflag:s21] =	ssyncadd.s32 $0xFFFFFFF0  }
0x274: {  	_ =	swait.ge [sflag:s21], $0x10  }
0x275: {  	[sflag:s21] =	ssyncset.done $0x0  }
0x276: {  	[sflag:s21] =	ssyncadd.s32 $0xFFFFFFF0  }
0x277: {  	_ =	swait.ge [sflag:s21], $0x10  }
0x278: {  	[sflag:s21] =	ssyncset.done $0x0  }
0x279: {  	[sflag:s21] =	ssyncadd.s32 $0xFFFFFFF0  }
0x27a: {  	_ =	swait.ge [sflag:s21], $0x10  }
0x27b: {  	[sflag:s21] =	ssyncset.done $0x0  }
0x27c: {  	[sflag:s21] =	ssyncadd.s32 $0xFFFFFFF0  }
0x27d: {  	_ =	swait.ge [sflag:s21], $0x10  }
0x27e: {  	[sflag:s21] =	ssyncset.done $0x0  }
0x27f: {  	[sflag:s21] =	ssyncadd.s32 $0xFFFFFFF0  }
0x280: {  	_ =	swait.ge [sflag:s21], $0x10  }
0x281: {  	[sflag:s21] =	ssyncset.done $0x0  }
0x282: {  	[sflag:s21] =	ssyncadd.s32 $0xFFFFFFF0  }
0x283: {  	_ =	swait.ge [sflag:s21], $0x10  }
0x284: {  	[sflag:s21] =	ssyncset.done $0x0  }
0x285: {  	[sflag:s21] =	ssyncadd.s32 $0xFFFFFFF0  }
0x286: {  	_ =	swait.ge [sflag:s21], $0x10  }
0x287: {  	[sflag:s21] =	ssyncset.done $0x0  }
0x288: {  	[sflag:s21] =	ssyncadd.s32 $0xFFFFFFF0  }
0x289: {  	_ =	swait.ge [sflag:s21], $0x10  }
0x28a: {  	[sflag:s21] =	ssyncset.done $0x0  }
0x28b: {  	[sflag:s21] =	ssyncadd.s32 $0xFFFFFFF0  }
0x28c: {  	_ =	swait.ge [sflag:s21], $0x10  }
0x28d: {  	[sflag:s21] =	ssyncset.done $0x0  }
0x28e: {  	[sflag:s21] =	ssyncadd.s32 $0xFFFFFFF0  }
0x28f: {  	_ =	swait.ge [sflag:s21], $0x10  }
0x290: {  	[sflag:s21] =	ssyncset.done $0x0  }
0x291: {  	[sflag:s21] =	ssyncadd.s32 $0xFFFFFFF0  }
0x292: {  	_ =	swait.ge [sflag:s21], $0x10  }
0x293: {  	[sflag:s21] =	ssyncset.done $0x0  }
0x294: {  	[sflag:s21] =	ssyncadd.s32 $0xFFFFFFF0  }
0x295: {  	_ =	swait.ge [sflag:s21], $0x10  }
0x296: {  	[sflag:s21] =	ssyncset.done $0x0  }
0x297: {  	[sflag:s21] =	ssyncadd.s32 $0xFFFFFFF0  }
0x298: {  	_ =	swait.ge [sflag:s21], $0x10  }
0x299: {  	[sflag:s21] =	ssyncset.done $0x0  }
0x29a: {  	[sflag:s21] =	ssyncadd.s32 $0xFFFFFFF0  }
0x29b: {  	_ =	swait.ge [sflag:s21], $0x10  }
0x29c: {  	[sflag:s21] =	ssyncset.done $0x0  }
0x29d: {  	[sflag:s21] =	ssyncadd.s32 $0xFFFFFFF0  }
0x29e: {  	_ =	swait.ge [sflag:s21], $0x10  }
0x29f: {  	[sflag:s21] =	ssyncset.done $0x0  }
0x2a0: {  	[sflag:s21] =	ssyncadd.s32 $0xFFFFFFF0  }
0x2a1: {  	_ =	swait.ge [sflag:s21], $0x10  }
0x2a2: {  	[sflag:s21] =	ssyncset.done $0x0  }
0x2a3: {  	[sflag:s21] =	ssyncadd.s32 $0xFFFFFFF0  }
0x2a4: {  	_ =	swait.ge [sflag:s21], $0x10  }
0x2a5: {  	[sflag:s21] =	ssyncset.done $0x0  }
0x2a6: {  	[sflag:s21] =	ssyncadd.s32 $0xFFFFFFF0  }
0x2a7: {  	_ =	swait.ge [sflag:s21], $0x10  }
0x2a8: {  	[sflag:s21] =	ssyncset.done $0x0  }
0x2a9: {  	[sflag:s21] =	ssyncadd.s32 $0xFFFFFFF0  }
0x2aa: {  	_ =	swait.ge [sflag:s21], $0x10  }
0x2ab: {  	[sflag:s21] =	ssyncset.done $0x0  }
0x2ac: {  	[sflag:s21] =	ssyncadd.s32 $0xFFFFFFF0  }
0x2ad: {  	_ =	swait.ge [sflag:s21], $0x10  }
0x2ae: {  	[sflag:s21] =	ssyncset.done $0x0  }
0x2af: {  	[sflag:s21] =	ssyncadd.s32 $0xFFFFFFF0  }
0x2b0: {  	_ =	swait.ge [sflag:s21], $0x10  }
0x2b1: {  	[sflag:s21] =	ssyncset.done $0x0  }
0x2b2: {  	[sflag:s21] =	ssyncadd.s32 $0xFFFFFFF0  }
0x2b3: {  	_ =	swait.ge [sflag:s21], $0x10  }
0x2b4: {  	[sflag:s21] =	ssyncset.done $0x0  }
0x2b5: {  	[sflag:s21] =	ssyncadd.s32 $0xFFFFFFF0  }
0x2b6: {  	_ =	swait.ge [sflag:s21], $0x10  }
0x2b7: {  	[sflag:s21] =	ssyncset.done $0x0  }
0x2b8: {  	[sflag:s21] =	ssyncadd.s32 $0xFFFFFFF0  }
0x2b9: {  	_ =	swait.ge [sflag:s21], $0x10  }
0x2ba: {  	[sflag:s21] =	ssyncset.done $0x0  }
0x2bb: {  	[sflag:s21] =	ssyncadd.s32 $0xFFFFFFF0  }
0x2bc: {  	_ =	swait.ge [sflag:s21], $0x10  }
0x2bd: {  	[sflag:s21] =	ssyncset.done $0x0  }
0x2be: {  	[sflag:s21] =	ssyncadd.s32 $0xFFFFFFF0  }
0x2bf: {  	_ =	swait.ge [sflag:s21], $0x10  }
0x2c0: {  	[sflag:s21] =	ssyncset.done $0x0  }
0x2c1: {  	[sflag:s21] =	ssyncadd.s32 $0xFFFFFFF0  }
0x2c2: {  	_ =	swait.ge [sflag:s21], $0x10  }
0x2c3: {  	[sflag:s21] =	ssyncset.done $0x0  }
0x2c4: {  	[sflag:s21] =	ssyncadd.s32 $0xFFFFFFF0  }
0x2c5: {  	_ =	swait.ge [sflag:s21], $0x10  }
0x2c6: {  	[sflag:s21] =	ssyncset.done $0x0  }
0x2c7: {  	[sflag:s21] =	ssyncadd.s32 $0xFFFFFFF0  }
0x2c8: {  	_ =	swait.ge [sflag:s21], $0x10  }
0x2c9: {  	[sflag:s21] =	ssyncset.done $0x0  }
0x2ca: {  	[sflag:s21] =	ssyncadd.s32 $0xFFFFFFF0  }
0x2cb: {  	_ =	swait.ge [sflag:s21], $0x10  }
0x2cc: {  	[sflag:s21] =	ssyncset.done $0x0  }
0x2cd: {  	[sflag:s21] =	ssyncadd.s32 $0xFFFFFFF0  }
0x2ce: {  	_ =	swait.ge [sflag:s21], $0x10  }
0x2cf: {  	s20 =	sld [smem:$0x7A1];
	_ =	sdelay $0x2  }
0x2d0: {  	s19 =	sand.u32 $0xF, s20;
	s20 =	sld [smem:$0x7A2];
	_ =	sdelay $0x2  }
0x2d1: {  	v5 =	vmov s19;
	s19 =	sand.u32 $0xF, s20;
	s20 =	sld [smem:$0x7A3];
	_ =	sdelay $0x2  }
0x2d2: {  	s20 =	sand.u32 $0xF, s20  }
0x2d3: {  	v8 =	vmov s20;
	s20 =	sld [smem:$0x7A4];
	_ =	sdelay $0x2  }
0x2d4: {  	v7 =	vmov s19;
	s19 =	sand.u32 $0xF, s20;
	s20 =	sld [smem:$0x7A5];
	_ =	sdelay $0x2  }
0x2d5: {  	v34 =	vmov s19;
	s19 =	sand.u32 $0xF, s20;
	s20 =	sld [smem:$0x7A6];
	_ =	sdelay $0x2  }
0x2d6: {  	v10 =	vmov s19;
	s19 =	sand.u32 $0xF, s20;
	s20 =	sld [smem:$0x7A7];
	_ =	sdelay $0x2  }
0x2d7: {  	v39 =	vmov s19;
	s19 =	sand.u32 $0xF, s20;
	s20 =	sld [smem:$0x7A8];
	_ =	sdelay $0x2  }
0x2d8: {  	v42 =	vmov s19;
	s19 =	sand.u32 $0xF, s20;
	s20 =	sld [smem:$0x7A9];
	_ =	sdelay $0x2  }
0x2d9: {  	v45 =	vmov s19;
	s19 =	sand.u32 $0xF, s20;
	s20 =	sld [smem:$0x7AA];
	_ =	sdelay $0x2  }
0x2da: {  	v48 =	vmov s19;
	s19 =	sand.u32 $0xF, s20;
	s20 =	sld [smem:$0x7AB];
	_ =	sdelay $0x2  }
0x2db: {  	v51 =	vmov s19;
	s19 =	sand.u32 $0xF, s20;
	s20 =	sld [smem:$0x7AC];
	_ =	sdelay $0x2  }
0x2dc: {  	v53 =	vmov s19;
	s19 =	sand.u32 $0xF, s20;
	s20 =	sld [smem:$0x7AD];
	_ =	sdelay $0x2  }
0x2dd: {  	v56 =	vmov s19;
	s19 =	sand.u32 $0xF, s20;
	s20 =	sld [smem:$0x7AE];
	_ =	sdelay $0x2  }
0x2de: {  	v59 =	vmov s19;
	s19 =	sand.u32 $0xF, s20;
	s20 =	sld [smem:$0x7AF];
	_ =	sdelay $0x2  }
0x2df: {  	[sflag:s21] =	ssyncset.done $0x0;
	v62 =	vmov s19;
	s19 =	sand.u32 $0xF, s20;
	s20 =	sld [smem:$0x7B0]  }
0x2e0: {  	[sflag:s21] =	ssyncadd.s32 $0xFFFFFFF0  }
0x2e1: {  	v1 =	vld [tilespmem:$0x80]  }
0x2e2: {  	v11 =	vmov s19;
	s19 =	sand.u32 $0xF, s20;
	s20 =	sld [smem:$0x7B1]  }
0x2e3: {  	v2 =	vld [tilespmem:$0x100];
	_ =	sdelay $0x1  }
0x2e4: {  	v15 =	vmov s19;
	s19 =	sand.u32 $0xF, s20;
	s20 =	sld [smem:$0x7B2]  }
0x2e5: {  	v32 =	vld [tilespmem:$0x110];
	v3 =	vbroadcast v1, $0x0;
	_ =	sdelay $0x1  }
0x2e6: {  	v2 =	vmul.f32 v2, v3;
	v3 =	vld [tilespmem:$0x120];
	v18 =	vmov s19;
	s19 =	sand.u32 $0xF, s20;
	s20 =	sld [smem:$0x7B3]  }
0x2e7: {  	v6 =	vbroadcast v1, $0x1  }
0x2e8: {  	v9 =	vld [tilespmem:$0x130];
	v33 =	vbroadcast v1, $0x2  }
0x2e9: {  	v4 =	vmul.f32 v32, v6;
	v2 =	vadd.f32 $0.0e+00, v2;
	v21 =	vmov s19;
	s19 =	sand.u32 $0xF, s20;
	s20 =	sld [smem:$0x7B4]  }
0x2ea: {  	v35 =	vld [tilespmem:$0x140];
	vm0 =	veq.s32 v5, v0;
	v36 =	vbroadcast v1, $0x3;
	vm13 =	veq.s32 v7, v0  }
0x2eb: {  	v4 =	vnsel vm13, $0x0, v4;
	v2 =	vnsel vm0, $0x0, v2;
	v3 =	vmul.f32 v3, v33  }
0x2ec: {  	v37 =	vld [tilespmem:$0x150];
	vm14 =	veq.s32 v8, v0;
	v2 =	vadd.f32 v4, v2;
	v24 =	vmov s19;
	s19 =	sand.u32 $0xF, s20;
	s20 =	sld [smem:$0x7B5]  }
0x2ed: {  	v38 =	vbroadcast v1, $0x4;
	v5 =	vmul.f32 v9, v36;
	v3 =	vnsel vm14, $0x0, v3  }
0x2ee: {  	v41 =	vbroadcast v1, $0x5;
	vm15 =	veq.s32 v34, v0;
	v2 =	vadd.f32 v3, v2;
	v3 =	vld [tilespmem:$0x160]  }
0x2ef: {  	v40 =	vmul.f32 v35, v38;
	v5 =	vnsel vm15, $0x0, v5;
	v27 =	vmov s19;
	s19 =	sand.u32 $0xF, s20;
	s20 =	sld [smem:$0x7B6]  }
0x2f0: {  	v43 =	vld [tilespmem:$0x170];
	vm4 =	veq.s32 v10, v0;
	v2 =	vadd.f32 v5, v2  }
0x2f1: {  	v44 =	vbroadcast v1, $0x6;
	v4 =	vmul.f32 v37, v41;
	v6 =	vnsel vm4, $0x0, v40  }
0x2f2: {  	v46 =	vld [tilespmem:$0x180];
	v2 =	vadd.f32 v6, v2;
	vm5 =	veq.s32 v39, v0;
	v30 =	vmov s19;
	s19 =	sand.u32 $0xF, s20;
	s20 =	sld [smem:$0x7B7]  }
0x2f3: {  	v47 =	vbroadcast v1, $0x7;
	v4 =	vnsel vm5, $0x0, v4;
	v3 =	vmul.f32 v3, v44  }
0x2f4: {  	v49 =	vld [tilespmem:$0x190];
	v50 =	vbroadcast v1, $0x8;
	v2 =	vadd.f32 v4, v2;
	vm6 =	veq.s32 v42, v0  }
0x2f5: {  	v5 =	vmul.f32 v43, v47;
	v3 =	vnsel vm6, $0x0, v3;
	v33 =	vmov s19;
	s19 =	sand.u32 $0xF, s20;
	s20 =	sld [smem:$0x7B8]  }
0x2f6: {  	v2 =	vadd.f32 v3, v2;
	v3 =	vld [tilespmem:$0x1A0];
	vm7 =	veq.s32 v45, v0  }
0x2f7: {  	v52 =	vbroadcast v1, $0x9;
	v6 =	vmul.f32 v46, v50;
	v5 =	vnsel vm7, $0x0, v5  }
0x2f8: {  	v54 =	vld [tilespmem:$0x1B0];
	v2 =	vadd.f32 v5, v2;
	vm8 =	veq.s32 v48, v0;
	v36 =	vmov s19;
	s19 =	sand.u32 $0xF, s20;
	s20 =	sld [smem:$0x7B9]  }
0x2f9: {  	v55 =	vbroadcast v1, $0xA;
	v4 =	vmul.f32 v49, v52;
	v6 =	vnsel vm8, $0x0, v6  }
0x2fa: {  	v57 =	vld [tilespmem:$0x1C0];
	v58 =	vbroadcast v1, $0xB;
	v2 =	vadd.f32 v6, v2;
	vm9 =	veq.s32 v51, v0  }
0x2fb: {  	v3 =	vmul.f32 v3, v55;
	v4 =	vnsel vm9, $0x0, v4;
	v39 =	vmov s19;
	s19 =	sand.u32 $0xF, s20;
	s20 =	sld [smem:$0x7BA]  }
0x2fc: {  	v60 =	vld [tilespmem:$0x1D0];
	v2 =	vadd.f32 v4, v2;
	vm10 =	veq.s32 v53, v0  }
0x2fd: {  	v61 =	vbroadcast v1, $0xC;
	v5 =	vmul.f32 v54, v58;
	v3 =	vnsel vm10, $0x0, v3  }
0x2fe: {  	v63 =	vld [tilespmem:$0x1E0];
	v3 =	vadd.f32 v3, v2;
	vm11 =	veq.s32 v56, v0;
	v42 =	vmov s19;
	s19 =	sand.u32 $0xF, s20;
	s20 =	sld [smem:$0x7BB]  }
0x2ff: {  	v13 =	vld [tilespmem:$0x1F0];
	v12 =	vbroadcast v1, $0xD;
	v6 =	vmul.f32 v57, v61;
	v5 =	vnsel vm11, $0x0, v5  }
0x300: {  	v14 =	vbroadcast v1, $0xE;
	v2 =	vld [tilespmem:$0x90];
	v3 =	vadd.f32 v5, v3;
	vm12 =	veq.s32 v59, v0  }
0x301: {  	v4 =	vmul.f32 v60, v12;
	v6 =	vnsel vm12, $0x0, v6;
	v45 =	vmov s19;
	s19 =	sand.u32 $0xF, s20;
	s20 =	sld [smem:$0x7BC]  }
0x302: {  	v16 =	vld [tilespmem:$0x200];
	v3 =	vadd.f32 v6, v3;
	vm13 =	veq.s32 v62, v0  }
0x303: {  	v17 =	vbroadcast v1, $0xF;
	v7 =	vmul.f32 v63, v14;
	v4 =	vnsel vm13, $0x0, v4  }
0x304: {  	v19 =	vld [tilespmem:$0x210];
	v3 =	vadd.f32 v4, v3;
	vm14 =	veq.s32 v11, v0;
	v48 =	vmov s19;
	s19 =	sand.u32 $0xF, s20;
	s20 =	sld [smem:$0x7BD]  }
0x305: {  	v5 =	vmul.f32 v13, v17;
	v20 =	vbroadcast v2, $0x0;
	v7 =	vnsel vm14, $0x0, v7  }
0x306: {  	v22 =	vld [tilespmem:$0x220];
	v23 =	vbroadcast v2, $0x1;
	v3 =	vadd.f32 v7, v3;
	vm15 =	veq.s32 v15, v0  }
0x307: {  	v6 =	vmul.f32 v16, v20;
	v5 =	vnsel vm15, $0x0, v5;
	v51 =	vmov s19;
	s19 =	sand.u32 $0xF, s20;
	s20 =	sld [smem:$0x7BE]  }
0x308: {  	v25 =	vld [tilespmem:$0x230];
	v3 =	vadd.f32 v5, v3;
	vm4 =	veq.s32 v18, v0  }
0x309: {  	v26 =	vbroadcast v2, $0x2;
	v4 =	vmul.f32 v19, v23;
	v6 =	vnsel vm4, $0x0, v6  }
0x30a: {  	v28 =	vld [tilespmem:$0x240];
	v3 =	vadd.f32 v6, v3;
	vm5 =	veq.s32 v21, v0;
	v54 =	vmov s19;
	s19 =	sand.u32 $0xF, s20;
	s20 =	sld [smem:$0x7BF]  }
0x30b: {  	v29 =	vbroadcast v2, $0x3;
	v7 =	vmul.f32 v22, v26;
	v4 =	vnsel vm5, $0x0, v4  }
0x30c: {  	v31 =	vld [tilespmem:$0x250];
	v32 =	vbroadcast v2, $0x4;
	v3 =	vadd.f32 v4, v3;
	vm6 =	veq.s32 v24, v0  }
0x30d: {  	v5 =	vmul.f32 v25, v29;
	v7 =	vnsel vm6, $0x0, v7;
	v57 =	vmov s19;
	s19 =	sand.u32 $0xF, s20;
	s20 =	sld [smem:$0x7C0]  }
0x30e: {  	v34 =	vld [tilespmem:$0x260];
	v3 =	vadd.f32 v7, v3;
	vm7 =	veq.s32 v27, v0  }
0x30f: {  	v35 =	vbroadcast v2, $0x5;
	v6 =	vmul.f32 v28, v32;
	v5 =	vnsel vm7, $0x0, v5  }
0x310: {  	v37 =	vld [tilespmem:$0x270];
	v3 =	vadd.f32 v5, v3;
	vm8 =	veq.s32 v30, v0;
	v12 =	vmov s19;
	s19 =	sand.u32 $0xF, s20;
	s20 =	sld [smem:$0x7C1]  }
0x311: {  	v38 =	vbroadcast v2, $0x6;
	v4 =	vmul.f32 v31, v35;
	v6 =	vnsel vm8, $0x0, v6  }
0x312: {  	v40 =	vld [tilespmem:$0x280];
	v41 =	vbroadcast v2, $0x7;
	v3 =	vadd.f32 v6, v3;
	vm9 =	veq.s32 v33, v0  }
0x313: {  	v7 =	vmul.f32 v34, v38;
	v4 =	vnsel vm9, $0x0, v4;
	v62 =	vmov s19;
	s19 =	sand.u32 $0xF, s20;
	s20 =	sld [smem:$0x7C2]  }
0x314: {  	v43 =	vld [tilespmem:$0x290];
	v3 =	vadd.f32 v4, v3;
	vm10 =	veq.s32 v36, v0  }
0x315: {  	v44 =	vbroadcast v2, $0x8;
	v5 =	vmul.f32 v37, v41;
	v7 =	vnsel vm10, $0x0, v7  }
0x316: {  	v46 =	vld [tilespmem:$0x2A0];
	v3 =	vadd.f32 v7, v3;
	vm11 =	veq.s32 v39, v0;
	v16 =	vmov s19;
	s19 =	sand.u32 $0xF, s20;
	s20 =	sld [smem:$0x7C3]  }
0x317: {  	v47 =	vbroadcast v2, $0x9;
	v6 =	vmul.f32 v40, v44;
	v5 =	vnsel vm11, $0x0, v5  }
0x318: {  	v49 =	vld [tilespmem:$0x2B0];
	v50 =	vbroadcast v2, $0xA;
	v3 =	vadd.f32 v5, v3;
	vm12 =	veq.s32 v42, v0  }
0x319: {  	v4 =	vmul.f32 v43, v47;
	v6 =	vnsel vm12, $0x0, v6;
	v19 =	vmov s19;
	s19 =	sand.u32 $0xF, s20;
	s20 =	sld [smem:$0x7C4]  }
0x31a: {  	v52 =	vld [tilespmem:$0x2C0];
	v3 =	vadd.f32 v6, v3;
	vm13 =	veq.s32 v45, v0  }
0x31b: {  	v53 =	vbroadcast v2, $0xB;
	v7 =	vmul.f32 v46, v50;
	v4 =	vnsel vm13, $0x0, v4  }
0x31c: {  	v55 =	vld [tilespmem:$0x2D0];
	v3 =	vadd.f32 v4, v3;
	vm14 =	veq.s32 v48, v0;
	v22 =	vmov s19;
	s19 =	sand.u32 $0xF, s20;
	s20 =	sld [smem:$0x7C5]  }
0x31d: {  	v56 =	vbroadcast v2, $0xC;
	v5 =	vmul.f32 v49, v53;
	v7 =	vnsel vm14, $0x0, v7  }
0x31e: {  	v58 =	vld [tilespmem:$0x2E0];
	v59 =	vbroadcast v2, $0xD;
	v7 =	vadd.f32 v7, v3;
	vm15 =	veq.s32 v51, v0  }
0x31f: {  	v60 =	vld [tilespmem:$0x2F0];
	v6 =	vmul.f32 v52, v56;
	v5 =	vnsel vm15, $0x0, v5;
	v25 =	vmov s19;
	s19 =	sand.u32 $0xF, s20;
	s20 =	sld [smem:$0x7C6]  }
0x320: {  	v61 =	vbroadcast v2, $0xE;
	v3 =	vld [tilespmem:$0xA0];
	v5 =	vadd.f32 v5, v7;
	vm4 =	veq.s32 v54, v0  }
0x321: {  	v15 =	vbroadcast v2, $0xF;
	v4 =	vmul.f32 v55, v59;
	v6 =	vnsel vm4, $0x0, v6  }
0x322: {  	v63 =	vld [tilespmem:$0x300];
	v5 =	vadd.f32 v6, v5;
	vm5 =	veq.s32 v57, v0;
	v28 =	vmov s19;
	s19 =	sand.u32 $0xF, s20;
	s20 =	sld [smem:$0x7C7]  }
0x323: {  	v8 =	vmul.f32 v58, v61;
	v4 =	vnsel vm5, $0x0, v4  }
0x324: {  	v17 =	vld [tilespmem:$0x310];
	v7 =	vmul.f32 v60, v15;
	v4 =	vadd.f32 v4, v5;
	vm6 =	veq.s32 v12, v0  }
0x325: {  	v18 =	vbroadcast v3, $0x0;
	v8 =	vnsel vm6, $0x0, v8;
	v31 =	vmov s19;
	s19 =	sand.u32 $0xF, s20;
	s20 =	sld [smem:$0x7C8]  }
0x326: {  	v20 =	vld [tilespmem:$0x320];
	v4 =	vadd.f32 v8, v4;
	vm7 =	veq.s32 v62, v0  }
0x327: {  	v21 =	vbroadcast v3, $0x1;
	v6 =	vmul.f32 v63, v18;
	v7 =	vnsel vm7, $0x0, v7  }
0x328: {  	v23 =	vld [tilespmem:$0x330];
	v4 =	vadd.f32 v7, v4;
	vm8 =	veq.s32 v16, v0;
	v34 =	vmov s19;
	s19 =	sand.u32 $0xF, s20;
	s20 =	sld [smem:$0x7C9]  }
0x329: {  	v24 =	vbroadcast v3, $0x2;
	v5 =	vmul.f32 v17, v21;
	v6 =	vnsel vm8, $0x0, v6  }
0x32a: {  	v26 =	vld [tilespmem:$0x340];
	v27 =	vbroadcast v3, $0x3;
	v4 =	vadd.f32 v6, v4;
	vm9 =	veq.s32 v19, v0  }
0x32b: {  	v8 =	vmul.f32 v20, v24;
	v5 =	vnsel vm9, $0x0, v5;
	v37 =	vmov s19;
	s19 =	sand.u32 $0xF, s20;
	s20 =	sld [smem:$0x7CA]  }
0x32c: {  	v29 =	vld [tilespmem:$0x350];
	v4 =	vadd.f32 v5, v4;
	vm10 =	veq.s32 v22, v0  }
0x32d: {  	v30 =	vbroadcast v3, $0x4;
	v7 =	vmul.f32 v23, v27;
	v8 =	vnsel vm10, $0x0, v8  }
0x32e: {  	v32 =	vld [tilespmem:$0x360];
	v4 =	vadd.f32 v8, v4;
	vm11 =	veq.s32 v25, v0;
	v40 =	vmov s19;
	s19 =	sand.u32 $0xF, s20;
	s20 =	sld [smem:$0x7CB]  }
0x32f: {  	v33 =	vbroadcast v3, $0x5;
	v6 =	vmul.f32 v26, v30;
	v7 =	vnsel vm11, $0x0, v7  }
0x330: {  	v35 =	vld [tilespmem:$0x370];
	v36 =	vbroadcast v3, $0x6;
	v4 =	vadd.f32 v7, v4;
	vm12 =	veq.s32 v28, v0  }
0x331: {  	v5 =	vmul.f32 v29, v33;
	v6 =	vnsel vm12, $0x0, v6;
	v43 =	vmov s19;
	s19 =	sand.u32 $0xF, s20;
	s20 =	sld [smem:$0x7CC]  }
0x332: {  	v38 =	vld [tilespmem:$0x380];
	v4 =	vadd.f32 v6, v4;
	vm13 =	veq.s32 v31, v0  }
0x333: {  	v39 =	vbroadcast v3, $0x7;
	v8 =	vmul.f32 v32, v36;
	v5 =	vnsel vm13, $0x0, v5  }
0x334: {  	v41 =	vld [tilespmem:$0x390];
	v4 =	vadd.f32 v5, v4;
	vm14 =	veq.s32 v34, v0;
	v46 =	vmov s19;
	s19 =	sand.u32 $0xF, s20;
	s20 =	sld [smem:$0x7CD]  }
0x335: {  	v42 =	vbroadcast v3, $0x8;
	v7 =	vmul.f32 v35, v39;
	v8 =	vnsel vm14, $0x0, v8  }
0x336: {  	v44 =	vld [tilespmem:$0x3A0];
	v45 =	vbroadcast v3, $0x9;
	v4 =	vadd.f32 v8, v4;
	vm15 =	veq.s32 v37, v0  }
0x337: {  	v6 =	vmul.f32 v38, v42;
	v7 =	vnsel vm15, $0x0, v7;
	v49 =	vmov s19;
	s19 =	sand.u32 $0xF, s20;
	s20 =	sld [smem:$0x7CE]  }
0x338: {  	v47 =	vld [tilespmem:$0x3B0];
	v4 =	vadd.f32 v7, v4;
	vm4 =	veq.s32 v40, v0  }
0x339: {  	v48 =	vbroadcast v3, $0xA;
	v5 =	vmul.f32 v41, v45;
	v6 =	vnsel vm4, $0x0, v6  }
0x33a: {  	v50 =	vld [tilespmem:$0x3C0];
	v4 =	vadd.f32 v6, v4;
	vm5 =	veq.s32 v43, v0;
	v52 =	vmov s19;
	s19 =	sand.u32 $0xF, s20;
	s20 =	sld [smem:$0x7CF]  }
0x33b: {  	v51 =	vbroadcast v3, $0xB;
	v8 =	vmul.f32 v44, v48;
	v5 =	vnsel vm5, $0x0, v5  }
0x33c: {  	v53 =	vld [tilespmem:$0x3D0];
	v54 =	vbroadcast v3, $0xC;
	v4 =	vadd.f32 v5, v4;
	vm6 =	veq.s32 v46, v0  }
0x33d: {  	v56 =	vld [tilespmem:$0x3E0];
	v7 =	vmul.f32 v47, v51;
	v8 =	vnsel vm6, $0x0, v8;
	v55 =	vmov s19;
	s19 =	sand.u32 $0xF, s20;
	s20 =	sld [smem:$0x7D0]  }
0x33e: {  	v59 =	vbroadcast v3, $0xE;
	v8 =	vadd.f32 v8, v4;
	vm7 =	veq.s32 v49, v0  }
0x33f: {  	v58 =	vld [tilespmem:$0x3F0];
	v57 =	vbroadcast v3, $0xD;
	v6 =	vmul.f32 v50, v54;
	v7 =	vnsel vm7, $0x0, v7  }
0x340: {  	v4 =	vld [tilespmem:$0xB0];
	v7 =	vadd.f32 v7, v8;
	vm8 =	veq.s32 v52, v0;
	v13 =	vmov s19;
	s19 =	sand.u32 $0xF, s20;
	s20 =	sld [smem:$0x7D1]  }
0x341: {  	v1 =	vadd.f32 $0.0e+00, v1;
	v5 =	vmul.f32 v53, v57;
	v6 =	vnsel vm8, $0x0, v6  }
0x342: {  	v61 =	vld [tilespmem:$0x400];
	v9 =	vmul.f32 v56, v59;
	v6 =	vadd.f32 v6, v7;
	vm9 =	veq.s32 v55, v0  }
0x343: {  	v62 =	vbroadcast v3, $0xF;
	v5 =	vnsel vm9, $0x0, v5;
	v60 =	vmov s19;
	s19 =	sand.u32 $0xF, s20;
	s20 =	sld [smem:$0x7D2]  }
0x344: {  	v1 =	vadd.f32 v2, v1;
	v16 =	vld [tilespmem:$0x410];
	v5 =	vadd.f32 v5, v6;
	vm10 =	veq.s32 v13, v0  }
0x345: {  	v8 =	vmul.f32 v58, v62;
	v17 =	vbroadcast v4, $0x0;
	v9 =	vnsel vm10, $0x0, v9  }
0x346: {  	v19 =	vld [tilespmem:$0x420];
	v5 =	vadd.f32 v9, v5;
	vm11 =	veq.s32 v60, v0;
	v63 =	vmov s19;
	s19 =	sand.u32 $0xF, s20;
	s20 =	sld [smem:$0x7D3]  }
0x347: {  	v20 =	vbroadcast v4, $0x1;
	v7 =	vmul.f32 v61, v17;
	v8 =	vnsel vm11, $0x0, v8  }
0x348: {  	v22 =	vld [tilespmem:$0x430];
	v23 =	vbroadcast v4, $0x2;
	v5 =	vadd.f32 v8, v5;
	vm12 =	veq.s32 v63, v0  }
0x349: {  	v6 =	vmul.f32 v16, v20;
	v7 =	vnsel vm12, $0x0, v7;
	v18 =	vmov s19;
	s19 =	sand.u32 $0xF, s20;
	s20 =	sld [smem:$0x7D4]  }
0x34a: {  	v25 =	vld [tilespmem:$0x440];
	v26 =	vbroadcast v4, $0x3;
	v5 =	vadd.f32 v7, v5;
	vm13 =	veq.s32 v18, v0  }
0x34b: {  	v9 =	vmul.f32 v19, v23;
	v6 =	vnsel vm13, $0x0, v6;
	v21 =	vmov s19  }
0x34c: {  	v28 =	vld [tilespmem:$0x450];
	v29 =	vbroadcast v4, $0x4;
	v5 =	vadd.f32 v6, v5;
	vm14 =	veq.s32 v21, v0;
	s19 =	sand.u32 $0xF, s20  }
0x34d: {  	s2 =	sand.u32 $0xF, s2;
	v8 =	vmul.f32 v22, v26;
	v9 =	vnsel vm14, $0x0, v9;
	v24 =	vmov s19  }
0x34e: {  	v27 =	vmov s2;
	v31 =	vld [tilespmem:$0x460];
	v5 =	vadd.f32 v9, v5;
	vm15 =	veq.s32 v24, v0  }
0x34f: {  	s1 =	sand.u32 $0xF, s1;
	v32 =	vbroadcast v4, $0x5;
	v7 =	vmul.f32 v25, v29;
	v8 =	vnsel vm15, $0x0, v8  }
0x350: {  	v30 =	vmov s1;
	v34 =	vld [tilespmem:$0x470];
	vm4 =	veq.s32 v27, v0;
	v5 =	vadd.f32 v8, v5  }
0x351: {  	s0 =	sand.u32 $0xF, s0;
	v35 =	vbroadcast v4, $0x6;
	v7 =	vnsel vm4, $0x0, v7;
	v6 =	vmul.f32 v28, v32  }
0x352: {  	v33 =	vmov s0;
	v37 =	vld [tilespmem:$0x480];
	vm5 =	veq.s32 v30, v0;
	v5 =	vadd.f32 v7, v5  }
0x353: {  	v38 =	vbroadcast v4, $0x7;
	v6 =	vnsel vm5, $0x0, v6;
	v9 =	vmul.f32 v31, v35  }
0x354: {  	v40 =	vld [tilespmem:$0x490];
	vm6 =	veq.s32 v33, v0;
	v41 =	vbroadcast v4, $0x8;
	s20 =	sand.u32 $0xF, s5;
	v5 =	vadd.f32 v6, v5  }
0x355: {  	s1 =	sand.u32 $0xF, s31;
	v36 =	vmov s20;
	v9 =	vnsel vm6, $0x0, v9;
	v8 =	vmul.f32 v34, v38  }
0x356: {  	v39 =	vmov s1;
	v43 =	vld [tilespmem:$0x4A0];
	vm7 =	veq.s32 v36, v0;
	v5 =	vadd.f32 v9, v5  }
0x357: {  	s2 =	sand.u32 $0xF, s30;
	v44 =	vbroadcast v4, $0x9;
	v8 =	vnsel vm7, $0x0, v8;
	v7 =	vmul.f32 v37, v41  }
0x358: {  	v42 =	vmov s2;
	v46 =	vld [tilespmem:$0x4B0];
	vm8 =	veq.s32 v39, v0;
	v5 =	vadd.f32 v8, v5  }
0x359: {  	v47 =	vbroadcast v4, $0xA;
	v7 =	vnsel vm8, $0x0, v7;
	v6 =	vmul.f32 v40, v44  }
0x35a: {  	v49 =	vld [tilespmem:$0x4C0];
	v50 =	vbroadcast v4, $0xB;
	vm9 =	veq.s32 v42, v0;
	s5 =	sand.u32 $0xF, s29;
	v5 =	vadd.f32 v7, v5  }
0x35b: {  	v45 =	vmov s5;
	v6 =	vnsel vm9, $0x0, v6;
	v9 =	vmul.f32 v43, v47  }
0x35c: {  	v51 =	vld [tilespmem:$0x4D0];
	v53 =	vbroadcast v4, $0xC;
	s19 =	sand.u32 $0xF, s26;
	vm10 =	veq.s32 v45, v0;
	v5 =	vadd.f32 v6, v5  }
0x35d: {  	v48 =	vmov s19;
	v52 =	vnsel vm10, $0x0, v9;
	v8 =	vmul.f32 v46, v50  }
0x35e: {  	v54 =	vbroadcast v4, $0xD;
	v55 =	vld [tilespmem:$0x4E0];
	s20 =	sand.u32 $0xF, s24;
	vm11 =	veq.s32 v48, v0;
	v5 =	vadd.f32 v52, v5  }
0x35f: {  	s23 =	sand.u32 $0xF, s23;
	v14 =	vmov s20;
	v7 =	vmul.f32 v49, v53;
	v8 =	vnsel vm11, $0x0, v8  }
0x360: {  	v56 =	vmov s23;
	v57 =	vld [tilespmem:$0x4F0];
	vm12 =	veq.s32 v14, v0;
	v5 =	vadd.f32 v8, v5  }
0x361: {  	v58 =	vbroadcast v4, $0xE;
	v6 =	vmul.f32 v51, v54;
	v7 =	vnsel vm12, $0x0, v7  }
0x362: {  	v60 =	vbroadcast v4, $0xF;
	vm13 =	veq.s32 v56, v0;
	s24 =	sand.u32 $0xF, s28;
	v5 =	vadd.f32 v7, v5  }
0x363: {  	v59 =	vmov s24;
	v9 =	vmul.f32 v55, v58;
	v6 =	vnsel vm13, $0x0, v6  }
0x364: {  	s25 =	sand.u32 $0xF, s25;
	v1 =	vadd.f32 v3, v1;
	vm14 =	veq.s32 v59, v0;
	v2 =	vadd.f32 v6, v5  }
0x365: {  	v62 =	vmov s25;
	v63 =	vmul.f32 v57, v60;
	v61 =	vnsel vm14, $0x0, v9  }
0x366: {  	s29 =	sld [smem:$0x7D5];
	vm15 =	veq.s32 v62, v0;
	v2 =	vadd.f32 v61, v2  }
0x367: {  	v1 =	vadd.f32 v4, v1;
	v3 =	vnsel vm15, $0x0, v63  }
0x368: {  	s28 =	sld [smem:$0x7FD];
	v2 =	vadd.f32 v3, v2  }
0x369: {  	[tilespmem:$0x510] =	vst v1;
	p0 =	sne.s32 s29, $0x1  }
.Ltmp0:
0x36a: {  	s30 =	simm.s32 $0x2;
	s26 =	rddreg [dreg:$0x5];
	[tilespmem:$0x500] =	vst v2;
	(pc) =	sbr.rel @p0 .LBB2_1-.Ltmp0, $4  }
0x36b: {  	[hbm4b:s26+s3] =	stream.linear.scatter [tilespmem:s28], [sflag:$0x2], $0x80, $0x38;
	[tilespmem:$0x580] =	vst v63  }
0x36c: {  	_ =	swait.ge [sflag:s30], $0x80  }
0x36d: {  	s31 =	simm.s32 $0x2;
	[sflag:s30] =	ssyncset.done $0x0  }
0x36e: {  	s1 =	sadd.s32 $0xFFFFFFFF, s29;
	[sflag:s31] =	ssyncadd.s32 $0xFFFFFF80  }
0x36f: {  	_ =	sfence.sel $0x180000  }
0x370: {  	[bflag:$0x0] =	sbarrier.arrive $0xFFFF  }
0x371: {  	_ =	strace $0x90000047  }
0x372: {  	s0 =	stileid.u32;
	[bflag:$0x2] =	sbarrier.arrive $0xFFFF  }
0x373: {  	p0 =	sne.s32 s0, $0x0;
	s0 =	rddreg [dreg:$0x2]  }
0x374: {  	s0 =	sadd.s32 @!p0 $0x100000, s0  }
0x375: {  	[sflag:s0] =	ssyncadd.tile.s32 @!p0 $0x1;
	_ =	shalt  }
.Lfunc_end2:
_tile_overlayer_lowered:
.L_overlay_start_2:
0x376: {  	(tag) =	ssettag $0x2  }
0x377: {  	s0 =	rddreg [dreg:$0x0];
	s2 =	stileid.u32  }
0x378: {  	s1 =	rddreg [dreg:$0x1];
	p0 =	sne.s32 s2, $0x0  }
0x379: {  	s3 =	rddreg [dreg:$0x2];
	[bflag:$0x3] =	sbarrier.arrive $0xFFFF;
	s2 =	simm.s32 @!p0 $0x1C02  }
0x37a: {  	[timem:s3], [sflag:s2] =	dma.local @!p0 [hbm:s0], s1  }
0x37b: {  	s0 =	simm.s32 @!p0 $0x2  }
0x37c: {  	_ =	swait.ge @!p0 [sflag:s0], s1  }
0x37d: {  	s1 =	ssub.s32 @!p0 $0x0, s1;
	[sflag:s0] =	ssyncset.done @!p0 $0x0  }
0x37e: {  	[sflag:s0] =	ssyncadd.s32 @!p0 s1  }
0x37f: {  	[bflag:$0x3] =	sbarrier.arrive $0xFFFF  }
0x380: {  	_ =	shalt  }

</sc_bundles>
